<compile_context>
chip_gen: v7x
topology: tpu7x:2x2x1
jax: 0.10.2.dev20260603
libtpu: 0.0.44.dev20260713+nightly
codegen_flags: <defaults>
</compile_context>

<pallas_src>
import functools

import jax
import jax.numpy as jnp
from jax import lax
from jax.experimental import pallas as pl
from jax.experimental.pallas import tpu as pltpu
from jax.experimental.pallas import tpu_sc as plsc

N = 10000
E = 320000
D = 128
W_COL = 144
NC = 2
NS = 16
NW = NC * NS
EPW = E // NW
CH = 40
NCH = EPW // CH
CPS = 25
SIDX = CPS * CH
NSTAGE = NCH // CPS
AN = 10240
ROWS_PER_TILE = AN // NS


def _lin_body(x_ref, wl_ref, bl_ref, wr_ref, br_ref, xl_ref, xr_ref):
    xv = x_ref[...]
    xl_ref[...] = jnp.dot(xv, wl_ref[...], preferred_element_type=jnp.float32) + bl_ref[...]
    xr_ref[...] = jnp.dot(xv, wr_ref[...], preferred_element_type=jnp.float32) + br_ref[...]


def _linear_pair(x, Wl, bl, Wr, br):
    grid = (10,)
    blk = N // 10
    return pl.pallas_call(
        _lin_body,
        grid=grid,
        in_specs=[
            pl.BlockSpec((blk, D), lambda i: (i, 0)),
            pl.BlockSpec((D, D), lambda i: (0, 0)),
            pl.BlockSpec((1, D), lambda i: (0, 0)),
            pl.BlockSpec((D, D), lambda i: (0, 0)),
            pl.BlockSpec((1, D), lambda i: (0, 0)),
        ],
        out_specs=[
            pl.BlockSpec((blk, D), lambda i: (i, 0)),
            pl.BlockSpec((blk, D), lambda i: (i, 0)),
        ],
        out_shape=[
            jax.ShapeDtypeStruct((N, D), jnp.float32),
            jax.ShapeDtypeStruct((N, D), jnp.float32),
        ],
    )(x, Wl, bl.reshape(1, D), Wr, br.reshape(1, D))


def _combine_lin_body(p_ref, bias_ref, wl_ref, bl_ref, wr_ref, br_ref, xl_ref, xr_ref):
    ps = p_ref[0] + p_ref[1]
    feat = ps[:, :D]
    den = ps[:, D:D + 1]
    h = jnp.maximum(feat * (1.0 / (den + 1e-16)) + bias_ref[...], 0.0)
    xl_ref[...] = jnp.dot(h, wl_ref[...], preferred_element_type=jnp.float32) + bl_ref[...]
    xr_ref[...] = jnp.dot(h, wr_ref[...], preferred_element_type=jnp.float32) + br_ref[...]


def _combine_linear(p, bias, Wl, bl, Wr, br):
    grid = (10,)
    blk = N // 10
    return pl.pallas_call(
        _combine_lin_body,
        grid=grid,
        in_specs=[
            pl.BlockSpec((2, blk, W_COL), lambda i: (0, i, 0)),
            pl.BlockSpec((1, D), lambda i: (0, 0)),
            pl.BlockSpec((D, D), lambda i: (0, 0)),
            pl.BlockSpec((1, D), lambda i: (0, 0)),
            pl.BlockSpec((D, D), lambda i: (0, 0)),
            pl.BlockSpec((1, D), lambda i: (0, 0)),
        ],
        out_specs=[
            pl.BlockSpec((blk, D), lambda i: (i, 0)),
            pl.BlockSpec((blk, D), lambda i: (i, 0)),
        ],
        out_shape=[
            jax.ShapeDtypeStruct((N, D), jnp.float32),
            jax.ShapeDtypeStruct((N, D), jnp.float32),
        ],
    )(p, bias.reshape(1, D), Wl, bl.reshape(1, D), Wr, br.reshape(1, D))


def _final_body(p_ref, bias_ref, out_ref):
    ps = p_ref[0] + p_ref[1]
    feat = ps[:, :D]
    den = ps[:, D:D + 1]
    out_ref[...] = feat * (1.0 / (den + 1e-16)) + bias_ref[...]


def _final_combine(p, bias):
    grid = (10,)
    blk = N // 10
    return pl.pallas_call(
        _final_body,
        grid=grid,
        in_specs=[
            pl.BlockSpec((2, blk, W_COL), lambda i: (0, i, 0)),
            pl.BlockSpec((1, D), lambda i: (0, 0)),
        ],
        out_specs=pl.BlockSpec((blk, D), lambda i: (i, 0)),
        out_shape=jax.ShapeDtypeStruct((N, D), jnp.float32),
    )(p, bias.reshape(1, D))


def _edge_body(xl_hbm, xr_hbm, src_hbm, dst_hbm, att_hbm, p_hbm,
               src_i, dst_i, a_buf, b_buf, out_buf, att_v,
               accum, sa0, sa1, sb0, sb1, sc0, sc1, si_sem):
    c = lax.axis_index("c")
    s = lax.axis_index("s")
    w = s * NC + c
    base = w * EPW

    pltpu.sync_copy(src_hbm.at[pl.ds(base, SIDX)], src_i.at[0])
    pltpu.sync_copy(dst_hbm.at[pl.ds(base, SIDX)], dst_i.at[0])
    pltpu.sync_copy(att_hbm, att_v)
    att_ks = [att_v[pl.ds(k * 16, 16)] for k in range(8)]
    lane = lax.iota(jnp.int32, 16)
    zero16 = jnp.zeros((16,), jnp.float32)

    def _z(r, carry):
        for k in range(W_COL // 16):
            out_buf[r, pl.ds(k * 16, 16)] = zero16
        return carry
    lax.fori_loop(0, 2 * CH, _z, 0)
    for i in range(ROWS_PER_TILE // (2 * CH)):
        pltpu.sync_copy(out_buf.at[pl.ds(0, 2 * CH)],
                        accum.at[pl.ds(s * ROWS_PER_TILE + i * 2 * CH, 2 * CH)])
    plsc.subcore_barrier()

    sems_a = (sa0, sa1)
    sems_b = (sb0, sb1)
    sems_c = (sc0, sc1)

    def maybe_prefetch(i):
        si = lax.div(i, CPS)
        cond = (lax.rem(i, CPS) == 2) & (si + 1 < NSTAGE)

        def do():
            p = lax.rem(si + 1, 2)
            off = base + (si + 1) * SIDX
            pltpu.async_copy(src_hbm.at[pl.ds(off, SIDX)], src_i.at[p], si_sem)
            pltpu.async_copy(dst_hbm.at[pl.ds(off, SIDX)], dst_i.at[p], si_sem)
        pl.when(cond)(do)

    def maybe_wait_idx(i):
        si = lax.div(i, CPS)
        cond = (lax.rem(i, CPS) == CPS - 3) & (si + 1 < NSTAGE)

        def do():
            pltpu.make_async_copy(src_hbm.at[pl.ds(base, SIDX)],
                                  src_i.at[0], si_sem).wait()
            pltpu.make_async_copy(dst_hbm.at[pl.ds(base, SIDX)],
                                  dst_i.at[0], si_sem).wait()
        pl.when(cond)(do)

    def idx_slice(ref, i):
        p = lax.rem(lax.div(i, CPS), 2)
        o = lax.rem(i, CPS) * CH
        return ref.at[p, pl.ds(o, CH)]

    def issue(i, slot):
        pltpu.async_copy(xl_hbm.at[idx_slice(src_i, i)],
                         a_buf.at[pl.ds(slot * CH, CH)], sems_a[slot])
        pltpu.async_copy(xr_hbm.at[idx_slice(dst_i, i)],
                         b_buf.at[pl.ds(slot * CH, CH)], sems_b[slot])

    def wait(slot):
        pltpu.make_async_copy(xl_hbm.at[src_i.at[0, pl.ds(0, CH)]],
                              a_buf.at[pl.ds(slot * CH, CH)], sems_a[slot]).wait()
        pltpu.make_async_copy(xr_hbm.at[src_i.at[0, pl.ds(0, CH)]],
                              b_buf.at[pl.ds(slot * CH, CH)], sems_b[slot]).wait()

    def wait_scatter(slot):
        pltpu.make_async_copy(out_buf.at[pl.ds(slot * CH, CH)],
                              accum.at[src_i.at[0, pl.ds(0, CH)]],
                              sems_c[slot]).wait()

    def compute_scatter(i, slot):
        rb = slot * CH

        @plsc.parallel_loop(0, CH, 1, unroll=8)
        def _edges(j):
            r = rb + j
            acc = zero16
            avs = []
            for k in range(8):
                a = a_buf[r, pl.ds(k * 16, 16)]
                avs.append(a)
                b = b_buf[r, pl.ds(k * 16, 16)]
                z = a + b
                lrelu = jnp.maximum(z, z * 0.2)
                acc = acc + lrelu * att_ks[k]
            acc2 = acc + lax.rev(acc, (0,))
            parts = [acc2[l] for l in range(8)]
            while len(parts) > 1:
                parts = [parts[m] + parts[m + 1]
                         for m in range(0, len(parts), 2)]
            ex_vec = jnp.exp(parts[0] + zero16)
            for k in range(8):
                out_buf[r, pl.ds(k * 16, 16)] = avs[k] * ex_vec
            out_buf[r, pl.ds(D, 16)] = jnp.where(lane == 0, ex_vec, 0.0)

        pltpu.async_copy(out_buf.at[pl.ds(rb, CH)],
                         accum.at[idx_slice(dst_i, i)],
                         sems_c[slot], add=True)

    issue(0, 0)

    def two_chunks(t, carry):
        i0 = t * 2
        maybe_prefetch(i0)
        maybe_wait_idx(i0)
        issue(i0 + 1, 1)
        wait(0)
        pl.when(t > 0)(lambda: wait_scatter(0))
        compute_scatter(i0, 0)
        maybe_prefetch(i0 + 1)
        maybe_wait_idx(i0 + 1)
        pl.when(i0 + 2 < NCH)(lambda: issue(i0 + 2, 0))
        wait(1)
        pl.when(t > 0)(lambda: wait_scatter(1))
        compute_scatter(i0 + 1, 1)
        return carry

    lax.fori_loop(0, NCH // 2, two_chunks, 0)
    wait_scatter(0)
    wait_scatter(1)

    plsc.subcore_barrier()
    pltpu.sync_copy(accum.at[pl.ds(s * ROWS_PER_TILE, ROWS_PER_TILE)],
                    p_hbm.at[c, pl.ds(s * ROWS_PER_TILE, ROWS_PER_TILE)])


def _edge_pass(xl, xr, src, dst, att):
    mesh = plsc.VectorSubcoreMesh(core_axis_name="c", subcore_axis_name="s")
    return pl.kernel(
        _edge_body,
        out_type=jax.ShapeDtypeStruct((NC, AN, W_COL), jnp.float32),
        mesh=mesh,
        compiler_params=pltpu.CompilerParams(use_tc_tiling_on_sc=False),
        scratch_types=[
            pltpu.VMEM((2, SIDX), jnp.int32),
            pltpu.VMEM((2, SIDX), jnp.int32),
            pltpu.VMEM((2 * CH, D), jnp.float32),
            pltpu.VMEM((2 * CH, D), jnp.float32),
            pltpu.VMEM((2 * CH, W_COL), jnp.float32),
            pltpu.VMEM((D,), jnp.float32),
            pltpu.VMEM_SHARED((AN, W_COL), jnp.float32),
            pltpu.SemaphoreType.DMA,
            pltpu.SemaphoreType.DMA,
            pltpu.SemaphoreType.DMA,
            pltpu.SemaphoreType.DMA,
            pltpu.SemaphoreType.DMA,
            pltpu.SemaphoreType.DMA,
            pltpu.SemaphoreType.DMA,
        ],
    )(xl, xr, src, dst, att)


def kernel(x, edge_idx, W1_l, b1_l, W1_r, b1_r, att1, bias1,
           W2_l, b2_l, W2_r, b2_r, att2, bias2):
    eidx = edge_idx.astype(jnp.int32)
    src = eidx[0]
    dst = eidx[1]
    xl1, xr1 = _linear_pair(x, W1_l, b1_l, W1_r, b1_r)
    p1 = _edge_pass(xl1, xr1, src, dst, att1)
    xl2, xr2 = _combine_linear(p1, bias1, W2_l, b2_l, W2_r, b2_r)
    p2 = _edge_pass(xl2, xr2, src, dst, att2)
    return _final_combine(p2, bias2)

# --- scband reference (transcript-rebuilt; emitter-appended) ---
"""Pipeline reference for scband-gnn-3332894622041 (READ-ONLY COPY).

The authoritative reference and input builder live on the scoring server;
editing this copy changes nothing except your own understanding.
"""

import jax, jax.numpy as jnp
import numpy as np

N_NODES = 10000
N_EDGES = 320000
D_IN = 128
D_HID = 128
D_OUT = 128

def _glorot(key, shape):
    fan_in, fan_out = shape[0], shape[-1]
    lim = jnp.sqrt(6.0 / (fan_in + fan_out))
    return jax.random.uniform(key, shape, minval=-lim, maxval=lim, dtype=jnp.float32)

def setup_inputs(seed: int = 0) -> dict:
    key = jax.random.key(seed)
    ks = jax.random.split(key, 16)
    x = jax.random.normal(ks[0], (N_NODES, D_IN), dtype=jnp.float32)
    edge_idx = jax.random.randint(ks[1], (2, N_EDGES), 0, N_NODES, dtype=jnp.int64) if jax.config.jax_enable_x64 else jax.random.randint(ks[1], (2, N_EDGES), 0, N_NODES).astype(jnp.int32)
    # Layer 1 params (GATv2Conv, heads=1)
    W1_l = _glorot(ks[2], (D_IN, D_HID)); b1_l = jnp.zeros((D_HID,), jnp.float32)
    W1_r = _glorot(ks[3], (D_IN, D_HID)); b1_r = jnp.zeros((D_HID,), jnp.float32)
    att1 = _glorot(ks[4], (D_HID, 1))[:, 0]
    bias1 = jnp.zeros((D_HID,), jnp.float32)
    # Layer 2 params
    W2_l = _glorot(ks[5], (D_HID, D_OUT)); b2_l = jnp.zeros((D_OUT,), jnp.float32)
    W2_r = _glorot(ks[6], (D_HID, D_OUT)); b2_r = jnp.zeros((D_OUT,), jnp.float32)
    att2 = _glorot(ks[7], (D_OUT, 1))[:, 0]
    bias2 = jnp.zeros((D_OUT,), jnp.float32)
    return {"x": x, "edge_idx": edge_idx,
            "W1_l": W1_l, "b1_l": b1_l, "W1_r": W1_r, "b1_r": b1_r, "att1": att1, "bias1": bias1,
            "W2_l": W2_l, "b2_l": b2_l, "W2_r": W2_r, "b2_r": b2_r, "att2": att2, "bias2": bias2}

def _gatv2_layer(x, src, dst, Wl, bl, Wr, br, att, bias, n_nodes):
    # GATv2: e_ij = att^T LeakyReLU(Wl x_j + Wr x_i), softmax over incoming edges of i
    xl = x @ Wl + bl  # source transform [N, C]
    xr = x @ Wr + br  # target transform [N, C]
    m = xl[src] + xr[dst]                       # [E, C] gather
    e = jax.nn.leaky_relu(m, negative_slope=0.2) @ att  # [E]
    e_max = jax.ops.segment_max(e, dst, num_segments=n_nodes)
    e_max = jnp.where(jnp.isfinite(e_max), e_max, 0.0)
    ex = jnp.exp(e - e_max[dst])
    denom = jax.ops.segment_sum(ex, dst, num_segments=n_nodes)
    alpha = ex / (denom[dst] + 1e-16)           # [E]
    out = jax.ops.segment_sum(alpha[:, None] * xl[src], dst, num_segments=n_nodes)  # scatter-add
    return out + bias

def reference(x, edge_idx, W1_l, b1_l, W1_r, b1_r, att1, bias1, W2_l, b2_l, W2_r, b2_r, att2, bias2):
    src = edge_idx[0]
    dst = edge_idx[1]
    n_nodes = x.shape[0]
    h = _gatv2_layer(x, src, dst, W1_l, b1_l, W1_r, b1_r, att1, bias1, n_nodes)
    h = jax.nn.relu(h)
    out = _gatv2_layer(h, src, dst, W2_l, b2_l, W2_r, b2_r, att2, bias2, n_nodes)
    return out

if __name__ == "__main__":
    import jax
    _d = setup_inputs()
    print(jax.jit(kernel)(*tuple(_d.values())))

</pallas_src>

<mosaic_0001>
#map = affine_map<(d0, d1) -> (0, 0)>
#map1 = affine_map<(d0, d1) -> (0)>
#map2 = affine_map<(d0, d1) -> (0, 0, 0)>
module attributes {stable_mosaic.version = 14 : i64} {
  func.func @_edge_body(%arg0: i32, %arg1: i32, %arg2: memref<10000x128xf32, #tpu.memory_space<hbm>>, %arg3: memref<10000x128xf32, #tpu.memory_space<hbm>>, %arg4: memref<320000xi32, #tpu.memory_space<hbm>>, %arg5: memref<320000xi32, #tpu.memory_space<hbm>>, %arg6: memref<128xf32, #tpu.memory_space<hbm>>, %arg7: memref<2x10240x144xf32, #tpu.memory_space<hbm>>, %arg8: memref<2x1000xi32, #tpu.memory_space<vmem>>, %arg9: memref<2x1000xi32, #tpu.memory_space<vmem>>, %arg10: memref<80x128xf32, #tpu.memory_space<vmem>>, %arg11: memref<80x128xf32, #tpu.memory_space<vmem>>, %arg12: memref<80x144xf32, #tpu.memory_space<vmem>>, %arg13: memref<128xf32, #tpu.memory_space<vmem>>, %arg14: memref<10240x144xf32, #tpu.memory_space<vmem_shared>>, %arg15: memref<!tpu.dma_semaphore, #tpu.memory_space<semaphore_mem>>, %arg16: memref<!tpu.dma_semaphore, #tpu.memory_space<semaphore_mem>>, %arg17: memref<!tpu.dma_semaphore, #tpu.memory_space<semaphore_mem>>, %arg18: memref<!tpu.dma_semaphore, #tpu.memory_space<semaphore_mem>>, %arg19: memref<!tpu.dma_semaphore, #tpu.memory_space<semaphore_mem>>, %arg20: memref<!tpu.dma_semaphore, #tpu.memory_space<semaphore_mem>>, %arg21: memref<!tpu.dma_semaphore, #tpu.memory_space<semaphore_mem>>) attributes {dimension_semantics = [#tpu.dimension_semantics<core_parallel>, #tpu.dimension_semantics<subcore_parallel>], iteration_bounds = array<i64: 2, 16>, scalar_prefetch = 0 : i64, scratch_operands = 14 : i64, tpu.core_type = #tpu.core_type<sc_vector_subcore>, window_params = [{transform_indices = #map}, {transform_indices = #map}, {transform_indices = #map1}, {transform_indices = #map1}, {transform_indices = #map1}, {transform_indices = #map2}]} {
    %mul3A = arith.constant 2 : i32
    %mul3A_0 = arith.muli %arg1, %mul3A : i32
    %add3A = arith.addi %mul3A_0, %arg0 : i32
    %mul3A_1 = arith.constant 10000 : i32
    %mul3A_2 = arith.muli %add3A, %mul3A_1 : i32
    %run_scoped3A = arith.constant 0 : i32
    "tpu.region"() ({
      %run_scoped3A_128 = tpu.sem_alloc : memref<!tpu.dma_semaphore, #tpu.memory_space<semaphore_mem>>
      %dma_start3A_129 = arith.constant 0 : i32
      %dma_start3A_130 = tpu.memref_slice %arg8[%run_scoped3A, %dma_start3A_129] : memref<2x1000xi32, #tpu.memory_space<vmem>> -> memref<1x1000xi32, #tpu.memory_space<vmem>>
      %dma_start3A_131 = tpu.memref_squeeze %dma_start3A_130 : memref<1x1000xi32, #tpu.memory_space<vmem>> -> memref<1000xi32, #tpu.memory_space<vmem>>
      %dma_start3A_132 = tpu.memref_slice %arg4[%mul3A_2] : memref<320000xi32, #tpu.memory_space<hbm>> -> memref<1000xi32, #tpu.memory_space<hbm>>
      %dma_start3A_133 = arith.constant 0 : i32
      %dma_start3A_134 = tpu.memref_slice %arg8[%run_scoped3A, %dma_start3A_133] : memref<2x1000xi32, #tpu.memory_space<vmem>> -> memref<1x1000xi32, #tpu.memory_space<vmem>>
      %dma_start3A_135 = tpu.memref_squeeze %dma_start3A_134 : memref<1x1000xi32, #tpu.memory_space<vmem>> -> memref<1000xi32, #tpu.memory_space<vmem>>
      %dma_start3A_136 = tpu.memref_slice %arg4[%mul3A_2] : memref<320000xi32, #tpu.memory_space<hbm>> -> memref<1000xi32, #tpu.memory_space<hbm>>
      tpu.enqueue_dma source(%dma_start3A_136 : memref<1000xi32, #tpu.memory_space<hbm>>) target(%dma_start3A_135 : memref<1000xi32, #tpu.memory_space<vmem>>) target_semaphore(%run_scoped3A_128 : memref<!tpu.dma_semaphore, #tpu.memory_space<semaphore_mem>>)
      %dma_wait3A_137 = arith.constant 0 : i32
      %dma_wait3A_138 = tpu.memref_slice %arg8[%run_scoped3A, %dma_wait3A_137] : memref<2x1000xi32, #tpu.memory_space<vmem>> -> memref<1x1000xi32, #tpu.memory_space<vmem>>
      %dma_wait3A_139 = tpu.memref_squeeze %dma_wait3A_138 : memref<1x1000xi32, #tpu.memory_space<vmem>> -> memref<1000xi32, #tpu.memory_space<vmem>>
      %dma_wait3A_140 = tpu.memref_slice %arg4[%mul3A_2] : memref<320000xi32, #tpu.memory_space<hbm>> -> memref<1000xi32, #tpu.memory_space<hbm>>
      %dma_wait3A_141 = arith.constant 0 : i32
      %dma_wait3A_142 = tpu.memref_slice %arg8[%run_scoped3A, %dma_wait3A_141] : memref<2x1000xi32, #tpu.memory_space<vmem>> -> memref<1x1000xi32, #tpu.memory_space<vmem>>
      %dma_wait3A_143 = tpu.memref_squeeze %dma_wait3A_142 : memref<1x1000xi32, #tpu.memory_space<vmem>> -> memref<1000xi32, #tpu.memory_space<vmem>>
      %dma_wait3A_144 = tpu.memref_slice %arg4[%mul3A_2] : memref<320000xi32, #tpu.memory_space<hbm>> -> memref<1000xi32, #tpu.memory_space<hbm>>
      tpu.wait_dma2 semaphore(%run_scoped3A_128 : memref<!tpu.dma_semaphore, #tpu.memory_space<semaphore_mem>>) src(%dma_wait3A_144 : memref<1000xi32, #tpu.memory_space<hbm>>) dst(%dma_wait3A_143 : memref<1000xi32, #tpu.memory_space<vmem>>)
      tpu.yield
    }) : () -> ()
    %run_scoped3A_3 = arith.constant 0 : i32
    "tpu.region"() ({
      %run_scoped3A_128 = tpu.sem_alloc : memref<!tpu.dma_semaphore, #tpu.memory_space<semaphore_mem>>
      %dma_start3A_129 = arith.constant 0 : i32
      %dma_start3A_130 = tpu.memref_slice %arg9[%run_scoped3A_3, %dma_start3A_129] : memref<2x1000xi32, #tpu.memory_space<vmem>> -> memref<1x1000xi32, #tpu.memory_space<vmem>>
      %dma_start3A_131 = tpu.memref_squeeze %dma_start3A_130 : memref<1x1000xi32, #tpu.memory_space<vmem>> -> memref<1000xi32, #tpu.memory_space<vmem>>
      %dma_start3A_132 = tpu.memref_slice %arg5[%mul3A_2] : memref<320000xi32, #tpu.memory_space<hbm>> -> memref<1000xi32, #tpu.memory_space<hbm>>
      %dma_start3A_133 = arith.constant 0 : i32
      %dma_start3A_134 = tpu.memref_slice %arg9[%run_scoped3A_3, %dma_start3A_133] : memref<2x1000xi32, #tpu.memory_space<vmem>> -> memref<1x1000xi32, #tpu.memory_space<vmem>>
      %dma_start3A_135 = tpu.memref_squeeze %dma_start3A_134 : memref<1x1000xi32, #tpu.memory_space<vmem>> -> memref<1000xi32, #tpu.memory_space<vmem>>
      %dma_start3A_136 = tpu.memref_slice %arg5[%mul3A_2] : memref<320000xi32, #tpu.memory_space<hbm>> -> memref<1000xi32, #tpu.memory_space<hbm>>
      tpu.enqueue_dma source(%dma_start3A_136 : memref<1000xi32, #tpu.memory_space<hbm>>) target(%dma_start3A_135 : memref<1000xi32, #tpu.memory_space<vmem>>) target_semaphore(%run_scoped3A_128 : memref<!tpu.dma_semaphore, #tpu.memory_space<semaphore_mem>>)
      %dma_wait3A_137 = arith.constant 0 : i32
      %dma_wait3A_138 = tpu.memref_slice %arg9[%run_scoped3A_3, %dma_wait3A_137] : memref<2x1000xi32, #tpu.memory_space<vmem>> -> memref<1x1000xi32, #tpu.memory_space<vmem>>
      %dma_wait3A_139 = tpu.memref_squeeze %dma_wait3A_138 : memref<1x1000xi32, #tpu.memory_space<vmem>> -> memref<1000xi32, #tpu.memory_space<vmem>>
      %dma_wait3A_140 = tpu.memref_slice %arg5[%mul3A_2] : memref<320000xi32, #tpu.memory_space<hbm>> -> memref<1000xi32, #tpu.memory_space<hbm>>
      %dma_wait3A_141 = arith.constant 0 : i32
      %dma_wait3A_142 = tpu.memref_slice %arg9[%run_scoped3A_3, %dma_wait3A_141] : memref<2x1000xi32, #tpu.memory_space<vmem>> -> memref<1x1000xi32, #tpu.memory_space<vmem>>
      %dma_wait3A_143 = tpu.memref_squeeze %dma_wait3A_142 : memref<1x1000xi32, #tpu.memory_space<vmem>> -> memref<1000xi32, #tpu.memory_space<vmem>>
      %dma_wait3A_144 = tpu.memref_slice %arg5[%mul3A_2] : memref<320000xi32, #tpu.memory_space<hbm>> -> memref<1000xi32, #tpu.memory_space<hbm>>
      tpu.wait_dma2 semaphore(%run_scoped3A_128 : memref<!tpu.dma_semaphore, #tpu.memory_space<semaphore_mem>>) src(%dma_wait3A_144 : memref<1000xi32, #tpu.memory_space<hbm>>) dst(%dma_wait3A_143 : memref<1000xi32, #tpu.memory_space<vmem>>)
      tpu.yield
    }) : () -> ()
    "tpu.region"() ({
      %run_scoped3A_128 = tpu.sem_alloc : memref<!tpu.dma_semaphore, #tpu.memory_space<semaphore_mem>>
      tpu.enqueue_dma source(%arg6 : memref<128xf32, #tpu.memory_space<hbm>>) target(%arg13 : memref<128xf32, #tpu.memory_space<vmem>>) target_semaphore(%run_scoped3A_128 : memref<!tpu.dma_semaphore, #tpu.memory_space<semaphore_mem>>)
      tpu.wait_dma2 semaphore(%run_scoped3A_128 : memref<!tpu.dma_semaphore, #tpu.memory_space<semaphore_mem>>) src(%arg6 : memref<128xf32, #tpu.memory_space<hbm>>) dst(%arg13 : memref<128xf32, #tpu.memory_space<vmem>>)
      tpu.yield
    }) : () -> ()
    %get3A = arith.constant 0 : index
    %get3A_4 = tpu.vector_load %arg13[%get3A] {strides = array<i32>} : memref<128xf32, #tpu.memory_space<vmem>>, vector<16xf32>,
    %get3A_5 = vector.shape_cast %get3A_4 : vector<16xf32> to vector<16xf32>
    %get3A_6 = arith.constant 16 : index
    %get3A_7 = tpu.vector_load %arg13[%get3A_6] {strides = array<i32>} : memref<128xf32, #tpu.memory_space<vmem>>, vector<16xf32>,
    %get3A_8 = vector.shape_cast %get3A_7 : vector<16xf32> to vector<16xf32>
    %get3A_9 = arith.constant 32 : index
    %get3A_10 = tpu.vector_load %arg13[%get3A_9] {strides = array<i32>} : memref<128xf32, #tpu.memory_space<vmem>>, vector<16xf32>,
    %get3A_11 = vector.shape_cast %get3A_10 : vector<16xf32> to vector<16xf32>
    %get3A_12 = arith.constant 48 : index
    %get3A_13 = tpu.vector_load %arg13[%get3A_12] {strides = array<i32>} : memref<128xf32, #tpu.memory_space<vmem>>, vector<16xf32>,
    %get3A_14 = vector.shape_cast %get3A_13 : vector<16xf32> to vector<16xf32>
    %get3A_15 = arith.constant 64 : index
    %get3A_16 = tpu.vector_load %arg13[%get3A_15] {strides = array<i32>} : memref<128xf32, #tpu.memory_space<vmem>>, vector<16xf32>,
    %get3A_17 = vector.shape_cast %get3A_16 : vector<16xf32> to vector<16xf32>
    %get3A_18 = arith.constant 80 : index
    %get3A_19 = tpu.vector_load %arg13[%get3A_18] {strides = array<i32>} : memref<128xf32, #tpu.memory_space<vmem>>, vector<16xf32>,
    %get3A_20 = vector.shape_cast %get3A_19 : vector<16xf32> to vector<16xf32>
    %get3A_21 = arith.constant 96 : index
    %get3A_22 = tpu.vector_load %arg13[%get3A_21] {strides = array<i32>} : memref<128xf32, #tpu.memory_space<vmem>>, vector<16xf32>,
    %get3A_23 = vector.shape_cast %get3A_22 : vector<16xf32> to vector<16xf32>
    %get3A_24 = arith.constant 112 : index
    %get3A_25 = tpu.vector_load %arg13[%get3A_24] {strides = array<i32>} : memref<128xf32, #tpu.memory_space<vmem>>, vector<16xf32>,
    %get3A_26 = vector.shape_cast %get3A_25 : vector<16xf32> to vector<16xf32>
    %iota3A = tpu.iota {dimensions = array<i32: 0>} : vector<16xi32>
    %broadcast_in_dim3A = arith.constant 0.000000e+00 : f32
    %broadcast_in_dim3A_27 = vector.broadcast %broadcast_in_dim3A : f32 to vector<16xf32>
    %scan3A = arith.constant 0 : i32
    %scan3A_28 = arith.constant 0 : i32
    %scan3A_29 = arith.constant 80 : i32
    %scan3A_30 = arith.addi %scan3A_28, %scan3A_29 : i32
    %scan3A_31 = arith.constant 1 : i32
    scf.for %scan3A_128 = %scan3A_28 to %scan3A_30 step %scan3A_31  : i32 {
      %swap3A = arith.index_cast %scan3A_128 : i32 to index
      %swap3A_129 = arith.constant 0 : index
      %swap3A_130 = tpu.vector_load %arg12[%swap3A, %swap3A_129] {strides = array<i32>} : memref<80x144xf32, #tpu.memory_space<vmem>>, vector<1x16xf32>,
      %swap3A_131 = vector.shape_cast %swap3A_130 : vector<1x16xf32> to vector<16xf32>
      %swap3A_132 = vector.shape_cast %broadcast_in_dim3A_27 : vector<16xf32> to vector<1x16xf32>
      tpu.vector_store %arg12[%swap3A, %swap3A_129], %swap3A_132 {strides = array<i32>} : memref<80x144xf32, #tpu.memory_space<vmem>>, vector<1x16xf32>,
      %swap3A_133 = arith.index_cast %scan3A_128 : i32 to index
      %swap3A_134 = arith.constant 16 : index
      %swap3A_135 = tpu.vector_load %arg12[%swap3A_133, %swap3A_134] {strides = array<i32>} : memref<80x144xf32, #tpu.memory_space<vmem>>, vector<1x16xf32>,
      %swap3A_136 = vector.shape_cast %swap3A_135 : vector<1x16xf32> to vector<16xf32>
      %swap3A_137 = vector.shape_cast %broadcast_in_dim3A_27 : vector<16xf32> to vector<1x16xf32>
      tpu.vector_store %arg12[%swap3A_133, %swap3A_134], %swap3A_137 {strides = array<i32>} : memref<80x144xf32, #tpu.memory_space<vmem>>, vector<1x16xf32>,
      %swap3A_138 = arith.index_cast %scan3A_128 : i32 to index
      %swap3A_139 = arith.constant 32 : index
      %swap3A_140 = tpu.vector_load %arg12[%swap3A_138, %swap3A_139] {strides = array<i32>} : memref<80x144xf32, #tpu.memory_space<vmem>>, vector<1x16xf32>,
      %swap3A_141 = vector.shape_cast %swap3A_140 : vector<1x16xf32> to vector<16xf32>
      %swap3A_142 = vector.shape_cast %broadcast_in_dim3A_27 : vector<16xf32> to vector<1x16xf32>
      tpu.vector_store %arg12[%swap3A_138, %swap3A_139], %swap3A_142 {strides = array<i32>} : memref<80x144xf32, #tpu.memory_space<vmem>>, vector<1x16xf32>,
      %swap3A_143 = arith.index_cast %scan3A_128 : i32 to index
      %swap3A_144 = arith.constant 48 : index
      %swap3A_145 = tpu.vector_load %arg12[%swap3A_143, %swap3A_144] {strides = array<i32>} : memref<80x144xf32, #tpu.memory_space<vmem>>, vector<1x16xf32>,
      %swap3A_146 = vector.shape_cast %swap3A_145 : vector<1x16xf32> to vector<16xf32>
      %swap3A_147 = vector.shape_cast %broadcast_in_dim3A_27 : vector<16xf32> to vector<1x16xf32>
      tpu.vector_store %arg12[%swap3A_143, %swap3A_144], %swap3A_147 {strides = array<i32>} : memref<80x144xf32, #tpu.memory_space<vmem>>, vector<1x16xf32>,
      %swap3A_148 = arith.index_cast %scan3A_128 : i32 to index
      %swap3A_149 = arith.constant 64 : index
      %swap3A_150 = tpu.vector_load %arg12[%swap3A_148, %swap3A_149] {strides = array<i32>} : memref<80x144xf32, #tpu.memory_space<vmem>>, vector<1x16xf32>,
      %swap3A_151 = vector.shape_cast %swap3A_150 : vector<1x16xf32> to vector<16xf32>
      %swap3A_152 = vector.shape_cast %broadcast_in_dim3A_27 : vector<16xf32> to vector<1x16xf32>
      tpu.vector_store %arg12[%swap3A_148, %swap3A_149], %swap3A_152 {strides = array<i32>} : memref<80x144xf32, #tpu.memory_space<vmem>>, vector<1x16xf32>,
      %swap3A_153 = arith.index_cast %scan3A_128 : i32 to index
      %swap3A_154 = arith.constant 80 : index
      %swap3A_155 = tpu.vector_load %arg12[%swap3A_153, %swap3A_154] {strides = array<i32>} : memref<80x144xf32, #tpu.memory_space<vmem>>, vector<1x16xf32>,
      %swap3A_156 = vector.shape_cast %swap3A_155 : vector<1x16xf32> to vector<16xf32>
      %swap3A_157 = vector.shape_cast %broadcast_in_dim3A_27 : vector<16xf32> to vector<1x16xf32>
      tpu.vector_store %arg12[%swap3A_153, %swap3A_154], %swap3A_157 {strides = array<i32>} : memref<80x144xf32, #tpu.memory_space<vmem>>, vector<1x16xf32>,
      %swap3A_158 = arith.index_cast %scan3A_128 : i32 to index
      %swap3A_159 = arith.constant 96 : index
      %swap3A_160 = tpu.vector_load %arg12[%swap3A_158, %swap3A_159] {strides = array<i32>} : memref<80x144xf32, #tpu.memory_space<vmem>>, vector<1x16xf32>,
      %swap3A_161 = vector.shape_cast %swap3A_160 : vector<1x16xf32> to vector<16xf32>
      %swap3A_162 = vector.shape_cast %broadcast_in_dim3A_27 : vector<16xf32> to vector<1x16xf32>
      tpu.vector_store %arg12[%swap3A_158, %swap3A_159], %swap3A_162 {strides = array<i32>} : memref<80x144xf32, #tpu.memory_space<vmem>>, vector<1x16xf32>,
      %swap3A_163 = arith.index_cast %scan3A_128 : i32 to index
      %swap3A_164 = arith.constant 112 : index
      %swap3A_165 = tpu.vector_load %arg12[%swap3A_163, %swap3A_164] {strides = array<i32>} : memref<80x144xf32, #tpu.memory_space<vmem>>, vector<1x16xf32>,
      %swap3A_166 = vector.shape_cast %swap3A_165 : vector<1x16xf32> to vector<16xf32>
      %swap3A_167 = vector.shape_cast %broadcast_in_dim3A_27 : vector<16xf32> to vector<1x16xf32>
      tpu.vector_store %arg12[%swap3A_163, %swap3A_164], %swap3A_167 {strides = array<i32>} : memref<80x144xf32, #tpu.memory_space<vmem>>, vector<1x16xf32>,
      %swap3A_168 = arith.index_cast %scan3A_128 : i32 to index
      %swap3A_169 = arith.constant 128 : index
      %swap3A_170 = tpu.vector_load %arg12[%swap3A_168, %swap3A_169] {strides = array<i32>} : memref<80x144xf32, #tpu.memory_space<vmem>>, vector<1x16xf32>,
      %swap3A_171 = vector.shape_cast %swap3A_170 : vector<1x16xf32> to vector<16xf32>
      %swap3A_172 = vector.shape_cast %broadcast_in_dim3A_27 : vector<16xf32> to vector<1x16xf32>
      tpu.vector_store %arg12[%swap3A_168, %swap3A_169], %swap3A_172 {strides = array<i32>} : memref<80x144xf32, #tpu.memory_space<vmem>>, vector<1x16xf32>,
    }
    %scan3A_32 = arith.constant 80 : i32
    %mul3A_33 = arith.constant 640 : i32
    %mul3A_34 = arith.muli %arg1, %mul3A_33 : i32
    %add3A_35 = arith.constant 0 : i32
    %add3A_36 = arith.addi %mul3A_34, %add3A_35 : i32
    "tpu.region"() ({
      %run_scoped3A_128 = tpu.sem_alloc : memref<!tpu.dma_semaphore, #tpu.memory_space<semaphore_mem>>
      %dma_start3A_129 = arith.constant 0 : i32
      %dma_start3A_130 = arith.constant 0 : i32
      %dma_start3A_131 = tpu.memref_slice %arg12[%dma_start3A_129, %dma_start3A_130] : memref<80x144xf32, #tpu.memory_space<vmem>> -> memref<80x144xf32, #tpu.memory_space<vmem>>
      %dma_start3A_132 = arith.constant 0 : i32
      %dma_start3A_133 = tpu.memref_slice %arg14[%add3A_36, %dma_start3A_132] : memref<10240x144xf32, #tpu.memory_space<vmem_shared>> -> memref<80x144xf32, #tpu.memory_space<vmem_shared>>
      %dma_start3A_134 = arith.constant 0 : i32
      %dma_start3A_135 = tpu.memref_slice %arg14[%add3A_36, %dma_start3A_134] : memref<10240x144xf32, #tpu.memory_space<vmem_shared>> -> memref<80x144xf32, #tpu.memory_space<vmem_shared>>
      %dma_start3A_136 = arith.constant 0 : i32
      %dma_start3A_137 = arith.constant 0 : i32
      %dma_start3A_138 = tpu.memref_slice %arg12[%dma_start3A_136, %dma_start3A_137] : memref<80x144xf32, #tpu.memory_space<vmem>> -> memref<80x144xf32, #tpu.memory_space<vmem>>
      tpu.enqueue_dma source(%dma_start3A_138 : memref<80x144xf32, #tpu.memory_space<vmem>>) target(%dma_start3A_135 : memref<80x144xf32, #tpu.memory_space<vmem_shared>>) target_semaphore(%run_scoped3A_128 : memref<!tpu.dma_semaphore, #tpu.memory_space<semaphore_mem>>)
      %dma_wait3A_139 = arith.constant 0 : i32
      %dma_wait3A_140 = arith.constant 0 : i32
      %dma_wait3A_141 = tpu.memref_slice %arg12[%dma_wait3A_139, %dma_wait3A_140] : memref<80x144xf32, #tpu.memory_space<vmem>> -> memref<80x144xf32, #tpu.memory_space<vmem>>
      %dma_wait3A_142 = arith.constant 0 : i32
      %dma_wait3A_143 = tpu.memref_slice %arg14[%add3A_36, %dma_wait3A_142] : memref<10240x144xf32, #tpu.memory_space<vmem_shared>> -> memref<80x144xf32, #tpu.memory_space<vmem_shared>>
      %dma_wait3A_144 = arith.constant 0 : i32
      %dma_wait3A_145 = tpu.memref_slice %arg14[%add3A_36, %dma_wait3A_144] : memref<10240x144xf32, #tpu.memory_space<vmem_shared>> -> memref<80x144xf32, #tpu.memory_space<vmem_shared>>
      %dma_wait3A_146 = arith.constant 0 : i32
      %dma_wait3A_147 = arith.constant 0 : i32
      %dma_wait3A_148 = tpu.memref_slice %arg12[%dma_wait3A_146, %dma_wait3A_147] : memref<80x144xf32, #tpu.memory_space<vmem>> -> memref<80x144xf32, #tpu.memory_space<vmem>>
      tpu.wait_dma2 semaphore(%run_scoped3A_128 : memref<!tpu.dma_semaphore, #tpu.memory_space<semaphore_mem>>) src(%dma_wait3A_148 : memref<80x144xf32, #tpu.memory_space<vmem>>) dst(%dma_wait3A_145 : memref<80x144xf32, #tpu.memory_space<vmem_shared>>)
      tpu.yield
    }) : () -> ()
    %mul3A_37 = arith.constant 640 : i32
    %mul3A_38 = arith.muli %arg1, %mul3A_37 : i32
    %add3A_39 = arith.constant 80 : i32
    %add3A_40 = arith.addi %mul3A_38, %add3A_39 : i32
    "tpu.region"() ({
      %run_scoped3A_128 = tpu.sem_alloc : memref<!tpu.dma_semaphore, #tpu.memory_space<semaphore_mem>>
      %dma_start3A_129 = arith.constant 0 : i32
      %dma_start3A_130 = arith.constant 0 : i32
      %dma_start3A_131 = tpu.memref_slice %arg12[%dma_start3A_129, %dma_start3A_130] : memref<80x144xf32, #tpu.memory_space<vmem>> -> memref<80x144xf32, #tpu.memory_space<vmem>>
      %dma_start3A_132 = arith.constant 0 : i32
      %dma_start3A_133 = tpu.memref_slice %arg14[%add3A_40, %dma_start3A_132] : memref<10240x144xf32, #tpu.memory_space<vmem_shared>> -> memref<80x144xf32, #tpu.memory_space<vmem_shared>>
      %dma_start3A_134 = arith.constant 0 : i32
      %dma_start3A_135 = tpu.memref_slice %arg14[%add3A_40, %dma_start3A_134] : memref<10240x144xf32, #tpu.memory_space<vmem_shared>> -> memref<80x144xf32, #tpu.memory_space<vmem_shared>>
      %dma_start3A_136 = arith.constant 0 : i32
      %dma_start3A_137 = arith.constant 0 : i32
      %dma_start3A_138 = tpu.memref_slice %arg12[%dma_start3A_136, %dma_start3A_137] : memref<80x144xf32, #tpu.memory_space<vmem>> -> memref<80x144xf32, #tpu.memory_space<vmem>>
      tpu.enqueue_dma source(%dma_start3A_138 : memref<80x144xf32, #tpu.memory_space<vmem>>) target(%dma_start3A_135 : memref<80x144xf32, #tpu.memory_space<vmem_shared>>) target_semaphore(%run_scoped3A_128 : memref<!tpu.dma_semaphore, #tpu.memory_space<semaphore_mem>>)
      %dma_wait3A_139 = arith.constant 0 : i32
      %dma_wait3A_140 = arith.constant 0 : i32
      %dma_wait3A_141 = tpu.memref_slice %arg12[%dma_wait3A_139, %dma_wait3A_140] : memref<80x144xf32, #tpu.memory_space<vmem>> -> memref<80x144xf32, #tpu.memory_space<vmem>>
      %dma_wait3A_142 = arith.constant 0 : i32
      %dma_wait3A_143 = tpu.memref_slice %arg14[%add3A_40, %dma_wait3A_142] : memref<10240x144xf32, #tpu.memory_space<vmem_shared>> -> memref<80x144xf32, #tpu.memory_space<vmem_shared>>
      %dma_wait3A_144 = arith.constant 0 : i32
      %dma_wait3A_145 = tpu.memref_slice %arg14[%add3A_40, %dma_wait3A_144] : memref<10240x144xf32, #tpu.memory_space<vmem_shared>> -> memref<80x144xf32, #tpu.memory_space<vmem_shared>>
      %dma_wait3A_146 = arith.constant 0 : i32
      %dma_wait3A_147 = arith.constant 0 : i32
      %dma_wait3A_148 = tpu.memref_slice %arg12[%dma_wait3A_146, %dma_wait3A_147] : memref<80x144xf32, #tpu.memory_space<vmem>> -> memref<80x144xf32, #tpu.memory_space<vmem>>
      tpu.wait_dma2 semaphore(%run_scoped3A_128 : memref<!tpu.dma_semaphore, #tpu.memory_space<semaphore_mem>>) src(%dma_wait3A_148 : memref<80x144xf32, #tpu.memory_space<vmem>>) dst(%dma_wait3A_145 : memref<80x144xf32, #tpu.memory_space<vmem_shared>>)
      tpu.yield
    }) : () -> ()
    %mul3A_41 = arith.constant 640 : i32
    %mul3A_42 = arith.muli %arg1, %mul3A_41 : i32
    %add3A_43 = arith.constant 160 : i32
    %add3A_44 = arith.addi %mul3A_42, %add3A_43 : i32
    "tpu.region"() ({
      %run_scoped3A_128 = tpu.sem_alloc : memref<!tpu.dma_semaphore, #tpu.memory_space<semaphore_mem>>
      %dma_start3A_129 = arith.constant 0 : i32
      %dma_start3A_130 = arith.constant 0 : i32
      %dma_start3A_131 = tpu.memref_slice %arg12[%dma_start3A_129, %dma_start3A_130] : memref<80x144xf32, #tpu.memory_space<vmem>> -> memref<80x144xf32, #tpu.memory_space<vmem>>
      %dma_start3A_132 = arith.constant 0 : i32
      %dma_start3A_133 = tpu.memref_slice %arg14[%add3A_44, %dma_start3A_132] : memref<10240x144xf32, #tpu.memory_space<vmem_shared>> -> memref<80x144xf32, #tpu.memory_space<vmem_shared>>
      %dma_start3A_134 = arith.constant 0 : i32
      %dma_start3A_135 = tpu.memref_slice %arg14[%add3A_44, %dma_start3A_134] : memref<10240x144xf32, #tpu.memory_space<vmem_shared>> -> memref<80x144xf32, #tpu.memory_space<vmem_shared>>
      %dma_start3A_136 = arith.constant 0 : i32
      %dma_start3A_137 = arith.constant 0 : i32
      %dma_start3A_138 = tpu.memref_slice %arg12[%dma_start3A_136, %dma_start3A_137] : memref<80x144xf32, #tpu.memory_space<vmem>> -> memref<80x144xf32, #tpu.memory_space<vmem>>
      tpu.enqueue_dma source(%dma_start3A_138 : memref<80x144xf32, #tpu.memory_space<vmem>>) target(%dma_start3A_135 : memref<80x144xf32, #tpu.memory_space<vmem_shared>>) target_semaphore(%run_scoped3A_128 : memref<!tpu.dma_semaphore, #tpu.memory_space<semaphore_mem>>)
      %dma_wait3A_139 = arith.constant 0 : i32
      %dma_wait3A_140 = arith.constant 0 : i32
      %dma_wait3A_141 = tpu.memref_slice %arg12[%dma_wait3A_139, %dma_wait3A_140] : memref<80x144xf32, #tpu.memory_space<vmem>> -> memref<80x144xf32, #tpu.memory_space<vmem>>
      %dma_wait3A_142 = arith.constant 0 : i32
      %dma_wait3A_143 = tpu.memref_slice %arg14[%add3A_44, %dma_wait3A_142] : memref<10240x144xf32, #tpu.memory_space<vmem_shared>> -> memref<80x144xf32, #tpu.memory_space<vmem_shared>>
      %dma_wait3A_144 = arith.constant 0 : i32
      %dma_wait3A_145 = tpu.memref_slice %arg14[%add3A_44, %dma_wait3A_144] : memref<10240x144xf32, #tpu.memory_space<vmem_shared>> -> memref<80x144xf32, #tpu.memory_space<vmem_shared>>
      %dma_wait3A_146 = arith.constant 0 : i32
      %dma_wait3A_147 = arith.constant 0 : i32
      %dma_wait3A_148 = tpu.memref_slice %arg12[%dma_wait3A_146, %dma_wait3A_147] : memref<80x144xf32, #tpu.memory_space<vmem>> -> memref<80x144xf32, #tpu.memory_space<vmem>>
      tpu.wait_dma2 semaphore(%run_scoped3A_128 : memref<!tpu.dma_semaphore, #tpu.memory_space<semaphore_mem>>) src(%dma_wait3A_148 : memref<80x144xf32, #tpu.memory_space<vmem>>) dst(%dma_wait3A_145 : memref<80x144xf32, #tpu.memory_space<vmem_shared>>)
      tpu.yield
    }) : () -> ()
    %mul3A_45 = arith.constant 640 : i32
    %mul3A_46 = arith.muli %arg1, %mul3A_45 : i32
    %add3A_47 = arith.constant 240 : i32
    %add3A_48 = arith.addi %mul3A_46, %add3A_47 : i32
    "tpu.region"() ({
      %run_scoped3A_128 = tpu.sem_alloc : memref<!tpu.dma_semaphore, #tpu.memory_space<semaphore_mem>>
      %dma_start3A_129 = arith.constant 0 : i32
      %dma_start3A_130 = arith.constant 0 : i32
      %dma_start3A_131 = tpu.memref_slice %arg12[%dma_start3A_129, %dma_start3A_130] : memref<80x144xf32, #tpu.memory_space<vmem>> -> memref<80x144xf32, #tpu.memory_space<vmem>>
      %dma_start3A_132 = arith.constant 0 : i32
      %dma_start3A_133 = tpu.memref_slice %arg14[%add3A_48, %dma_start3A_132] : memref<10240x144xf32, #tpu.memory_space<vmem_shared>> -> memref<80x144xf32, #tpu.memory_space<vmem_shared>>
      %dma_start3A_134 = arith.constant 0 : i32
      %dma_start3A_135 = tpu.memref_slice %arg14[%add3A_48, %dma_start3A_134] : memref<10240x144xf32, #tpu.memory_space<vmem_shared>> -> memref<80x144xf32, #tpu.memory_space<vmem_shared>>
      %dma_start3A_136 = arith.constant 0 : i32
      %dma_start3A_137 = arith.constant 0 : i32
      %dma_start3A_138 = tpu.memref_slice %arg12[%dma_start3A_136, %dma_start3A_137] : memref<80x144xf32, #tpu.memory_space<vmem>> -> memref<80x144xf32, #tpu.memory_space<vmem>>
      tpu.enqueue_dma source(%dma_start3A_138 : memref<80x144xf32, #tpu.memory_space<vmem>>) target(%dma_start3A_135 : memref<80x144xf32, #tpu.memory_space<vmem_shared>>) target_semaphore(%run_scoped3A_128 : memref<!tpu.dma_semaphore, #tpu.memory_space<semaphore_mem>>)
      %dma_wait3A_139 = arith.constant 0 : i32
      %dma_wait3A_140 = arith.constant 0 : i32
      %dma_wait3A_141 = tpu.memref_slice %arg12[%dma_wait3A_139, %dma_wait3A_140] : memref<80x144xf32, #tpu.memory_space<vmem>> -> memref<80x144xf32, #tpu.memory_space<vmem>>
      %dma_wait3A_142 = arith.constant 0 : i32
      %dma_wait3A_143 = tpu.memref_slice %arg14[%add3A_48, %dma_wait3A_142] : memref<10240x144xf32, #tpu.memory_space<vmem_shared>> -> memref<80x144xf32, #tpu.memory_space<vmem_shared>>
      %dma_wait3A_144 = arith.constant 0 : i32
      %dma_wait3A_145 = tpu.memref_slice %arg14[%add3A_48, %dma_wait3A_144] : memref<10240x144xf32, #tpu.memory_space<vmem_shared>> -> memref<80x144xf32, #tpu.memory_space<vmem_shared>>
      %dma_wait3A_146 = arith.constant 0 : i32
      %dma_wait3A_147 = arith.constant 0 : i32
      %dma_wait3A_148 = tpu.memref_slice %arg12[%dma_wait3A_146, %dma_wait3A_147] : memref<80x144xf32, #tpu.memory_space<vmem>> -> memref<80x144xf32, #tpu.memory_space<vmem>>
      tpu.wait_dma2 semaphore(%run_scoped3A_128 : memref<!tpu.dma_semaphore, #tpu.memory_space<semaphore_mem>>) src(%dma_wait3A_148 : memref<80x144xf32, #tpu.memory_space<vmem>>) dst(%dma_wait3A_145 : memref<80x144xf32, #tpu.memory_space<vmem_shared>>)
      tpu.yield
    }) : () -> ()
    %mul3A_49 = arith.constant 640 : i32
    %mul3A_50 = arith.muli %arg1, %mul3A_49 : i32
    %add3A_51 = arith.constant 320 : i32
    %add3A_52 = arith.addi %mul3A_50, %add3A_51 : i32
    "tpu.region"() ({
      %run_scoped3A_128 = tpu.sem_alloc : memref<!tpu.dma_semaphore, #tpu.memory_space<semaphore_mem>>
      %dma_start3A_129 = arith.constant 0 : i32
      %dma_start3A_130 = arith.constant 0 : i32
      %dma_start3A_131 = tpu.memref_slice %arg12[%dma_start3A_129, %dma_start3A_130] : memref<80x144xf32, #tpu.memory_space<vmem>> -> memref<80x144xf32, #tpu.memory_space<vmem>>
      %dma_start3A_132 = arith.constant 0 : i32
      %dma_start3A_133 = tpu.memref_slice %arg14[%add3A_52, %dma_start3A_132] : memref<10240x144xf32, #tpu.memory_space<vmem_shared>> -> memref<80x144xf32, #tpu.memory_space<vmem_shared>>
      %dma_start3A_134 = arith.constant 0 : i32
      %dma_start3A_135 = tpu.memref_slice %arg14[%add3A_52, %dma_start3A_134] : memref<10240x144xf32, #tpu.memory_space<vmem_shared>> -> memref<80x144xf32, #tpu.memory_space<vmem_shared>>
      %dma_start3A_136 = arith.constant 0 : i32
      %dma_start3A_137 = arith.constant 0 : i32
      %dma_start3A_138 = tpu.memref_slice %arg12[%dma_start3A_136, %dma_start3A_137] : memref<80x144xf32, #tpu.memory_space<vmem>> -> memref<80x144xf32, #tpu.memory_space<vmem>>
      tpu.enqueue_dma source(%dma_start3A_138 : memref<80x144xf32, #tpu.memory_space<vmem>>) target(%dma_start3A_135 : memref<80x144xf32, #tpu.memory_space<vmem_shared>>) target_semaphore(%run_scoped3A_128 : memref<!tpu.dma_semaphore, #tpu.memory_space<semaphore_mem>>)
      %dma_wait3A_139 = arith.constant 0 : i32
      %dma_wait3A_140 = arith.constant 0 : i32
      %dma_wait3A_141 = tpu.memref_slice %arg12[%dma_wait3A_139, %dma_wait3A_140] : memref<80x144xf32, #tpu.memory_space<vmem>> -> memref<80x144xf32, #tpu.memory_space<vmem>>
      %dma_wait3A_142 = arith.constant 0 : i32
      %dma_wait3A_143 = tpu.memref_slice %arg14[%add3A_52, %dma_wait3A_142] : memref<10240x144xf32, #tpu.memory_space<vmem_shared>> -> memref<80x144xf32, #tpu.memory_space<vmem_shared>>
      %dma_wait3A_144 = arith.constant 0 : i32
      %dma_wait3A_145 = tpu.memref_slice %arg14[%add3A_52, %dma_wait3A_144] : memref<10240x144xf32, #tpu.memory_space<vmem_shared>> -> memref<80x144xf32, #tpu.memory_space<vmem_shared>>
      %dma_wait3A_146 = arith.constant 0 : i32
      %dma_wait3A_147 = arith.constant 0 : i32
      %dma_wait3A_148 = tpu.memref_slice %arg12[%dma_wait3A_146, %dma_wait3A_147] : memref<80x144xf32, #tpu.memory_space<vmem>> -> memref<80x144xf32, #tpu.memory_space<vmem>>
      tpu.wait_dma2 semaphore(%run_scoped3A_128 : memref<!tpu.dma_semaphore, #tpu.memory_space<semaphore_mem>>) src(%dma_wait3A_148 : memref<80x144xf32, #tpu.memory_space<vmem>>) dst(%dma_wait3A_145 : memref<80x144xf32, #tpu.memory_space<vmem_shared>>)
      tpu.yield
    }) : () -> ()
    %mul3A_53 = arith.constant 640 : i32
    %mul3A_54 = arith.muli %arg1, %mul3A_53 : i32
    %add3A_55 = arith.constant 400 : i32
    %add3A_56 = arith.addi %mul3A_54, %add3A_55 : i32
    "tpu.region"() ({
      %run_scoped3A_128 = tpu.sem_alloc : memref<!tpu.dma_semaphore, #tpu.memory_space<semaphore_mem>>
      %dma_start3A_129 = arith.constant 0 : i32
      %dma_start3A_130 = arith.constant 0 : i32
      %dma_start3A_131 = tpu.memref_slice %arg12[%dma_start3A_129, %dma_start3A_130] : memref<80x144xf32, #tpu.memory_space<vmem>> -> memref<80x144xf32, #tpu.memory_space<vmem>>
      %dma_start3A_132 = arith.constant 0 : i32
      %dma_start3A_133 = tpu.memref_slice %arg14[%add3A_56, %dma_start3A_132] : memref<10240x144xf32, #tpu.memory_space<vmem_shared>> -> memref<80x144xf32, #tpu.memory_space<vmem_shared>>
      %dma_start3A_134 = arith.constant 0 : i32
      %dma_start3A_135 = tpu.memref_slice %arg14[%add3A_56, %dma_start3A_134] : memref<10240x144xf32, #tpu.memory_space<vmem_shared>> -> memref<80x144xf32, #tpu.memory_space<vmem_shared>>
      %dma_start3A_136 = arith.constant 0 : i32
      %dma_start3A_137 = arith.constant 0 : i32
      %dma_start3A_138 = tpu.memref_slice %arg12[%dma_start3A_136, %dma_start3A_137] : memref<80x144xf32, #tpu.memory_space<vmem>> -> memref<80x144xf32, #tpu.memory_space<vmem>>
      tpu.enqueue_dma source(%dma_start3A_138 : memref<80x144xf32, #tpu.memory_space<vmem>>) target(%dma_start3A_135 : memref<80x144xf32, #tpu.memory_space<vmem_shared>>) target_semaphore(%run_scoped3A_128 : memref<!tpu.dma_semaphore, #tpu.memory_space<semaphore_mem>>)
      %dma_wait3A_139 = arith.constant 0 : i32
      %dma_wait3A_140 = arith.constant 0 : i32
      %dma_wait3A_141 = tpu.memref_slice %arg12[%dma_wait3A_139, %dma_wait3A_140] : memref<80x144xf32, #tpu.memory_space<vmem>> -> memref<80x144xf32, #tpu.memory_space<vmem>>
      %dma_wait3A_142 = arith.constant 0 : i32
      %dma_wait3A_143 = tpu.memref_slice %arg14[%add3A_56, %dma_wait3A_142] : memref<10240x144xf32, #tpu.memory_space<vmem_shared>> -> memref<80x144xf32, #tpu.memory_space<vmem_shared>>
      %dma_wait3A_144 = arith.constant 0 : i32
      %dma_wait3A_145 = tpu.memref_slice %arg14[%add3A_56, %dma_wait3A_144] : memref<10240x144xf32, #tpu.memory_space<vmem_shared>> -> memref<80x144xf32, #tpu.memory_space<vmem_shared>>
      %dma_wait3A_146 = arith.constant 0 : i32
      %dma_wait3A_147 = arith.constant 0 : i32
      %dma_wait3A_148 = tpu.memref_slice %arg12[%dma_wait3A_146, %dma_wait3A_147] : memref<80x144xf32, #tpu.memory_space<vmem>> -> memref<80x144xf32, #tpu.memory_space<vmem>>
      tpu.wait_dma2 semaphore(%run_scoped3A_128 : memref<!tpu.dma_semaphore, #tpu.memory_space<semaphore_mem>>) src(%dma_wait3A_148 : memref<80x144xf32, #tpu.memory_space<vmem>>) dst(%dma_wait3A_145 : memref<80x144xf32, #tpu.memory_space<vmem_shared>>)
      tpu.yield
    }) : () -> ()
    %mul3A_57 = arith.constant 640 : i32
    %mul3A_58 = arith.muli %arg1, %mul3A_57 : i32
    %add3A_59 = arith.constant 480 : i32
    %add3A_60 = arith.addi %mul3A_58, %add3A_59 : i32
    "tpu.region"() ({
      %run_scoped3A_128 = tpu.sem_alloc : memref<!tpu.dma_semaphore, #tpu.memory_space<semaphore_mem>>
      %dma_start3A_129 = arith.constant 0 : i32
      %dma_start3A_130 = arith.constant 0 : i32
      %dma_start3A_131 = tpu.memref_slice %arg12[%dma_start3A_129, %dma_start3A_130] : memref<80x144xf32, #tpu.memory_space<vmem>> -> memref<80x144xf32, #tpu.memory_space<vmem>>
      %dma_start3A_132 = arith.constant 0 : i32
      %dma_start3A_133 = tpu.memref_slice %arg14[%add3A_60, %dma_start3A_132] : memref<10240x144xf32, #tpu.memory_space<vmem_shared>> -> memref<80x144xf32, #tpu.memory_space<vmem_shared>>
      %dma_start3A_134 = arith.constant 0 : i32
      %dma_start3A_135 = tpu.memref_slice %arg14[%add3A_60, %dma_start3A_134] : memref<10240x144xf32, #tpu.memory_space<vmem_shared>> -> memref<80x144xf32, #tpu.memory_space<vmem_shared>>
      %dma_start3A_136 = arith.constant 0 : i32
      %dma_start3A_137 = arith.constant 0 : i32
      %dma_start3A_138 = tpu.memref_slice %arg12[%dma_start3A_136, %dma_start3A_137] : memref<80x144xf32, #tpu.memory_space<vmem>> -> memref<80x144xf32, #tpu.memory_space<vmem>>
      tpu.enqueue_dma source(%dma_start3A_138 : memref<80x144xf32, #tpu.memory_space<vmem>>) target(%dma_start3A_135 : memref<80x144xf32, #tpu.memory_space<vmem_shared>>) target_semaphore(%run_scoped3A_128 : memref<!tpu.dma_semaphore, #tpu.memory_space<semaphore_mem>>)
      %dma_wait3A_139 = arith.constant 0 : i32
      %dma_wait3A_140 = arith.constant 0 : i32
      %dma_wait3A_141 = tpu.memref_slice %arg12[%dma_wait3A_139, %dma_wait3A_140] : memref<80x144xf32, #tpu.memory_space<vmem>> -> memref<80x144xf32, #tpu.memory_space<vmem>>
      %dma_wait3A_142 = arith.constant 0 : i32
      %dma_wait3A_143 = tpu.memref_slice %arg14[%add3A_60, %dma_wait3A_142] : memref<10240x144xf32, #tpu.memory_space<vmem_shared>> -> memref<80x144xf32, #tpu.memory_space<vmem_shared>>
      %dma_wait3A_144 = arith.constant 0 : i32
      %dma_wait3A_145 = tpu.memref_slice %arg14[%add3A_60, %dma_wait3A_144] : memref<10240x144xf32, #tpu.memory_space<vmem_shared>> -> memref<80x144xf32, #tpu.memory_space<vmem_shared>>
      %dma_wait3A_146 = arith.constant 0 : i32
      %dma_wait3A_147 = arith.constant 0 : i32
      %dma_wait3A_148 = tpu.memref_slice %arg12[%dma_wait3A_146, %dma_wait3A_147] : memref<80x144xf32, #tpu.memory_space<vmem>> -> memref<80x144xf32, #tpu.memory_space<vmem>>
      tpu.wait_dma2 semaphore(%run_scoped3A_128 : memref<!tpu.dma_semaphore, #tpu.memory_space<semaphore_mem>>) src(%dma_wait3A_148 : memref<80x144xf32, #tpu.memory_space<vmem>>) dst(%dma_wait3A_145 : memref<80x144xf32, #tpu.memory_space<vmem_shared>>)
      tpu.yield
    }) : () -> ()
    %mul3A_61 = arith.constant 640 : i32
    %mul3A_62 = arith.muli %arg1, %mul3A_61 : i32
    %add3A_63 = arith.constant 560 : i32
    %add3A_64 = arith.addi %mul3A_62, %add3A_63 : i32
    "tpu.region"() ({
      %run_scoped3A_128 = tpu.sem_alloc : memref<!tpu.dma_semaphore, #tpu.memory_space<semaphore_mem>>
      %dma_start3A_129 = arith.constant 0 : i32
      %dma_start3A_130 = arith.constant 0 : i32
      %dma_start3A_131 = tpu.memref_slice %arg12[%dma_start3A_129, %dma_start3A_130] : memref<80x144xf32, #tpu.memory_space<vmem>> -> memref<80x144xf32, #tpu.memory_space<vmem>>
      %dma_start3A_132 = arith.constant 0 : i32
      %dma_start3A_133 = tpu.memref_slice %arg14[%add3A_64, %dma_start3A_132] : memref<10240x144xf32, #tpu.memory_space<vmem_shared>> -> memref<80x144xf32, #tpu.memory_space<vmem_shared>>
      %dma_start3A_134 = arith.constant 0 : i32
      %dma_start3A_135 = tpu.memref_slice %arg14[%add3A_64, %dma_start3A_134] : memref<10240x144xf32, #tpu.memory_space<vmem_shared>> -> memref<80x144xf32, #tpu.memory_space<vmem_shared>>
      %dma_start3A_136 = arith.constant 0 : i32
      %dma_start3A_137 = arith.constant 0 : i32
      %dma_start3A_138 = tpu.memref_slice %arg12[%dma_start3A_136, %dma_start3A_137] : memref<80x144xf32, #tpu.memory_space<vmem>> -> memref<80x144xf32, #tpu.memory_space<vmem>>
      tpu.enqueue_dma source(%dma_start3A_138 : memref<80x144xf32, #tpu.memory_space<vmem>>) target(%dma_start3A_135 : memref<80x144xf32, #tpu.memory_space<vmem_shared>>) target_semaphore(%run_scoped3A_128 : memref<!tpu.dma_semaphore, #tpu.memory_space<semaphore_mem>>)
      %dma_wait3A_139 = arith.constant 0 : i32
      %dma_wait3A_140 = arith.constant 0 : i32
      %dma_wait3A_141 = tpu.memref_slice %arg12[%dma_wait3A_139, %dma_wait3A_140] : memref<80x144xf32, #tpu.memory_space<vmem>> -> memref<80x144xf32, #tpu.memory_space<vmem>>
      %dma_wait3A_142 = arith.constant 0 : i32
      %dma_wait3A_143 = tpu.memref_slice %arg14[%add3A_64, %dma_wait3A_142] : memref<10240x144xf32, #tpu.memory_space<vmem_shared>> -> memref<80x144xf32, #tpu.memory_space<vmem_shared>>
      %dma_wait3A_144 = arith.constant 0 : i32
      %dma_wait3A_145 = tpu.memref_slice %arg14[%add3A_64, %dma_wait3A_144] : memref<10240x144xf32, #tpu.memory_space<vmem_shared>> -> memref<80x144xf32, #tpu.memory_space<vmem_shared>>
      %dma_wait3A_146 = arith.constant 0 : i32
      %dma_wait3A_147 = arith.constant 0 : i32
      %dma_wait3A_148 = tpu.memref_slice %arg12[%dma_wait3A_146, %dma_wait3A_147] : memref<80x144xf32, #tpu.memory_space<vmem>> -> memref<80x144xf32, #tpu.memory_space<vmem>>
      tpu.wait_dma2 semaphore(%run_scoped3A_128 : memref<!tpu.dma_semaphore, #tpu.memory_space<semaphore_mem>>) src(%dma_wait3A_148 : memref<80x144xf32, #tpu.memory_space<vmem>>) dst(%dma_wait3A_145 : memref<80x144xf32, #tpu.memory_space<vmem_shared>>)
      tpu.yield
    }) : () -> ()
    %barrier3A = arith.constant 0 : index
    tpu.barrier barrier_id(%barrier3A)
    %div3A = arith.constant 0 : i32
    %div3A_65 = arith.constant 25 : i32
    %div3A_66 = arith.divsi %div3A, %div3A_65 : i32
    %rem3A = arith.constant 2 : i32
    %rem3A_67 = arith.remsi %div3A_66, %rem3A : i32
    %rem3A_68 = arith.constant 0 : i32
    %rem3A_69 = arith.constant 25 : i32
    %rem3A_70 = arith.remsi %rem3A_68, %rem3A_69 : i32
    %mul3A_71 = arith.constant 40 : i32
    %mul3A_72 = arith.muli %rem3A_70, %mul3A_71 : i32
    %dma_start3A = arith.constant 0 : i32
    %dma_start3A_73 = arith.constant 0 : i32
    %dma_start3A_74 = tpu.memref_slice %arg10[%dma_start3A, %dma_start3A_73] : memref<80x128xf32, #tpu.memory_space<vmem>> -> memref<40x128xf32, #tpu.memory_space<vmem>>
    %dma_start3A_75 = tpu.memref_slice %arg8[%rem3A_67, %mul3A_72] : memref<2x1000xi32, #tpu.memory_space<vmem>> -> memref<1x40xi32, #tpu.memory_space<vmem>>
    %dma_start3A_76 = tpu.memref_squeeze %dma_start3A_75 : memref<1x40xi32, #tpu.memory_space<vmem>> -> memref<40xi32, #tpu.memory_space<vmem>>
    %dma_start3A_77 = arith.constant 0 : i32
    %dma_start3A_78 = arith.constant 0 : i32
    %dma_start3A_79 = tpu.memref_slice %arg2[%dma_start3A_77, %dma_start3A_78] : memref<10000x128xf32, #tpu.memory_space<hbm>> -> memref<10000x128xf32, #tpu.memory_space<hbm>>
    tpu.enqueue_indirect_dma source(%dma_start3A_79 : memref<10000x128xf32, #tpu.memory_space<hbm>>) target(%dma_start3A_74 : memref<40x128xf32, #tpu.memory_space<vmem>>) offsets(%dma_start3A_76 : memref<40xi32, #tpu.memory_space<vmem>>) semaphore(%arg15 : memref<!tpu.dma_semaphore, #tpu.memory_space<semaphore_mem>>)
    %div3A_80 = arith.constant 0 : i32
    %div3A_81 = arith.constant 25 : i32
    %div3A_82 = arith.divsi %div3A_80, %div3A_81 : i32
    %rem3A_83 = arith.constant 2 : i32
    %rem3A_84 = arith.remsi %div3A_82, %rem3A_83 : i32
    %rem3A_85 = arith.constant 0 : i32
    %rem3A_86 = arith.constant 25 : i32
    %rem3A_87 = arith.remsi %rem3A_85, %rem3A_86 : i32
    %mul3A_88 = arith.constant 40 : i32
    %mul3A_89 = arith.muli %rem3A_87, %mul3A_88 : i32
    %dma_start3A_90 = arith.constant 0 : i32
    %dma_start3A_91 = arith.constant 0 : i32
    %dma_start3A_92 = tpu.memref_slice %arg11[%dma_start3A_90, %dma_start3A_91] : memref<80x128xf32, #tpu.memory_space<vmem>> -> memref<40x128xf32, #tpu.memory_space<vmem>>
    %dma_start3A_93 = tpu.memref_slice %arg9[%rem3A_84, %mul3A_89] : memref<2x1000xi32, #tpu.memory_space<vmem>> -> memref<1x40xi32, #tpu.memory_space<vmem>>
    %dma_start3A_94 = tpu.memref_squeeze %dma_start3A_93 : memref<1x40xi32, #tpu.memory_space<vmem>> -> memref<40xi32, #tpu.memory_space<vmem>>
    %dma_start3A_95 = arith.constant 0 : i32
    %dma_start3A_96 = arith.constant 0 : i32
    %dma_start3A_97 = tpu.memref_slice %arg3[%dma_start3A_95, %dma_start3A_96] : memref<10000x128xf32, #tpu.memory_space<hbm>> -> memref<10000x128xf32, #tpu.memory_space<hbm>>
    tpu.enqueue_indirect_dma source(%dma_start3A_97 : memref<10000x128xf32, #tpu.memory_space<hbm>>) target(%dma_start3A_92 : memref<40x128xf32, #tpu.memory_space<vmem>>) offsets(%dma_start3A_94 : memref<40xi32, #tpu.memory_space<vmem>>) semaphore(%arg17 : memref<!tpu.dma_semaphore, #tpu.memory_space<semaphore_mem>>)
    %scan3A_98 = arith.constant 0 : i32
    %scan3A_99 = arith.constant 0 : i32
    %scan3A_100 = arith.constant 125 : i32
    %scan3A_101 = arith.addi %scan3A_99, %scan3A_100 : i32
    %scan3A_102 = arith.constant 1 : i32
    scf.for %scan3A_128 = %scan3A_99 to %scan3A_101 step %scan3A_102  : i32 {
      %mul3A_129 = arith.constant 2 : i32
      %mul3A_130 = arith.muli %scan3A_128, %mul3A_129 : i32
      %div3A_131 = arith.constant 25 : i32
      %div3A_132 = arith.divsi %mul3A_130, %div3A_131 : i32
      %rem3A_133 = arith.constant 25 : i32
      %rem3A_134 = arith.remsi %mul3A_130, %rem3A_133 : i32
      %eq3A = arith.constant 2 : i32
      %eq3A_135 = arith.cmpi eq, %rem3A_134, %eq3A : i32
      %add3A_136 = arith.constant 1 : i32
      %add3A_137 = arith.addi %div3A_132, %add3A_136 : i32
      %lt3A = arith.constant 10 : i32
      %lt3A_138 = arith.cmpi slt, %add3A_137, %lt3A : i32
      %and3A = arith.andi %eq3A_135, %lt3A_138 : i1
      %convert_element_type3A = arith.extui %and3A : i1 to i32
      %cond3A = arith.constant 0 : i32
      %cond3A_139 = arith.cmpi ne, %convert_element_type3A, %cond3A : i32
      scf.if %cond3A_139 {
        %add3A_315 = arith.constant 1 : i32
        %add3A_316 = arith.addi %div3A_132, %add3A_315 : i32
        %rem3A_317 = arith.constant 2 : i32
        %rem3A_318 = arith.remsi %add3A_316, %rem3A_317 : i32
        %add3A_319 = arith.constant 1 : i32
        %add3A_320 = arith.addi %div3A_132, %add3A_319 : i32
        %mul3A_321 = arith.constant 1000 : i32
        %mul3A_322 = arith.muli %add3A_320, %mul3A_321 : i32
        %add3A_323 = arith.addi %mul3A_2, %mul3A_322 : i32
        %dma_start3A_324 = arith.constant 0 : i32
        %dma_start3A_325 = tpu.memref_slice %arg8[%rem3A_318, %dma_start3A_324] : memref<2x1000xi32, #tpu.memory_space<vmem>> -> memref<1x1000xi32, #tpu.memory_space<vmem>>
        %dma_start3A_326 = tpu.memref_squeeze %dma_start3A_325 : memref<1x1000xi32, #tpu.memory_space<vmem>> -> memref<1000xi32, #tpu.memory_space<vmem>>
        %dma_start3A_327 = tpu.memref_slice %arg4[%add3A_323] : memref<320000xi32, #tpu.memory_space<hbm>> -> memref<1000xi32, #tpu.memory_space<hbm>>
        %dma_start3A_328 = arith.constant 0 : i32
        %dma_start3A_329 = tpu.memref_slice %arg8[%rem3A_318, %dma_start3A_328] : memref<2x1000xi32, #tpu.memory_space<vmem>> -> memref<1x1000xi32, #tpu.memory_space<vmem>>
        %dma_start3A_330 = tpu.memref_squeeze %dma_start3A_329 : memref<1x1000xi32, #tpu.memory_space<vmem>> -> memref<1000xi32, #tpu.memory_space<vmem>>
        %dma_start3A_331 = tpu.memref_slice %arg4[%add3A_323] : memref<320000xi32, #tpu.memory_space<hbm>> -> memref<1000xi32, #tpu.memory_space<hbm>>
        tpu.enqueue_dma source(%dma_start3A_331 : memref<1000xi32, #tpu.memory_space<hbm>>) target(%dma_start3A_330 : memref<1000xi32, #tpu.memory_space<vmem>>) target_semaphore(%arg21 : memref<!tpu.dma_semaphore, #tpu.memory_space<semaphore_mem>>)
        %dma_start3A_332 = arith.constant 0 : i32
        %dma_start3A_333 = tpu.memref_slice %arg9[%rem3A_318, %dma_start3A_332] : memref<2x1000xi32, #tpu.memory_space<vmem>> -> memref<1x1000xi32, #tpu.memory_space<vmem>>
        %dma_start3A_334 = tpu.memref_squeeze %dma_start3A_333 : memref<1x1000xi32, #tpu.memory_space<vmem>> -> memref<1000xi32, #tpu.memory_space<vmem>>
        %dma_start3A_335 = tpu.memref_slice %arg5[%add3A_323] : memref<320000xi32, #tpu.memory_space<hbm>> -> memref<1000xi32, #tpu.memory_space<hbm>>
        %dma_start3A_336 = arith.constant 0 : i32
        %dma_start3A_337 = tpu.memref_slice %arg9[%rem3A_318, %dma_start3A_336] : memref<2x1000xi32, #tpu.memory_space<vmem>> -> memref<1x1000xi32, #tpu.memory_space<vmem>>
        %dma_start3A_338 = tpu.memref_squeeze %dma_start3A_337 : memref<1x1000xi32, #tpu.memory_space<vmem>> -> memref<1000xi32, #tpu.memory_space<vmem>>
        %dma_start3A_339 = tpu.memref_slice %arg5[%add3A_323] : memref<320000xi32, #tpu.memory_space<hbm>> -> memref<1000xi32, #tpu.memory_space<hbm>>
        tpu.enqueue_dma source(%dma_start3A_339 : memref<1000xi32, #tpu.memory_space<hbm>>) target(%dma_start3A_338 : memref<1000xi32, #tpu.memory_space<vmem>>) target_semaphore(%arg21 : memref<!tpu.dma_semaphore, #tpu.memory_space<semaphore_mem>>)
      } else {
      }
      %div3A_140 = arith.constant 25 : i32
      %div3A_141 = arith.divsi %mul3A_130, %div3A_140 : i32
      %rem3A_142 = arith.constant 25 : i32
      %rem3A_143 = arith.remsi %mul3A_130, %rem3A_142 : i32
      %eq3A_144 = arith.constant 22 : i32
      %eq3A_145 = arith.cmpi eq, %rem3A_143, %eq3A_144 : i32
      %add3A_146 = arith.constant 1 : i32
      %add3A_147 = arith.addi %div3A_141, %add3A_146 : i32
      %lt3A_148 = arith.constant 10 : i32
      %lt3A_149 = arith.cmpi slt, %add3A_147, %lt3A_148 : i32
      %and3A_150 = arith.andi %eq3A_145, %lt3A_149 : i1
      %convert_element_type3A_151 = arith.extui %and3A_150 : i1 to i32
      %cond3A_152 = arith.constant 0 : i32
      %cond3A_153 = arith.cmpi ne, %convert_element_type3A_151, %cond3A_152 : i32
      scf.if %cond3A_153 {
        %dma_wait3A_315 = arith.constant 0 : i32
        %dma_wait3A_316 = arith.constant 0 : i32
        %dma_wait3A_317 = tpu.memref_slice %arg8[%dma_wait3A_315, %dma_wait3A_316] : memref<2x1000xi32, #tpu.memory_space<vmem>> -> memref<1x1000xi32, #tpu.memory_space<vmem>>
        %dma_wait3A_318 = tpu.memref_squeeze %dma_wait3A_317 : memref<1x1000xi32, #tpu.memory_space<vmem>> -> memref<1000xi32, #tpu.memory_space<vmem>>
        %dma_wait3A_319 = tpu.memref_slice %arg4[%mul3A_2] : memref<320000xi32, #tpu.memory_space<hbm>> -> memref<1000xi32, #tpu.memory_space<hbm>>
        %dma_wait3A_320 = arith.constant 0 : i32
        %dma_wait3A_321 = tpu.memref_slice %arg8[%dma_wait3A_315, %dma_wait3A_320] : memref<2x1000xi32, #tpu.memory_space<vmem>> -> memref<1x1000xi32, #tpu.memory_space<vmem>>
        %dma_wait3A_322 = tpu.memref_squeeze %dma_wait3A_321 : memref<1x1000xi32, #tpu.memory_space<vmem>> -> memref<1000xi32, #tpu.memory_space<vmem>>
        %dma_wait3A_323 = tpu.memref_slice %arg4[%mul3A_2] : memref<320000xi32, #tpu.memory_space<hbm>> -> memref<1000xi32, #tpu.memory_space<hbm>>
        tpu.wait_dma2 semaphore(%arg21 : memref<!tpu.dma_semaphore, #tpu.memory_space<semaphore_mem>>) src(%dma_wait3A_323 : memref<1000xi32, #tpu.memory_space<hbm>>) dst(%dma_wait3A_322 : memref<1000xi32, #tpu.memory_space<vmem>>)
        %dma_wait3A_324 = arith.constant 0 : i32
        %dma_wait3A_325 = arith.constant 0 : i32
        %dma_wait3A_326 = tpu.memref_slice %arg9[%dma_wait3A_324, %dma_wait3A_325] : memref<2x1000xi32, #tpu.memory_space<vmem>> -> memref<1x1000xi32, #tpu.memory_space<vmem>>
        %dma_wait3A_327 = tpu.memref_squeeze %dma_wait3A_326 : memref<1x1000xi32, #tpu.memory_space<vmem>> -> memref<1000xi32, #tpu.memory_space<vmem>>
        %dma_wait3A_328 = tpu.memref_slice %arg5[%mul3A_2] : memref<320000xi32, #tpu.memory_space<hbm>> -> memref<1000xi32, #tpu.memory_space<hbm>>
        %dma_wait3A_329 = arith.constant 0 : i32
        %dma_wait3A_330 = tpu.memref_slice %arg9[%dma_wait3A_324, %dma_wait3A_329] : memref<2x1000xi32, #tpu.memory_space<vmem>> -> memref<1x1000xi32, #tpu.memory_space<vmem>>
        %dma_wait3A_331 = tpu.memref_squeeze %dma_wait3A_330 : memref<1x1000xi32, #tpu.memory_space<vmem>> -> memref<1000xi32, #tpu.memory_space<vmem>>
        %dma_wait3A_332 = tpu.memref_slice %arg5[%mul3A_2] : memref<320000xi32, #tpu.memory_space<hbm>> -> memref<1000xi32, #tpu.memory_space<hbm>>
        tpu.wait_dma2 semaphore(%arg21 : memref<!tpu.dma_semaphore, #tpu.memory_space<semaphore_mem>>) src(%dma_wait3A_332 : memref<1000xi32, #tpu.memory_space<hbm>>) dst(%dma_wait3A_331 : memref<1000xi32, #tpu.memory_space<vmem>>)
      } else {
      }
      %add3A_154 = arith.constant 1 : i32
      %add3A_155 = arith.addi %mul3A_130, %add3A_154 : i32
      %div3A_156 = arith.constant 25 : i32
      %div3A_157 = arith.divsi %add3A_155, %div3A_156 : i32
      %rem3A_158 = arith.constant 2 : i32
      %rem3A_159 = arith.remsi %div3A_157, %rem3A_158 : i32
      %rem3A_160 = arith.constant 25 : i32
      %rem3A_161 = arith.remsi %add3A_155, %rem3A_160 : i32
      %mul3A_162 = arith.constant 40 : i32
      %mul3A_163 = arith.muli %rem3A_161, %mul3A_162 : i32
      %dma_start3A_164 = arith.constant 40 : i32
      %dma_start3A_165 = arith.constant 0 : i32
      %dma_start3A_166 = tpu.memref_slice %arg10[%dma_start3A_164, %dma_start3A_165] : memref<80x128xf32, #tpu.memory_space<vmem>> -> memref<40x128xf32, #tpu.memory_space<vmem>>
      %dma_start3A_167 = tpu.memref_slice %arg8[%rem3A_159, %mul3A_163] : memref<2x1000xi32, #tpu.memory_space<vmem>> -> memref<1x40xi32, #tpu.memory_space<vmem>>
      %dma_start3A_168 = tpu.memref_squeeze %dma_start3A_167 : memref<1x40xi32, #tpu.memory_space<vmem>> -> memref<40xi32, #tpu.memory_space<vmem>>
      %dma_start3A_169 = arith.constant 0 : i32
      %dma_start3A_170 = arith.constant 0 : i32
      %dma_start3A_171 = tpu.memref_slice %arg2[%dma_start3A_169, %dma_start3A_170] : memref<10000x128xf32, #tpu.memory_space<hbm>> -> memref<10000x128xf32, #tpu.memory_space<hbm>>
      tpu.enqueue_indirect_dma source(%dma_start3A_171 : memref<10000x128xf32, #tpu.memory_space<hbm>>) target(%dma_start3A_166 : memref<40x128xf32, #tpu.memory_space<vmem>>) offsets(%dma_start3A_168 : memref<40xi32, #tpu.memory_space<vmem>>) semaphore(%arg16 : memref<!tpu.dma_semaphore, #tpu.memory_space<semaphore_mem>>)
      %div3A_172 = arith.constant 25 : i32
      %div3A_173 = arith.divsi %add3A_155, %div3A_172 : i32
      %rem3A_174 = arith.constant 2 : i32
      %rem3A_175 = arith.remsi %div3A_173, %rem3A_174 : i32
      %rem3A_176 = arith.constant 25 : i32
      %rem3A_177 = arith.remsi %add3A_155, %rem3A_176 : i32
      %mul3A_178 = arith.constant 40 : i32
      %mul3A_179 = arith.muli %rem3A_177, %mul3A_178 : i32
      %dma_start3A_180 = arith.constant 40 : i32
      %dma_start3A_181 = arith.constant 0 : i32
      %dma_start3A_182 = tpu.memref_slice %arg11[%dma_start3A_180, %dma_start3A_181] : memref<80x128xf32, #tpu.memory_space<vmem>> -> memref<40x128xf32, #tpu.memory_space<vmem>>
      %dma_start3A_183 = tpu.memref_slice %arg9[%rem3A_175, %mul3A_179] : memref<2x1000xi32, #tpu.memory_space<vmem>> -> memref<1x40xi32, #tpu.memory_space<vmem>>
      %dma_start3A_184 = tpu.memref_squeeze %dma_start3A_183 : memref<1x40xi32, #tpu.memory_space<vmem>> -> memref<40xi32, #tpu.memory_space<vmem>>
      %dma_start3A_185 = arith.constant 0 : i32
      %dma_start3A_186 = arith.constant 0 : i32
      %dma_start3A_187 = tpu.memref_slice %arg3[%dma_start3A_185, %dma_start3A_186] : memref<10000x128xf32, #tpu.memory_space<hbm>> -> memref<10000x128xf32, #tpu.memory_space<hbm>>
      tpu.enqueue_indirect_dma source(%dma_start3A_187 : memref<10000x128xf32, #tpu.memory_space<hbm>>) target(%dma_start3A_182 : memref<40x128xf32, #tpu.memory_space<vmem>>) offsets(%dma_start3A_184 : memref<40xi32, #tpu.memory_space<vmem>>) semaphore(%arg18 : memref<!tpu.dma_semaphore, #tpu.memory_space<semaphore_mem>>)
      %dma_wait3A_188 = arith.constant 0 : i32
      %dma_wait3A_189 = arith.constant 0 : i32
      %dma_wait3A_190 = arith.constant 0 : i32
      %dma_wait3A_191 = tpu.memref_slice %arg10[%dma_wait3A_189, %dma_wait3A_190] : memref<80x128xf32, #tpu.memory_space<vmem>> -> memref<40x128xf32, #tpu.memory_space<vmem>>
      %dma_wait3A_192 = arith.constant 0 : i32
      %dma_wait3A_193 = tpu.memref_slice %arg8[%dma_wait3A_188, %dma_wait3A_192] : memref<2x1000xi32, #tpu.memory_space<vmem>> -> memref<1x40xi32, #tpu.memory_space<vmem>>
      %dma_wait3A_194 = tpu.memref_squeeze %dma_wait3A_193 : memref<1x40xi32, #tpu.memory_space<vmem>> -> memref<40xi32, #tpu.memory_space<vmem>>
      %dma_wait3A_195 = arith.constant 0 : i32
      %dma_wait3A_196 = arith.constant 0 : i32
      %dma_wait3A_197 = tpu.memref_slice %arg2[%dma_wait3A_195, %dma_wait3A_196] : memref<10000x128xf32, #tpu.memory_space<hbm>> -> memref<10000x128xf32, #tpu.memory_space<hbm>>
      tpu.wait_indirect_dma semaphore(%arg15 : memref<!tpu.dma_semaphore, #tpu.memory_space<semaphore_mem>>) src(%dma_wait3A_197 : memref<10000x128xf32, #tpu.memory_space<hbm>>) dst(%dma_wait3A_191 : memref<40x128xf32, #tpu.memory_space<vmem>>)
      %dma_wait3A_198 = arith.constant 0 : i32
      %dma_wait3A_199 = arith.constant 0 : i32
      %dma_wait3A_200 = arith.constant 0 : i32
      %dma_wait3A_201 = tpu.memref_slice %arg11[%dma_wait3A_199, %dma_wait3A_200] : memref<80x128xf32, #tpu.memory_space<vmem>> -> memref<40x128xf32, #tpu.memory_space<vmem>>
      %dma_wait3A_202 = arith.constant 0 : i32
      %dma_wait3A_203 = tpu.memref_slice %arg8[%dma_wait3A_198, %dma_wait3A_202] : memref<2x1000xi32, #tpu.memory_space<vmem>> -> memref<1x40xi32, #tpu.memory_space<vmem>>
      %dma_wait3A_204 = tpu.memref_squeeze %dma_wait3A_203 : memref<1x40xi32, #tpu.memory_space<vmem>> -> memref<40xi32, #tpu.memory_space<vmem>>
      %dma_wait3A_205 = arith.constant 0 : i32
      %dma_wait3A_206 = arith.constant 0 : i32
      %dma_wait3A_207 = tpu.memref_slice %arg3[%dma_wait3A_205, %dma_wait3A_206] : memref<10000x128xf32, #tpu.memory_space<hbm>> -> memref<10000x128xf32, #tpu.memory_space<hbm>>
      tpu.wait_indirect_dma semaphore(%arg17 : memref<!tpu.dma_semaphore, #tpu.memory_space<semaphore_mem>>) src(%dma_wait3A_207 : memref<10000x128xf32, #tpu.memory_space<hbm>>) dst(%dma_wait3A_201 : memref<40x128xf32, #tpu.memory_space<vmem>>)
      %gt3A = arith.constant 0 : i32
      %gt3A_208 = arith.cmpi sgt, %scan3A_128, %gt3A : i32
      %convert_element_type3A_209 = arith.extui %gt3A_208 : i1 to i32
      %cond3A_210 = arith.constant 0 : i32
      %cond3A_211 = arith.cmpi ne, %convert_element_type3A_209, %cond3A_210 : i32
      scf.if %cond3A_211 {
        %dma_wait3A_315 = arith.constant 0 : i32
        %dma_wait3A_316 = arith.constant 0 : i32
        %dma_wait3A_317 = arith.constant 0 : i32
        %dma_wait3A_318 = tpu.memref_slice %arg12[%dma_wait3A_316, %dma_wait3A_317] : memref<80x144xf32, #tpu.memory_space<vmem>> -> memref<40x144xf32, #tpu.memory_space<vmem>>
        %dma_wait3A_319 = arith.constant 0 : i32
        %dma_wait3A_320 = tpu.memref_slice %arg8[%dma_wait3A_315, %dma_wait3A_319] : memref<2x1000xi32, #tpu.memory_space<vmem>> -> memref<1x40xi32, #tpu.memory_space<vmem>>
        %dma_wait3A_321 = tpu.memref_squeeze %dma_wait3A_320 : memref<1x40xi32, #tpu.memory_space<vmem>> -> memref<40xi32, #tpu.memory_space<vmem>>
        %dma_wait3A_322 = arith.constant 0 : i32
        %dma_wait3A_323 = arith.constant 0 : i32
        %dma_wait3A_324 = tpu.memref_slice %arg14[%dma_wait3A_322, %dma_wait3A_323] : memref<10240x144xf32, #tpu.memory_space<vmem_shared>> -> memref<10240x144xf32, #tpu.memory_space<vmem_shared>>
        tpu.wait_indirect_dma semaphore(%arg19 : memref<!tpu.dma_semaphore, #tpu.memory_space<semaphore_mem>>) src(%dma_wait3A_318 : memref<40x144xf32, #tpu.memory_space<vmem>>) dst(%dma_wait3A_324 : memref<10240x144xf32, #tpu.memory_space<vmem_shared>>)
      } else {
      }
      %parallel_loop3A = arith.constant 0 : i32
      %parallel_loop3A_212 = arith.constant 40 : i32
      %parallel_loop3A_213 = arith.constant 1 : i32
      scf.for %parallel_loop3A_315 = %parallel_loop3A to %parallel_loop3A_212 step %parallel_loop3A_213  : i32 {
        %parallel_loop3A_316 = arith.constant 0 : i32
        %parallel_loop3A_317 = arith.addi %parallel_loop3A_316, %parallel_loop3A_315 : i32
        %parallel_loop3A_318 = arith.index_cast %parallel_loop3A_317 : i32 to index
        %parallel_loop3A_319 = arith.constant 0 : index
        %parallel_loop3A_320 = tpu.vector_load %arg10[%parallel_loop3A_318, %parallel_loop3A_319] {strides = array<i32>} : memref<80x128xf32, #tpu.memory_space<vmem>>, vector<1x16xf32>,
        %parallel_loop3A_321 = vector.shape_cast %parallel_loop3A_320 : vector<1x16xf32> to vector<16xf32>
        %parallel_loop3A_322 = arith.index_cast %parallel_loop3A_317 : i32 to index
        %parallel_loop3A_323 = arith.constant 0 : index
        %parallel_loop3A_324 = tpu.vector_load %arg11[%parallel_loop3A_322, %parallel_loop3A_323] {strides = array<i32>} : memref<80x128xf32, #tpu.memory_space<vmem>>, vector<1x16xf32>,
        %parallel_loop3A_325 = vector.shape_cast %parallel_loop3A_324 : vector<1x16xf32> to vector<16xf32>
        %parallel_loop3A_326 = arith.addf %parallel_loop3A_321, %parallel_loop3A_325 : vector<16xf32>
        %parallel_loop3A_327 = arith.constant 2.000000e-01 : f32
        %parallel_loop3A_328 = vector.broadcast %parallel_loop3A_327 : f32 to vector<16xf32>
        %parallel_loop3A_329 = arith.mulf %parallel_loop3A_326, %parallel_loop3A_328 : vector<16xf32>
        %parallel_loop3A_330 = arith.maximumf %parallel_loop3A_326, %parallel_loop3A_329 : vector<16xf32>
        %parallel_loop3A_331 = arith.mulf %parallel_loop3A_330, %get3A_5 : vector<16xf32>
        %parallel_loop3A_332 = arith.addf %broadcast_in_dim3A_27, %parallel_loop3A_331 : vector<16xf32>
        %parallel_loop3A_333 = arith.index_cast %parallel_loop3A_317 : i32 to index
        %parallel_loop3A_334 = arith.constant 16 : index
        %parallel_loop3A_335 = tpu.vector_load %arg10[%parallel_loop3A_333, %parallel_loop3A_334] {strides = array<i32>} : memref<80x128xf32, #tpu.memory_space<vmem>>, vector<1x16xf32>,
        %parallel_loop3A_336 = vector.shape_cast %parallel_loop3A_335 : vector<1x16xf32> to vector<16xf32>
        %parallel_loop3A_337 = arith.index_cast %parallel_loop3A_317 : i32 to index
        %parallel_loop3A_338 = arith.constant 16 : index
        %parallel_loop3A_339 = tpu.vector_load %arg11[%parallel_loop3A_337, %parallel_loop3A_338] {strides = array<i32>} : memref<80x128xf32, #tpu.memory_space<vmem>>, vector<1x16xf32>,
        %parallel_loop3A_340 = vector.shape_cast %parallel_loop3A_339 : vector<1x16xf32> to vector<16xf32>
        %parallel_loop3A_341 = arith.addf %parallel_loop3A_336, %parallel_loop3A_340 : vector<16xf32>
        %parallel_loop3A_342 = arith.constant 2.000000e-01 : f32
        %parallel_loop3A_343 = vector.broadcast %parallel_loop3A_342 : f32 to vector<16xf32>
        %parallel_loop3A_344 = arith.mulf %parallel_loop3A_341, %parallel_loop3A_343 : vector<16xf32>
        %parallel_loop3A_345 = arith.maximumf %parallel_loop3A_341, %parallel_loop3A_344 : vector<16xf32>
        %parallel_loop3A_346 = arith.mulf %parallel_loop3A_345, %get3A_8 : vector<16xf32>
        %parallel_loop3A_347 = arith.addf %parallel_loop3A_332, %parallel_loop3A_346 : vector<16xf32>
        %parallel_loop3A_348 = arith.index_cast %parallel_loop3A_317 : i32 to index
        %parallel_loop3A_349 = arith.constant 32 : index
        %parallel_loop3A_350 = tpu.vector_load %arg10[%parallel_loop3A_348, %parallel_loop3A_349] {strides = array<i32>} : memref<80x128xf32, #tpu.memory_space<vmem>>, vector<1x16xf32>,
        %parallel_loop3A_351 = vector.shape_cast %parallel_loop3A_350 : vector<1x16xf32> to vector<16xf32>
        %parallel_loop3A_352 = arith.index_cast %parallel_loop3A_317 : i32 to index
        %parallel_loop3A_353 = arith.constant 32 : index
        %parallel_loop3A_354 = tpu.vector_load %arg11[%parallel_loop3A_352, %parallel_loop3A_353] {strides = array<i32>} : memref<80x128xf32, #tpu.memory_space<vmem>>, vector<1x16xf32>,
        %parallel_loop3A_355 = vector.shape_cast %parallel_loop3A_354 : vector<1x16xf32> to vector<16xf32>
        %parallel_loop3A_356 = arith.addf %parallel_loop3A_351, %parallel_loop3A_355 : vector<16xf32>
        %parallel_loop3A_357 = arith.constant 2.000000e-01 : f32
        %parallel_loop3A_358 = vector.broadcast %parallel_loop3A_357 : f32 to vector<16xf32>
        %parallel_loop3A_359 = arith.mulf %parallel_loop3A_356, %parallel_loop3A_358 : vector<16xf32>
        %parallel_loop3A_360 = arith.maximumf %parallel_loop3A_356, %parallel_loop3A_359 : vector<16xf32>
        %parallel_loop3A_361 = arith.mulf %parallel_loop3A_360, %get3A_11 : vector<16xf32>
        %parallel_loop3A_362 = arith.addf %parallel_loop3A_347, %parallel_loop3A_361 : vector<16xf32>
        %parallel_loop3A_363 = arith.index_cast %parallel_loop3A_317 : i32 to index
        %parallel_loop3A_364 = arith.constant 48 : index
        %parallel_loop3A_365 = tpu.vector_load %arg10[%parallel_loop3A_363, %parallel_loop3A_364] {strides = array<i32>} : memref<80x128xf32, #tpu.memory_space<vmem>>, vector<1x16xf32>,
        %parallel_loop3A_366 = vector.shape_cast %parallel_loop3A_365 : vector<1x16xf32> to vector<16xf32>
        %parallel_loop3A_367 = arith.index_cast %parallel_loop3A_317 : i32 to index
        %parallel_loop3A_368 = arith.constant 48 : index
        %parallel_loop3A_369 = tpu.vector_load %arg11[%parallel_loop3A_367, %parallel_loop3A_368] {strides = array<i32>} : memref<80x128xf32, #tpu.memory_space<vmem>>, vector<1x16xf32>,
        %parallel_loop3A_370 = vector.shape_cast %parallel_loop3A_369 : vector<1x16xf32> to vector<16xf32>
        %parallel_loop3A_371 = arith.addf %parallel_loop3A_366, %parallel_loop3A_370 : vector<16xf32>
        %parallel_loop3A_372 = arith.constant 2.000000e-01 : f32
        %parallel_loop3A_373 = vector.broadcast %parallel_loop3A_372 : f32 to vector<16xf32>
        %parallel_loop3A_374 = arith.mulf %parallel_loop3A_371, %parallel_loop3A_373 : vector<16xf32>
        %parallel_loop3A_375 = arith.maximumf %parallel_loop3A_371, %parallel_loop3A_374 : vector<16xf32>
        %parallel_loop3A_376 = arith.mulf %parallel_loop3A_375, %get3A_14 : vector<16xf32>
        %parallel_loop3A_377 = arith.addf %parallel_loop3A_362, %parallel_loop3A_376 : vector<16xf32>
        %parallel_loop3A_378 = arith.index_cast %parallel_loop3A_317 : i32 to index
        %parallel_loop3A_379 = arith.constant 64 : index
        %parallel_loop3A_380 = tpu.vector_load %arg10[%parallel_loop3A_378, %parallel_loop3A_379] {strides = array<i32>} : memref<80x128xf32, #tpu.memory_space<vmem>>, vector<1x16xf32>,
        %parallel_loop3A_381 = vector.shape_cast %parallel_loop3A_380 : vector<1x16xf32> to vector<16xf32>
        %parallel_loop3A_382 = arith.index_cast %parallel_loop3A_317 : i32 to index
        %parallel_loop3A_383 = arith.constant 64 : index
        %parallel_loop3A_384 = tpu.vector_load %arg11[%parallel_loop3A_382, %parallel_loop3A_383] {strides = array<i32>} : memref<80x128xf32, #tpu.memory_space<vmem>>, vector<1x16xf32>,
        %parallel_loop3A_385 = vector.shape_cast %parallel_loop3A_384 : vector<1x16xf32> to vector<16xf32>
        %parallel_loop3A_386 = arith.addf %parallel_loop3A_381, %parallel_loop3A_385 : vector<16xf32>
        %parallel_loop3A_387 = arith.constant 2.000000e-01 : f32
        %parallel_loop3A_388 = vector.broadcast %parallel_loop3A_387 : f32 to vector<16xf32>
        %parallel_loop3A_389 = arith.mulf %parallel_loop3A_386, %parallel_loop3A_388 : vector<16xf32>
        %parallel_loop3A_390 = arith.maximumf %parallel_loop3A_386, %parallel_loop3A_389 : vector<16xf32>
        %parallel_loop3A_391 = arith.mulf %parallel_loop3A_390, %get3A_17 : vector<16xf32>
        %parallel_loop3A_392 = arith.addf %parallel_loop3A_377, %parallel_loop3A_391 : vector<16xf32>
        %parallel_loop3A_393 = arith.index_cast %parallel_loop3A_317 : i32 to index
        %parallel_loop3A_394 = arith.constant 80 : index
        %parallel_loop3A_395 = tpu.vector_load %arg10[%parallel_loop3A_393, %parallel_loop3A_394] {strides = array<i32>} : memref<80x128xf32, #tpu.memory_space<vmem>>, vector<1x16xf32>,
        %parallel_loop3A_396 = vector.shape_cast %parallel_loop3A_395 : vector<1x16xf32> to vector<16xf32>
        %parallel_loop3A_397 = arith.index_cast %parallel_loop3A_317 : i32 to index
        %parallel_loop3A_398 = arith.constant 80 : index
        %parallel_loop3A_399 = tpu.vector_load %arg11[%parallel_loop3A_397, %parallel_loop3A_398] {strides = array<i32>} : memref<80x128xf32, #tpu.memory_space<vmem>>, vector<1x16xf32>,
        %parallel_loop3A_400 = vector.shape_cast %parallel_loop3A_399 : vector<1x16xf32> to vector<16xf32>
        %parallel_loop3A_401 = arith.addf %parallel_loop3A_396, %parallel_loop3A_400 : vector<16xf32>
        %parallel_loop3A_402 = arith.constant 2.000000e-01 : f32
        %parallel_loop3A_403 = vector.broadcast %parallel_loop3A_402 : f32 to vector<16xf32>
        %parallel_loop3A_404 = arith.mulf %parallel_loop3A_401, %parallel_loop3A_403 : vector<16xf32>
        %parallel_loop3A_405 = arith.maximumf %parallel_loop3A_401, %parallel_loop3A_404 : vector<16xf32>
        %parallel_loop3A_406 = arith.mulf %parallel_loop3A_405, %get3A_20 : vector<16xf32>
        %parallel_loop3A_407 = arith.addf %parallel_loop3A_392, %parallel_loop3A_406 : vector<16xf32>
        %parallel_loop3A_408 = arith.index_cast %parallel_loop3A_317 : i32 to index
        %parallel_loop3A_409 = arith.constant 96 : index
        %parallel_loop3A_410 = tpu.vector_load %arg10[%parallel_loop3A_408, %parallel_loop3A_409] {strides = array<i32>} : memref<80x128xf32, #tpu.memory_space<vmem>>, vector<1x16xf32>,
        %parallel_loop3A_411 = vector.shape_cast %parallel_loop3A_410 : vector<1x16xf32> to vector<16xf32>
        %parallel_loop3A_412 = arith.index_cast %parallel_loop3A_317 : i32 to index
        %parallel_loop3A_413 = arith.constant 96 : index
        %parallel_loop3A_414 = tpu.vector_load %arg11[%parallel_loop3A_412, %parallel_loop3A_413] {strides = array<i32>} : memref<80x128xf32, #tpu.memory_space<vmem>>, vector<1x16xf32>,
        %parallel_loop3A_415 = vector.shape_cast %parallel_loop3A_414 : vector<1x16xf32> to vector<16xf32>
        %parallel_loop3A_416 = arith.addf %parallel_loop3A_411, %parallel_loop3A_415 : vector<16xf32>
        %parallel_loop3A_417 = arith.constant 2.000000e-01 : f32
        %parallel_loop3A_418 = vector.broadcast %parallel_loop3A_417 : f32 to vector<16xf32>
        %parallel_loop3A_419 = arith.mulf %parallel_loop3A_416, %parallel_loop3A_418 : vector<16xf32>
        %parallel_loop3A_420 = arith.maximumf %parallel_loop3A_416, %parallel_loop3A_419 : vector<16xf32>
        %parallel_loop3A_421 = arith.mulf %parallel_loop3A_420, %get3A_23 : vector<16xf32>
        %parallel_loop3A_422 = arith.addf %parallel_loop3A_407, %parallel_loop3A_421 : vector<16xf32>
        %parallel_loop3A_423 = arith.index_cast %parallel_loop3A_317 : i32 to index
        %parallel_loop3A_424 = arith.constant 112 : index
        %parallel_loop3A_425 = tpu.vector_load %arg10[%parallel_loop3A_423, %parallel_loop3A_424] {strides = array<i32>} : memref<80x128xf32, #tpu.memory_space<vmem>>, vector<1x16xf32>,
        %parallel_loop3A_426 = vector.shape_cast %parallel_loop3A_425 : vector<1x16xf32> to vector<16xf32>
        %parallel_loop3A_427 = arith.index_cast %parallel_loop3A_317 : i32 to index
        %parallel_loop3A_428 = arith.constant 112 : index
        %parallel_loop3A_429 = tpu.vector_load %arg11[%parallel_loop3A_427, %parallel_loop3A_428] {strides = array<i32>} : memref<80x128xf32, #tpu.memory_space<vmem>>, vector<1x16xf32>,
        %parallel_loop3A_430 = vector.shape_cast %parallel_loop3A_429 : vector<1x16xf32> to vector<16xf32>
        %parallel_loop3A_431 = arith.addf %parallel_loop3A_426, %parallel_loop3A_430 : vector<16xf32>
        %parallel_loop3A_432 = arith.constant 2.000000e-01 : f32
        %parallel_loop3A_433 = vector.broadcast %parallel_loop3A_432 : f32 to vector<16xf32>
        %parallel_loop3A_434 = arith.mulf %parallel_loop3A_431, %parallel_loop3A_433 : vector<16xf32>
        %parallel_loop3A_435 = arith.maximumf %parallel_loop3A_431, %parallel_loop3A_434 : vector<16xf32>
        %parallel_loop3A_436 = arith.mulf %parallel_loop3A_435, %get3A_26 : vector<16xf32>
        %parallel_loop3A_437 = arith.addf %parallel_loop3A_422, %parallel_loop3A_436 : vector<16xf32>
        %parallel_loop3A_438 = arith.constant 15 : i32
        %parallel_loop3A_439 = vector.broadcast %parallel_loop3A_438 : i32 to vector<16xi32>
        %parallel_loop3A_440 = tpu.iota {dimensions = array<i32: 0>} : vector<16xi32>
        %parallel_loop3A_441 = arith.subi %parallel_loop3A_439, %parallel_loop3A_440 : vector<16xi32>
        %parallel_loop3A_442 = tpu.dynamic_gather %parallel_loop3A_437[%parallel_loop3A_441] in [0] : vector<16xf32>, vector<16xi32> -> vector<16xf32>
        %parallel_loop3A_443 = arith.addf %parallel_loop3A_437, %parallel_loop3A_442 : vector<16xf32>
        %parallel_loop3A_444 = vector.extract_strided_slice %parallel_loop3A_443 {offsets = [0], sizes = [1], strides = [1]} : vector<16xf32> to vector<1xf32>
        %parallel_loop3A_445 = vector.extract %parallel_loop3A_444[0] : f32 from vector<1xf32>
        %parallel_loop3A_446 = vector.extract_strided_slice %parallel_loop3A_443 {offsets = [1], sizes = [1], strides = [1]} : vector<16xf32> to vector<1xf32>
        %parallel_loop3A_447 = vector.extract %parallel_loop3A_446[0] : f32 from vector<1xf32>
        %parallel_loop3A_448 = vector.extract_strided_slice %parallel_loop3A_443 {offsets = [2], sizes = [1], strides = [1]} : vector<16xf32> to vector<1xf32>
        %parallel_loop3A_449 = vector.extract %parallel_loop3A_448[0] : f32 from vector<1xf32>
        %parallel_loop3A_450 = vector.extract_strided_slice %parallel_loop3A_443 {offsets = [3], sizes = [1], strides = [1]} : vector<16xf32> to vector<1xf32>
        %parallel_loop3A_451 = vector.extract %parallel_loop3A_450[0] : f32 from vector<1xf32>
        %parallel_loop3A_452 = vector.extract_strided_slice %parallel_loop3A_443 {offsets = [4], sizes = [1], strides = [1]} : vector<16xf32> to vector<1xf32>
        %parallel_loop3A_453 = vector.extract %parallel_loop3A_452[0] : f32 from vector<1xf32>
        %parallel_loop3A_454 = vector.extract_strided_slice %parallel_loop3A_443 {offsets = [5], sizes = [1], strides = [1]} : vector<16xf32> to vector<1xf32>
        %parallel_loop3A_455 = vector.extract %parallel_loop3A_454[0] : f32 from vector<1xf32>
        %parallel_loop3A_456 = vector.extract_strided_slice %parallel_loop3A_443 {offsets = [6], sizes = [1], strides = [1]} : vector<16xf32> to vector<1xf32>
        %parallel_loop3A_457 = vector.extract %parallel_loop3A_456[0] : f32 from vector<1xf32>
        %parallel_loop3A_458 = vector.extract_strided_slice %parallel_loop3A_443 {offsets = [7], sizes = [1], strides = [1]} : vector<16xf32> to vector<1xf32>
        %parallel_loop3A_459 = vector.extract %parallel_loop3A_458[0] : f32 from vector<1xf32>
        %parallel_loop3A_460 = arith.addf %parallel_loop3A_445, %parallel_loop3A_447 : f32
        %parallel_loop3A_461 = arith.addf %parallel_loop3A_449, %parallel_loop3A_451 : f32
        %parallel_loop3A_462 = arith.addf %parallel_loop3A_453, %parallel_loop3A_455 : f32
        %parallel_loop3A_463 = arith.addf %parallel_loop3A_457, %parallel_loop3A_459 : f32
        %parallel_loop3A_464 = arith.addf %parallel_loop3A_460, %parallel_loop3A_461 : f32
        %parallel_loop3A_465 = arith.addf %parallel_loop3A_462, %parallel_loop3A_463 : f32
        %parallel_loop3A_466 = arith.addf %parallel_loop3A_464, %parallel_loop3A_465 : f32
        %parallel_loop3A_467 = vector.broadcast %parallel_loop3A_466 : f32 to vector<16xf32>
        %parallel_loop3A_468 = arith.addf %parallel_loop3A_467, %broadcast_in_dim3A_27 : vector<16xf32>
        %parallel_loop3A_469 = math.exp %parallel_loop3A_468 : vector<16xf32>
        %parallel_loop3A_470 = arith.mulf %parallel_loop3A_321, %parallel_loop3A_469 : vector<16xf32>
        %parallel_loop3A_471 = arith.index_cast %parallel_loop3A_317 : i32 to index
        %parallel_loop3A_472 = arith.constant 0 : index
        %parallel_loop3A_473 = tpu.vector_load %arg12[%parallel_loop3A_471, %parallel_loop3A_472] {strides = array<i32>} : memref<80x144xf32, #tpu.memory_space<vmem>>, vector<1x16xf32>,
        %parallel_loop3A_474 = vector.shape_cast %parallel_loop3A_473 : vector<1x16xf32> to vector<16xf32>
        %parallel_loop3A_475 = vector.shape_cast %parallel_loop3A_470 : vector<16xf32> to vector<1x16xf32>
        tpu.vector_store %arg12[%parallel_loop3A_471, %parallel_loop3A_472], %parallel_loop3A_475 {strides = array<i32>} : memref<80x144xf32, #tpu.memory_space<vmem>>, vector<1x16xf32>,
        %parallel_loop3A_476 = arith.mulf %parallel_loop3A_336, %parallel_loop3A_469 : vector<16xf32>
        %parallel_loop3A_477 = arith.index_cast %parallel_loop3A_317 : i32 to index
        %parallel_loop3A_478 = arith.constant 16 : index
        %parallel_loop3A_479 = tpu.vector_load %arg12[%parallel_loop3A_477, %parallel_loop3A_478] {strides = array<i32>} : memref<80x144xf32, #tpu.memory_space<vmem>>, vector<1x16xf32>,
        %parallel_loop3A_480 = vector.shape_cast %parallel_loop3A_479 : vector<1x16xf32> to vector<16xf32>
        %parallel_loop3A_481 = vector.shape_cast %parallel_loop3A_476 : vector<16xf32> to vector<1x16xf32>
        tpu.vector_store %arg12[%parallel_loop3A_477, %parallel_loop3A_478], %parallel_loop3A_481 {strides = array<i32>} : memref<80x144xf32, #tpu.memory_space<vmem>>, vector<1x16xf32>,
        %parallel_loop3A_482 = arith.mulf %parallel_loop3A_351, %parallel_loop3A_469 : vector<16xf32>
        %parallel_loop3A_483 = arith.index_cast %parallel_loop3A_317 : i32 to index
        %parallel_loop3A_484 = arith.constant 32 : index
        %parallel_loop3A_485 = tpu.vector_load %arg12[%parallel_loop3A_483, %parallel_loop3A_484] {strides = array<i32>} : memref<80x144xf32, #tpu.memory_space<vmem>>, vector<1x16xf32>,
        %parallel_loop3A_486 = vector.shape_cast %parallel_loop3A_485 : vector<1x16xf32> to vector<16xf32>
        %parallel_loop3A_487 = vector.shape_cast %parallel_loop3A_482 : vector<16xf32> to vector<1x16xf32>
        tpu.vector_store %arg12[%parallel_loop3A_483, %parallel_loop3A_484], %parallel_loop3A_487 {strides = array<i32>} : memref<80x144xf32, #tpu.memory_space<vmem>>, vector<1x16xf32>,
        %parallel_loop3A_488 = arith.mulf %parallel_loop3A_366, %parallel_loop3A_469 : vector<16xf32>
        %parallel_loop3A_489 = arith.index_cast %parallel_loop3A_317 : i32 to index
        %parallel_loop3A_490 = arith.constant 48 : index
        %parallel_loop3A_491 = tpu.vector_load %arg12[%parallel_loop3A_489, %parallel_loop3A_490] {strides = array<i32>} : memref<80x144xf32, #tpu.memory_space<vmem>>, vector<1x16xf32>,
        %parallel_loop3A_492 = vector.shape_cast %parallel_loop3A_491 : vector<1x16xf32> to vector<16xf32>
        %parallel_loop3A_493 = vector.shape_cast %parallel_loop3A_488 : vector<16xf32> to vector<1x16xf32>
        tpu.vector_store %arg12[%parallel_loop3A_489, %parallel_loop3A_490], %parallel_loop3A_493 {strides = array<i32>} : memref<80x144xf32, #tpu.memory_space<vmem>>, vector<1x16xf32>,
        %parallel_loop3A_494 = arith.mulf %parallel_loop3A_381, %parallel_loop3A_469 : vector<16xf32>
        %parallel_loop3A_495 = arith.index_cast %parallel_loop3A_317 : i32 to index
        %parallel_loop3A_496 = arith.constant 64 : index
        %parallel_loop3A_497 = tpu.vector_load %arg12[%parallel_loop3A_495, %parallel_loop3A_496] {strides = array<i32>} : memref<80x144xf32, #tpu.memory_space<vmem>>, vector<1x16xf32>,
        %parallel_loop3A_498 = vector.shape_cast %parallel_loop3A_497 : vector<1x16xf32> to vector<16xf32>
        %parallel_loop3A_499 = vector.shape_cast %parallel_loop3A_494 : vector<16xf32> to vector<1x16xf32>
        tpu.vector_store %arg12[%parallel_loop3A_495, %parallel_loop3A_496], %parallel_loop3A_499 {strides = array<i32>} : memref<80x144xf32, #tpu.memory_space<vmem>>, vector<1x16xf32>,
        %parallel_loop3A_500 = arith.mulf %parallel_loop3A_396, %parallel_loop3A_469 : vector<16xf32>
        %parallel_loop3A_501 = arith.index_cast %parallel_loop3A_317 : i32 to index
        %parallel_loop3A_502 = arith.constant 80 : index
        %parallel_loop3A_503 = tpu.vector_load %arg12[%parallel_loop3A_501, %parallel_loop3A_502] {strides = array<i32>} : memref<80x144xf32, #tpu.memory_space<vmem>>, vector<1x16xf32>,
        %parallel_loop3A_504 = vector.shape_cast %parallel_loop3A_503 : vector<1x16xf32> to vector<16xf32>
        %parallel_loop3A_505 = vector.shape_cast %parallel_loop3A_500 : vector<16xf32> to vector<1x16xf32>
        tpu.vector_store %arg12[%parallel_loop3A_501, %parallel_loop3A_502], %parallel_loop3A_505 {strides = array<i32>} : memref<80x144xf32, #tpu.memory_space<vmem>>, vector<1x16xf32>,
        %parallel_loop3A_506 = arith.mulf %parallel_loop3A_411, %parallel_loop3A_469 : vector<16xf32>
        %parallel_loop3A_507 = arith.index_cast %parallel_loop3A_317 : i32 to index
        %parallel_loop3A_508 = arith.constant 96 : index
        %parallel_loop3A_509 = tpu.vector_load %arg12[%parallel_loop3A_507, %parallel_loop3A_508] {strides = array<i32>} : memref<80x144xf32, #tpu.memory_space<vmem>>, vector<1x16xf32>,
        %parallel_loop3A_510 = vector.shape_cast %parallel_loop3A_509 : vector<1x16xf32> to vector<16xf32>
        %parallel_loop3A_511 = vector.shape_cast %parallel_loop3A_506 : vector<16xf32> to vector<1x16xf32>
        tpu.vector_store %arg12[%parallel_loop3A_507, %parallel_loop3A_508], %parallel_loop3A_511 {strides = array<i32>} : memref<80x144xf32, #tpu.memory_space<vmem>>, vector<1x16xf32>,
        %parallel_loop3A_512 = arith.mulf %parallel_loop3A_426, %parallel_loop3A_469 : vector<16xf32>
        %parallel_loop3A_513 = arith.index_cast %parallel_loop3A_317 : i32 to index
        %parallel_loop3A_514 = arith.constant 112 : index
        %parallel_loop3A_515 = tpu.vector_load %arg12[%parallel_loop3A_513, %parallel_loop3A_514] {strides = array<i32>} : memref<80x144xf32, #tpu.memory_space<vmem>>, vector<1x16xf32>,
        %parallel_loop3A_516 = vector.shape_cast %parallel_loop3A_515 : vector<1x16xf32> to vector<16xf32>
        %parallel_loop3A_517 = vector.shape_cast %parallel_loop3A_512 : vector<16xf32> to vector<1x16xf32>
        tpu.vector_store %arg12[%parallel_loop3A_513, %parallel_loop3A_514], %parallel_loop3A_517 {strides = array<i32>} : memref<80x144xf32, #tpu.memory_space<vmem>>, vector<1x16xf32>,
        %parallel_loop3A_518 = arith.constant 0 : i32
        %parallel_loop3A_519 = vector.broadcast %parallel_loop3A_518 : i32 to vector<16xi32>
        %parallel_loop3A_520 = arith.cmpi eq, %iota3A, %parallel_loop3A_519 : vector<16xi32>
        %parallel_loop3A_521 = arith.constant 0.000000e+00 : f32
        %parallel_loop3A_522 = vector.broadcast %parallel_loop3A_521 : f32 to vector<16xf32>
        %parallel_loop3A_523 = arith.select %parallel_loop3A_520, %parallel_loop3A_469, %parallel_loop3A_522 : vector<16xi1>, vector<16xf32>
        %parallel_loop3A_524 = arith.index_cast %parallel_loop3A_317 : i32 to index
        %parallel_loop3A_525 = arith.constant 128 : index
        %parallel_loop3A_526 = tpu.vector_load %arg12[%parallel_loop3A_524, %parallel_loop3A_525] {strides = array<i32>} : memref<80x144xf32, #tpu.memory_space<vmem>>, vector<1x16xf32>,
        %parallel_loop3A_527 = vector.shape_cast %parallel_loop3A_526 : vector<1x16xf32> to vector<16xf32>
        %parallel_loop3A_528 = vector.shape_cast %parallel_loop3A_523 : vector<16xf32> to vector<1x16xf32>
        tpu.vector_store %arg12[%parallel_loop3A_524, %parallel_loop3A_525], %parallel_loop3A_528 {strides = array<i32>} : memref<80x144xf32, #tpu.memory_space<vmem>>, vector<1x16xf32>,
      } {sc.loop_unroll_factor = 8 : i64, sc.parallel_access}
      %div3A_214 = arith.constant 25 : i32
      %div3A_215 = arith.divsi %mul3A_130, %div3A_214 : i32
      %rem3A_216 = arith.constant 2 : i32
      %rem3A_217 = arith.remsi %div3A_215, %rem3A_216 : i32
      %rem3A_218 = arith.constant 25 : i32
      %rem3A_219 = arith.remsi %mul3A_130, %rem3A_218 : i32
      %mul3A_220 = arith.constant 40 : i32
      %mul3A_221 = arith.muli %rem3A_219, %mul3A_220 : i32
      %dma_start3A_222 = arith.constant 0 : i32
      %dma_start3A_223 = arith.constant 0 : i32
      %dma_start3A_224 = tpu.memref_slice %arg12[%dma_start3A_222, %dma_start3A_223] : memref<80x144xf32, #tpu.memory_space<vmem>> -> memref<40x144xf32, #tpu.memory_space<vmem>>
      %dma_start3A_225 = tpu.memref_slice %arg9[%rem3A_217, %mul3A_221] : memref<2x1000xi32, #tpu.memory_space<vmem>> -> memref<1x40xi32, #tpu.memory_space<vmem>>
      %dma_start3A_226 = tpu.memref_squeeze %dma_start3A_225 : memref<1x40xi32, #tpu.memory_space<vmem>> -> memref<40xi32, #tpu.memory_space<vmem>>
      %dma_start3A_227 = arith.constant 0 : i32
      %dma_start3A_228 = arith.constant 0 : i32
      %dma_start3A_229 = tpu.memref_slice %arg14[%dma_start3A_227, %dma_start3A_228] : memref<10240x144xf32, #tpu.memory_space<vmem_shared>> -> memref<10240x144xf32, #tpu.memory_space<vmem_shared>>
      tpu.enqueue_indirect_dma source(%dma_start3A_224 : memref<40x144xf32, #tpu.memory_space<vmem>>) target(%dma_start3A_229 : memref<10240x144xf32, #tpu.memory_space<vmem_shared>>) offsets(%dma_start3A_226 : memref<40xi32, #tpu.memory_space<vmem>>) semaphore(%arg19 : memref<!tpu.dma_semaphore, #tpu.memory_space<semaphore_mem>>) {add = true}
      %add3A_230 = arith.constant 1 : i32
      %add3A_231 = arith.addi %mul3A_130, %add3A_230 : i32
      %div3A_232 = arith.constant 25 : i32
      %div3A_233 = arith.divsi %add3A_231, %div3A_232 : i32
      %rem3A_234 = arith.constant 25 : i32
      %rem3A_235 = arith.remsi %add3A_231, %rem3A_234 : i32
      %eq3A_236 = arith.constant 2 : i32
      %eq3A_237 = arith.cmpi eq, %rem3A_235, %eq3A_236 : i32
      %add3A_238 = arith.constant 1 : i32
      %add3A_239 = arith.addi %div3A_233, %add3A_238 : i32
      %lt3A_240 = arith.constant 10 : i32
      %lt3A_241 = arith.cmpi slt, %add3A_239, %lt3A_240 : i32
      %and3A_242 = arith.andi %eq3A_237, %lt3A_241 : i1
      %convert_element_type3A_243 = arith.extui %and3A_242 : i1 to i32
      %cond3A_244 = arith.constant 0 : i32
      %cond3A_245 = arith.cmpi ne, %convert_element_type3A_243, %cond3A_244 : i32
      scf.if %cond3A_245 {
        %add3A_315 = arith.constant 1 : i32
        %add3A_316 = arith.addi %div3A_233, %add3A_315 : i32
        %rem3A_317 = arith.constant 2 : i32
        %rem3A_318 = arith.remsi %add3A_316, %rem3A_317 : i32
        %add3A_319 = arith.constant 1 : i32
        %add3A_320 = arith.addi %div3A_233, %add3A_319 : i32
        %mul3A_321 = arith.constant 1000 : i32
        %mul3A_322 = arith.muli %add3A_320, %mul3A_321 : i32
        %add3A_323 = arith.addi %mul3A_2, %mul3A_322 : i32
        %dma_start3A_324 = arith.constant 0 : i32
        %dma_start3A_325 = tpu.memref_slice %arg8[%rem3A_318, %dma_start3A_324] : memref<2x1000xi32, #tpu.memory_space<vmem>> -> memref<1x1000xi32, #tpu.memory_space<vmem>>
        %dma_start3A_326 = tpu.memref_squeeze %dma_start3A_325 : memref<1x1000xi32, #tpu.memory_space<vmem>> -> memref<1000xi32, #tpu.memory_space<vmem>>
        %dma_start3A_327 = tpu.memref_slice %arg4[%add3A_323] : memref<320000xi32, #tpu.memory_space<hbm>> -> memref<1000xi32, #tpu.memory_space<hbm>>
        %dma_start3A_328 = arith.constant 0 : i32
        %dma_start3A_329 = tpu.memref_slice %arg8[%rem3A_318, %dma_start3A_328] : memref<2x1000xi32, #tpu.memory_space<vmem>> -> memref<1x1000xi32, #tpu.memory_space<vmem>>
        %dma_start3A_330 = tpu.memref_squeeze %dma_start3A_329 : memref<1x1000xi32, #tpu.memory_space<vmem>> -> memref<1000xi32, #tpu.memory_space<vmem>>
        %dma_start3A_331 = tpu.memref_slice %arg4[%add3A_323] : memref<320000xi32, #tpu.memory_space<hbm>> -> memref<1000xi32, #tpu.memory_space<hbm>>
        tpu.enqueue_dma source(%dma_start3A_331 : memref<1000xi32, #tpu.memory_space<hbm>>) target(%dma_start3A_330 : memref<1000xi32, #tpu.memory_space<vmem>>) target_semaphore(%arg21 : memref<!tpu.dma_semaphore, #tpu.memory_space<semaphore_mem>>)
        %dma_start3A_332 = arith.constant 0 : i32
        %dma_start3A_333 = tpu.memref_slice %arg9[%rem3A_318, %dma_start3A_332] : memref<2x1000xi32, #tpu.memory_space<vmem>> -> memref<1x1000xi32, #tpu.memory_space<vmem>>
        %dma_start3A_334 = tpu.memref_squeeze %dma_start3A_333 : memref<1x1000xi32, #tpu.memory_space<vmem>> -> memref<1000xi32, #tpu.memory_space<vmem>>
        %dma_start3A_335 = tpu.memref_slice %arg5[%add3A_323] : memref<320000xi32, #tpu.memory_space<hbm>> -> memref<1000xi32, #tpu.memory_space<hbm>>
        %dma_start3A_336 = arith.constant 0 : i32
        %dma_start3A_337 = tpu.memref_slice %arg9[%rem3A_318, %dma_start3A_336] : memref<2x1000xi32, #tpu.memory_space<vmem>> -> memref<1x1000xi32, #tpu.memory_space<vmem>>
        %dma_start3A_338 = tpu.memref_squeeze %dma_start3A_337 : memref<1x1000xi32, #tpu.memory_space<vmem>> -> memref<1000xi32, #tpu.memory_space<vmem>>
        %dma_start3A_339 = tpu.memref_slice %arg5[%add3A_323] : memref<320000xi32, #tpu.memory_space<hbm>> -> memref<1000xi32, #tpu.memory_space<hbm>>
        tpu.enqueue_dma source(%dma_start3A_339 : memref<1000xi32, #tpu.memory_space<hbm>>) target(%dma_start3A_338 : memref<1000xi32, #tpu.memory_space<vmem>>) target_semaphore(%arg21 : memref<!tpu.dma_semaphore, #tpu.memory_space<semaphore_mem>>)
      } else {
      }
      %add3A_246 = arith.constant 1 : i32
      %add3A_247 = arith.addi %mul3A_130, %add3A_246 : i32
      %div3A_248 = arith.constant 25 : i32
      %div3A_249 = arith.divsi %add3A_247, %div3A_248 : i32
      %rem3A_250 = arith.constant 25 : i32
      %rem3A_251 = arith.remsi %add3A_247, %rem3A_250 : i32
      %eq3A_252 = arith.constant 22 : i32
      %eq3A_253 = arith.cmpi eq, %rem3A_251, %eq3A_252 : i32
      %add3A_254 = arith.constant 1 : i32
      %add3A_255 = arith.addi %div3A_249, %add3A_254 : i32
      %lt3A_256 = arith.constant 10 : i32
      %lt3A_257 = arith.cmpi slt, %add3A_255, %lt3A_256 : i32
      %and3A_258 = arith.andi %eq3A_253, %lt3A_257 : i1
      %convert_element_type3A_259 = arith.extui %and3A_258 : i1 to i32
      %cond3A_260 = arith.constant 0 : i32
      %cond3A_261 = arith.cmpi ne, %convert_element_type3A_259, %cond3A_260 : i32
      scf.if %cond3A_261 {
        %dma_wait3A_315 = arith.constant 0 : i32
        %dma_wait3A_316 = arith.constant 0 : i32
        %dma_wait3A_317 = tpu.memref_slice %arg8[%dma_wait3A_315, %dma_wait3A_316] : memref<2x1000xi32, #tpu.memory_space<vmem>> -> memref<1x1000xi32, #tpu.memory_space<vmem>>
        %dma_wait3A_318 = tpu.memref_squeeze %dma_wait3A_317 : memref<1x1000xi32, #tpu.memory_space<vmem>> -> memref<1000xi32, #tpu.memory_space<vmem>>
        %dma_wait3A_319 = tpu.memref_slice %arg4[%mul3A_2] : memref<320000xi32, #tpu.memory_space<hbm>> -> memref<1000xi32, #tpu.memory_space<hbm>>
        %dma_wait3A_320 = arith.constant 0 : i32
        %dma_wait3A_321 = tpu.memref_slice %arg8[%dma_wait3A_315, %dma_wait3A_320] : memref<2x1000xi32, #tpu.memory_space<vmem>> -> memref<1x1000xi32, #tpu.memory_space<vmem>>
        %dma_wait3A_322 = tpu.memref_squeeze %dma_wait3A_321 : memref<1x1000xi32, #tpu.memory_space<vmem>> -> memref<1000xi32, #tpu.memory_space<vmem>>
        %dma_wait3A_323 = tpu.memref_slice %arg4[%mul3A_2] : memref<320000xi32, #tpu.memory_space<hbm>> -> memref<1000xi32, #tpu.memory_space<hbm>>
        tpu.wait_dma2 semaphore(%arg21 : memref<!tpu.dma_semaphore, #tpu.memory_space<semaphore_mem>>) src(%dma_wait3A_323 : memref<1000xi32, #tpu.memory_space<hbm>>) dst(%dma_wait3A_322 : memref<1000xi32, #tpu.memory_space<vmem>>)
        %dma_wait3A_324 = arith.constant 0 : i32
        %dma_wait3A_325 = arith.constant 0 : i32
        %dma_wait3A_326 = tpu.memref_slice %arg9[%dma_wait3A_324, %dma_wait3A_325] : memref<2x1000xi32, #tpu.memory_space<vmem>> -> memref<1x1000xi32, #tpu.memory_space<vmem>>
        %dma_wait3A_327 = tpu.memref_squeeze %dma_wait3A_326 : memref<1x1000xi32, #tpu.memory_space<vmem>> -> memref<1000xi32, #tpu.memory_space<vmem>>
        %dma_wait3A_328 = tpu.memref_slice %arg5[%mul3A_2] : memref<320000xi32, #tpu.memory_space<hbm>> -> memref<1000xi32, #tpu.memory_space<hbm>>
        %dma_wait3A_329 = arith.constant 0 : i32
        %dma_wait3A_330 = tpu.memref_slice %arg9[%dma_wait3A_324, %dma_wait3A_329] : memref<2x1000xi32, #tpu.memory_space<vmem>> -> memref<1x1000xi32, #tpu.memory_space<vmem>>
        %dma_wait3A_331 = tpu.memref_squeeze %dma_wait3A_330 : memref<1x1000xi32, #tpu.memory_space<vmem>> -> memref<1000xi32, #tpu.memory_space<vmem>>
        %dma_wait3A_332 = tpu.memref_slice %arg5[%mul3A_2] : memref<320000xi32, #tpu.memory_space<hbm>> -> memref<1000xi32, #tpu.memory_space<hbm>>
        tpu.wait_dma2 semaphore(%arg21 : memref<!tpu.dma_semaphore, #tpu.memory_space<semaphore_mem>>) src(%dma_wait3A_332 : memref<1000xi32, #tpu.memory_space<hbm>>) dst(%dma_wait3A_331 : memref<1000xi32, #tpu.memory_space<vmem>>)
      } else {
      }
      %add3A_262 = arith.constant 2 : i32
      %add3A_263 = arith.addi %mul3A_130, %add3A_262 : i32
      %lt3A_264 = arith.constant 250 : i32
      %lt3A_265 = arith.cmpi slt, %add3A_263, %lt3A_264 : i32
      %convert_element_type3A_266 = arith.extui %lt3A_265 : i1 to i32
      %cond3A_267 = arith.constant 0 : i32
      %cond3A_268 = arith.cmpi ne, %convert_element_type3A_266, %cond3A_267 : i32
      scf.if %cond3A_268 {
        %add3A_315 = arith.constant 2 : i32
        %add3A_316 = arith.addi %mul3A_130, %add3A_315 : i32
        %div3A_317 = arith.constant 25 : i32
        %div3A_318 = arith.divsi %add3A_316, %div3A_317 : i32
        %rem3A_319 = arith.constant 2 : i32
        %rem3A_320 = arith.remsi %div3A_318, %rem3A_319 : i32
        %rem3A_321 = arith.constant 25 : i32
        %rem3A_322 = arith.remsi %add3A_316, %rem3A_321 : i32
        %mul3A_323 = arith.constant 40 : i32
        %mul3A_324 = arith.muli %rem3A_322, %mul3A_323 : i32
        %dma_start3A_325 = arith.constant 0 : i32
        %dma_start3A_326 = arith.constant 0 : i32
        %dma_start3A_327 = tpu.memref_slice %arg10[%dma_start3A_325, %dma_start3A_326] : memref<80x128xf32, #tpu.memory_space<vmem>> -> memref<40x128xf32, #tpu.memory_space<vmem>>
        %dma_start3A_328 = tpu.memref_slice %arg8[%rem3A_320, %mul3A_324] : memref<2x1000xi32, #tpu.memory_space<vmem>> -> memref<1x40xi32, #tpu.memory_space<vmem>>
        %dma_start3A_329 = tpu.memref_squeeze %dma_start3A_328 : memref<1x40xi32, #tpu.memory_space<vmem>> -> memref<40xi32, #tpu.memory_space<vmem>>
        %dma_start3A_330 = arith.constant 0 : i32
        %dma_start3A_331 = arith.constant 0 : i32
        %dma_start3A_332 = tpu.memref_slice %arg2[%dma_start3A_330, %dma_start3A_331] : memref<10000x128xf32, #tpu.memory_space<hbm>> -> memref<10000x128xf32, #tpu.memory_space<hbm>>
        tpu.enqueue_indirect_dma source(%dma_start3A_332 : memref<10000x128xf32, #tpu.memory_space<hbm>>) target(%dma_start3A_327 : memref<40x128xf32, #tpu.memory_space<vmem>>) offsets(%dma_start3A_329 : memref<40xi32, #tpu.memory_space<vmem>>) semaphore(%arg15 : memref<!tpu.dma_semaphore, #tpu.memory_space<semaphore_mem>>)
        %div3A_333 = arith.constant 25 : i32
        %div3A_334 = arith.divsi %add3A_316, %div3A_333 : i32
        %rem3A_335 = arith.constant 2 : i32
        %rem3A_336 = arith.remsi %div3A_334, %rem3A_335 : i32
        %rem3A_337 = arith.constant 25 : i32
        %rem3A_338 = arith.remsi %add3A_316, %rem3A_337 : i32
        %mul3A_339 = arith.constant 40 : i32
        %mul3A_340 = arith.muli %rem3A_338, %mul3A_339 : i32
        %dma_start3A_341 = arith.constant 0 : i32
        %dma_start3A_342 = arith.constant 0 : i32
        %dma_start3A_343 = tpu.memref_slice %arg11[%dma_start3A_341, %dma_start3A_342] : memref<80x128xf32, #tpu.memory_space<vmem>> -> memref<40x128xf32, #tpu.memory_space<vmem>>
        %dma_start3A_344 = tpu.memref_slice %arg9[%rem3A_336, %mul3A_340] : memref<2x1000xi32, #tpu.memory_space<vmem>> -> memref<1x40xi32, #tpu.memory_space<vmem>>
        %dma_start3A_345 = tpu.memref_squeeze %dma_start3A_344 : memref<1x40xi32, #tpu.memory_space<vmem>> -> memref<40xi32, #tpu.memory_space<vmem>>
        %dma_start3A_346 = arith.constant 0 : i32
        %dma_start3A_347 = arith.constant 0 : i32
        %dma_start3A_348 = tpu.memref_slice %arg3[%dma_start3A_346, %dma_start3A_347] : memref<10000x128xf32, #tpu.memory_space<hbm>> -> memref<10000x128xf32, #tpu.memory_space<hbm>>
        tpu.enqueue_indirect_dma source(%dma_start3A_348 : memref<10000x128xf32, #tpu.memory_space<hbm>>) target(%dma_start3A_343 : memref<40x128xf32, #tpu.memory_space<vmem>>) offsets(%dma_start3A_345 : memref<40xi32, #tpu.memory_space<vmem>>) semaphore(%arg17 : memref<!tpu.dma_semaphore, #tpu.memory_space<semaphore_mem>>)
      } else {
      }
      %dma_wait3A_269 = arith.constant 0 : i32
      %dma_wait3A_270 = arith.constant 40 : i32
      %dma_wait3A_271 = arith.constant 0 : i32
      %dma_wait3A_272 = tpu.memref_slice %arg10[%dma_wait3A_270, %dma_wait3A_271] : memref<80x128xf32, #tpu.memory_space<vmem>> -> memref<40x128xf32, #tpu.memory_space<vmem>>
      %dma_wait3A_273 = arith.constant 0 : i32
      %dma_wait3A_274 = tpu.memref_slice %arg8[%dma_wait3A_269, %dma_wait3A_273] : memref<2x1000xi32, #tpu.memory_space<vmem>> -> memref<1x40xi32, #tpu.memory_space<vmem>>
      %dma_wait3A_275 = tpu.memref_squeeze %dma_wait3A_274 : memref<1x40xi32, #tpu.memory_space<vmem>> -> memref<40xi32, #tpu.memory_space<vmem>>
      %dma_wait3A_276 = arith.constant 0 : i32
      %dma_wait3A_277 = arith.constant 0 : i32
      %dma_wait3A_278 = tpu.memref_slice %arg2[%dma_wait3A_276, %dma_wait3A_277] : memref<10000x128xf32, #tpu.memory_space<hbm>> -> memref<10000x128xf32, #tpu.memory_space<hbm>>
      tpu.wait_indirect_dma semaphore(%arg16 : memref<!tpu.dma_semaphore, #tpu.memory_space<semaphore_mem>>) src(%dma_wait3A_278 : memref<10000x128xf32, #tpu.memory_space<hbm>>) dst(%dma_wait3A_272 : memref<40x128xf32, #tpu.memory_space<vmem>>)
      %dma_wait3A_279 = arith.constant 0 : i32
      %dma_wait3A_280 = arith.constant 40 : i32
      %dma_wait3A_281 = arith.constant 0 : i32
      %dma_wait3A_282 = tpu.memref_slice %arg11[%dma_wait3A_280, %dma_wait3A_281] : memref<80x128xf32, #tpu.memory_space<vmem>> -> memref<40x128xf32, #tpu.memory_space<vmem>>
      %dma_wait3A_283 = arith.constant 0 : i32
      %dma_wait3A_284 = tpu.memref_slice %arg8[%dma_wait3A_279, %dma_wait3A_283] : memref<2x1000xi32, #tpu.memory_space<vmem>> -> memref<1x40xi32, #tpu.memory_space<vmem>>
      %dma_wait3A_285 = tpu.memref_squeeze %dma_wait3A_284 : memref<1x40xi32, #tpu.memory_space<vmem>> -> memref<40xi32, #tpu.memory_space<vmem>>
      %dma_wait3A_286 = arith.constant 0 : i32
      %dma_wait3A_287 = arith.constant 0 : i32
      %dma_wait3A_288 = tpu.memref_slice %arg3[%dma_wait3A_286, %dma_wait3A_287] : memref<10000x128xf32, #tpu.memory_space<hbm>> -> memref<10000x128xf32, #tpu.memory_space<hbm>>
      tpu.wait_indirect_dma semaphore(%arg18 : memref<!tpu.dma_semaphore, #tpu.memory_space<semaphore_mem>>) src(%dma_wait3A_288 : memref<10000x128xf32, #tpu.memory_space<hbm>>) dst(%dma_wait3A_282 : memref<40x128xf32, #tpu.memory_space<vmem>>)
      %gt3A_289 = arith.constant 0 : i32
      %gt3A_290 = arith.cmpi sgt, %scan3A_128, %gt3A_289 : i32
      %convert_element_type3A_291 = arith.extui %gt3A_290 : i1 to i32
      %cond3A_292 = arith.constant 0 : i32
      %cond3A_293 = arith.cmpi ne, %convert_element_type3A_291, %cond3A_292 : i32
      scf.if %cond3A_293 {
        %dma_wait3A_315 = arith.constant 0 : i32
        %dma_wait3A_316 = arith.constant 40 : i32
        %dma_wait3A_317 = arith.constant 0 : i32
        %dma_wait3A_318 = tpu.memref_slice %arg12[%dma_wait3A_316, %dma_wait3A_317] : memref<80x144xf32, #tpu.memory_space<vmem>> -> memref<40x144xf32, #tpu.memory_space<vmem>>
        %dma_wait3A_319 = arith.constant 0 : i32
        %dma_wait3A_320 = tpu.memref_slice %arg8[%dma_wait3A_315, %dma_wait3A_319] : memref<2x1000xi32, #tpu.memory_space<vmem>> -> memref<1x40xi32, #tpu.memory_space<vmem>>
        %dma_wait3A_321 = tpu.memref_squeeze %dma_wait3A_320 : memref<1x40xi32, #tpu.memory_space<vmem>> -> memref<40xi32, #tpu.memory_space<vmem>>
        %dma_wait3A_322 = arith.constant 0 : i32
        %dma_wait3A_323 = arith.constant 0 : i32
        %dma_wait3A_324 = tpu.memref_slice %arg14[%dma_wait3A_322, %dma_wait3A_323] : memref<10240x144xf32, #tpu.memory_space<vmem_shared>> -> memref<10240x144xf32, #tpu.memory_space<vmem_shared>>
        tpu.wait_indirect_dma semaphore(%arg20 : memref<!tpu.dma_semaphore, #tpu.memory_space<semaphore_mem>>) src(%dma_wait3A_318 : memref<40x144xf32, #tpu.memory_space<vmem>>) dst(%dma_wait3A_324 : memref<10240x144xf32, #tpu.memory_space<vmem_shared>>)
      } else {
      }
      %add3A_294 = arith.constant 1 : i32
      %add3A_295 = arith.addi %mul3A_130, %add3A_294 : i32
      %parallel_loop3A_296 = arith.constant 0 : i32
      %parallel_loop3A_297 = arith.constant 40 : i32
      %parallel_loop3A_298 = arith.constant 1 : i32
      scf.for %parallel_loop3A_315 = %parallel_loop3A_296 to %parallel_loop3A_297 step %parallel_loop3A_298  : i32 {
        %parallel_loop3A_316 = arith.constant 40 : i32
        %parallel_loop3A_317 = arith.addi %parallel_loop3A_316, %parallel_loop3A_315 : i32
        %parallel_loop3A_318 = arith.index_cast %parallel_loop3A_317 : i32 to index
        %parallel_loop3A_319 = arith.constant 0 : index
        %parallel_loop3A_320 = tpu.vector_load %arg10[%parallel_loop3A_318, %parallel_loop3A_319] {strides = array<i32>} : memref<80x128xf32, #tpu.memory_space<vmem>>, vector<1x16xf32>,
        %parallel_loop3A_321 = vector.shape_cast %parallel_loop3A_320 : vector<1x16xf32> to vector<16xf32>
        %parallel_loop3A_322 = arith.index_cast %parallel_loop3A_317 : i32 to index
        %parallel_loop3A_323 = arith.constant 0 : index
        %parallel_loop3A_324 = tpu.vector_load %arg11[%parallel_loop3A_322, %parallel_loop3A_323] {strides = array<i32>} : memref<80x128xf32, #tpu.memory_space<vmem>>, vector<1x16xf32>,
        %parallel_loop3A_325 = vector.shape_cast %parallel_loop3A_324 : vector<1x16xf32> to vector<16xf32>
        %parallel_loop3A_326 = arith.addf %parallel_loop3A_321, %parallel_loop3A_325 : vector<16xf32>
        %parallel_loop3A_327 = arith.constant 2.000000e-01 : f32
        %parallel_loop3A_328 = vector.broadcast %parallel_loop3A_327 : f32 to vector<16xf32>
        %parallel_loop3A_329 = arith.mulf %parallel_loop3A_326, %parallel_loop3A_328 : vector<16xf32>
        %parallel_loop3A_330 = arith.maximumf %parallel_loop3A_326, %parallel_loop3A_329 : vector<16xf32>
        %parallel_loop3A_331 = arith.mulf %parallel_loop3A_330, %get3A_5 : vector<16xf32>
        %parallel_loop3A_332 = arith.addf %broadcast_in_dim3A_27, %parallel_loop3A_331 : vector<16xf32>
        %parallel_loop3A_333 = arith.index_cast %parallel_loop3A_317 : i32 to index
        %parallel_loop3A_334 = arith.constant 16 : index
        %parallel_loop3A_335 = tpu.vector_load %arg10[%parallel_loop3A_333, %parallel_loop3A_334] {strides = array<i32>} : memref<80x128xf32, #tpu.memory_space<vmem>>, vector<1x16xf32>,
        %parallel_loop3A_336 = vector.shape_cast %parallel_loop3A_335 : vector<1x16xf32> to vector<16xf32>
        %parallel_loop3A_337 = arith.index_cast %parallel_loop3A_317 : i32 to index
        %parallel_loop3A_338 = arith.constant 16 : index
        %parallel_loop3A_339 = tpu.vector_load %arg11[%parallel_loop3A_337, %parallel_loop3A_338] {strides = array<i32>} : memref<80x128xf32, #tpu.memory_space<vmem>>, vector<1x16xf32>,
        %parallel_loop3A_340 = vector.shape_cast %parallel_loop3A_339 : vector<1x16xf32> to vector<16xf32>
        %parallel_loop3A_341 = arith.addf %parallel_loop3A_336, %parallel_loop3A_340 : vector<16xf32>
        %parallel_loop3A_342 = arith.constant 2.000000e-01 : f32
        %parallel_loop3A_343 = vector.broadcast %parallel_loop3A_342 : f32 to vector<16xf32>
        %parallel_loop3A_344 = arith.mulf %parallel_loop3A_341, %parallel_loop3A_343 : vector<16xf32>
        %parallel_loop3A_345 = arith.maximumf %parallel_loop3A_341, %parallel_loop3A_344 : vector<16xf32>
        %parallel_loop3A_346 = arith.mulf %parallel_loop3A_345, %get3A_8 : vector<16xf32>
        %parallel_loop3A_347 = arith.addf %parallel_loop3A_332, %parallel_loop3A_346 : vector<16xf32>
        %parallel_loop3A_348 = arith.index_cast %parallel_loop3A_317 : i32 to index
        %parallel_loop3A_349 = arith.constant 32 : index
        %parallel_loop3A_350 = tpu.vector_load %arg10[%parallel_loop3A_348, %parallel_loop3A_349] {strides = array<i32>} : memref<80x128xf32, #tpu.memory_space<vmem>>, vector<1x16xf32>,
        %parallel_loop3A_351 = vector.shape_cast %parallel_loop3A_350 : vector<1x16xf32> to vector<16xf32>
        %parallel_loop3A_352 = arith.index_cast %parallel_loop3A_317 : i32 to index
        %parallel_loop3A_353 = arith.constant 32 : index
        %parallel_loop3A_354 = tpu.vector_load %arg11[%parallel_loop3A_352, %parallel_loop3A_353] {strides = array<i32>} : memref<80x128xf32, #tpu.memory_space<vmem>>, vector<1x16xf32>,
        %parallel_loop3A_355 = vector.shape_cast %parallel_loop3A_354 : vector<1x16xf32> to vector<16xf32>
        %parallel_loop3A_356 = arith.addf %parallel_loop3A_351, %parallel_loop3A_355 : vector<16xf32>
        %parallel_loop3A_357 = arith.constant 2.000000e-01 : f32
        %parallel_loop3A_358 = vector.broadcast %parallel_loop3A_357 : f32 to vector<16xf32>
        %parallel_loop3A_359 = arith.mulf %parallel_loop3A_356, %parallel_loop3A_358 : vector<16xf32>
        %parallel_loop3A_360 = arith.maximumf %parallel_loop3A_356, %parallel_loop3A_359 : vector<16xf32>
        %parallel_loop3A_361 = arith.mulf %parallel_loop3A_360, %get3A_11 : vector<16xf32>
        %parallel_loop3A_362 = arith.addf %parallel_loop3A_347, %parallel_loop3A_361 : vector<16xf32>
        %parallel_loop3A_363 = arith.index_cast %parallel_loop3A_317 : i32 to index
        %parallel_loop3A_364 = arith.constant 48 : index
        %parallel_loop3A_365 = tpu.vector_load %arg10[%parallel_loop3A_363, %parallel_loop3A_364] {strides = array<i32>} : memref<80x128xf32, #tpu.memory_space<vmem>>, vector<1x16xf32>,
        %parallel_loop3A_366 = vector.shape_cast %parallel_loop3A_365 : vector<1x16xf32> to vector<16xf32>
        %parallel_loop3A_367 = arith.index_cast %parallel_loop3A_317 : i32 to index
        %parallel_loop3A_368 = arith.constant 48 : index
        %parallel_loop3A_369 = tpu.vector_load %arg11[%parallel_loop3A_367, %parallel_loop3A_368] {strides = array<i32>} : memref<80x128xf32, #tpu.memory_space<vmem>>, vector<1x16xf32>,
        %parallel_loop3A_370 = vector.shape_cast %parallel_loop3A_369 : vector<1x16xf32> to vector<16xf32>
        %parallel_loop3A_371 = arith.addf %parallel_loop3A_366, %parallel_loop3A_370 : vector<16xf32>
        %parallel_loop3A_372 = arith.constant 2.000000e-01 : f32
        %parallel_loop3A_373 = vector.broadcast %parallel_loop3A_372 : f32 to vector<16xf32>
        %parallel_loop3A_374 = arith.mulf %parallel_loop3A_371, %parallel_loop3A_373 : vector<16xf32>
        %parallel_loop3A_375 = arith.maximumf %parallel_loop3A_371, %parallel_loop3A_374 : vector<16xf32>
        %parallel_loop3A_376 = arith.mulf %parallel_loop3A_375, %get3A_14 : vector<16xf32>
        %parallel_loop3A_377 = arith.addf %parallel_loop3A_362, %parallel_loop3A_376 : vector<16xf32>
        %parallel_loop3A_378 = arith.index_cast %parallel_loop3A_317 : i32 to index
        %parallel_loop3A_379 = arith.constant 64 : index
        %parallel_loop3A_380 = tpu.vector_load %arg10[%parallel_loop3A_378, %parallel_loop3A_379] {strides = array<i32>} : memref<80x128xf32, #tpu.memory_space<vmem>>, vector<1x16xf32>,
        %parallel_loop3A_381 = vector.shape_cast %parallel_loop3A_380 : vector<1x16xf32> to vector<16xf32>
        %parallel_loop3A_382 = arith.index_cast %parallel_loop3A_317 : i32 to index
        %parallel_loop3A_383 = arith.constant 64 : index
        %parallel_loop3A_384 = tpu.vector_load %arg11[%parallel_loop3A_382, %parallel_loop3A_383] {strides = array<i32>} : memref<80x128xf32, #tpu.memory_space<vmem>>, vector<1x16xf32>,
        %parallel_loop3A_385 = vector.shape_cast %parallel_loop3A_384 : vector<1x16xf32> to vector<16xf32>
        %parallel_loop3A_386 = arith.addf %parallel_loop3A_381, %parallel_loop3A_385 : vector<16xf32>
        %parallel_loop3A_387 = arith.constant 2.000000e-01 : f32
        %parallel_loop3A_388 = vector.broadcast %parallel_loop3A_387 : f32 to vector<16xf32>
        %parallel_loop3A_389 = arith.mulf %parallel_loop3A_386, %parallel_loop3A_388 : vector<16xf32>
        %parallel_loop3A_390 = arith.maximumf %parallel_loop3A_386, %parallel_loop3A_389 : vector<16xf32>
        %parallel_loop3A_391 = arith.mulf %parallel_loop3A_390, %get3A_17 : vector<16xf32>
        %parallel_loop3A_392 = arith.addf %parallel_loop3A_377, %parallel_loop3A_391 : vector<16xf32>
        %parallel_loop3A_393 = arith.index_cast %parallel_loop3A_317 : i32 to index
        %parallel_loop3A_394 = arith.constant 80 : index
        %parallel_loop3A_395 = tpu.vector_load %arg10[%parallel_loop3A_393, %parallel_loop3A_394] {strides = array<i32>} : memref<80x128xf32, #tpu.memory_space<vmem>>, vector<1x16xf32>,
        %parallel_loop3A_396 = vector.shape_cast %parallel_loop3A_395 : vector<1x16xf32> to vector<16xf32>
        %parallel_loop3A_397 = arith.index_cast %parallel_loop3A_317 : i32 to index
        %parallel_loop3A_398 = arith.constant 80 : index
        %parallel_loop3A_399 = tpu.vector_load %arg11[%parallel_loop3A_397, %parallel_loop3A_398] {strides = array<i32>} : memref<80x128xf32, #tpu.memory_space<vmem>>, vector<1x16xf32>,
        %parallel_loop3A_400 = vector.shape_cast %parallel_loop3A_399 : vector<1x16xf32> to vector<16xf32>
        %parallel_loop3A_401 = arith.addf %parallel_loop3A_396, %parallel_loop3A_400 : vector<16xf32>
        %parallel_loop3A_402 = arith.constant 2.000000e-01 : f32
        %parallel_loop3A_403 = vector.broadcast %parallel_loop3A_402 : f32 to vector<16xf32>
        %parallel_loop3A_404 = arith.mulf %parallel_loop3A_401, %parallel_loop3A_403 : vector<16xf32>
        %parallel_loop3A_405 = arith.maximumf %parallel_loop3A_401, %parallel_loop3A_404 : vector<16xf32>
        %parallel_loop3A_406 = arith.mulf %parallel_loop3A_405, %get3A_20 : vector<16xf32>
        %parallel_loop3A_407 = arith.addf %parallel_loop3A_392, %parallel_loop3A_406 : vector<16xf32>
        %parallel_loop3A_408 = arith.index_cast %parallel_loop3A_317 : i32 to index
        %parallel_loop3A_409 = arith.constant 96 : index
        %parallel_loop3A_410 = tpu.vector_load %arg10[%parallel_loop3A_408, %parallel_loop3A_409] {strides = array<i32>} : memref<80x128xf32, #tpu.memory_space<vmem>>, vector<1x16xf32>,
        %parallel_loop3A_411 = vector.shape_cast %parallel_loop3A_410 : vector<1x16xf32> to vector<16xf32>
        %parallel_loop3A_412 = arith.index_cast %parallel_loop3A_317 : i32 to index
        %parallel_loop3A_413 = arith.constant 96 : index
        %parallel_loop3A_414 = tpu.vector_load %arg11[%parallel_loop3A_412, %parallel_loop3A_413] {strides = array<i32>} : memref<80x128xf32, #tpu.memory_space<vmem>>, vector<1x16xf32>,
        %parallel_loop3A_415 = vector.shape_cast %parallel_loop3A_414 : vector<1x16xf32> to vector<16xf32>
        %parallel_loop3A_416 = arith.addf %parallel_loop3A_411, %parallel_loop3A_415 : vector<16xf32>
        %parallel_loop3A_417 = arith.constant 2.000000e-01 : f32
        %parallel_loop3A_418 = vector.broadcast %parallel_loop3A_417 : f32 to vector<16xf32>
        %parallel_loop3A_419 = arith.mulf %parallel_loop3A_416, %parallel_loop3A_418 : vector<16xf32>
        %parallel_loop3A_420 = arith.maximumf %parallel_loop3A_416, %parallel_loop3A_419 : vector<16xf32>
        %parallel_loop3A_421 = arith.mulf %parallel_loop3A_420, %get3A_23 : vector<16xf32>
        %parallel_loop3A_422 = arith.addf %parallel_loop3A_407, %parallel_loop3A_421 : vector<16xf32>
        %parallel_loop3A_423 = arith.index_cast %parallel_loop3A_317 : i32 to index
        %parallel_loop3A_424 = arith.constant 112 : index
        %parallel_loop3A_425 = tpu.vector_load %arg10[%parallel_loop3A_423, %parallel_loop3A_424] {strides = array<i32>} : memref<80x128xf32, #tpu.memory_space<vmem>>, vector<1x16xf32>,
        %parallel_loop3A_426 = vector.shape_cast %parallel_loop3A_425 : vector<1x16xf32> to vector<16xf32>
        %parallel_loop3A_427 = arith.index_cast %parallel_loop3A_317 : i32 to index
        %parallel_loop3A_428 = arith.constant 112 : index
        %parallel_loop3A_429 = tpu.vector_load %arg11[%parallel_loop3A_427, %parallel_loop3A_428] {strides = array<i32>} : memref<80x128xf32, #tpu.memory_space<vmem>>, vector<1x16xf32>,
        %parallel_loop3A_430 = vector.shape_cast %parallel_loop3A_429 : vector<1x16xf32> to vector<16xf32>
        %parallel_loop3A_431 = arith.addf %parallel_loop3A_426, %parallel_loop3A_430 : vector<16xf32>
        %parallel_loop3A_432 = arith.constant 2.000000e-01 : f32
        %parallel_loop3A_433 = vector.broadcast %parallel_loop3A_432 : f32 to vector<16xf32>
        %parallel_loop3A_434 = arith.mulf %parallel_loop3A_431, %parallel_loop3A_433 : vector<16xf32>
        %parallel_loop3A_435 = arith.maximumf %parallel_loop3A_431, %parallel_loop3A_434 : vector<16xf32>
        %parallel_loop3A_436 = arith.mulf %parallel_loop3A_435, %get3A_26 : vector<16xf32>
        %parallel_loop3A_437 = arith.addf %parallel_loop3A_422, %parallel_loop3A_436 : vector<16xf32>
        %parallel_loop3A_438 = arith.constant 15 : i32
        %parallel_loop3A_439 = vector.broadcast %parallel_loop3A_438 : i32 to vector<16xi32>
        %parallel_loop3A_440 = tpu.iota {dimensions = array<i32: 0>} : vector<16xi32>
        %parallel_loop3A_441 = arith.subi %parallel_loop3A_439, %parallel_loop3A_440 : vector<16xi32>
        %parallel_loop3A_442 = tpu.dynamic_gather %parallel_loop3A_437[%parallel_loop3A_441] in [0] : vector<16xf32>, vector<16xi32> -> vector<16xf32>
        %parallel_loop3A_443 = arith.addf %parallel_loop3A_437, %parallel_loop3A_442 : vector<16xf32>
        %parallel_loop3A_444 = vector.extract_strided_slice %parallel_loop3A_443 {offsets = [0], sizes = [1], strides = [1]} : vector<16xf32> to vector<1xf32>
        %parallel_loop3A_445 = vector.extract %parallel_loop3A_444[0] : f32 from vector<1xf32>
        %parallel_loop3A_446 = vector.extract_strided_slice %parallel_loop3A_443 {offsets = [1], sizes = [1], strides = [1]} : vector<16xf32> to vector<1xf32>
        %parallel_loop3A_447 = vector.extract %parallel_loop3A_446[0] : f32 from vector<1xf32>
        %parallel_loop3A_448 = vector.extract_strided_slice %parallel_loop3A_443 {offsets = [2], sizes = [1], strides = [1]} : vector<16xf32> to vector<1xf32>
        %parallel_loop3A_449 = vector.extract %parallel_loop3A_448[0] : f32 from vector<1xf32>
        %parallel_loop3A_450 = vector.extract_strided_slice %parallel_loop3A_443 {offsets = [3], sizes = [1], strides = [1]} : vector<16xf32> to vector<1xf32>
        %parallel_loop3A_451 = vector.extract %parallel_loop3A_450[0] : f32 from vector<1xf32>
        %parallel_loop3A_452 = vector.extract_strided_slice %parallel_loop3A_443 {offsets = [4], sizes = [1], strides = [1]} : vector<16xf32> to vector<1xf32>
        %parallel_loop3A_453 = vector.extract %parallel_loop3A_452[0] : f32 from vector<1xf32>
        %parallel_loop3A_454 = vector.extract_strided_slice %parallel_loop3A_443 {offsets = [5], sizes = [1], strides = [1]} : vector<16xf32> to vector<1xf32>
        %parallel_loop3A_455 = vector.extract %parallel_loop3A_454[0] : f32 from vector<1xf32>
        %parallel_loop3A_456 = vector.extract_strided_slice %parallel_loop3A_443 {offsets = [6], sizes = [1], strides = [1]} : vector<16xf32> to vector<1xf32>
        %parallel_loop3A_457 = vector.extract %parallel_loop3A_456[0] : f32 from vector<1xf32>
        %parallel_loop3A_458 = vector.extract_strided_slice %parallel_loop3A_443 {offsets = [7], sizes = [1], strides = [1]} : vector<16xf32> to vector<1xf32>
        %parallel_loop3A_459 = vector.extract %parallel_loop3A_458[0] : f32 from vector<1xf32>
        %parallel_loop3A_460 = arith.addf %parallel_loop3A_445, %parallel_loop3A_447 : f32
        %parallel_loop3A_461 = arith.addf %parallel_loop3A_449, %parallel_loop3A_451 : f32
        %parallel_loop3A_462 = arith.addf %parallel_loop3A_453, %parallel_loop3A_455 : f32
        %parallel_loop3A_463 = arith.addf %parallel_loop3A_457, %parallel_loop3A_459 : f32
        %parallel_loop3A_464 = arith.addf %parallel_loop3A_460, %parallel_loop3A_461 : f32
        %parallel_loop3A_465 = arith.addf %parallel_loop3A_462, %parallel_loop3A_463 : f32
        %parallel_loop3A_466 = arith.addf %parallel_loop3A_464, %parallel_loop3A_465 : f32
        %parallel_loop3A_467 = vector.broadcast %parallel_loop3A_466 : f32 to vector<16xf32>
        %parallel_loop3A_468 = arith.addf %parallel_loop3A_467, %broadcast_in_dim3A_27 : vector<16xf32>
        %parallel_loop3A_469 = math.exp %parallel_loop3A_468 : vector<16xf32>
        %parallel_loop3A_470 = arith.mulf %parallel_loop3A_321, %parallel_loop3A_469 : vector<16xf32>
        %parallel_loop3A_471 = arith.index_cast %parallel_loop3A_317 : i32 to index
        %parallel_loop3A_472 = arith.constant 0 : index
        %parallel_loop3A_473 = tpu.vector_load %arg12[%parallel_loop3A_471, %parallel_loop3A_472] {strides = array<i32>} : memref<80x144xf32, #tpu.memory_space<vmem>>, vector<1x16xf32>,
        %parallel_loop3A_474 = vector.shape_cast %parallel_loop3A_473 : vector<1x16xf32> to vector<16xf32>
        %parallel_loop3A_475 = vector.shape_cast %parallel_loop3A_470 : vector<16xf32> to vector<1x16xf32>
        tpu.vector_store %arg12[%parallel_loop3A_471, %parallel_loop3A_472], %parallel_loop3A_475 {strides = array<i32>} : memref<80x144xf32, #tpu.memory_space<vmem>>, vector<1x16xf32>,
        %parallel_loop3A_476 = arith.mulf %parallel_loop3A_336, %parallel_loop3A_469 : vector<16xf32>
        %parallel_loop3A_477 = arith.index_cast %parallel_loop3A_317 : i32 to index
        %parallel_loop3A_478 = arith.constant 16 : index
        %parallel_loop3A_479 = tpu.vector_load %arg12[%parallel_loop3A_477, %parallel_loop3A_478] {strides = array<i32>} : memref<80x144xf32, #tpu.memory_space<vmem>>, vector<1x16xf32>,
        %parallel_loop3A_480 = vector.shape_cast %parallel_loop3A_479 : vector<1x16xf32> to vector<16xf32>
        %parallel_loop3A_481 = vector.shape_cast %parallel_loop3A_476 : vector<16xf32> to vector<1x16xf32>
        tpu.vector_store %arg12[%parallel_loop3A_477, %parallel_loop3A_478], %parallel_loop3A_481 {strides = array<i32>} : memref<80x144xf32, #tpu.memory_space<vmem>>, vector<1x16xf32>,
        %parallel_loop3A_482 = arith.mulf %parallel_loop3A_351, %parallel_loop3A_469 : vector<16xf32>
        %parallel_loop3A_483 = arith.index_cast %parallel_loop3A_317 : i32 to index
        %parallel_loop3A_484 = arith.constant 32 : index
        %parallel_loop3A_485 = tpu.vector_load %arg12[%parallel_loop3A_483, %parallel_loop3A_484] {strides = array<i32>} : memref<80x144xf32, #tpu.memory_space<vmem>>, vector<1x16xf32>,
        %parallel_loop3A_486 = vector.shape_cast %parallel_loop3A_485 : vector<1x16xf32> to vector<16xf32>
        %parallel_loop3A_487 = vector.shape_cast %parallel_loop3A_482 : vector<16xf32> to vector<1x16xf32>
        tpu.vector_store %arg12[%parallel_loop3A_483, %parallel_loop3A_484], %parallel_loop3A_487 {strides = array<i32>} : memref<80x144xf32, #tpu.memory_space<vmem>>, vector<1x16xf32>,
        %parallel_loop3A_488 = arith.mulf %parallel_loop3A_366, %parallel_loop3A_469 : vector<16xf32>
        %parallel_loop3A_489 = arith.index_cast %parallel_loop3A_317 : i32 to index
        %parallel_loop3A_490 = arith.constant 48 : index
        %parallel_loop3A_491 = tpu.vector_load %arg12[%parallel_loop3A_489, %parallel_loop3A_490] {strides = array<i32>} : memref<80x144xf32, #tpu.memory_space<vmem>>, vector<1x16xf32>,
        %parallel_loop3A_492 = vector.shape_cast %parallel_loop3A_491 : vector<1x16xf32> to vector<16xf32>
        %parallel_loop3A_493 = vector.shape_cast %parallel_loop3A_488 : vector<16xf32> to vector<1x16xf32>
        tpu.vector_store %arg12[%parallel_loop3A_489, %parallel_loop3A_490], %parallel_loop3A_493 {strides = array<i32>} : memref<80x144xf32, #tpu.memory_space<vmem>>, vector<1x16xf32>,
        %parallel_loop3A_494 = arith.mulf %parallel_loop3A_381, %parallel_loop3A_469 : vector<16xf32>
        %parallel_loop3A_495 = arith.index_cast %parallel_loop3A_317 : i32 to index
        %parallel_loop3A_496 = arith.constant 64 : index
        %parallel_loop3A_497 = tpu.vector_load %arg12[%parallel_loop3A_495, %parallel_loop3A_496] {strides = array<i32>} : memref<80x144xf32, #tpu.memory_space<vmem>>, vector<1x16xf32>,
        %parallel_loop3A_498 = vector.shape_cast %parallel_loop3A_497 : vector<1x16xf32> to vector<16xf32>
        %parallel_loop3A_499 = vector.shape_cast %parallel_loop3A_494 : vector<16xf32> to vector<1x16xf32>
        tpu.vector_store %arg12[%parallel_loop3A_495, %parallel_loop3A_496], %parallel_loop3A_499 {strides = array<i32>} : memref<80x144xf32, #tpu.memory_space<vmem>>, vector<1x16xf32>,
        %parallel_loop3A_500 = arith.mulf %parallel_loop3A_396, %parallel_loop3A_469 : vector<16xf32>
        %parallel_loop3A_501 = arith.index_cast %parallel_loop3A_317 : i32 to index
        %parallel_loop3A_502 = arith.constant 80 : index
        %parallel_loop3A_503 = tpu.vector_load %arg12[%parallel_loop3A_501, %parallel_loop3A_502] {strides = array<i32>} : memref<80x144xf32, #tpu.memory_space<vmem>>, vector<1x16xf32>,
        %parallel_loop3A_504 = vector.shape_cast %parallel_loop3A_503 : vector<1x16xf32> to vector<16xf32>
        %parallel_loop3A_505 = vector.shape_cast %parallel_loop3A_500 : vector<16xf32> to vector<1x16xf32>
        tpu.vector_store %arg12[%parallel_loop3A_501, %parallel_loop3A_502], %parallel_loop3A_505 {strides = array<i32>} : memref<80x144xf32, #tpu.memory_space<vmem>>, vector<1x16xf32>,
        %parallel_loop3A_506 = arith.mulf %parallel_loop3A_411, %parallel_loop3A_469 : vector<16xf32>
        %parallel_loop3A_507 = arith.index_cast %parallel_loop3A_317 : i32 to index
        %parallel_loop3A_508 = arith.constant 96 : index
        %parallel_loop3A_509 = tpu.vector_load %arg12[%parallel_loop3A_507, %parallel_loop3A_508] {strides = array<i32>} : memref<80x144xf32, #tpu.memory_space<vmem>>, vector<1x16xf32>,
        %parallel_loop3A_510 = vector.shape_cast %parallel_loop3A_509 : vector<1x16xf32> to vector<16xf32>
        %parallel_loop3A_511 = vector.shape_cast %parallel_loop3A_506 : vector<16xf32> to vector<1x16xf32>
        tpu.vector_store %arg12[%parallel_loop3A_507, %parallel_loop3A_508], %parallel_loop3A_511 {strides = array<i32>} : memref<80x144xf32, #tpu.memory_space<vmem>>, vector<1x16xf32>,
        %parallel_loop3A_512 = arith.mulf %parallel_loop3A_426, %parallel_loop3A_469 : vector<16xf32>
        %parallel_loop3A_513 = arith.index_cast %parallel_loop3A_317 : i32 to index
        %parallel_loop3A_514 = arith.constant 112 : index
        %parallel_loop3A_515 = tpu.vector_load %arg12[%parallel_loop3A_513, %parallel_loop3A_514] {strides = array<i32>} : memref<80x144xf32, #tpu.memory_space<vmem>>, vector<1x16xf32>,
        %parallel_loop3A_516 = vector.shape_cast %parallel_loop3A_515 : vector<1x16xf32> to vector<16xf32>
        %parallel_loop3A_517 = vector.shape_cast %parallel_loop3A_512 : vector<16xf32> to vector<1x16xf32>
        tpu.vector_store %arg12[%parallel_loop3A_513, %parallel_loop3A_514], %parallel_loop3A_517 {strides = array<i32>} : memref<80x144xf32, #tpu.memory_space<vmem>>, vector<1x16xf32>,
        %parallel_loop3A_518 = arith.constant 0 : i32
        %parallel_loop3A_519 = vector.broadcast %parallel_loop3A_518 : i32 to vector<16xi32>
        %parallel_loop3A_520 = arith.cmpi eq, %iota3A, %parallel_loop3A_519 : vector<16xi32>
        %parallel_loop3A_521 = arith.constant 0.000000e+00 : f32
        %parallel_loop3A_522 = vector.broadcast %parallel_loop3A_521 : f32 to vector<16xf32>
        %parallel_loop3A_523 = arith.select %parallel_loop3A_520, %parallel_loop3A_469, %parallel_loop3A_522 : vector<16xi1>, vector<16xf32>
        %parallel_loop3A_524 = arith.index_cast %parallel_loop3A_317 : i32 to index
        %parallel_loop3A_525 = arith.constant 128 : index
        %parallel_loop3A_526 = tpu.vector_load %arg12[%parallel_loop3A_524, %parallel_loop3A_525] {strides = array<i32>} : memref<80x144xf32, #tpu.memory_space<vmem>>, vector<1x16xf32>,
        %parallel_loop3A_527 = vector.shape_cast %parallel_loop3A_526 : vector<1x16xf32> to vector<16xf32>
        %parallel_loop3A_528 = vector.shape_cast %parallel_loop3A_523 : vector<16xf32> to vector<1x16xf32>
        tpu.vector_store %arg12[%parallel_loop3A_524, %parallel_loop3A_525], %parallel_loop3A_528 {strides = array<i32>} : memref<80x144xf32, #tpu.memory_space<vmem>>, vector<1x16xf32>,
      } {sc.loop_unroll_factor = 8 : i64, sc.parallel_access}
      %div3A_299 = arith.constant 25 : i32
      %div3A_300 = arith.divsi %add3A_295, %div3A_299 : i32
      %rem3A_301 = arith.constant 2 : i32
      %rem3A_302 = arith.remsi %div3A_300, %rem3A_301 : i32
      %rem3A_303 = arith.constant 25 : i32
      %rem3A_304 = arith.remsi %add3A_295, %rem3A_303 : i32
      %mul3A_305 = arith.constant 40 : i32
      %mul3A_306 = arith.muli %rem3A_304, %mul3A_305 : i32
      %dma_start3A_307 = arith.constant 40 : i32
      %dma_start3A_308 = arith.constant 0 : i32
      %dma_start3A_309 = tpu.memref_slice %arg12[%dma_start3A_307, %dma_start3A_308] : memref<80x144xf32, #tpu.memory_space<vmem>> -> memref<40x144xf32, #tpu.memory_space<vmem>>
      %dma_start3A_310 = tpu.memref_slice %arg9[%rem3A_302, %mul3A_306] : memref<2x1000xi32, #tpu.memory_space<vmem>> -> memref<1x40xi32, #tpu.memory_space<vmem>>
      %dma_start3A_311 = tpu.memref_squeeze %dma_start3A_310 : memref<1x40xi32, #tpu.memory_space<vmem>> -> memref<40xi32, #tpu.memory_space<vmem>>
      %dma_start3A_312 = arith.constant 0 : i32
      %dma_start3A_313 = arith.constant 0 : i32
      %dma_start3A_314 = tpu.memref_slice %arg14[%dma_start3A_312, %dma_start3A_313] : memref<10240x144xf32, #tpu.memory_space<vmem_shared>> -> memref<10240x144xf32, #tpu.memory_space<vmem_shared>>
      tpu.enqueue_indirect_dma source(%dma_start3A_309 : memref<40x144xf32, #tpu.memory_space<vmem>>) target(%dma_start3A_314 : memref<10240x144xf32, #tpu.memory_space<vmem_shared>>) offsets(%dma_start3A_311 : memref<40xi32, #tpu.memory_space<vmem>>) semaphore(%arg20 : memref<!tpu.dma_semaphore, #tpu.memory_space<semaphore_mem>>) {add = true}
    }
    %scan3A_103 = arith.constant 125 : i32
    %dma_wait3A = arith.constant 0 : i32
    %dma_wait3A_104 = arith.constant 0 : i32
    %dma_wait3A_105 = arith.constant 0 : i32
    %dma_wait3A_106 = tpu.memref_slice %arg12[%dma_wait3A_104, %dma_wait3A_105] : memref<80x144xf32, #tpu.memory_space<vmem>> -> memref<40x144xf32, #tpu.memory_space<vmem>>
    %dma_wait3A_107 = arith.constant 0 : i32
    %dma_wait3A_108 = tpu.memref_slice %arg8[%dma_wait3A, %dma_wait3A_107] : memref<2x1000xi32, #tpu.memory_space<vmem>> -> memref<1x40xi32, #tpu.memory_space<vmem>>
    %dma_wait3A_109 = tpu.memref_squeeze %dma_wait3A_108 : memref<1x40xi32, #tpu.memory_space<vmem>> -> memref<40xi32, #tpu.memory_space<vmem>>
    %dma_wait3A_110 = arith.constant 0 : i32
    %dma_wait3A_111 = arith.constant 0 : i32
    %dma_wait3A_112 = tpu.memref_slice %arg14[%dma_wait3A_110, %dma_wait3A_111] : memref<10240x144xf32, #tpu.memory_space<vmem_shared>> -> memref<10240x144xf32, #tpu.memory_space<vmem_shared>>
    tpu.wait_indirect_dma semaphore(%arg19 : memref<!tpu.dma_semaphore, #tpu.memory_space<semaphore_mem>>) src(%dma_wait3A_106 : memref<40x144xf32, #tpu.memory_space<vmem>>) dst(%dma_wait3A_112 : memref<10240x144xf32, #tpu.memory_space<vmem_shared>>)
    %dma_wait3A_113 = arith.constant 0 : i32
    %dma_wait3A_114 = arith.constant 40 : i32
    %dma_wait3A_115 = arith.constant 0 : i32
    %dma_wait3A_116 = tpu.memref_slice %arg12[%dma_wait3A_114, %dma_wait3A_115] : memref<80x144xf32, #tpu.memory_space<vmem>> -> memref<40x144xf32, #tpu.memory_space<vmem>>
    %dma_wait3A_117 = arith.constant 0 : i32
    %dma_wait3A_118 = tpu.memref_slice %arg8[%dma_wait3A_113, %dma_wait3A_117] : memref<2x1000xi32, #tpu.memory_space<vmem>> -> memref<1x40xi32, #tpu.memory_space<vmem>>
    %dma_wait3A_119 = tpu.memref_squeeze %dma_wait3A_118 : memref<1x40xi32, #tpu.memory_space<vmem>> -> memref<40xi32, #tpu.memory_space<vmem>>
    %dma_wait3A_120 = arith.constant 0 : i32
    %dma_wait3A_121 = arith.constant 0 : i32
    %dma_wait3A_122 = tpu.memref_slice %arg14[%dma_wait3A_120, %dma_wait3A_121] : memref<10240x144xf32, #tpu.memory_space<vmem_shared>> -> memref<10240x144xf32, #tpu.memory_space<vmem_shared>>
    tpu.wait_indirect_dma semaphore(%arg20 : memref<!tpu.dma_semaphore, #tpu.memory_space<semaphore_mem>>) src(%dma_wait3A_116 : memref<40x144xf32, #tpu.memory_space<vmem>>) dst(%dma_wait3A_122 : memref<10240x144xf32, #tpu.memory_space<vmem_shared>>)
    %barrier3A_123 = arith.constant 0 : index
    tpu.barrier barrier_id(%barrier3A_123)
    %mul3A_124 = arith.constant 640 : i32
    %mul3A_125 = arith.muli %arg1, %mul3A_124 : i32
    %mul3A_126 = arith.constant 640 : i32
    %mul3A_127 = arith.muli %arg1, %mul3A_126 : i32
    "tpu.region"() ({
      %run_scoped3A_128 = tpu.sem_alloc : memref<!tpu.dma_semaphore, #tpu.memory_space<semaphore_mem>>
      %dma_start3A_129 = arith.constant 0 : i32
      %dma_start3A_130 = tpu.memref_slice %arg7[%arg0, %mul3A_127, %dma_start3A_129] : memref<2x10240x144xf32, #tpu.memory_space<hbm>> -> memref<1x640x144xf32, #tpu.memory_space<hbm>>
      %dma_start3A_131 = tpu.memref_squeeze %dma_start3A_130 : memref<1x640x144xf32, #tpu.memory_space<hbm>> -> memref<640x144xf32, #tpu.memory_space<hbm>>
      %dma_start3A_132 = arith.constant 0 : i32
      %dma_start3A_133 = tpu.memref_slice %arg14[%mul3A_125, %dma_start3A_132] : memref<10240x144xf32, #tpu.memory_space<vmem_shared>> -> memref<640x144xf32, #tpu.memory_space<vmem_shared>>
      tpu.enqueue_dma source(%dma_start3A_133 : memref<640x144xf32, #tpu.memory_space<vmem_shared>>) target(%dma_start3A_131 : memref<640x144xf32, #tpu.memory_space<hbm>>) target_semaphore(%run_scoped3A_128 : memref<!tpu.dma_semaphore, #tpu.memory_space<semaphore_mem>>)
      %dma_wait3A_134 = arith.constant 0 : i32
      %dma_wait3A_135 = tpu.memref_slice %arg7[%arg0, %mul3A_127, %dma_wait3A_134] : memref<2x10240x144xf32, #tpu.memory_space<hbm>> -> memref<1x640x144xf32, #tpu.memory_space<hbm>>
      %dma_wait3A_136 = tpu.memref_squeeze %dma_wait3A_135 : memref<1x640x144xf32, #tpu.memory_space<hbm>> -> memref<640x144xf32, #tpu.memory_space<hbm>>
      %dma_wait3A_137 = arith.constant 0 : i32
      %dma_wait3A_138 = tpu.memref_slice %arg14[%mul3A_125, %dma_wait3A_137] : memref<10240x144xf32, #tpu.memory_space<vmem_shared>> -> memref<640x144xf32, #tpu.memory_space<vmem_shared>>
      tpu.wait_dma2 semaphore(%run_scoped3A_128 : memref<!tpu.dma_semaphore, #tpu.memory_space<semaphore_mem>>) src(%dma_wait3A_138 : memref<640x144xf32, #tpu.memory_space<vmem_shared>>) dst(%dma_wait3A_136 : memref<640x144xf32, #tpu.memory_space<hbm>>)
      tpu.yield
    }) : () -> ()
    return
  }
}

#map = affine_map<(d0, d1) -> (0, 0)>
#map1 = affine_map<(d0, d1) -> (0)>
#map2 = affine_map<(d0, d1) -> (0, 0, 0)>
module attributes {stable_mosaic.version = 14 : i64} {
  func.func @_edge_body(%arg0: i32, %arg1: i32, %arg2: memref<10000x128xf32, #tpu.memory_space<hbm>>, %arg3: memref<10000x128xf32, #tpu.memory_space<hbm>>, %arg4: memref<320000xi32, #tpu.memory_space<hbm>>, %arg5: memref<320000xi32, #tpu.memory_space<hbm>>, %arg6: memref<128xf32, #tpu.memory_space<hbm>>, %arg7: memref<2x10240x144xf32, #tpu.memory_space<hbm>>, %arg8: memref<2x1000xi32, #tpu.memory_space<vmem>>, %arg9: memref<2x1000xi32, #tpu.memory_space<vmem>>, %arg10: memref<80x128xf32, #tpu.memory_space<vmem>>, %arg11: memref<80x128xf32, #tpu.memory_space<vmem>>, %arg12: memref<80x144xf32, #tpu.memory_space<vmem>>, %arg13: memref<128xf32, #tpu.memory_space<vmem>>, %arg14: memref<10240x144xf32, #tpu.memory_space<vmem_shared>>, %arg15: memref<!tpu.dma_semaphore, #tpu.memory_space<semaphore_mem>>, %arg16: memref<!tpu.dma_semaphore, #tpu.memory_space<semaphore_mem>>, %arg17: memref<!tpu.dma_semaphore, #tpu.memory_space<semaphore_mem>>, %arg18: memref<!tpu.dma_semaphore, #tpu.memory_space<semaphore_mem>>, %arg19: memref<!tpu.dma_semaphore, #tpu.memory_space<semaphore_mem>>, %arg20: memref<!tpu.dma_semaphore, #tpu.memory_space<semaphore_mem>>, %arg21: memref<!tpu.dma_semaphore, #tpu.memory_space<semaphore_mem>>) attributes {dimension_semantics = [#tpu.dimension_semantics<core_parallel>, #tpu.dimension_semantics<subcore_parallel>], iteration_bounds = array<i64: 2, 16>, scalar_prefetch = 0 : i64, scratch_operands = 14 : i64, tpu.core_type = #tpu.core_type<sc_vector_subcore>, window_params = [{transform_indices = #map}, {transform_indices = #map}, {transform_indices = #map1}, {transform_indices = #map1}, {transform_indices = #map1}, {transform_indices = #map2}]} {
    %mul3A = arith.constant 2 : i32
    %mul3A_0 = arith.muli %arg1, %mul3A : i32
    %add3A = arith.addi %mul3A_0, %arg0 : i32
    %mul3A_1 = arith.constant 10000 : i32
    %mul3A_2 = arith.muli %add3A, %mul3A_1 : i32
    %run_scoped3A = arith.constant 0 : i32
    "tpu.region"() ({
      %run_scoped3A_128 = tpu.sem_alloc : memref<!tpu.dma_semaphore, #tpu.memory_space<semaphore_mem>>
      %dma_start3A_129 = arith.constant 0 : i32
      %dma_start3A_130 = tpu.memref_slice %arg8[%run_scoped3A, %dma_start3A_129] : memref<2x1000xi32, #tpu.memory_space<vmem>> -> memref<1x1000xi32, #tpu.memory_space<vmem>>
      %dma_start3A_131 = tpu.memref_squeeze %dma_start3A_130 : memref<1x1000xi32, #tpu.memory_space<vmem>> -> memref<1000xi32, #tpu.memory_space<vmem>>
      %dma_start3A_132 = tpu.memref_slice %arg4[%mul3A_2] : memref<320000xi32, #tpu.memory_space<hbm>> -> memref<1000xi32, #tpu.memory_space<hbm>>
      %dma_start3A_133 = arith.constant 0 : i32
      %dma_start3A_134 = tpu.memref_slice %arg8[%run_scoped3A, %dma_start3A_133] : memref<2x1000xi32, #tpu.memory_space<vmem>> -> memref<1x1000xi32, #tpu.memory_space<vmem>>
      %dma_start3A_135 = tpu.memref_squeeze %dma_start3A_134 : memref<1x1000xi32, #tpu.memory_space<vmem>> -> memref<1000xi32, #tpu.memory_space<vmem>>
      %dma_start3A_136 = tpu.memref_slice %arg4[%mul3A_2] : memref<320000xi32, #tpu.memory_space<hbm>> -> memref<1000xi32, #tpu.memory_space<hbm>>
      tpu.enqueue_dma source(%dma_start3A_136 : memref<1000xi32, #tpu.memory_space<hbm>>) target(%dma_start3A_135 : memref<1000xi32, #tpu.memory_space<vmem>>) target_semaphore(%run_scoped3A_128 : memref<!tpu.dma_semaphore, #tpu.memory_space<semaphore_mem>>)
      %dma_wait3A_137 = arith.constant 0 : i32
      %dma_wait3A_138 = tpu.memref_slice %arg8[%run_scoped3A, %dma_wait3A_137] : memref<2x1000xi32, #tpu.memory_space<vmem>> -> memref<1x1000xi32, #tpu.memory_space<vmem>>
      %dma_wait3A_139 = tpu.memref_squeeze %dma_wait3A_138 : memref<1x1000xi32, #tpu.memory_space<vmem>> -> memref<1000xi32, #tpu.memory_space<vmem>>
      %dma_wait3A_140 = tpu.memref_slice %arg4[%mul3A_2] : memref<320000xi32, #tpu.memory_space<hbm>> -> memref<1000xi32, #tpu.memory_space<hbm>>
      %dma_wait3A_141 = arith.constant 0 : i32
      %dma_wait3A_142 = tpu.memref_slice %arg8[%run_scoped3A, %dma_wait3A_141] : memref<2x1000xi32, #tpu.memory_space<vmem>> -> memref<1x1000xi32, #tpu.memory_space<vmem>>
      %dma_wait3A_143 = tpu.memref_squeeze %dma_wait3A_142 : memref<1x1000xi32, #tpu.memory_space<vmem>> -> memref<1000xi32, #tpu.memory_space<vmem>>
      %dma_wait3A_144 = tpu.memref_slice %arg4[%mul3A_2] : memref<320000xi32, #tpu.memory_space<hbm>> -> memref<1000xi32, #tpu.memory_space<hbm>>
      tpu.wait_dma2 semaphore(%run_scoped3A_128 : memref<!tpu.dma_semaphore, #tpu.memory_space<semaphore_mem>>) src(%dma_wait3A_144 : memref<1000xi32, #tpu.memory_space<hbm>>) dst(%dma_wait3A_143 : memref<1000xi32, #tpu.memory_space<vmem>>)
      tpu.yield
    }) : () -> ()
    %run_scoped3A_3 = arith.constant 0 : i32
    "tpu.region"() ({
      %run_scoped3A_128 = tpu.sem_alloc : memref<!tpu.dma_semaphore, #tpu.memory_space<semaphore_mem>>
      %dma_start3A_129 = arith.constant 0 : i32
      %dma_start3A_130 = tpu.memref_slice %arg9[%run_scoped3A_3, %dma_start3A_129] : memref<2x1000xi32, #tpu.memory_space<vmem>> -> memref<1x1000xi32, #tpu.memory_space<vmem>>
      %dma_start3A_131 = tpu.memref_squeeze %dma_start3A_130 : memref<1x1000xi32, #tpu.memory_space<vmem>> -> memref<1000xi32, #tpu.memory_space<vmem>>
      %dma_start3A_132 = tpu.memref_slice %arg5[%mul3A_2] : memref<320000xi32, #tpu.memory_space<hbm>> -> memref<1000xi32, #tpu.memory_space<hbm>>
      %dma_start3A_133 = arith.constant 0 : i32
      %dma_start3A_134 = tpu.memref_slice %arg9[%run_scoped3A_3, %dma_start3A_133] : memref<2x1000xi32, #tpu.memory_space<vmem>> -> memref<1x1000xi32, #tpu.memory_space<vmem>>
      %dma_start3A_135 = tpu.memref_squeeze %dma_start3A_134 : memref<1x1000xi32, #tpu.memory_space<vmem>> -> memref<1000xi32, #tpu.memory_space<vmem>>
      %dma_start3A_136 = tpu.memref_slice %arg5[%mul3A_2] : memref<320000xi32, #tpu.memory_space<hbm>> -> memref<1000xi32, #tpu.memory_space<hbm>>
      tpu.enqueue_dma source(%dma_start3A_136 : memref<1000xi32, #tpu.memory_space<hbm>>) target(%dma_start3A_135 : memref<1000xi32, #tpu.memory_space<vmem>>) target_semaphore(%run_scoped3A_128 : memref<!tpu.dma_semaphore, #tpu.memory_space<semaphore_mem>>)
      %dma_wait3A_137 = arith.constant 0 : i32
      %dma_wait3A_138 = tpu.memref_slice %arg9[%run_scoped3A_3, %dma_wait3A_137] : memref<2x1000xi32, #tpu.memory_space<vmem>> -> memref<1x1000xi32, #tpu.memory_space<vmem>>
      %dma_wait3A_139 = tpu.memref_squeeze %dma_wait3A_138 : memref<1x1000xi32, #tpu.memory_space<vmem>> -> memref<1000xi32, #tpu.memory_space<vmem>>
      %dma_wait3A_140 = tpu.memref_slice %arg5[%mul3A_2] : memref<320000xi32, #tpu.memory_space<hbm>> -> memref<1000xi32, #tpu.memory_space<hbm>>
      %dma_wait3A_141 = arith.constant 0 : i32
      %dma_wait3A_142 = tpu.memref_slice %arg9[%run_scoped3A_3, %dma_wait3A_141] : memref<2x1000xi32, #tpu.memory_space<vmem>> -> memref<1x1000xi32, #tpu.memory_space<vmem>>
      %dma_wait3A_143 = tpu.memref_squeeze %dma_wait3A_142 : memref<1x1000xi32, #tpu.memory_space<vmem>> -> memref<1000xi32, #tpu.memory_space<vmem>>
      %dma_wait3A_144 = tpu.memref_slice %arg5[%mul3A_2] : memref<320000xi32, #tpu.memory_space<hbm>> -> memref<1000xi32, #tpu.memory_space<hbm>>
      tpu.wait_dma2 semaphore(%run_scoped3A_128 : memref<!tpu.dma_semaphore, #tpu.memory_space<semaphore_mem>>) src(%dma_wait3A_144 : memref<1000xi32, #tpu.memory_space<hbm>>) dst(%dma_wait3A_143 : memref<1000xi32, #tpu.memory_space<vmem>>)
      tpu.yield
    }) : () -> ()
    "tpu.region"() ({
      %run_scoped3A_128 = tpu.sem_alloc : memref<!tpu.dma_semaphore, #tpu.memory_space<semaphore_mem>>
      tpu.enqueue_dma source(%arg6 : memref<128xf32, #tpu.memory_space<hbm>>) target(%arg13 : memref<128xf32, #tpu.memory_space<vmem>>) target_semaphore(%run_scoped3A_128 : memref<!tpu.dma_semaphore, #tpu.memory_space<semaphore_mem>>)
      tpu.wait_dma2 semaphore(%run_scoped3A_128 : memref<!tpu.dma_semaphore, #tpu.memory_space<semaphore_mem>>) src(%arg6 : memref<128xf32, #tpu.memory_space<hbm>>) dst(%arg13 : memref<128xf32, #tpu.memory_space<vmem>>)
      tpu.yield
    }) : () -> ()
    %get3A = arith.constant 0 : index
    %get3A_4 = tpu.vector_load %arg13[%get3A] {strides = array<i32>} : memref<128xf32, #tpu.memory_space<vmem>>, vector<16xf32>,
    %get3A_5 = vector.shape_cast %get3A_4 : vector<16xf32> to vector<16xf32>
    %get3A_6 = arith.constant 16 : index
    %get3A_7 = tpu.vector_load %arg13[%get3A_6] {strides = array<i32>} : memref<128xf32, #tpu.memory_space<vmem>>, vector<16xf32>,
    %get3A_8 = vector.shape_cast %get3A_7 : vector<16xf32> to vector<16xf32>
    %get3A_9 = arith.constant 32 : index
    %get3A_10 = tpu.vector_load %arg13[%get3A_9] {strides = array<i32>} : memref<128xf32, #tpu.memory_space<vmem>>, vector<16xf32>,
    %get3A_11 = vector.shape_cast %get3A_10 : vector<16xf32> to vector<16xf32>
    %get3A_12 = arith.constant 48 : index
    %get3A_13 = tpu.vector_load %arg13[%get3A_12] {strides = array<i32>} : memref<128xf32, #tpu.memory_space<vmem>>, vector<16xf32>,
    %get3A_14 = vector.shape_cast %get3A_13 : vector<16xf32> to vector<16xf32>
    %get3A_15 = arith.constant 64 : index
    %get3A_16 = tpu.vector_load %arg13[%get3A_15] {strides = array<i32>} : memref<128xf32, #tpu.memory_space<vmem>>, vector<16xf32>,
    %get3A_17 = vector.shape_cast %get3A_16 : vector<16xf32> to vector<16xf32>
    %get3A_18 = arith.constant 80 : index
    %get3A_19 = tpu.vector_load %arg13[%get3A_18] {strides = array<i32>} : memref<128xf32, #tpu.memory_space<vmem>>, vector<16xf32>,
    %get3A_20 = vector.shape_cast %get3A_19 : vector<16xf32> to vector<16xf32>
    %get3A_21 = arith.constant 96 : index
    %get3A_22 = tpu.vector_load %arg13[%get3A_21] {strides = array<i32>} : memref<128xf32, #tpu.memory_space<vmem>>, vector<16xf32>,
    %get3A_23 = vector.shape_cast %get3A_22 : vector<16xf32> to vector<16xf32>
    %get3A_24 = arith.constant 112 : index
    %get3A_25 = tpu.vector_load %arg13[%get3A_24] {strides = array<i32>} : memref<128xf32, #tpu.memory_space<vmem>>, vector<16xf32>,
    %get3A_26 = vector.shape_cast %get3A_25 : vector<16xf32> to vector<16xf32>
    %iota3A = tpu.iota {dimensions = array<i32: 0>} : vector<16xi32>
    %broadcast_in_dim3A = arith.constant 0.000000e+00 : f32
    %broadcast_in_dim3A_27 = vector.broadcast %broadcast_in_dim3A : f32 to vector<16xf32>
    %scan3A = arith.constant 0 : i32
    %scan3A_28 = arith.constant 0 : i32
    %scan3A_29 = arith.constant 80 : i32
    %scan3A_30 = arith.addi %scan3A_28, %scan3A_29 : i32
    %scan3A_31 = arith.constant 1 : i32
    scf.for %scan3A_128 = %scan3A_28 to %scan3A_30 step %scan3A_31  : i32 {
      %swap3A = arith.index_cast %scan3A_128 : i32 to index
      %swap3A_129 = arith.constant 0 : index
      %swap3A_130 = tpu.vector_load %arg12[%swap3A, %swap3A_129] {strides = array<i32>} : memref<80x144xf32, #tpu.memory_space<vmem>>, vector<1x16xf32>,
      %swap3A_131 = vector.shape_cast %swap3A_130 : vector<1x16xf32> to vector<16xf32>
      %swap3A_132 = vector.shape_cast %broadcast_in_dim3A_27 : vector<16xf32> to vector<1x16xf32>
      tpu.vector_store %arg12[%swap3A, %swap3A_129], %swap3A_132 {strides = array<i32>} : memref<80x144xf32, #tpu.memory_space<vmem>>, vector<1x16xf32>,
      %swap3A_133 = arith.index_cast %scan3A_128 : i32 to index
      %swap3A_134 = arith.constant 16 : index
      %swap3A_135 = tpu.vector_load %arg12[%swap3A_133, %swap3A_134] {strides = array<i32>} : memref<80x144xf32, #tpu.memory_space<vmem>>, vector<1x16xf32>,
      %swap3A_136 = vector.shape_cast %swap3A_135 : vector<1x16xf32> to vector<16xf32>
      %swap3A_137 = vector.shape_cast %broadcast_in_dim3A_27 : vector<16xf32> to vector<1x16xf32>
      tpu.vector_store %arg12[%swap3A_133, %swap3A_134], %swap3A_137 {strides = array<i32>} : memref<80x144xf32, #tpu.memory_space<vmem>>, vector<1x16xf32>,
      %swap3A_138 = arith.index_cast %scan3A_128 : i32 to index
      %swap3A_139 = arith.constant 32 : index
      %swap3A_140 = tpu.vector_load %arg12[%swap3A_138, %swap3A_139] {strides = array<i32>} : memref<80x144xf32, #tpu.memory_space<vmem>>, vector<1x16xf32>,
      %swap3A_141 = vector.shape_cast %swap3A_140 : vector<1x16xf32> to vector<16xf32>
      %swap3A_142 = vector.shape_cast %broadcast_in_dim3A_27 : vector<16xf32> to vector<1x16xf32>
      tpu.vector_store %arg12[%swap3A_138, %swap3A_139], %swap3A_142 {strides = array<i32>} : memref<80x144xf32, #tpu.memory_space<vmem>>, vector<1x16xf32>,
      %swap3A_143 = arith.index_cast %scan3A_128 : i32 to index
      %swap3A_144 = arith.constant 48 : index
      %swap3A_145 = tpu.vector_load %arg12[%swap3A_143, %swap3A_144] {strides = array<i32>} : memref<80x144xf32, #tpu.memory_space<vmem>>, vector<1x16xf32>,
      %swap3A_146 = vector.shape_cast %swap3A_145 : vector<1x16xf32> to vector<16xf32>
      %swap3A_147 = vector.shape_cast %broadcast_in_dim3A_27 : vector<16xf32> to vector<1x16xf32>
      tpu.vector_store %arg12[%swap3A_143, %swap3A_144], %swap3A_147 {strides = array<i32>} : memref<80x144xf32, #tpu.memory_space<vmem>>, vector<1x16xf32>,
      %swap3A_148 = arith.index_cast %scan3A_128 : i32 to index
      %swap3A_149 = arith.constant 64 : index
      %swap3A_150 = tpu.vector_load %arg12[%swap3A_148, %swap3A_149] {strides = array<i32>} : memref<80x144xf32, #tpu.memory_space<vmem>>, vector<1x16xf32>,
      %swap3A_151 = vector.shape_cast %swap3A_150 : vector<1x16xf32> to vector<16xf32>
      %swap3A_152 = vector.shape_cast %broadcast_in_dim3A_27 : vector<16xf32> to vector<1x16xf32>
      tpu.vector_store %arg12[%swap3A_148, %swap3A_149], %swap3A_152 {strides = array<i32>} : memref<80x144xf32, #tpu.memory_space<vmem>>, vector<1x16xf32>,
      %swap3A_153 = arith.index_cast %scan3A_128 : i32 to index
      %swap3A_154 = arith.constant 80 : index
      %swap3A_155 = tpu.vector_load %arg12[%swap3A_153, %swap3A_154] {strides = array<i32>} : memref<80x144xf32, #tpu.memory_space<vmem>>, vector<1x16xf32>,
      %swap3A_156 = vector.shape_cast %swap3A_155 : vector<1x16xf32> to vector<16xf32>
      %swap3A_157 = vector.shape_cast %broadcast_in_dim3A_27 : vector<16xf32> to vector<1x16xf32>
      tpu.vector_store %arg12[%swap3A_153, %swap3A_154], %swap3A_157 {strides = array<i32>} : memref<80x144xf32, #tpu.memory_space<vmem>>, vector<1x16xf32>,
      %swap3A_158 = arith.index_cast %scan3A_128 : i32 to index
      %swap3A_159 = arith.constant 96 : index
      %swap3A_160 = tpu.vector_load %arg12[%swap3A_158, %swap3A_159] {strides = array<i32>} : memref<80x144xf32, #tpu.memory_space<vmem>>, vector<1x16xf32>,
      %swap3A_161 = vector.shape_cast %swap3A_160 : vector<1x16xf32> to vector<16xf32>
      %swap3A_162 = vector.shape_cast %broadcast_in_dim3A_27 : vector<16xf32> to vector<1x16xf32>
      tpu.vector_store %arg12[%swap3A_158, %swap3A_159], %swap3A_162 {strides = array<i32>} : memref<80x144xf32, #tpu.memory_space<vmem>>, vector<1x16xf32>,
      %swap3A_163 = arith.index_cast %scan3A_128 : i32 to index
      %swap3A_164 = arith.constant 112 : index
      %swap3A_165 = tpu.vector_load %arg12[%swap3A_163, %swap3A_164] {strides = array<i32>} : memref<80x144xf32, #tpu.memory_space<vmem>>, vector<1x16xf32>,
      %swap3A_166 = vector.shape_cast %swap3A_165 : vector<1x16xf32> to vector<16xf32>
      %swap3A_167 = vector.shape_cast %broadcast_in_dim3A_27 : vector<16xf32> to vector<1x16xf32>
      tpu.vector_store %arg12[%swap3A_163, %swap3A_164], %swap3A_167 {strides = array<i32>} : memref<80x144xf32, #tpu.memory_space<vmem>>, vector<1x16xf32>,
      %swap3A_168 = arith.index_cast %scan3A_128 : i32 to index
      %swap3A_169 = arith.constant 128 : index
      %swap3A_170 = tpu.vector_load %arg12[%swap3A_168, %swap3A_169] {strides = array<i32>} : memref<80x144xf32, #tpu.memory_space<vmem>>, vector<1x16xf32>,
      %swap3A_171 = vector.shape_cast %swap3A_170 : vector<1x16xf32> to vector<16xf32>
      %swap3A_172 = vector.shape_cast %broadcast_in_dim3A_27 : vector<16xf32> to vector<1x16xf32>
      tpu.vector_store %arg12[%swap3A_168, %swap3A_169], %swap3A_172 {strides = array<i32>} : memref<80x144xf32, #tpu.memory_space<vmem>>, vector<1x16xf32>,
    }
    %scan3A_32 = arith.constant 80 : i32
    %mul3A_33 = arith.constant 640 : i32
    %mul3A_34 = arith.muli %arg1, %mul3A_33 : i32
    %add3A_35 = arith.constant 0 : i32
    %add3A_36 = arith.addi %mul3A_34, %add3A_35 : i32
    "tpu.region"() ({
      %run_scoped3A_128 = tpu.sem_alloc : memref<!tpu.dma_semaphore, #tpu.memory_space<semaphore_mem>>
      %dma_start3A_129 = arith.constant 0 : i32
      %dma_start3A_130 = arith.constant 0 : i32
      %dma_start3A_131 = tpu.memref_slice %arg12[%dma_start3A_129, %dma_start3A_130] : memref<80x144xf32, #tpu.memory_space<vmem>> -> memref<80x144xf32, #tpu.memory_space<vmem>>
      %dma_start3A_132 = arith.constant 0 : i32
      %dma_start3A_133 = tpu.memref_slice %arg14[%add3A_36, %dma_start3A_132] : memref<10240x144xf32, #tpu.memory_space<vmem_shared>> -> memref<80x144xf32, #tpu.memory_space<vmem_shared>>
      %dma_start3A_134 = arith.constant 0 : i32
      %dma_start3A_135 = tpu.memref_slice %arg14[%add3A_36, %dma_start3A_134] : memref<10240x144xf32, #tpu.memory_space<vmem_shared>> -> memref<80x144xf32, #tpu.memory_space<vmem_shared>>
      %dma_start3A_136 = arith.constant 0 : i32
      %dma_start3A_137 = arith.constant 0 : i32
      %dma_start3A_138 = tpu.memref_slice %arg12[%dma_start3A_136, %dma_start3A_137] : memref<80x144xf32, #tpu.memory_space<vmem>> -> memref<80x144xf32, #tpu.memory_space<vmem>>
      tpu.enqueue_dma source(%dma_start3A_138 : memref<80x144xf32, #tpu.memory_space<vmem>>) target(%dma_start3A_135 : memref<80x144xf32, #tpu.memory_space<vmem_shared>>) target_semaphore(%run_scoped3A_128 : memref<!tpu.dma_semaphore, #tpu.memory_space<semaphore_mem>>)
      %dma_wait3A_139 = arith.constant 0 : i32
      %dma_wait3A_140 = arith.constant 0 : i32
      %dma_wait3A_141 = tpu.memref_slice %arg12[%dma_wait3A_139, %dma_wait3A_140] : memref<80x144xf32, #tpu.memory_space<vmem>> -> memref<80x144xf32, #tpu.memory_space<vmem>>
      %dma_wait3A_142 = arith.constant 0 : i32
      %dma_wait3A_143 = tpu.memref_slice %arg14[%add3A_36, %dma_wait3A_142] : memref<10240x144xf32, #tpu.memory_space<vmem_shared>> -> memref<80x144xf32, #tpu.memory_space<vmem_shared>>
      %dma_wait3A_144 = arith.constant 0 : i32
      %dma_wait3A_145 = tpu.memref_slice %arg14[%add3A_36, %dma_wait3A_144] : memref<10240x144xf32, #tpu.memory_space<vmem_shared>> -> memref<80x144xf32, #tpu.memory_space<vmem_shared>>
      %dma_wait3A_146 = arith.constant 0 : i32
      %dma_wait3A_147 = arith.constant 0 : i32
      %dma_wait3A_148 = tpu.memref_slice %arg12[%dma_wait3A_146, %dma_wait3A_147] : memref<80x144xf32, #tpu.memory_space<vmem>> -> memref<80x144xf32, #tpu.memory_space<vmem>>
      tpu.wait_dma2 semaphore(%run_scoped3A_128 : memref<!tpu.dma_semaphore, #tpu.memory_space<semaphore_mem>>) src(%dma_wait3A_148 : memref<80x144xf32, #tpu.memory_space<vmem>>) dst(%dma_wait3A_145 : memref<80x144xf32, #tpu.memory_space<vmem_shared>>)
      tpu.yield
    }) : () -> ()
    %mul3A_37 = arith.constant 640 : i32
    %mul3A_38 = arith.muli %arg1, %mul3A_37 : i32
    %add3A_39 = arith.constant 80 : i32
    %add3A_40 = arith.addi %mul3A_38, %add3A_39 : i32
    "tpu.region"() ({
      %run_scoped3A_128 = tpu.sem_alloc : memref<!tpu.dma_semaphore, #tpu.memory_space<semaphore_mem>>
      %dma_start3A_129 = arith.constant 0 : i32
      %dma_start3A_130 = arith.constant 0 : i32
      %dma_start3A_131 = tpu.memref_slice %arg12[%dma_start3A_129, %dma_start3A_130] : memref<80x144xf32, #tpu.memory_space<vmem>> -> memref<80x144xf32, #tpu.memory_space<vmem>>
      %dma_start3A_132 = arith.constant 0 : i32
      %dma_start3A_133 = tpu.memref_slice %arg14[%add3A_40, %dma_start3A_132] : memref<10240x144xf32, #tpu.memory_space<vmem_shared>> -> memref<80x144xf32, #tpu.memory_space<vmem_shared>>
      %dma_start3A_134 = arith.constant 0 : i32
      %dma_start3A_135 = tpu.memref_slice %arg14[%add3A_40, %dma_start3A_134] : memref<10240x144xf32, #tpu.memory_space<vmem_shared>> -> memref<80x144xf32, #tpu.memory_space<vmem_shared>>
      %dma_start3A_136 = arith.constant 0 : i32
      %dma_start3A_137 = arith.constant 0 : i32
      %dma_start3A_138 = tpu.memref_slice %arg12[%dma_start3A_136, %dma_start3A_137] : memref<80x144xf32, #tpu.memory_space<vmem>> -> memref<80x144xf32, #tpu.memory_space<vmem>>
      tpu.enqueue_dma source(%dma_start3A_138 : memref<80x144xf32, #tpu.memory_space<vmem>>) target(%dma_start3A_135 : memref<80x144xf32, #tpu.memory_space<vmem_shared>>) target_semaphore(%run_scoped3A_128 : memref<!tpu.dma_semaphore, #tpu.memory_space<semaphore_mem>>)
      %dma_wait3A_139 = arith.constant 0 : i32
      %dma_wait3A_140 = arith.constant 0 : i32
      %dma_wait3A_141 = tpu.memref_slice %arg12[%dma_wait3A_139, %dma_wait3A_140] : memref<80x144xf32, #tpu.memory_space<vmem>> -> memref<80x144xf32, #tpu.memory_space<vmem>>
      %dma_wait3A_142 = arith.constant 0 : i32
      %dma_wait3A_143 = tpu.memref_slice %arg14[%add3A_40, %dma_wait3A_142] : memref<10240x144xf32, #tpu.memory_space<vmem_shared>> -> memref<80x144xf32, #tpu.memory_space<vmem_shared>>
      %dma_wait3A_144 = arith.constant 0 : i32
      %dma_wait3A_145 = tpu.memref_slice %arg14[%add3A_40, %dma_wait3A_144] : memref<10240x144xf32, #tpu.memory_space<vmem_shared>> -> memref<80x144xf32, #tpu.memory_space<vmem_shared>>
      %dma_wait3A_146 = arith.constant 0 : i32
      %dma_wait3A_147 = arith.constant 0 : i32
      %dma_wait3A_148 = tpu.memref_slice %arg12[%dma_wait3A_146, %dma_wait3A_147] : memref<80x144xf32, #tpu.memory_space<vmem>> -> memref<80x144xf32, #tpu.memory_space<vmem>>
      tpu.wait_dma2 semaphore(%run_scoped3A_128 : memref<!tpu.dma_semaphore, #tpu.memory_space<semaphore_mem>>) src(%dma_wait3A_148 : memref<80x144xf32, #tpu.memory_space<vmem>>) dst(%dma_wait3A_145 : memref<80x144xf32, #tpu.memory_space<vmem_shared>>)
      tpu.yield
    }) : () -> ()
    %mul3A_41 = arith.constant 640 : i32
    %mul3A_42 = arith.muli %arg1, %mul3A_41 : i32
    %add3A_43 = arith.constant 160 : i32
    %add3A_44 = arith.addi %mul3A_42, %add3A_43 : i32
    "tpu.region"() ({
      %run_scoped3A_128 = tpu.sem_alloc : memref<!tpu.dma_semaphore, #tpu.memory_space<semaphore_mem>>
      %dma_start3A_129 = arith.constant 0 : i32
      %dma_start3A_130 = arith.constant 0 : i32
      %dma_start3A_131 = tpu.memref_slice %arg12[%dma_start3A_129, %dma_start3A_130] : memref<80x144xf32, #tpu.memory_space<vmem>> -> memref<80x144xf32, #tpu.memory_space<vmem>>
      %dma_start3A_132 = arith.constant 0 : i32
      %dma_start3A_133 = tpu.memref_slice %arg14[%add3A_44, %dma_start3A_132] : memref<10240x144xf32, #tpu.memory_space<vmem_shared>> -> memref<80x144xf32, #tpu.memory_space<vmem_shared>>
      %dma_start3A_134 = arith.constant 0 : i32
      %dma_start3A_135 = tpu.memref_slice %arg14[%add3A_44, %dma_start3A_134] : memref<10240x144xf32, #tpu.memory_space<vmem_shared>> -> memref<80x144xf32, #tpu.memory_space<vmem_shared>>
      %dma_start3A_136 = arith.constant 0 : i32
      %dma_start3A_137 = arith.constant 0 : i32
      %dma_start3A_138 = tpu.memref_slice %arg12[%dma_start3A_136, %dma_start3A_137] : memref<80x144xf32, #tpu.memory_space<vmem>> -> memref<80x144xf32, #tpu.memory_space<vmem>>
      tpu.enqueue_dma source(%dma_start3A_138 : memref<80x144xf32, #tpu.memory_space<vmem>>) target(%dma_start3A_135 : memref<80x144xf32, #tpu.memory_space<vmem_shared>>) target_semaphore(%run_scoped3A_128 : memref<!tpu.dma_semaphore, #tpu.memory_space<semaphore_mem>>)
      %dma_wait3A_139 = arith.constant 0 : i32
      %dma_wait3A_140 = arith.constant 0 : i32
      %dma_wait3A_141 = tpu.memref_slice %arg12[%dma_wait3A_139, %dma_wait3A_140] : memref<80x144xf32, #tpu.memory_space<vmem>> -> memref<80x144xf32, #tpu.memory_space<vmem>>
      %dma_wait3A_142 = arith.constant 0 : i32
      %dma_wait3A_143 = tpu.memref_slice %arg14[%add3A_44, %dma_wait3A_142] : memref<10240x144xf32, #tpu.memory_space<vmem_shared>> -> memref<80x144xf32, #tpu.memory_space<vmem_shared>>
      %dma_wait3A_144 = arith.constant 0 : i32
      %dma_wait3A_145 = tpu.memref_slice %arg14[%add3A_44, %dma_wait3A_144] : memref<10240x144xf32, #tpu.memory_space<vmem_shared>> -> memref<80x144xf32, #tpu.memory_space<vmem_shared>>
      %dma_wait3A_146 = arith.constant 0 : i32
      %dma_wait3A_147 = arith.constant 0 : i32
      %dma_wait3A_148 = tpu.memref_slice %arg12[%dma_wait3A_146, %dma_wait3A_147] : memref<80x144xf32, #tpu.memory_space<vmem>> -> memref<80x144xf32, #tpu.memory_space<vmem>>
      tpu.wait_dma2 semaphore(%run_scoped3A_128 : memref<!tpu.dma_semaphore, #tpu.memory_space<semaphore_mem>>) src(%dma_wait3A_148 : memref<80x144xf32, #tpu.memory_space<vmem>>) dst(%dma_wait3A_145 : memref<80x144xf32, #tpu.memory_space<vmem_shared>>)
      tpu.yield
    }) : () -> ()
    %mul3A_45 = arith.constant 640 : i32
    %mul3A_46 = arith.muli %arg1, %mul3A_45 : i32
    %add3A_47 = arith.constant 240 : i32
    %add3A_48 = arith.addi %mul3A_46, %add3A_47 : i32
    "tpu.region"() ({
      %run_scoped3A_128 = tpu.sem_alloc : memref<!tpu.dma_semaphore, #tpu.memory_space<semaphore_mem>>
      %dma_start3A_129 = arith.constant 0 : i32
      %dma_start3A_130 = arith.constant 0 : i32
      %dma_start3A_131 = tpu.memref_slice %arg12[%dma_start3A_129, %dma_start3A_130] : memref<80x144xf32, #tpu.memory_space<vmem>> -> memref<80x144xf32, #tpu.memory_space<vmem>>
      %dma_start3A_132 = arith.constant 0 : i32
      %dma_start3A_133 = tpu.memref_slice %arg14[%add3A_48, %dma_start3A_132] : memref<10240x144xf32, #tpu.memory_space<vmem_shared>> -> memref<80x144xf32, #tpu.memory_space<vmem_shared>>
      %dma_start3A_134 = arith.constant 0 : i32
      %dma_start3A_135 = tpu.memref_slice %arg14[%add3A_48, %dma_start3A_134] : memref<10240x144xf32, #tpu.memory_space<vmem_shared>> -> memref<80x144xf32, #tpu.memory_space<vmem_shared>>
      %dma_start3A_136 = arith.constant 0 : i32
      %dma_start3A_137 = arith.constant 0 : i32
      %dma_start3A_138 = tpu.memref_slice %arg12[%dma_start3A_136, %dma_start3A_137] : memref<80x144xf32, #tpu.memory_space<vmem>> -> memref<80x144xf32, #tpu.memory_space<vmem>>
      tpu.enqueue_dma source(%dma_start3A_138 : memref<80x144xf32, #tpu.memory_space<vmem>>) target(%dma_start3A_135 : memref<80x144xf32, #tpu.memory_space<vmem_shared>>) target_semaphore(%run_scoped3A_128 : memref<!tpu.dma_semaphore, #tpu.memory_space<semaphore_mem>>)
      %dma_wait3A_139 = arith.constant 0 : i32
      %dma_wait3A_140 = arith.constant 0 : i32
      %dma_wait3A_141 = tpu.memref_slice %arg12[%dma_wait3A_139, %dma_wait3A_140] : memref<80x144xf32, #tpu.memory_space<vmem>> -> memref<80x144xf32, #tpu.memory_space<vmem>>
      %dma_wait3A_142 = arith.constant 0 : i32
      %dma_wait3A_143 = tpu.memref_slice %arg14[%add3A_48, %dma_wait3A_142] : memref<10240x144xf32, #tpu.memory_space<vmem_shared>> -> memref<80x144xf32, #tpu.memory_space<vmem_shared>>
      %dma_wait3A_144 = arith.constant 0 : i32
      %dma_wait3A_145 = tpu.memref_slice %arg14[%add3A_48, %dma_wait3A_144] : memref<10240x144xf32, #tpu.memory_space<vmem_shared>> -> memref<80x144xf32, #tpu.memory_space<vmem_shared>>
      %dma_wait3A_146 = arith.constant 0 : i32
      %dma_wait3A_147 = arith.constant 0 : i32
      %dma_wait3A_148 = tpu.memref_slice %arg12[%dma_wait3A_146, %dma_wait3A_147] : memref<80x144xf32, #tpu.memory_space<vmem>> -> memref<80x144xf32, #tpu.memory_space<vmem>>
      tpu.wait_dma2 semaphore(%run_scoped3A_128 : memref<!tpu.dma_semaphore, #tpu.memory_space<semaphore_mem>>) src(%dma_wait3A_148 : memref<80x144xf32, #tpu.memory_space<vmem>>) dst(%dma_wait3A_145 : memref<80x144xf32, #tpu.memory_space<vmem_shared>>)
      tpu.yield
    }) : () -> ()
    %mul3A_49 = arith.constant 640 : i32
    %mul3A_50 = arith.muli %arg1, %mul3A_49 : i32
    %add3A_51 = arith.constant 320 : i32
    %add3A_52 = arith.addi %mul3A_50, %add3A_51 : i32
    "tpu.region"() ({
      %run_scoped3A_128 = tpu.sem_alloc : memref<!tpu.dma_semaphore, #tpu.memory_space<semaphore_mem>>
      %dma_start3A_129 = arith.constant 0 : i32
      %dma_start3A_130 = arith.constant 0 : i32
      %dma_start3A_131 = tpu.memref_slice %arg12[%dma_start3A_129, %dma_start3A_130] : memref<80x144xf32, #tpu.memory_space<vmem>> -> memref<80x144xf32, #tpu.memory_space<vmem>>
      %dma_start3A_132 = arith.constant 0 : i32
      %dma_start3A_133 = tpu.memref_slice %arg14[%add3A_52, %dma_start3A_132] : memref<10240x144xf32, #tpu.memory_space<vmem_shared>> -> memref<80x144xf32, #tpu.memory_space<vmem_shared>>
      %dma_start3A_134 = arith.constant 0 : i32
      %dma_start3A_135 = tpu.memref_slice %arg14[%add3A_52, %dma_start3A_134] : memref<10240x144xf32, #tpu.memory_space<vmem_shared>> -> memref<80x144xf32, #tpu.memory_space<vmem_shared>>
      %dma_start3A_136 = arith.constant 0 : i32
      %dma_start3A_137 = arith.constant 0 : i32
      %dma_start3A_138 = tpu.memref_slice %arg12[%dma_start3A_136, %dma_start3A_137] : memref<80x144xf32, #tpu.memory_space<vmem>> -> memref<80x144xf32, #tpu.memory_space<vmem>>
      tpu.enqueue_dma source(%dma_start3A_138 : memref<80x144xf32, #tpu.memory_space<vmem>>) target(%dma_start3A_135 : memref<80x144xf32, #tpu.memory_space<vmem_shared>>) target_semaphore(%run_scoped3A_128 : memref<!tpu.dma_semaphore, #tpu.memory_space<semaphore_mem>>)
      %dma_wait3A_139 = arith.constant 0 : i32
      %dma_wait3A_140 = arith.constant 0 : i32
      %dma_wait3A_141 = tpu.memref_slice %arg12[%dma_wait3A_139, %dma_wait3A_140] : memref<80x144xf32, #tpu.memory_space<vmem>> -> memref<80x144xf32, #tpu.memory_space<vmem>>
      %dma_wait3A_142 = arith.constant 0 : i32
      %dma_wait3A_143 = tpu.memref_slice %arg14[%add3A_52, %dma_wait3A_142] : memref<10240x144xf32, #tpu.memory_space<vmem_shared>> -> memref<80x144xf32, #tpu.memory_space<vmem_shared>>
      %dma_wait3A_144 = arith.constant 0 : i32
      %dma_wait3A_145 = tpu.memref_slice %arg14[%add3A_52, %dma_wait3A_144] : memref<10240x144xf32, #tpu.memory_space<vmem_shared>> -> memref<80x144xf32, #tpu.memory_space<vmem_shared>>
      %dma_wait3A_146 = arith.constant 0 : i32
      %dma_wait3A_147 = arith.constant 0 : i32
      %dma_wait3A_148 = tpu.memref_slice %arg12[%dma_wait3A_146, %dma_wait3A_147] : memref<80x144xf32, #tpu.memory_space<vmem>> -> memref<80x144xf32, #tpu.memory_space<vmem>>
      tpu.wait_dma2 semaphore(%run_scoped3A_128 : memref<!tpu.dma_semaphore, #tpu.memory_space<semaphore_mem>>) src(%dma_wait3A_148 : memref<80x144xf32, #tpu.memory_space<vmem>>) dst(%dma_wait3A_145 : memref<80x144xf32, #tpu.memory_space<vmem_shared>>)
      tpu.yield
    }) : () -> ()
    %mul3A_53 = arith.constant 640 : i32
    %mul3A_54 = arith.muli %arg1, %mul3A_53 : i32
    %add3A_55 = arith.constant 400 : i32
    %add3A_56 = arith.addi %mul3A_54, %add3A_55 : i32
    "tpu.region"() ({
      %run_scoped3A_128 = tpu.sem_alloc : memref<!tpu.dma_semaphore, #tpu.memory_space<semaphore_mem>>
      %dma_start3A_129 = arith.constant 0 : i32
      %dma_start3A_130 = arith.constant 0 : i32
      %dma_start3A_131 = tpu.memref_slice %arg12[%dma_start3A_129, %dma_start3A_130] : memref<80x144xf32, #tpu.memory_space<vmem>> -> memref<80x144xf32, #tpu.memory_space<vmem>>
      %dma_start3A_132 = arith.constant 0 : i32
      %dma_start3A_133 = tpu.memref_slice %arg14[%add3A_56, %dma_start3A_132] : memref<10240x144xf32, #tpu.memory_space<vmem_shared>> -> memref<80x144xf32, #tpu.memory_space<vmem_shared>>
      %dma_start3A_134 = arith.constant 0 : i32
      %dma_start3A_135 = tpu.memref_slice %arg14[%add3A_56, %dma_start3A_134] : memref<10240x144xf32, #tpu.memory_space<vmem_shared>> -> memref<80x144xf32, #tpu.memory_space<vmem_shared>>
      %dma_start3A_136 = arith.constant 0 : i32
      %dma_start3A_137 = arith.constant 0 : i32
      %dma_start3A_138 = tpu.memref_slice %arg12[%dma_start3A_136, %dma_start3A_137] : memref<80x144xf32, #tpu.memory_space<vmem>> -> memref<80x144xf32, #tpu.memory_space<vmem>>
      tpu.enqueue_dma source(%dma_start3A_138 : memref<80x144xf32, #tpu.memory_space<vmem>>) target(%dma_start3A_135 : memref<80x144xf32, #tpu.memory_space<vmem_shared>>) target_semaphore(%run_scoped3A_128 : memref<!tpu.dma_semaphore, #tpu.memory_space<semaphore_mem>>)
      %dma_wait3A_139 = arith.constant 0 : i32
      %dma_wait3A_140 = arith.constant 0 : i32
      %dma_wait3A_141 = tpu.memref_slice %arg12[%dma_wait3A_139, %dma_wait3A_140] : memref<80x144xf32, #tpu.memory_space<vmem>> -> memref<80x144xf32, #tpu.memory_space<vmem>>
      %dma_wait3A_142 = arith.constant 0 : i32
      %dma_wait3A_143 = tpu.memref_slice %arg14[%add3A_56, %dma_wait3A_142] : memref<10240x144xf32, #tpu.memory_space<vmem_shared>> -> memref<80x144xf32, #tpu.memory_space<vmem_shared>>
      %dma_wait3A_144 = arith.constant 0 : i32
      %dma_wait3A_145 = tpu.memref_slice %arg14[%add3A_56, %dma_wait3A_144] : memref<10240x144xf32, #tpu.memory_space<vmem_shared>> -> memref<80x144xf32, #tpu.memory_space<vmem_shared>>
      %dma_wait3A_146 = arith.constant 0 : i32
      %dma_wait3A_147 = arith.constant 0 : i32
      %dma_wait3A_148 = tpu.memref_slice %arg12[%dma_wait3A_146, %dma_wait3A_147] : memref<80x144xf32, #tpu.memory_space<vmem>> -> memref<80x144xf32, #tpu.memory_space<vmem>>
      tpu.wait_dma2 semaphore(%run_scoped3A_128 : memref<!tpu.dma_semaphore, #tpu.memory_space<semaphore_mem>>) src(%dma_wait3A_148 : memref<80x144xf32, #tpu.memory_space<vmem>>) dst(%dma_wait3A_145 : memref<80x144xf32, #tpu.memory_space<vmem_shared>>)
      tpu.yield
    }) : () -> ()
    %mul3A_57 = arith.constant 640 : i32
    %mul3A_58 = arith.muli %arg1, %mul3A_57 : i32
    %add3A_59 = arith.constant 480 : i32
    %add3A_60 = arith.addi %mul3A_58, %add3A_59 : i32
    "tpu.region"() ({
      %run_scoped3A_128 = tpu.sem_alloc : memref<!tpu.dma_semaphore, #tpu.memory_space<semaphore_mem>>
      %dma_start3A_129 = arith.constant 0 : i32
      %dma_start3A_130 = arith.constant 0 : i32
      %dma_start3A_131 = tpu.memref_slice %arg12[%dma_start3A_129, %dma_start3A_130] : memref<80x144xf32, #tpu.memory_space<vmem>> -> memref<80x144xf32, #tpu.memory_space<vmem>>
      %dma_start3A_132 = arith.constant 0 : i32
      %dma_start3A_133 = tpu.memref_slice %arg14[%add3A_60, %dma_start3A_132] : memref<10240x144xf32, #tpu.memory_space<vmem_shared>> -> memref<80x144xf32, #tpu.memory_space<vmem_shared>>
      %dma_start3A_134 = arith.constant 0 : i32
      %dma_start3A_135 = tpu.memref_slice %arg14[%add3A_60, %dma_start3A_134] : memref<10240x144xf32, #tpu.memory_space<vmem_shared>> -> memref<80x144xf32, #tpu.memory_space<vmem_shared>>
      %dma_start3A_136 = arith.constant 0 : i32
      %dma_start3A_137 = arith.constant 0 : i32
      %dma_start3A_138 = tpu.memref_slice %arg12[%dma_start3A_136, %dma_start3A_137] : memref<80x144xf32, #tpu.memory_space<vmem>> -> memref<80x144xf32, #tpu.memory_space<vmem>>
      tpu.enqueue_dma source(%dma_start3A_138 : memref<80x144xf32, #tpu.memory_space<vmem>>) target(%dma_start3A_135 : memref<80x144xf32, #tpu.memory_space<vmem_shared>>) target_semaphore(%run_scoped3A_128 : memref<!tpu.dma_semaphore, #tpu.memory_space<semaphore_mem>>)
      %dma_wait3A_139 = arith.constant 0 : i32
      %dma_wait3A_140 = arith.constant 0 : i32
      %dma_wait3A_141 = tpu.memref_slice %arg12[%dma_wait3A_139, %dma_wait3A_140] : memref<80x144xf32, #tpu.memory_space<vmem>> -> memref<80x144xf32, #tpu.memory_space<vmem>>
      %dma_wait3A_142 = arith.constant 0 : i32
      %dma_wait3A_143 = tpu.memref_slice %arg14[%add3A_60, %dma_wait3A_142] : memref<10240x144xf32, #tpu.memory_space<vmem_shared>> -> memref<80x144xf32, #tpu.memory_space<vmem_shared>>
      %dma_wait3A_144 = arith.constant 0 : i32
      %dma_wait3A_145 = tpu.memref_slice %arg14[%add3A_60, %dma_wait3A_144] : memref<10240x144xf32, #tpu.memory_space<vmem_shared>> -> memref<80x144xf32, #tpu.memory_space<vmem_shared>>
      %dma_wait3A_146 = arith.constant 0 : i32
      %dma_wait3A_147 = arith.constant 0 : i32
      %dma_wait3A_148 = tpu.memref_slice %arg12[%dma_wait3A_146, %dma_wait3A_147] : memref<80x144xf32, #tpu.memory_space<vmem>> -> memref<80x144xf32, #tpu.memory_space<vmem>>
      tpu.wait_dma2 semaphore(%run_scoped3A_128 : memref<!tpu.dma_semaphore, #tpu.memory_space<semaphore_mem>>) src(%dma_wait3A_148 : memref<80x144xf32, #tpu.memory_space<vmem>>) dst(%dma_wait3A_145 : memref<80x144xf32, #tpu.memory_space<vmem_shared>>)
      tpu.yield
    }) : () -> ()
    %mul3A_61 = arith.constant 640 : i32
    %mul3A_62 = arith.muli %arg1, %mul3A_61 : i32
    %add3A_63 = arith.constant 560 : i32
    %add3A_64 = arith.addi %mul3A_62, %add3A_63 : i32
    "tpu.region"() ({
      %run_scoped3A_128 = tpu.sem_alloc : memref<!tpu.dma_semaphore, #tpu.memory_space<semaphore_mem>>
      %dma_start3A_129 = arith.constant 0 : i32
      %dma_start3A_130 = arith.constant 0 : i32
      %dma_start3A_131 = tpu.memref_slice %arg12[%dma_start3A_129, %dma_start3A_130] : memref<80x144xf32, #tpu.memory_space<vmem>> -> memref<80x144xf32, #tpu.memory_space<vmem>>
      %dma_start3A_132 = arith.constant 0 : i32
      %dma_start3A_133 = tpu.memref_slice %arg14[%add3A_64, %dma_start3A_132] : memref<10240x144xf32, #tpu.memory_space<vmem_shared>> -> memref<80x144xf32, #tpu.memory_space<vmem_shared>>
      %dma_start3A_134 = arith.constant 0 : i32
      %dma_start3A_135 = tpu.memref_slice %arg14[%add3A_64, %dma_start3A_134] : memref<10240x144xf32, #tpu.memory_space<vmem_shared>> -> memref<80x144xf32, #tpu.memory_space<vmem_shared>>
      %dma_start3A_136 = arith.constant 0 : i32
      %dma_start3A_137 = arith.constant 0 : i32
      %dma_start3A_138 = tpu.memref_slice %arg12[%dma_start3A_136, %dma_start3A_137] : memref<80x144xf32, #tpu.memory_space<vmem>> -> memref<80x144xf32, #tpu.memory_space<vmem>>
      tpu.enqueue_dma source(%dma_start3A_138 : memref<80x144xf32, #tpu.memory_space<vmem>>) target(%dma_start3A_135 : memref<80x144xf32, #tpu.memory_space<vmem_shared>>) target_semaphore(%run_scoped3A_128 : memref<!tpu.dma_semaphore, #tpu.memory_space<semaphore_mem>>)
      %dma_wait3A_139 = arith.constant 0 : i32
      %dma_wait3A_140 = arith.constant 0 : i32
      %dma_wait3A_141 = tpu.memref_slice %arg12[%dma_wait3A_139, %dma_wait3A_140] : memref<80x144xf32, #tpu.memory_space<vmem>> -> memref<80x144xf32, #tpu.memory_space<vmem>>
      %dma_wait3A_142 = arith.constant 0 : i32
      %dma_wait3A_143 = tpu.memref_slice %arg14[%add3A_64, %dma_wait3A_142] : memref<10240x144xf32, #tpu.memory_space<vmem_shared>> -> memref<80x144xf32, #tpu.memory_space<vmem_shared>>
      %dma_wait3A_144 = arith.constant 0 : i32
      %dma_wait3A_145 = tpu.memref_slice %arg14[%add3A_64, %dma_wait3A_144] : memref<10240x144xf32, #tpu.memory_space<vmem_shared>> -> memref<80x144xf32, #tpu.memory_space<vmem_shared>>
      %dma_wait3A_146 = arith.constant 0 : i32
      %dma_wait3A_147 = arith.constant 0 : i32
      %dma_wait3A_148 = tpu.memref_slice %arg12[%dma_wait3A_146, %dma_wait3A_147] : memref<80x144xf32, #tpu.memory_space<vmem>> -> memref<80x144xf32, #tpu.memory_space<vmem>>
      tpu.wait_dma2 semaphore(%run_scoped3A_128 : memref<!tpu.dma_semaphore, #tpu.memory_space<semaphore_mem>>) src(%dma_wait3A_148 : memref<80x144xf32, #tpu.memory_space<vmem>>) dst(%dma_wait3A_145 : memref<80x144xf32, #tpu.memory_space<vmem_shared>>)
      tpu.yield
    }) : () -> ()
    %barrier3A = arith.constant 0 : index
    tpu.barrier barrier_id(%barrier3A)
    %div3A = arith.constant 0 : i32
    %div3A_65 = arith.constant 25 : i32
    %div3A_66 = arith.divsi %div3A, %div3A_65 : i32
    %rem3A = arith.constant 2 : i32
    %rem3A_67 = arith.remsi %div3A_66, %rem3A : i32
    %rem3A_68 = arith.constant 0 : i32
    %rem3A_69 = arith.constant 25 : i32
    %rem3A_70 = arith.remsi %rem3A_68, %rem3A_69 : i32
    %mul3A_71 = arith.constant 40 : i32
    %mul3A_72 = arith.muli %rem3A_70, %mul3A_71 : i32
    %dma_start3A = arith.constant 0 : i32
    %dma_start3A_73 = arith.constant 0 : i32
    %dma_start3A_74 = tpu.memref_slice %arg10[%dma_start3A, %dma_start3A_73] : memref<80x128xf32, #tpu.memory_space<vmem>> -> memref<40x128xf32, #tpu.memory_space<vmem>>
    %dma_start3A_75 = tpu.memref_slice %arg8[%rem3A_67, %mul3A_72] : memref<2x1000xi32, #tpu.memory_space<vmem>> -> memref<1x40xi32, #tpu.memory_space<vmem>>
    %dma_start3A_76 = tpu.memref_squeeze %dma_start3A_75 : memref<1x40xi32, #tpu.memory_space<vmem>> -> memref<40xi32, #tpu.memory_space<vmem>>
    %dma_start3A_77 = arith.constant 0 : i32
    %dma_start3A_78 = arith.constant 0 : i32
    %dma_start3A_79 = tpu.memref_slice %arg2[%dma_start3A_77, %dma_start3A_78] : memref<10000x128xf32, #tpu.memory_space<hbm>> -> memref<10000x128xf32, #tpu.memory_space<hbm>>
    tpu.enqueue_indirect_dma source(%dma_start3A_79 : memref<10000x128xf32, #tpu.memory_space<hbm>>) target(%dma_start3A_74 : memref<40x128xf32, #tpu.memory_space<vmem>>) offsets(%dma_start3A_76 : memref<40xi32, #tpu.memory_space<vmem>>) semaphore(%arg15 : memref<!tpu.dma_semaphore, #tpu.memory_space<semaphore_mem>>)
    %div3A_80 = arith.constant 0 : i32
    %div3A_81 = arith.constant 25 : i32
    %div3A_82 = arith.divsi %div3A_80, %div3A_81 : i32
    %rem3A_83 = arith.constant 2 : i32
    %rem3A_84 = arith.remsi %div3A_82, %rem3A_83 : i32
    %rem3A_85 = arith.constant 0 : i32
    %rem3A_86 = arith.constant 25 : i32
    %rem3A_87 = arith.remsi %rem3A_85, %rem3A_86 : i32
    %mul3A_88 = arith.constant 40 : i32
    %mul3A_89 = arith.muli %rem3A_87, %mul3A_88 : i32
    %dma_start3A_90 = arith.constant 0 : i32
    %dma_start3A_91 = arith.constant 0 : i32
    %dma_start3A_92 = tpu.memref_slice %arg11[%dma_start3A_90, %dma_start3A_91] : memref<80x128xf32, #tpu.memory_space<vmem>> -> memref<40x128xf32, #tpu.memory_space<vmem>>
    %dma_start3A_93 = tpu.memref_slice %arg9[%rem3A_84, %mul3A_89] : memref<2x1000xi32, #tpu.memory_space<vmem>> -> memref<1x40xi32, #tpu.memory_space<vmem>>
    %dma_start3A_94 = tpu.memref_squeeze %dma_start3A_93 : memref<1x40xi32, #tpu.memory_space<vmem>> -> memref<40xi32, #tpu.memory_space<vmem>>
    %dma_start3A_95 = arith.constant 0 : i32
    %dma_start3A_96 = arith.constant 0 : i32
    %dma_start3A_97 = tpu.memref_slice %arg3[%dma_start3A_95, %dma_start3A_96] : memref<10000x128xf32, #tpu.memory_space<hbm>> -> memref<10000x128xf32, #tpu.memory_space<hbm>>
    tpu.enqueue_indirect_dma source(%dma_start3A_97 : memref<10000x128xf32, #tpu.memory_space<hbm>>) target(%dma_start3A_92 : memref<40x128xf32, #tpu.memory_space<vmem>>) offsets(%dma_start3A_94 : memref<40xi32, #tpu.memory_space<vmem>>) semaphore(%arg17 : memref<!tpu.dma_semaphore, #tpu.memory_space<semaphore_mem>>)
    %scan3A_98 = arith.constant 0 : i32
    %scan3A_99 = arith.constant 0 : i32
    %scan3A_100 = arith.constant 125 : i32
    %scan3A_101 = arith.addi %scan3A_99, %scan3A_100 : i32
    %scan3A_102 = arith.constant 1 : i32
    scf.for %scan3A_128 = %scan3A_99 to %scan3A_101 step %scan3A_102  : i32 {
      %mul3A_129 = arith.constant 2 : i32
      %mul3A_130 = arith.muli %scan3A_128, %mul3A_129 : i32
      %div3A_131 = arith.constant 25 : i32
      %div3A_132 = arith.divsi %mul3A_130, %div3A_131 : i32
      %rem3A_133 = arith.constant 25 : i32
      %rem3A_134 = arith.remsi %mul3A_130, %rem3A_133 : i32
      %eq3A = arith.constant 2 : i32
      %eq3A_135 = arith.cmpi eq, %rem3A_134, %eq3A : i32
      %add3A_136 = arith.constant 1 : i32
      %add3A_137 = arith.addi %div3A_132, %add3A_136 : i32
      %lt3A = arith.constant 10 : i32
      %lt3A_138 = arith.cmpi slt, %add3A_137, %lt3A : i32
      %and3A = arith.andi %eq3A_135, %lt3A_138 : i1
      %convert_element_type3A = arith.extui %and3A : i1 to i32
      %cond3A = arith.constant 0 : i32
      %cond3A_139 = arith.cmpi ne, %convert_element_type3A, %cond3A : i32
      scf.if %cond3A_139 {
        %add3A_315 = arith.constant 1 : i32
        %add3A_316 = arith.addi %div3A_132, %add3A_315 : i32
        %rem3A_317 = arith.constant 2 : i32
        %rem3A_318 = arith.remsi %add3A_316, %rem3A_317 : i32
        %add3A_319 = arith.constant 1 : i32
        %add3A_320 = arith.addi %div3A_132, %add3A_319 : i32
        %mul3A_321 = arith.constant 1000 : i32
        %mul3A_322 = arith.muli %add3A_320, %mul3A_321 : i32
        %add3A_323 = arith.addi %mul3A_2, %mul3A_322 : i32
        %dma_start3A_324 = arith.constant 0 : i32
        %dma_start3A_325 = tpu.memref_slice %arg8[%rem3A_318, %dma_start3A_324] : memref<2x1000xi32, #tpu.memory_space<vmem>> -> memref<1x1000xi32, #tpu.memory_space<vmem>>
        %dma_start3A_326 = tpu.memref_squeeze %dma_start3A_325 : memref<1x1000xi32, #tpu.memory_space<vmem>> -> memref<1000xi32, #tpu.memory_space<vmem>>
        %dma_start3A_327 = tpu.memref_slice %arg4[%add3A_323] : memref<320000xi32, #tpu.memory_space<hbm>> -> memref<1000xi32, #tpu.memory_space<hbm>>
        %dma_start3A_328 = arith.constant 0 : i32
        %dma_start3A_329 = tpu.memref_slice %arg8[%rem3A_318, %dma_start3A_328] : memref<2x1000xi32, #tpu.memory_space<vmem>> -> memref<1x1000xi32, #tpu.memory_space<vmem>>
        %dma_start3A_330 = tpu.memref_squeeze %dma_start3A_329 : memref<1x1000xi32, #tpu.memory_space<vmem>> -> memref<1000xi32, #tpu.memory_space<vmem>>
        %dma_start3A_331 = tpu.memref_slice %arg4[%add3A_323] : memref<320000xi32, #tpu.memory_space<hbm>> -> memref<1000xi32, #tpu.memory_space<hbm>>
        tpu.enqueue_dma source(%dma_start3A_331 : memref<1000xi32, #tpu.memory_space<hbm>>) target(%dma_start3A_330 : memref<1000xi32, #tpu.memory_space<vmem>>) target_semaphore(%arg21 : memref<!tpu.dma_semaphore, #tpu.memory_space<semaphore_mem>>)
        %dma_start3A_332 = arith.constant 0 : i32
        %dma_start3A_333 = tpu.memref_slice %arg9[%rem3A_318, %dma_start3A_332] : memref<2x1000xi32, #tpu.memory_space<vmem>> -> memref<1x1000xi32, #tpu.memory_space<vmem>>
        %dma_start3A_334 = tpu.memref_squeeze %dma_start3A_333 : memref<1x1000xi32, #tpu.memory_space<vmem>> -> memref<1000xi32, #tpu.memory_space<vmem>>
        %dma_start3A_335 = tpu.memref_slice %arg5[%add3A_323] : memref<320000xi32, #tpu.memory_space<hbm>> -> memref<1000xi32, #tpu.memory_space<hbm>>
        %dma_start3A_336 = arith.constant 0 : i32
        %dma_start3A_337 = tpu.memref_slice %arg9[%rem3A_318, %dma_start3A_336] : memref<2x1000xi32, #tpu.memory_space<vmem>> -> memref<1x1000xi32, #tpu.memory_space<vmem>>
        %dma_start3A_338 = tpu.memref_squeeze %dma_start3A_337 : memref<1x1000xi32, #tpu.memory_space<vmem>> -> memref<1000xi32, #tpu.memory_space<vmem>>
        %dma_start3A_339 = tpu.memref_slice %arg5[%add3A_323] : memref<320000xi32, #tpu.memory_space<hbm>> -> memref<1000xi32, #tpu.memory_space<hbm>>
        tpu.enqueue_dma source(%dma_start3A_339 : memref<1000xi32, #tpu.memory_space<hbm>>) target(%dma_start3A_338 : memref<1000xi32, #tpu.memory_space<vmem>>) target_semaphore(%arg21 : memref<!tpu.dma_semaphore, #tpu.memory_space<semaphore_mem>>)
      } else {
      }
      %div3A_140 = arith.constant 25 : i32
      %div3A_141 = arith.divsi %mul3A_130, %div3A_140 : i32
      %rem3A_142 = arith.constant 25 : i32
      %rem3A_143 = arith.remsi %mul3A_130, %rem3A_142 : i32
      %eq3A_144 = arith.constant 22 : i32
      %eq3A_145 = arith.cmpi eq, %rem3A_143, %eq3A_144 : i32
      %add3A_146 = arith.constant 1 : i32
      %add3A_147 = arith.addi %div3A_141, %add3A_146 : i32
      %lt3A_148 = arith.constant 10 : i32
      %lt3A_149 = arith.cmpi slt, %add3A_147, %lt3A_148 : i32
      %and3A_150 = arith.andi %eq3A_145, %lt3A_149 : i1
      %convert_element_type3A_151 = arith.extui %and3A_150 : i1 to i32
      %cond3A_152 = arith.constant 0 : i32
      %cond3A_153 = arith.cmpi ne, %convert_element_type3A_151, %cond3A_152 : i32
      scf.if %cond3A_153 {
        %dma_wait3A_315 = arith.constant 0 : i32
        %dma_wait3A_316 = arith.constant 0 : i32
        %dma_wait3A_317 = tpu.memref_slice %arg8[%dma_wait3A_315, %dma_wait3A_316] : memref<2x1000xi32, #tpu.memory_space<vmem>> -> memref<1x1000xi32, #tpu.memory_space<vmem>>
        %dma_wait3A_318 = tpu.memref_squeeze %dma_wait3A_317 : memref<1x1000xi32, #tpu.memory_space<vmem>> -> memref<1000xi32, #tpu.memory_space<vmem>>
        %dma_wait3A_319 = tpu.memref_slice %arg4[%mul3A_2] : memref<320000xi32, #tpu.memory_space<hbm>> -> memref<1000xi32, #tpu.memory_space<hbm>>
        %dma_wait3A_320 = arith.constant 0 : i32
        %dma_wait3A_321 = tpu.memref_slice %arg8[%dma_wait3A_315, %dma_wait3A_320] : memref<2x1000xi32, #tpu.memory_space<vmem>> -> memref<1x1000xi32, #tpu.memory_space<vmem>>
        %dma_wait3A_322 = tpu.memref_squeeze %dma_wait3A_321 : memref<1x1000xi32, #tpu.memory_space<vmem>> -> memref<1000xi32, #tpu.memory_space<vmem>>
        %dma_wait3A_323 = tpu.memref_slice %arg4[%mul3A_2] : memref<320000xi32, #tpu.memory_space<hbm>> -> memref<1000xi32, #tpu.memory_space<hbm>>
        tpu.wait_dma2 semaphore(%arg21 : memref<!tpu.dma_semaphore, #tpu.memory_space<semaphore_mem>>) src(%dma_wait3A_323 : memref<1000xi32, #tpu.memory_space<hbm>>) dst(%dma_wait3A_322 : memref<1000xi32, #tpu.memory_space<vmem>>)
        %dma_wait3A_324 = arith.constant 0 : i32
        %dma_wait3A_325 = arith.constant 0 : i32
        %dma_wait3A_326 = tpu.memref_slice %arg9[%dma_wait3A_324, %dma_wait3A_325] : memref<2x1000xi32, #tpu.memory_space<vmem>> -> memref<1x1000xi32, #tpu.memory_space<vmem>>
        %dma_wait3A_327 = tpu.memref_squeeze %dma_wait3A_326 : memref<1x1000xi32, #tpu.memory_space<vmem>> -> memref<1000xi32, #tpu.memory_space<vmem>>
        %dma_wait3A_328 = tpu.memref_slice %arg5[%mul3A_2] : memref<320000xi32, #tpu.memory_space<hbm>> -> memref<1000xi32, #tpu.memory_space<hbm>>
        %dma_wait3A_329 = arith.constant 0 : i32
        %dma_wait3A_330 = tpu.memref_slice %arg9[%dma_wait3A_324, %dma_wait3A_329] : memref<2x1000xi32, #tpu.memory_space<vmem>> -> memref<1x1000xi32, #tpu.memory_space<vmem>>
        %dma_wait3A_331 = tpu.memref_squeeze %dma_wait3A_330 : memref<1x1000xi32, #tpu.memory_space<vmem>> -> memref<1000xi32, #tpu.memory_space<vmem>>
        %dma_wait3A_332 = tpu.memref_slice %arg5[%mul3A_2] : memref<320000xi32, #tpu.memory_space<hbm>> -> memref<1000xi32, #tpu.memory_space<hbm>>
        tpu.wait_dma2 semaphore(%arg21 : memref<!tpu.dma_semaphore, #tpu.memory_space<semaphore_mem>>) src(%dma_wait3A_332 : memref<1000xi32, #tpu.memory_space<hbm>>) dst(%dma_wait3A_331 : memref<1000xi32, #tpu.memory_space<vmem>>)
      } else {
      }
      %add3A_154 = arith.constant 1 : i32
      %add3A_155 = arith.addi %mul3A_130, %add3A_154 : i32
      %div3A_156 = arith.constant 25 : i32
      %div3A_157 = arith.divsi %add3A_155, %div3A_156 : i32
      %rem3A_158 = arith.constant 2 : i32
      %rem3A_159 = arith.remsi %div3A_157, %rem3A_158 : i32
      %rem3A_160 = arith.constant 25 : i32
      %rem3A_161 = arith.remsi %add3A_155, %rem3A_160 : i32
      %mul3A_162 = arith.constant 40 : i32
      %mul3A_163 = arith.muli %rem3A_161, %mul3A_162 : i32
      %dma_start3A_164 = arith.constant 40 : i32
      %dma_start3A_165 = arith.constant 0 : i32
      %dma_start3A_166 = tpu.memref_slice %arg10[%dma_start3A_164, %dma_start3A_165] : memref<80x128xf32, #tpu.memory_space<vmem>> -> memref<40x128xf32, #tpu.memory_space<vmem>>
      %dma_start3A_167 = tpu.memref_slice %arg8[%rem3A_159, %mul3A_163] : memref<2x1000xi32, #tpu.memory_space<vmem>> -> memref<1x40xi32, #tpu.memory_space<vmem>>
      %dma_start3A_168 = tpu.memref_squeeze %dma_start3A_167 : memref<1x40xi32, #tpu.memory_space<vmem>> -> memref<40xi32, #tpu.memory_space<vmem>>
      %dma_start3A_169 = arith.constant 0 : i32
      %dma_start3A_170 = arith.constant 0 : i32
      %dma_start3A_171 = tpu.memref_slice %arg2[%dma_start3A_169, %dma_start3A_170] : memref<10000x128xf32, #tpu.memory_space<hbm>> -> memref<10000x128xf32, #tpu.memory_space<hbm>>
      tpu.enqueue_indirect_dma source(%dma_start3A_171 : memref<10000x128xf32, #tpu.memory_space<hbm>>) target(%dma_start3A_166 : memref<40x128xf32, #tpu.memory_space<vmem>>) offsets(%dma_start3A_168 : memref<40xi32, #tpu.memory_space<vmem>>) semaphore(%arg16 : memref<!tpu.dma_semaphore, #tpu.memory_space<semaphore_mem>>)
      %div3A_172 = arith.constant 25 : i32
      %div3A_173 = arith.divsi %add3A_155, %div3A_172 : i32
      %rem3A_174 = arith.constant 2 : i32
      %rem3A_175 = arith.remsi %div3A_173, %rem3A_174 : i32
      %rem3A_176 = arith.constant 25 : i32
      %rem3A_177 = arith.remsi %add3A_155, %rem3A_176 : i32
      %mul3A_178 = arith.constant 40 : i32
      %mul3A_179 = arith.muli %rem3A_177, %mul3A_178 : i32
      %dma_start3A_180 = arith.constant 40 : i32
      %dma_start3A_181 = arith.constant 0 : i32
      %dma_start3A_182 = tpu.memref_slice %arg11[%dma_start3A_180, %dma_start3A_181] : memref<80x128xf32, #tpu.memory_space<vmem>> -> memref<40x128xf32, #tpu.memory_space<vmem>>
      %dma_start3A_183 = tpu.memref_slice %arg9[%rem3A_175, %mul3A_179] : memref<2x1000xi32, #tpu.memory_space<vmem>> -> memref<1x40xi32, #tpu.memory_space<vmem>>
      %dma_start3A_184 = tpu.memref_squeeze %dma_start3A_183 : memref<1x40xi32, #tpu.memory_space<vmem>> -> memref<40xi32, #tpu.memory_space<vmem>>
      %dma_start3A_185 = arith.constant 0 : i32
      %dma_start3A_186 = arith.constant 0 : i32
      %dma_start3A_187 = tpu.memref_slice %arg3[%dma_start3A_185, %dma_start3A_186] : memref<10000x128xf32, #tpu.memory_space<hbm>> -> memref<10000x128xf32, #tpu.memory_space<hbm>>
      tpu.enqueue_indirect_dma source(%dma_start3A_187 : memref<10000x128xf32, #tpu.memory_space<hbm>>) target(%dma_start3A_182 : memref<40x128xf32, #tpu.memory_space<vmem>>) offsets(%dma_start3A_184 : memref<40xi32, #tpu.memory_space<vmem>>) semaphore(%arg18 : memref<!tpu.dma_semaphore, #tpu.memory_space<semaphore_mem>>)
      %dma_wait3A_188 = arith.constant 0 : i32
      %dma_wait3A_189 = arith.constant 0 : i32
      %dma_wait3A_190 = arith.constant 0 : i32
      %dma_wait3A_191 = tpu.memref_slice %arg10[%dma_wait3A_189, %dma_wait3A_190] : memref<80x128xf32, #tpu.memory_space<vmem>> -> memref<40x128xf32, #tpu.memory_space<vmem>>
      %dma_wait3A_192 = arith.constant 0 : i32
      %dma_wait3A_193 = tpu.memref_slice %arg8[%dma_wait3A_188, %dma_wait3A_192] : memref<2x1000xi32, #tpu.memory_space<vmem>> -> memref<1x40xi32, #tpu.memory_space<vmem>>
      %dma_wait3A_194 = tpu.memref_squeeze %dma_wait3A_193 : memref<1x40xi32, #tpu.memory_space<vmem>> -> memref<40xi32, #tpu.memory_space<vmem>>
      %dma_wait3A_195 = arith.constant 0 : i32
      %dma_wait3A_196 = arith.constant 0 : i32
      %dma_wait3A_197 = tpu.memref_slice %arg2[%dma_wait3A_195, %dma_wait3A_196] : memref<10000x128xf32, #tpu.memory_space<hbm>> -> memref<10000x128xf32, #tpu.memory_space<hbm>>
      tpu.wait_indirect_dma semaphore(%arg15 : memref<!tpu.dma_semaphore, #tpu.memory_space<semaphore_mem>>) src(%dma_wait3A_197 : memref<10000x128xf32, #tpu.memory_space<hbm>>) dst(%dma_wait3A_191 : memref<40x128xf32, #tpu.memory_space<vmem>>)
      %dma_wait3A_198 = arith.constant 0 : i32
      %dma_wait3A_199 = arith.constant 0 : i32
      %dma_wait3A_200 = arith.constant 0 : i32
      %dma_wait3A_201 = tpu.memref_slice %arg11[%dma_wait3A_199, %dma_wait3A_200] : memref<80x128xf32, #tpu.memory_space<vmem>> -> memref<40x128xf32, #tpu.memory_space<vmem>>
      %dma_wait3A_202 = arith.constant 0 : i32
      %dma_wait3A_203 = tpu.memref_slice %arg8[%dma_wait3A_198, %dma_wait3A_202] : memref<2x1000xi32, #tpu.memory_space<vmem>> -> memref<1x40xi32, #tpu.memory_space<vmem>>
      %dma_wait3A_204 = tpu.memref_squeeze %dma_wait3A_203 : memref<1x40xi32, #tpu.memory_space<vmem>> -> memref<40xi32, #tpu.memory_space<vmem>>
      %dma_wait3A_205 = arith.constant 0 : i32
      %dma_wait3A_206 = arith.constant 0 : i32
      %dma_wait3A_207 = tpu.memref_slice %arg3[%dma_wait3A_205, %dma_wait3A_206] : memref<10000x128xf32, #tpu.memory_space<hbm>> -> memref<10000x128xf32, #tpu.memory_space<hbm>>
      tpu.wait_indirect_dma semaphore(%arg17 : memref<!tpu.dma_semaphore, #tpu.memory_space<semaphore_mem>>) src(%dma_wait3A_207 : memref<10000x128xf32, #tpu.memory_space<hbm>>) dst(%dma_wait3A_201 : memref<40x128xf32, #tpu.memory_space<vmem>>)
      %gt3A = arith.constant 0 : i32
      %gt3A_208 = arith.cmpi sgt, %scan3A_128, %gt3A : i32
      %convert_element_type3A_209 = arith.extui %gt3A_208 : i1 to i32
      %cond3A_210 = arith.constant 0 : i32
      %cond3A_211 = arith.cmpi ne, %convert_element_type3A_209, %cond3A_210 : i32
      scf.if %cond3A_211 {
        %dma_wait3A_315 = arith.constant 0 : i32
        %dma_wait3A_316 = arith.constant 0 : i32
        %dma_wait3A_317 = arith.constant 0 : i32
        %dma_wait3A_318 = tpu.memref_slice %arg12[%dma_wait3A_316, %dma_wait3A_317] : memref<80x144xf32, #tpu.memory_space<vmem>> -> memref<40x144xf32, #tpu.memory_space<vmem>>
        %dma_wait3A_319 = arith.constant 0 : i32
        %dma_wait3A_320 = tpu.memref_slice %arg8[%dma_wait3A_315, %dma_wait3A_319] : memref<2x1000xi32, #tpu.memory_space<vmem>> -> memref<1x40xi32, #tpu.memory_space<vmem>>
        %dma_wait3A_321 = tpu.memref_squeeze %dma_wait3A_320 : memref<1x40xi32, #tpu.memory_space<vmem>> -> memref<40xi32, #tpu.memory_space<vmem>>
        %dma_wait3A_322 = arith.constant 0 : i32
        %dma_wait3A_323 = arith.constant 0 : i32
        %dma_wait3A_324 = tpu.memref_slice %arg14[%dma_wait3A_322, %dma_wait3A_323] : memref<10240x144xf32, #tpu.memory_space<vmem_shared>> -> memref<10240x144xf32, #tpu.memory_space<vmem_shared>>
        tpu.wait_indirect_dma semaphore(%arg19 : memref<!tpu.dma_semaphore, #tpu.memory_space<semaphore_mem>>) src(%dma_wait3A_318 : memref<40x144xf32, #tpu.memory_space<vmem>>) dst(%dma_wait3A_324 : memref<10240x144xf32, #tpu.memory_space<vmem_shared>>)
      } else {
      }
      %parallel_loop3A = arith.constant 0 : i32
      %parallel_loop3A_212 = arith.constant 40 : i32
      %parallel_loop3A_213 = arith.constant 1 : i32
      scf.for %parallel_loop3A_315 = %parallel_loop3A to %parallel_loop3A_212 step %parallel_loop3A_213  : i32 {
        %parallel_loop3A_316 = arith.constant 0 : i32
        %parallel_loop3A_317 = arith.addi %parallel_loop3A_316, %parallel_loop3A_315 : i32
        %parallel_loop3A_318 = arith.index_cast %parallel_loop3A_317 : i32 to index
        %parallel_loop3A_319 = arith.constant 0 : index
        %parallel_loop3A_320 = tpu.vector_load %arg10[%parallel_loop3A_318, %parallel_loop3A_319] {strides = array<i32>} : memref<80x128xf32, #tpu.memory_space<vmem>>, vector<1x16xf32>,
        %parallel_loop3A_321 = vector.shape_cast %parallel_loop3A_320 : vector<1x16xf32> to vector<16xf32>
        %parallel_loop3A_322 = arith.index_cast %parallel_loop3A_317 : i32 to index
        %parallel_loop3A_323 = arith.constant 0 : index
        %parallel_loop3A_324 = tpu.vector_load %arg11[%parallel_loop3A_322, %parallel_loop3A_323] {strides = array<i32>} : memref<80x128xf32, #tpu.memory_space<vmem>>, vector<1x16xf32>,
        %parallel_loop3A_325 = vector.shape_cast %parallel_loop3A_324 : vector<1x16xf32> to vector<16xf32>
        %parallel_loop3A_326 = arith.addf %parallel_loop3A_321, %parallel_loop3A_325 : vector<16xf32>
        %parallel_loop3A_327 = arith.constant 2.000000e-01 : f32
        %parallel_loop3A_328 = vector.broadcast %parallel_loop3A_327 : f32 to vector<16xf32>
        %parallel_loop3A_329 = arith.mulf %parallel_loop3A_326, %parallel_loop3A_328 : vector<16xf32>
        %parallel_loop3A_330 = arith.maximumf %parallel_loop3A_326, %parallel_loop3A_329 : vector<16xf32>
        %parallel_loop3A_331 = arith.mulf %parallel_loop3A_330, %get3A_5 : vector<16xf32>
        %parallel_loop3A_332 = arith.addf %broadcast_in_dim3A_27, %parallel_loop3A_331 : vector<16xf32>
        %parallel_loop3A_333 = arith.index_cast %parallel_loop3A_317 : i32 to index
        %parallel_loop3A_334 = arith.constant 16 : index
        %parallel_loop3A_335 = tpu.vector_load %arg10[%parallel_loop3A_333, %parallel_loop3A_334] {strides = array<i32>} : memref<80x128xf32, #tpu.memory_space<vmem>>, vector<1x16xf32>,
        %parallel_loop3A_336 = vector.shape_cast %parallel_loop3A_335 : vector<1x16xf32> to vector<16xf32>
        %parallel_loop3A_337 = arith.index_cast %parallel_loop3A_317 : i32 to index
        %parallel_loop3A_338 = arith.constant 16 : index
        %parallel_loop3A_339 = tpu.vector_load %arg11[%parallel_loop3A_337, %parallel_loop3A_338] {strides = array<i32>} : memref<80x128xf32, #tpu.memory_space<vmem>>, vector<1x16xf32>,
        %parallel_loop3A_340 = vector.shape_cast %parallel_loop3A_339 : vector<1x16xf32> to vector<16xf32>
        %parallel_loop3A_341 = arith.addf %parallel_loop3A_336, %parallel_loop3A_340 : vector<16xf32>
        %parallel_loop3A_342 = arith.constant 2.000000e-01 : f32
        %parallel_loop3A_343 = vector.broadcast %parallel_loop3A_342 : f32 to vector<16xf32>
        %parallel_loop3A_344 = arith.mulf %parallel_loop3A_341, %parallel_loop3A_343 : vector<16xf32>
        %parallel_loop3A_345 = arith.maximumf %parallel_loop3A_341, %parallel_loop3A_344 : vector<16xf32>
        %parallel_loop3A_346 = arith.mulf %parallel_loop3A_345, %get3A_8 : vector<16xf32>
        %parallel_loop3A_347 = arith.addf %parallel_loop3A_332, %parallel_loop3A_346 : vector<16xf32>
        %parallel_loop3A_348 = arith.index_cast %parallel_loop3A_317 : i32 to index
        %parallel_loop3A_349 = arith.constant 32 : index
        %parallel_loop3A_350 = tpu.vector_load %arg10[%parallel_loop3A_348, %parallel_loop3A_349] {strides = array<i32>} : memref<80x128xf32, #tpu.memory_space<vmem>>, vector<1x16xf32>,
        %parallel_loop3A_351 = vector.shape_cast %parallel_loop3A_350 : vector<1x16xf32> to vector<16xf32>
        %parallel_loop3A_352 = arith.index_cast %parallel_loop3A_317 : i32 to index
        %parallel_loop3A_353 = arith.constant 32 : index
        %parallel_loop3A_354 = tpu.vector_load %arg11[%parallel_loop3A_352, %parallel_loop3A_353] {strides = array<i32>} : memref<80x128xf32, #tpu.memory_space<vmem>>, vector<1x16xf32>,
        %parallel_loop3A_355 = vector.shape_cast %parallel_loop3A_354 : vector<1x16xf32> to vector<16xf32>
        %parallel_loop3A_356 = arith.addf %parallel_loop3A_351, %parallel_loop3A_355 : vector<16xf32>
        %parallel_loop3A_357 = arith.constant 2.000000e-01 : f32
        %parallel_loop3A_358 = vector.broadcast %parallel_loop3A_357 : f32 to vector<16xf32>
        %parallel_loop3A_359 = arith.mulf %parallel_loop3A_356, %parallel_loop3A_358 : vector<16xf32>
        %parallel_loop3A_360 = arith.maximumf %parallel_loop3A_356, %parallel_loop3A_359 : vector<16xf32>
        %parallel_loop3A_361 = arith.mulf %parallel_loop3A_360, %get3A_11 : vector<16xf32>
        %parallel_loop3A_362 = arith.addf %parallel_loop3A_347, %parallel_loop3A_361 : vector<16xf32>
        %parallel_loop3A_363 = arith.index_cast %parallel_loop3A_317 : i32 to index
        %parallel_loop3A_364 = arith.constant 48 : index
        %parallel_loop3A_365 = tpu.vector_load %arg10[%parallel_loop3A_363, %parallel_loop3A_364] {strides = array<i32>} : memref<80x128xf32, #tpu.memory_space<vmem>>, vector<1x16xf32>,
        %parallel_loop3A_366 = vector.shape_cast %parallel_loop3A_365 : vector<1x16xf32> to vector<16xf32>
        %parallel_loop3A_367 = arith.index_cast %parallel_loop3A_317 : i32 to index
        %parallel_loop3A_368 = arith.constant 48 : index
        %parallel_loop3A_369 = tpu.vector_load %arg11[%parallel_loop3A_367, %parallel_loop3A_368] {strides = array<i32>} : memref<80x128xf32, #tpu.memory_space<vmem>>, vector<1x16xf32>,
        %parallel_loop3A_370 = vector.shape_cast %parallel_loop3A_369 : vector<1x16xf32> to vector<16xf32>
        %parallel_loop3A_371 = arith.addf %parallel_loop3A_366, %parallel_loop3A_370 : vector<16xf32>
        %parallel_loop3A_372 = arith.constant 2.000000e-01 : f32
        %parallel_loop3A_373 = vector.broadcast %parallel_loop3A_372 : f32 to vector<16xf32>
        %parallel_loop3A_374 = arith.mulf %parallel_loop3A_371, %parallel_loop3A_373 : vector<16xf32>
        %parallel_loop3A_375 = arith.maximumf %parallel_loop3A_371, %parallel_loop3A_374 : vector<16xf32>
        %parallel_loop3A_376 = arith.mulf %parallel_loop3A_375, %get3A_14 : vector<16xf32>
        %parallel_loop3A_377 = arith.addf %parallel_loop3A_362, %parallel_loop3A_376 : vector<16xf32>
        %parallel_loop3A_378 = arith.index_cast %parallel_loop3A_317 : i32 to index
        %parallel_loop3A_379 = arith.constant 64 : index
        %parallel_loop3A_380 = tpu.vector_load %arg10[%parallel_loop3A_378, %parallel_loop3A_379] {strides = array<i32>} : memref<80x128xf32, #tpu.memory_space<vmem>>, vector<1x16xf32>,
        %parallel_loop3A_381 = vector.shape_cast %parallel_loop3A_380 : vector<1x16xf32> to vector<16xf32>
        %parallel_loop3A_382 = arith.index_cast %parallel_loop3A_317 : i32 to index
        %parallel_loop3A_383 = arith.constant 64 : index
        %parallel_loop3A_384 = tpu.vector_load %arg11[%parallel_loop3A_382, %parallel_loop3A_383] {strides = array<i32>} : memref<80x128xf32, #tpu.memory_space<vmem>>, vector<1x16xf32>,
        %parallel_loop3A_385 = vector.shape_cast %parallel_loop3A_384 : vector<1x16xf32> to vector<16xf32>
        %parallel_loop3A_386 = arith.addf %parallel_loop3A_381, %parallel_loop3A_385 : vector<16xf32>
        %parallel_loop3A_387 = arith.constant 2.000000e-01 : f32
        %parallel_loop3A_388 = vector.broadcast %parallel_loop3A_387 : f32 to vector<16xf32>
        %parallel_loop3A_389 = arith.mulf %parallel_loop3A_386, %parallel_loop3A_388 : vector<16xf32>
        %parallel_loop3A_390 = arith.maximumf %parallel_loop3A_386, %parallel_loop3A_389 : vector<16xf32>
        %parallel_loop3A_391 = arith.mulf %parallel_loop3A_390, %get3A_17 : vector<16xf32>
        %parallel_loop3A_392 = arith.addf %parallel_loop3A_377, %parallel_loop3A_391 : vector<16xf32>
        %parallel_loop3A_393 = arith.index_cast %parallel_loop3A_317 : i32 to index
        %parallel_loop3A_394 = arith.constant 80 : index
        %parallel_loop3A_395 = tpu.vector_load %arg10[%parallel_loop3A_393, %parallel_loop3A_394] {strides = array<i32>} : memref<80x128xf32, #tpu.memory_space<vmem>>, vector<1x16xf32>,
        %parallel_loop3A_396 = vector.shape_cast %parallel_loop3A_395 : vector<1x16xf32> to vector<16xf32>
        %parallel_loop3A_397 = arith.index_cast %parallel_loop3A_317 : i32 to index
        %parallel_loop3A_398 = arith.constant 80 : index
        %parallel_loop3A_399 = tpu.vector_load %arg11[%parallel_loop3A_397, %parallel_loop3A_398] {strides = array<i32>} : memref<80x128xf32, #tpu.memory_space<vmem>>, vector<1x16xf32>,
        %parallel_loop3A_400 = vector.shape_cast %parallel_loop3A_399 : vector<1x16xf32> to vector<16xf32>
        %parallel_loop3A_401 = arith.addf %parallel_loop3A_396, %parallel_loop3A_400 : vector<16xf32>
        %parallel_loop3A_402 = arith.constant 2.000000e-01 : f32
        %parallel_loop3A_403 = vector.broadcast %parallel_loop3A_402 : f32 to vector<16xf32>
        %parallel_loop3A_404 = arith.mulf %parallel_loop3A_401, %parallel_loop3A_403 : vector<16xf32>
        %parallel_loop3A_405 = arith.maximumf %parallel_loop3A_401, %parallel_loop3A_404 : vector<16xf32>
        %parallel_loop3A_406 = arith.mulf %parallel_loop3A_405, %get3A_20 : vector<16xf32>
        %parallel_loop3A_407 = arith.addf %parallel_loop3A_392, %parallel_loop3A_406 : vector<16xf32>
        %parallel_loop3A_408 = arith.index_cast %parallel_loop3A_317 : i32 to index
        %parallel_loop3A_409 = arith.constant 96 : index
        %parallel_loop3A_410 = tpu.vector_load %arg10[%parallel_loop3A_408, %parallel_loop3A_409] {strides = array<i32>} : memref<80x128xf32, #tpu.memory_space<vmem>>, vector<1x16xf32>,
        %parallel_loop3A_411 = vector.shape_cast %parallel_loop3A_410 : vector<1x16xf32> to vector<16xf32>
        %parallel_loop3A_412 = arith.index_cast %parallel_loop3A_317 : i32 to index
        %parallel_loop3A_413 = arith.constant 96 : index
        %parallel_loop3A_414 = tpu.vector_load %arg11[%parallel_loop3A_412, %parallel_loop3A_413] {strides = array<i32>} : memref<80x128xf32, #tpu.memory_space<vmem>>, vector<1x16xf32>,
        %parallel_loop3A_415 = vector.shape_cast %parallel_loop3A_414 : vector<1x16xf32> to vector<16xf32>
        %parallel_loop3A_416 = arith.addf %parallel_loop3A_411, %parallel_loop3A_415 : vector<16xf32>
        %parallel_loop3A_417 = arith.constant 2.000000e-01 : f32
        %parallel_loop3A_418 = vector.broadcast %parallel_loop3A_417 : f32 to vector<16xf32>
        %parallel_loop3A_419 = arith.mulf %parallel_loop3A_416, %parallel_loop3A_418 : vector<16xf32>
        %parallel_loop3A_420 = arith.maximumf %parallel_loop3A_416, %parallel_loop3A_419 : vector<16xf32>
        %parallel_loop3A_421 = arith.mulf %parallel_loop3A_420, %get3A_23 : vector<16xf32>
        %parallel_loop3A_422 = arith.addf %parallel_loop3A_407, %parallel_loop3A_421 : vector<16xf32>
        %parallel_loop3A_423 = arith.index_cast %parallel_loop3A_317 : i32 to index
        %parallel_loop3A_424 = arith.constant 112 : index
        %parallel_loop3A_425 = tpu.vector_load %arg10[%parallel_loop3A_423, %parallel_loop3A_424] {strides = array<i32>} : memref<80x128xf32, #tpu.memory_space<vmem>>, vector<1x16xf32>,
        %parallel_loop3A_426 = vector.shape_cast %parallel_loop3A_425 : vector<1x16xf32> to vector<16xf32>
        %parallel_loop3A_427 = arith.index_cast %parallel_loop3A_317 : i32 to index
        %parallel_loop3A_428 = arith.constant 112 : index
        %parallel_loop3A_429 = tpu.vector_load %arg11[%parallel_loop3A_427, %parallel_loop3A_428] {strides = array<i32>} : memref<80x128xf32, #tpu.memory_space<vmem>>, vector<1x16xf32>,
        %parallel_loop3A_430 = vector.shape_cast %parallel_loop3A_429 : vector<1x16xf32> to vector<16xf32>
        %parallel_loop3A_431 = arith.addf %parallel_loop3A_426, %parallel_loop3A_430 : vector<16xf32>
        %parallel_loop3A_432 = arith.constant 2.000000e-01 : f32
        %parallel_loop3A_433 = vector.broadcast %parallel_loop3A_432 : f32 to vector<16xf32>
        %parallel_loop3A_434 = arith.mulf %parallel_loop3A_431, %parallel_loop3A_433 : vector<16xf32>
        %parallel_loop3A_435 = arith.maximumf %parallel_loop3A_431, %parallel_loop3A_434 : vector<16xf32>
        %parallel_loop3A_436 = arith.mulf %parallel_loop3A_435, %get3A_26 : vector<16xf32>
        %parallel_loop3A_437 = arith.addf %parallel_loop3A_422, %parallel_loop3A_436 : vector<16xf32>
        %parallel_loop3A_438 = arith.constant 15 : i32
        %parallel_loop3A_439 = vector.broadcast %parallel_loop3A_438 : i32 to vector<16xi32>
        %parallel_loop3A_440 = tpu.iota {dimensions = array<i32: 0>} : vector<16xi32>
        %parallel_loop3A_441 = arith.subi %parallel_loop3A_439, %parallel_loop3A_440 : vector<16xi32>
        %parallel_loop3A_442 = tpu.dynamic_gather %parallel_loop3A_437[%parallel_loop3A_441] in [0] : vector<16xf32>, vector<16xi32> -> vector<16xf32>
        %parallel_loop3A_443 = arith.addf %parallel_loop3A_437, %parallel_loop3A_442 : vector<16xf32>
        %parallel_loop3A_444 = vector.extract_strided_slice %parallel_loop3A_443 {offsets = [0], sizes = [1], strides = [1]} : vector<16xf32> to vector<1xf32>
        %parallel_loop3A_445 = vector.extract %parallel_loop3A_444[0] : f32 from vector<1xf32>
        %parallel_loop3A_446 = vector.extract_strided_slice %parallel_loop3A_443 {offsets = [1], sizes = [1], strides = [1]} : vector<16xf32> to vector<1xf32>
        %parallel_loop3A_447 = vector.extract %parallel_loop3A_446[0] : f32 from vector<1xf32>
        %parallel_loop3A_448 = vector.extract_strided_slice %parallel_loop3A_443 {offsets = [2], sizes = [1], strides = [1]} : vector<16xf32> to vector<1xf32>
        %parallel_loop3A_449 = vector.extract %parallel_loop3A_448[0] : f32 from vector<1xf32>
        %parallel_loop3A_450 = vector.extract_strided_slice %parallel_loop3A_443 {offsets = [3], sizes = [1], strides = [1]} : vector<16xf32> to vector<1xf32>
        %parallel_loop3A_451 = vector.extract %parallel_loop3A_450[0] : f32 from vector<1xf32>
        %parallel_loop3A_452 = vector.extract_strided_slice %parallel_loop3A_443 {offsets = [4], sizes = [1], strides = [1]} : vector<16xf32> to vector<1xf32>
        %parallel_loop3A_453 = vector.extract %parallel_loop3A_452[0] : f32 from vector<1xf32>
        %parallel_loop3A_454 = vector.extract_strided_slice %parallel_loop3A_443 {offsets = [5], sizes = [1], strides = [1]} : vector<16xf32> to vector<1xf32>
        %parallel_loop3A_455 = vector.extract %parallel_loop3A_454[0] : f32 from vector<1xf32>
        %parallel_loop3A_456 = vector.extract_strided_slice %parallel_loop3A_443 {offsets = [6], sizes = [1], strides = [1]} : vector<16xf32> to vector<1xf32>
        %parallel_loop3A_457 = vector.extract %parallel_loop3A_456[0] : f32 from vector<1xf32>
        %parallel_loop3A_458 = vector.extract_strided_slice %parallel_loop3A_443 {offsets = [7], sizes = [1], strides = [1]} : vector<16xf32> to vector<1xf32>
        %parallel_loop3A_459 = vector.extract %parallel_loop3A_458[0] : f32 from vector<1xf32>
        %parallel_loop3A_460 = arith.addf %parallel_loop3A_445, %parallel_loop3A_447 : f32
        %parallel_loop3A_461 = arith.addf %parallel_loop3A_449, %parallel_loop3A_451 : f32
        %parallel_loop3A_462 = arith.addf %parallel_loop3A_453, %parallel_loop3A_455 : f32
        %parallel_loop3A_463 = arith.addf %parallel_loop3A_457, %parallel_loop3A_459 : f32
        %parallel_loop3A_464 = arith.addf %parallel_loop3A_460, %parallel_loop3A_461 : f32
        %parallel_loop3A_465 = arith.addf %parallel_loop3A_462, %parallel_loop3A_463 : f32
        %parallel_loop3A_466 = arith.addf %parallel_loop3A_464, %parallel_loop3A_465 : f32
        %parallel_loop3A_467 = vector.broadcast %parallel_loop3A_466 : f32 to vector<16xf32>
        %parallel_loop3A_468 = arith.addf %parallel_loop3A_467, %broadcast_in_dim3A_27 : vector<16xf32>
        %parallel_loop3A_469 = math.exp %parallel_loop3A_468 : vector<16xf32>
        %parallel_loop3A_470 = arith.mulf %parallel_loop3A_321, %parallel_loop3A_469 : vector<16xf32>
        %parallel_loop3A_471 = arith.index_cast %parallel_loop3A_317 : i32 to index
        %parallel_loop3A_472 = arith.constant 0 : index
        %parallel_loop3A_473 = tpu.vector_load %arg12[%parallel_loop3A_471, %parallel_loop3A_472] {strides = array<i32>} : memref<80x144xf32, #tpu.memory_space<vmem>>, vector<1x16xf32>,
        %parallel_loop3A_474 = vector.shape_cast %parallel_loop3A_473 : vector<1x16xf32> to vector<16xf32>
        %parallel_loop3A_475 = vector.shape_cast %parallel_loop3A_470 : vector<16xf32> to vector<1x16xf32>
        tpu.vector_store %arg12[%parallel_loop3A_471, %parallel_loop3A_472], %parallel_loop3A_475 {strides = array<i32>} : memref<80x144xf32, #tpu.memory_space<vmem>>, vector<1x16xf32>,
        %parallel_loop3A_476 = arith.mulf %parallel_loop3A_336, %parallel_loop3A_469 : vector<16xf32>
        %parallel_loop3A_477 = arith.index_cast %parallel_loop3A_317 : i32 to index
        %parallel_loop3A_478 = arith.constant 16 : index
        %parallel_loop3A_479 = tpu.vector_load %arg12[%parallel_loop3A_477, %parallel_loop3A_478] {strides = array<i32>} : memref<80x144xf32, #tpu.memory_space<vmem>>, vector<1x16xf32>,
        %parallel_loop3A_480 = vector.shape_cast %parallel_loop3A_479 : vector<1x16xf32> to vector<16xf32>
        %parallel_loop3A_481 = vector.shape_cast %parallel_loop3A_476 : vector<16xf32> to vector<1x16xf32>
        tpu.vector_store %arg12[%parallel_loop3A_477, %parallel_loop3A_478], %parallel_loop3A_481 {strides = array<i32>} : memref<80x144xf32, #tpu.memory_space<vmem>>, vector<1x16xf32>,
        %parallel_loop3A_482 = arith.mulf %parallel_loop3A_351, %parallel_loop3A_469 : vector<16xf32>
        %parallel_loop3A_483 = arith.index_cast %parallel_loop3A_317 : i32 to index
        %parallel_loop3A_484 = arith.constant 32 : index
        %parallel_loop3A_485 = tpu.vector_load %arg12[%parallel_loop3A_483, %parallel_loop3A_484] {strides = array<i32>} : memref<80x144xf32, #tpu.memory_space<vmem>>, vector<1x16xf32>,
        %parallel_loop3A_486 = vector.shape_cast %parallel_loop3A_485 : vector<1x16xf32> to vector<16xf32>
        %parallel_loop3A_487 = vector.shape_cast %parallel_loop3A_482 : vector<16xf32> to vector<1x16xf32>
        tpu.vector_store %arg12[%parallel_loop3A_483, %parallel_loop3A_484], %parallel_loop3A_487 {strides = array<i32>} : memref<80x144xf32, #tpu.memory_space<vmem>>, vector<1x16xf32>,
        %parallel_loop3A_488 = arith.mulf %parallel_loop3A_366, %parallel_loop3A_469 : vector<16xf32>
        %parallel_loop3A_489 = arith.index_cast %parallel_loop3A_317 : i32 to index
        %parallel_loop3A_490 = arith.constant 48 : index
        %parallel_loop3A_491 = tpu.vector_load %arg12[%parallel_loop3A_489, %parallel_loop3A_490] {strides = array<i32>} : memref<80x144xf32, #tpu.memory_space<vmem>>, vector<1x16xf32>,
        %parallel_loop3A_492 = vector.shape_cast %parallel_loop3A_491 : vector<1x16xf32> to vector<16xf32>
        %parallel_loop3A_493 = vector.shape_cast %parallel_loop3A_488 : vector<16xf32> to vector<1x16xf32>
        tpu.vector_store %arg12[%parallel_loop3A_489, %parallel_loop3A_490], %parallel_loop3A_493 {strides = array<i32>} : memref<80x144xf32, #tpu.memory_space<vmem>>, vector<1x16xf32>,
        %parallel_loop3A_494 = arith.mulf %parallel_loop3A_381, %parallel_loop3A_469 : vector<16xf32>
        %parallel_loop3A_495 = arith.index_cast %parallel_loop3A_317 : i32 to index
        %parallel_loop3A_496 = arith.constant 64 : index
        %parallel_loop3A_497 = tpu.vector_load %arg12[%parallel_loop3A_495, %parallel_loop3A_496] {strides = array<i32>} : memref<80x144xf32, #tpu.memory_space<vmem>>, vector<1x16xf32>,
        %parallel_loop3A_498 = vector.shape_cast %parallel_loop3A_497 : vector<1x16xf32> to vector<16xf32>
        %parallel_loop3A_499 = vector.shape_cast %parallel_loop3A_494 : vector<16xf32> to vector<1x16xf32>
        tpu.vector_store %arg12[%parallel_loop3A_495, %parallel_loop3A_496], %parallel_loop3A_499 {strides = array<i32>} : memref<80x144xf32, #tpu.memory_space<vmem>>, vector<1x16xf32>,
        %parallel_loop3A_500 = arith.mulf %parallel_loop3A_396, %parallel_loop3A_469 : vector<16xf32>
        %parallel_loop3A_501 = arith.index_cast %parallel_loop3A_317 : i32 to index
        %parallel_loop3A_502 = arith.constant 80 : index
        %parallel_loop3A_503 = tpu.vector_load %arg12[%parallel_loop3A_501, %parallel_loop3A_502] {strides = array<i32>} : memref<80x144xf32, #tpu.memory_space<vmem>>, vector<1x16xf32>,
        %parallel_loop3A_504 = vector.shape_cast %parallel_loop3A_503 : vector<1x16xf32> to vector<16xf32>
        %parallel_loop3A_505 = vector.shape_cast %parallel_loop3A_500 : vector<16xf32> to vector<1x16xf32>
        tpu.vector_store %arg12[%parallel_loop3A_501, %parallel_loop3A_502], %parallel_loop3A_505 {strides = array<i32>} : memref<80x144xf32, #tpu.memory_space<vmem>>, vector<1x16xf32>,
        %parallel_loop3A_506 = arith.mulf %parallel_loop3A_411, %parallel_loop3A_469 : vector<16xf32>
        %parallel_loop3A_507 = arith.index_cast %parallel_loop3A_317 : i32 to index
        %parallel_loop3A_508 = arith.constant 96 : index
        %parallel_loop3A_509 = tpu.vector_load %arg12[%parallel_loop3A_507, %parallel_loop3A_508] {strides = array<i32>} : memref<80x144xf32, #tpu.memory_space<vmem>>, vector<1x16xf32>,
        %parallel_loop3A_510 = vector.shape_cast %parallel_loop3A_509 : vector<1x16xf32> to vector<16xf32>
        %parallel_loop3A_511 = vector.shape_cast %parallel_loop3A_506 : vector<16xf32> to vector<1x16xf32>
        tpu.vector_store %arg12[%parallel_loop3A_507, %parallel_loop3A_508], %parallel_loop3A_511 {strides = array<i32>} : memref<80x144xf32, #tpu.memory_space<vmem>>, vector<1x16xf32>,
        %parallel_loop3A_512 = arith.mulf %parallel_loop3A_426, %parallel_loop3A_469 : vector<16xf32>
        %parallel_loop3A_513 = arith.index_cast %parallel_loop3A_317 : i32 to index
        %parallel_loop3A_514 = arith.constant 112 : index
        %parallel_loop3A_515 = tpu.vector_load %arg12[%parallel_loop3A_513, %parallel_loop3A_514] {strides = array<i32>} : memref<80x144xf32, #tpu.memory_space<vmem>>, vector<1x16xf32>,
        %parallel_loop3A_516 = vector.shape_cast %parallel_loop3A_515 : vector<1x16xf32> to vector<16xf32>
        %parallel_loop3A_517 = vector.shape_cast %parallel_loop3A_512 : vector<16xf32> to vector<1x16xf32>
        tpu.vector_store %arg12[%parallel_loop3A_513, %parallel_loop3A_514], %parallel_loop3A_517 {strides = array<i32>} : memref<80x144xf32, #tpu.memory_space<vmem>>, vector<1x16xf32>,
        %parallel_loop3A_518 = arith.constant 0 : i32
        %parallel_loop3A_519 = vector.broadcast %parallel_loop3A_518 : i32 to vector<16xi32>
        %parallel_loop3A_520 = arith.cmpi eq, %iota3A, %parallel_loop3A_519 : vector<16xi32>
        %parallel_loop3A_521 = arith.constant 0.000000e+00 : f32
        %parallel_loop3A_522 = vector.broadcast %parallel_loop3A_521 : f32 to vector<16xf32>
        %parallel_loop3A_523 = arith.select %parallel_loop3A_520, %parallel_loop3A_469, %parallel_loop3A_522 : vector<16xi1>, vector<16xf32>
        %parallel_loop3A_524 = arith.index_cast %parallel_loop3A_317 : i32 to index
        %parallel_loop3A_525 = arith.constant 128 : index
        %parallel_loop3A_526 = tpu.vector_load %arg12[%parallel_loop3A_524, %parallel_loop3A_525] {strides = array<i32>} : memref<80x144xf32, #tpu.memory_space<vmem>>, vector<1x16xf32>,
        %parallel_loop3A_527 = vector.shape_cast %parallel_loop3A_526 : vector<1x16xf32> to vector<16xf32>
        %parallel_loop3A_528 = vector.shape_cast %parallel_loop3A_523 : vector<16xf32> to vector<1x16xf32>
        tpu.vector_store %arg12[%parallel_loop3A_524, %parallel_loop3A_525], %parallel_loop3A_528 {strides = array<i32>} : memref<80x144xf32, #tpu.memory_space<vmem>>, vector<1x16xf32>,
      } {sc.loop_unroll_factor = 8 : i64, sc.parallel_access}
      %div3A_214 = arith.constant 25 : i32
      %div3A_215 = arith.divsi %mul3A_130, %div3A_214 : i32
      %rem3A_216 = arith.constant 2 : i32
      %rem3A_217 = arith.remsi %div3A_215, %rem3A_216 : i32
      %rem3A_218 = arith.constant 25 : i32
      %rem3A_219 = arith.remsi %mul3A_130, %rem3A_218 : i32
      %mul3A_220 = arith.constant 40 : i32
      %mul3A_221 = arith.muli %rem3A_219, %mul3A_220 : i32
      %dma_start3A_222 = arith.constant 0 : i32
      %dma_start3A_223 = arith.constant 0 : i32
      %dma_start3A_224 = tpu.memref_slice %arg12[%dma_start3A_222, %dma_start3A_223] : memref<80x144xf32, #tpu.memory_space<vmem>> -> memref<40x144xf32, #tpu.memory_space<vmem>>
      %dma_start3A_225 = tpu.memref_slice %arg9[%rem3A_217, %mul3A_221] : memref<2x1000xi32, #tpu.memory_space<vmem>> -> memref<1x40xi32, #tpu.memory_space<vmem>>
      %dma_start3A_226 = tpu.memref_squeeze %dma_start3A_225 : memref<1x40xi32, #tpu.memory_space<vmem>> -> memref<40xi32, #tpu.memory_space<vmem>>
      %dma_start3A_227 = arith.constant 0 : i32
      %dma_start3A_228 = arith.constant 0 : i32
      %dma_start3A_229 = tpu.memref_slice %arg14[%dma_start3A_227, %dma_start3A_228] : memref<10240x144xf32, #tpu.memory_space<vmem_shared>> -> memref<10240x144xf32, #tpu.memory_space<vmem_shared>>
      tpu.enqueue_indirect_dma source(%dma_start3A_224 : memref<40x144xf32, #tpu.memory_space<vmem>>) target(%dma_start3A_229 : memref<10240x144xf32, #tpu.memory_space<vmem_shared>>) offsets(%dma_start3A_226 : memref<40xi32, #tpu.memory_space<vmem>>) semaphore(%arg19 : memref<!tpu.dma_semaphore, #tpu.memory_space<semaphore_mem>>) {add = true}
      %add3A_230 = arith.constant 1 : i32
      %add3A_231 = arith.addi %mul3A_130, %add3A_230 : i32
      %div3A_232 = arith.constant 25 : i32
      %div3A_233 = arith.divsi %add3A_231, %div3A_232 : i32
      %rem3A_234 = arith.constant 25 : i32
      %rem3A_235 = arith.remsi %add3A_231, %rem3A_234 : i32
      %eq3A_236 = arith.constant 2 : i32
      %eq3A_237 = arith.cmpi eq, %rem3A_235, %eq3A_236 : i32
      %add3A_238 = arith.constant 1 : i32
      %add3A_239 = arith.addi %div3A_233, %add3A_238 : i32
      %lt3A_240 = arith.constant 10 : i32
      %lt3A_241 = arith.cmpi slt, %add3A_239, %lt3A_240 : i32
      %and3A_242 = arith.andi %eq3A_237, %lt3A_241 : i1
      %convert_element_type3A_243 = arith.extui %and3A_242 : i1 to i32
      %cond3A_244 = arith.constant 0 : i32
      %cond3A_245 = arith.cmpi ne, %convert_element_type3A_243, %cond3A_244 : i32
      scf.if %cond3A_245 {
        %add3A_315 = arith.constant 1 : i32
        %add3A_316 = arith.addi %div3A_233, %add3A_315 : i32
        %rem3A_317 = arith.constant 2 : i32
        %rem3A_318 = arith.remsi %add3A_316, %rem3A_317 : i32
        %add3A_319 = arith.constant 1 : i32
        %add3A_320 = arith.addi %div3A_233, %add3A_319 : i32
        %mul3A_321 = arith.constant 1000 : i32
        %mul3A_322 = arith.muli %add3A_320, %mul3A_321 : i32
        %add3A_323 = arith.addi %mul3A_2, %mul3A_322 : i32
        %dma_start3A_324 = arith.constant 0 : i32
        %dma_start3A_325 = tpu.memref_slice %arg8[%rem3A_318, %dma_start3A_324] : memref<2x1000xi32, #tpu.memory_space<vmem>> -> memref<1x1000xi32, #tpu.memory_space<vmem>>
        %dma_start3A_326 = tpu.memref_squeeze %dma_start3A_325 : memref<1x1000xi32, #tpu.memory_space<vmem>> -> memref<1000xi32, #tpu.memory_space<vmem>>
        %dma_start3A_327 = tpu.memref_slice %arg4[%add3A_323] : memref<320000xi32, #tpu.memory_space<hbm>> -> memref<1000xi32, #tpu.memory_space<hbm>>
        %dma_start3A_328 = arith.constant 0 : i32
        %dma_start3A_329 = tpu.memref_slice %arg8[%rem3A_318, %dma_start3A_328] : memref<2x1000xi32, #tpu.memory_space<vmem>> -> memref<1x1000xi32, #tpu.memory_space<vmem>>
        %dma_start3A_330 = tpu.memref_squeeze %dma_start3A_329 : memref<1x1000xi32, #tpu.memory_space<vmem>> -> memref<1000xi32, #tpu.memory_space<vmem>>
        %dma_start3A_331 = tpu.memref_slice %arg4[%add3A_323] : memref<320000xi32, #tpu.memory_space<hbm>> -> memref<1000xi32, #tpu.memory_space<hbm>>
        tpu.enqueue_dma source(%dma_start3A_331 : memref<1000xi32, #tpu.memory_space<hbm>>) target(%dma_start3A_330 : memref<1000xi32, #tpu.memory_space<vmem>>) target_semaphore(%arg21 : memref<!tpu.dma_semaphore, #tpu.memory_space<semaphore_mem>>)
        %dma_start3A_332 = arith.constant 0 : i32
        %dma_start3A_333 = tpu.memref_slice %arg9[%rem3A_318, %dma_start3A_332] : memref<2x1000xi32, #tpu.memory_space<vmem>> -> memref<1x1000xi32, #tpu.memory_space<vmem>>
        %dma_start3A_334 = tpu.memref_squeeze %dma_start3A_333 : memref<1x1000xi32, #tpu.memory_space<vmem>> -> memref<1000xi32, #tpu.memory_space<vmem>>
        %dma_start3A_335 = tpu.memref_slice %arg5[%add3A_323] : memref<320000xi32, #tpu.memory_space<hbm>> -> memref<1000xi32, #tpu.memory_space<hbm>>
        %dma_start3A_336 = arith.constant 0 : i32
        %dma_start3A_337 = tpu.memref_slice %arg9[%rem3A_318, %dma_start3A_336] : memref<2x1000xi32, #tpu.memory_space<vmem>> -> memref<1x1000xi32, #tpu.memory_space<vmem>>
        %dma_start3A_338 = tpu.memref_squeeze %dma_start3A_337 : memref<1x1000xi32, #tpu.memory_space<vmem>> -> memref<1000xi32, #tpu.memory_space<vmem>>
        %dma_start3A_339 = tpu.memref_slice %arg5[%add3A_323] : memref<320000xi32, #tpu.memory_space<hbm>> -> memref<1000xi32, #tpu.memory_space<hbm>>
        tpu.enqueue_dma source(%dma_start3A_339 : memref<1000xi32, #tpu.memory_space<hbm>>) target(%dma_start3A_338 : memref<1000xi32, #tpu.memory_space<vmem>>) target_semaphore(%arg21 : memref<!tpu.dma_semaphore, #tpu.memory_space<semaphore_mem>>)
      } else {
      }
      %add3A_246 = arith.constant 1 : i32
      %add3A_247 = arith.addi %mul3A_130, %add3A_246 : i32
      %div3A_248 = arith.constant 25 : i32
      %div3A_249 = arith.divsi %add3A_247, %div3A_248 : i32
      %rem3A_250 = arith.constant 25 : i32
      %rem3A_251 = arith.remsi %add3A_247, %rem3A_250 : i32
      %eq3A_252 = arith.constant 22 : i32
      %eq3A_253 = arith.cmpi eq, %rem3A_251, %eq3A_252 : i32
      %add3A_254 = arith.constant 1 : i32
      %add3A_255 = arith.addi %div3A_249, %add3A_254 : i32
      %lt3A_256 = arith.constant 10 : i32
      %lt3A_257 = arith.cmpi slt, %add3A_255, %lt3A_256 : i32
      %and3A_258 = arith.andi %eq3A_253, %lt3A_257 : i1
      %convert_element_type3A_259 = arith.extui %and3A_258 : i1 to i32
      %cond3A_260 = arith.constant 0 : i32
      %cond3A_261 = arith.cmpi ne, %convert_element_type3A_259, %cond3A_260 : i32
      scf.if %cond3A_261 {
        %dma_wait3A_315 = arith.constant 0 : i32
        %dma_wait3A_316 = arith.constant 0 : i32
        %dma_wait3A_317 = tpu.memref_slice %arg8[%dma_wait3A_315, %dma_wait3A_316] : memref<2x1000xi32, #tpu.memory_space<vmem>> -> memref<1x1000xi32, #tpu.memory_space<vmem>>
        %dma_wait3A_318 = tpu.memref_squeeze %dma_wait3A_317 : memref<1x1000xi32, #tpu.memory_space<vmem>> -> memref<1000xi32, #tpu.memory_space<vmem>>
        %dma_wait3A_319 = tpu.memref_slice %arg4[%mul3A_2] : memref<320000xi32, #tpu.memory_space<hbm>> -> memref<1000xi32, #tpu.memory_space<hbm>>
        %dma_wait3A_320 = arith.constant 0 : i32
        %dma_wait3A_321 = tpu.memref_slice %arg8[%dma_wait3A_315, %dma_wait3A_320] : memref<2x1000xi32, #tpu.memory_space<vmem>> -> memref<1x1000xi32, #tpu.memory_space<vmem>>
        %dma_wait3A_322 = tpu.memref_squeeze %dma_wait3A_321 : memref<1x1000xi32, #tpu.memory_space<vmem>> -> memref<1000xi32, #tpu.memory_space<vmem>>
        %dma_wait3A_323 = tpu.memref_slice %arg4[%mul3A_2] : memref<320000xi32, #tpu.memory_space<hbm>> -> memref<1000xi32, #tpu.memory_space<hbm>>
        tpu.wait_dma2 semaphore(%arg21 : memref<!tpu.dma_semaphore, #tpu.memory_space<semaphore_mem>>) src(%dma_wait3A_323 : memref<1000xi32, #tpu.memory_space<hbm>>) dst(%dma_wait3A_322 : memref<1000xi32, #tpu.memory_space<vmem>>)
        %dma_wait3A_324 = arith.constant 0 : i32
        %dma_wait3A_325 = arith.constant 0 : i32
        %dma_wait3A_326 = tpu.memref_slice %arg9[%dma_wait3A_324, %dma_wait3A_325] : memref<2x1000xi32, #tpu.memory_space<vmem>> -> memref<1x1000xi32, #tpu.memory_space<vmem>>
        %dma_wait3A_327 = tpu.memref_squeeze %dma_wait3A_326 : memref<1x1000xi32, #tpu.memory_space<vmem>> -> memref<1000xi32, #tpu.memory_space<vmem>>
        %dma_wait3A_328 = tpu.memref_slice %arg5[%mul3A_2] : memref<320000xi32, #tpu.memory_space<hbm>> -> memref<1000xi32, #tpu.memory_space<hbm>>
        %dma_wait3A_329 = arith.constant 0 : i32
        %dma_wait3A_330 = tpu.memref_slice %arg9[%dma_wait3A_324, %dma_wait3A_329] : memref<2x1000xi32, #tpu.memory_space<vmem>> -> memref<1x1000xi32, #tpu.memory_space<vmem>>
        %dma_wait3A_331 = tpu.memref_squeeze %dma_wait3A_330 : memref<1x1000xi32, #tpu.memory_space<vmem>> -> memref<1000xi32, #tpu.memory_space<vmem>>
        %dma_wait3A_332 = tpu.memref_slice %arg5[%mul3A_2] : memref<320000xi32, #tpu.memory_space<hbm>> -> memref<1000xi32, #tpu.memory_space<hbm>>
        tpu.wait_dma2 semaphore(%arg21 : memref<!tpu.dma_semaphore, #tpu.memory_space<semaphore_mem>>) src(%dma_wait3A_332 : memref<1000xi32, #tpu.memory_space<hbm>>) dst(%dma_wait3A_331 : memref<1000xi32, #tpu.memory_space<vmem>>)
      } else {
      }
      %add3A_262 = arith.constant 2 : i32
      %add3A_263 = arith.addi %mul3A_130, %add3A_262 : i32
      %lt3A_264 = arith.constant 250 : i32
      %lt3A_265 = arith.cmpi slt, %add3A_263, %lt3A_264 : i32
      %convert_element_type3A_266 = arith.extui %lt3A_265 : i1 to i32
      %cond3A_267 = arith.constant 0 : i32
      %cond3A_268 = arith.cmpi ne, %convert_element_type3A_266, %cond3A_267 : i32
      scf.if %cond3A_268 {
        %add3A_315 = arith.constant 2 : i32
        %add3A_316 = arith.addi %mul3A_130, %add3A_315 : i32
        %div3A_317 = arith.constant 25 : i32
        %div3A_318 = arith.divsi %add3A_316, %div3A_317 : i32
        %rem3A_319 = arith.constant 2 : i32
        %rem3A_320 = arith.remsi %div3A_318, %rem3A_319 : i32
        %rem3A_321 = arith.constant 25 : i32
        %rem3A_322 = arith.remsi %add3A_316, %rem3A_321 : i32
        %mul3A_323 = arith.constant 40 : i32
        %mul3A_324 = arith.muli %rem3A_322, %mul3A_323 : i32
        %dma_start3A_325 = arith.constant 0 : i32
        %dma_start3A_326 = arith.constant 0 : i32
        %dma_start3A_327 = tpu.memref_slice %arg10[%dma_start3A_325, %dma_start3A_326] : memref<80x128xf32, #tpu.memory_space<vmem>> -> memref<40x128xf32, #tpu.memory_space<vmem>>
        %dma_start3A_328 = tpu.memref_slice %arg8[%rem3A_320, %mul3A_324] : memref<2x1000xi32, #tpu.memory_space<vmem>> -> memref<1x40xi32, #tpu.memory_space<vmem>>
        %dma_start3A_329 = tpu.memref_squeeze %dma_start3A_328 : memref<1x40xi32, #tpu.memory_space<vmem>> -> memref<40xi32, #tpu.memory_space<vmem>>
        %dma_start3A_330 = arith.constant 0 : i32
        %dma_start3A_331 = arith.constant 0 : i32
        %dma_start3A_332 = tpu.memref_slice %arg2[%dma_start3A_330, %dma_start3A_331] : memref<10000x128xf32, #tpu.memory_space<hbm>> -> memref<10000x128xf32, #tpu.memory_space<hbm>>
        tpu.enqueue_indirect_dma source(%dma_start3A_332 : memref<10000x128xf32, #tpu.memory_space<hbm>>) target(%dma_start3A_327 : memref<40x128xf32, #tpu.memory_space<vmem>>) offsets(%dma_start3A_329 : memref<40xi32, #tpu.memory_space<vmem>>) semaphore(%arg15 : memref<!tpu.dma_semaphore, #tpu.memory_space<semaphore_mem>>)
        %div3A_333 = arith.constant 25 : i32
        %div3A_334 = arith.divsi %add3A_316, %div3A_333 : i32
        %rem3A_335 = arith.constant 2 : i32
        %rem3A_336 = arith.remsi %div3A_334, %rem3A_335 : i32
        %rem3A_337 = arith.constant 25 : i32
        %rem3A_338 = arith.remsi %add3A_316, %rem3A_337 : i32
        %mul3A_339 = arith.constant 40 : i32
        %mul3A_340 = arith.muli %rem3A_338, %mul3A_339 : i32
        %dma_start3A_341 = arith.constant 0 : i32
        %dma_start3A_342 = arith.constant 0 : i32
        %dma_start3A_343 = tpu.memref_slice %arg11[%dma_start3A_341, %dma_start3A_342] : memref<80x128xf32, #tpu.memory_space<vmem>> -> memref<40x128xf32, #tpu.memory_space<vmem>>
        %dma_start3A_344 = tpu.memref_slice %arg9[%rem3A_336, %mul3A_340] : memref<2x1000xi32, #tpu.memory_space<vmem>> -> memref<1x40xi32, #tpu.memory_space<vmem>>
        %dma_start3A_345 = tpu.memref_squeeze %dma_start3A_344 : memref<1x40xi32, #tpu.memory_space<vmem>> -> memref<40xi32, #tpu.memory_space<vmem>>
        %dma_start3A_346 = arith.constant 0 : i32
        %dma_start3A_347 = arith.constant 0 : i32
        %dma_start3A_348 = tpu.memref_slice %arg3[%dma_start3A_346, %dma_start3A_347] : memref<10000x128xf32, #tpu.memory_space<hbm>> -> memref<10000x128xf32, #tpu.memory_space<hbm>>
        tpu.enqueue_indirect_dma source(%dma_start3A_348 : memref<10000x128xf32, #tpu.memory_space<hbm>>) target(%dma_start3A_343 : memref<40x128xf32, #tpu.memory_space<vmem>>) offsets(%dma_start3A_345 : memref<40xi32, #tpu.memory_space<vmem>>) semaphore(%arg17 : memref<!tpu.dma_semaphore, #tpu.memory_space<semaphore_mem>>)
      } else {
      }
      %dma_wait3A_269 = arith.constant 0 : i32
      %dma_wait3A_270 = arith.constant 40 : i32
      %dma_wait3A_271 = arith.constant 0 : i32
      %dma_wait3A_272 = tpu.memref_slice %arg10[%dma_wait3A_270, %dma_wait3A_271] : memref<80x128xf32, #tpu.memory_space<vmem>> -> memref<40x128xf32, #tpu.memory_space<vmem>>
      %dma_wait3A_273 = arith.constant 0 : i32
      %dma_wait3A_274 = tpu.memref_slice %arg8[%dma_wait3A_269, %dma_wait3A_273] : memref<2x1000xi32, #tpu.memory_space<vmem>> -> memref<1x40xi32, #tpu.memory_space<vmem>>
      %dma_wait3A_275 = tpu.memref_squeeze %dma_wait3A_274 : memref<1x40xi32, #tpu.memory_space<vmem>> -> memref<40xi32, #tpu.memory_space<vmem>>
      %dma_wait3A_276 = arith.constant 0 : i32
      %dma_wait3A_277 = arith.constant 0 : i32
      %dma_wait3A_278 = tpu.memref_slice %arg2[%dma_wait3A_276, %dma_wait3A_277] : memref<10000x128xf32, #tpu.memory_space<hbm>> -> memref<10000x128xf32, #tpu.memory_space<hbm>>
      tpu.wait_indirect_dma semaphore(%arg16 : memref<!tpu.dma_semaphore, #tpu.memory_space<semaphore_mem>>) src(%dma_wait3A_278 : memref<10000x128xf32, #tpu.memory_space<hbm>>) dst(%dma_wait3A_272 : memref<40x128xf32, #tpu.memory_space<vmem>>)
      %dma_wait3A_279 = arith.constant 0 : i32
      %dma_wait3A_280 = arith.constant 40 : i32
      %dma_wait3A_281 = arith.constant 0 : i32
      %dma_wait3A_282 = tpu.memref_slice %arg11[%dma_wait3A_280, %dma_wait3A_281] : memref<80x128xf32, #tpu.memory_space<vmem>> -> memref<40x128xf32, #tpu.memory_space<vmem>>
      %dma_wait3A_283 = arith.constant 0 : i32
      %dma_wait3A_284 = tpu.memref_slice %arg8[%dma_wait3A_279, %dma_wait3A_283] : memref<2x1000xi32, #tpu.memory_space<vmem>> -> memref<1x40xi32, #tpu.memory_space<vmem>>
      %dma_wait3A_285 = tpu.memref_squeeze %dma_wait3A_284 : memref<1x40xi32, #tpu.memory_space<vmem>> -> memref<40xi32, #tpu.memory_space<vmem>>
      %dma_wait3A_286 = arith.constant 0 : i32
      %dma_wait3A_287 = arith.constant 0 : i32
      %dma_wait3A_288 = tpu.memref_slice %arg3[%dma_wait3A_286, %dma_wait3A_287] : memref<10000x128xf32, #tpu.memory_space<hbm>> -> memref<10000x128xf32, #tpu.memory_space<hbm>>
      tpu.wait_indirect_dma semaphore(%arg18 : memref<!tpu.dma_semaphore, #tpu.memory_space<semaphore_mem>>) src(%dma_wait3A_288 : memref<10000x128xf32, #tpu.memory_space<hbm>>) dst(%dma_wait3A_282 : memref<40x128xf32, #tpu.memory_space<vmem>>)
      %gt3A_289 = arith.constant 0 : i32
      %gt3A_290 = arith.cmpi sgt, %scan3A_128, %gt3A_289 : i32
      %convert_element_type3A_291 = arith.extui %gt3A_290 : i1 to i32
      %cond3A_292 = arith.constant 0 : i32
      %cond3A_293 = arith.cmpi ne, %convert_element_type3A_291, %cond3A_292 : i32
      scf.if %cond3A_293 {
        %dma_wait3A_315 = arith.constant 0 : i32
        %dma_wait3A_316 = arith.constant 40 : i32
        %dma_wait3A_317 = arith.constant 0 : i32
        %dma_wait3A_318 = tpu.memref_slice %arg12[%dma_wait3A_316, %dma_wait3A_317] : memref<80x144xf32, #tpu.memory_space<vmem>> -> memref<40x144xf32, #tpu.memory_space<vmem>>
        %dma_wait3A_319 = arith.constant 0 : i32
        %dma_wait3A_320 = tpu.memref_slice %arg8[%dma_wait3A_315, %dma_wait3A_319] : memref<2x1000xi32, #tpu.memory_space<vmem>> -> memref<1x40xi32, #tpu.memory_space<vmem>>
        %dma_wait3A_321 = tpu.memref_squeeze %dma_wait3A_320 : memref<1x40xi32, #tpu.memory_space<vmem>> -> memref<40xi32, #tpu.memory_space<vmem>>
        %dma_wait3A_322 = arith.constant 0 : i32
        %dma_wait3A_323 = arith.constant 0 : i32
        %dma_wait3A_324 = tpu.memref_slice %arg14[%dma_wait3A_322, %dma_wait3A_323] : memref<10240x144xf32, #tpu.memory_space<vmem_shared>> -> memref<10240x144xf32, #tpu.memory_space<vmem_shared>>
        tpu.wait_indirect_dma semaphore(%arg20 : memref<!tpu.dma_semaphore, #tpu.memory_space<semaphore_mem>>) src(%dma_wait3A_318 : memref<40x144xf32, #tpu.memory_space<vmem>>) dst(%dma_wait3A_324 : memref<10240x144xf32, #tpu.memory_space<vmem_shared>>)
      } else {
      }
      %add3A_294 = arith.constant 1 : i32
      %add3A_295 = arith.addi %mul3A_130, %add3A_294 : i32
      %parallel_loop3A_296 = arith.constant 0 : i32
      %parallel_loop3A_297 = arith.constant 40 : i32
      %parallel_loop3A_298 = arith.constant 1 : i32
      scf.for %parallel_loop3A_315 = %parallel_loop3A_296 to %parallel_loop3A_297 step %parallel_loop3A_298  : i32 {
        %parallel_loop3A_316 = arith.constant 40 : i32
        %parallel_loop3A_317 = arith.addi %parallel_loop3A_316, %parallel_loop3A_315 : i32
        %parallel_loop3A_318 = arith.index_cast %parallel_loop3A_317 : i32 to index
        %parallel_loop3A_319 = arith.constant 0 : index
        %parallel_loop3A_320 = tpu.vector_load %arg10[%parallel_loop3A_318, %parallel_loop3A_319] {strides = array<i32>} : memref<80x128xf32, #tpu.memory_space<vmem>>, vector<1x16xf32>,
        %parallel_loop3A_321 = vector.shape_cast %parallel_loop3A_320 : vector<1x16xf32> to vector<16xf32>
        %parallel_loop3A_322 = arith.index_cast %parallel_loop3A_317 : i32 to index
        %parallel_loop3A_323 = arith.constant 0 : index
        %parallel_loop3A_324 = tpu.vector_load %arg11[%parallel_loop3A_322, %parallel_loop3A_323] {strides = array<i32>} : memref<80x128xf32, #tpu.memory_space<vmem>>, vector<1x16xf32>,
        %parallel_loop3A_325 = vector.shape_cast %parallel_loop3A_324 : vector<1x16xf32> to vector<16xf32>
        %parallel_loop3A_326 = arith.addf %parallel_loop3A_321, %parallel_loop3A_325 : vector<16xf32>
        %parallel_loop3A_327 = arith.constant 2.000000e-01 : f32
        %parallel_loop3A_328 = vector.broadcast %parallel_loop3A_327 : f32 to vector<16xf32>
        %parallel_loop3A_329 = arith.mulf %parallel_loop3A_326, %parallel_loop3A_328 : vector<16xf32>
        %parallel_loop3A_330 = arith.maximumf %parallel_loop3A_326, %parallel_loop3A_329 : vector<16xf32>
        %parallel_loop3A_331 = arith.mulf %parallel_loop3A_330, %get3A_5 : vector<16xf32>
        %parallel_loop3A_332 = arith.addf %broadcast_in_dim3A_27, %parallel_loop3A_331 : vector<16xf32>
        %parallel_loop3A_333 = arith.index_cast %parallel_loop3A_317 : i32 to index
        %parallel_loop3A_334 = arith.constant 16 : index
        %parallel_loop3A_335 = tpu.vector_load %arg10[%parallel_loop3A_333, %parallel_loop3A_334] {strides = array<i32>} : memref<80x128xf32, #tpu.memory_space<vmem>>, vector<1x16xf32>,
        %parallel_loop3A_336 = vector.shape_cast %parallel_loop3A_335 : vector<1x16xf32> to vector<16xf32>
        %parallel_loop3A_337 = arith.index_cast %parallel_loop3A_317 : i32 to index
        %parallel_loop3A_338 = arith.constant 16 : index
        %parallel_loop3A_339 = tpu.vector_load %arg11[%parallel_loop3A_337, %parallel_loop3A_338] {strides = array<i32>} : memref<80x128xf32, #tpu.memory_space<vmem>>, vector<1x16xf32>,
        %parallel_loop3A_340 = vector.shape_cast %parallel_loop3A_339 : vector<1x16xf32> to vector<16xf32>
        %parallel_loop3A_341 = arith.addf %parallel_loop3A_336, %parallel_loop3A_340 : vector<16xf32>
        %parallel_loop3A_342 = arith.constant 2.000000e-01 : f32
        %parallel_loop3A_343 = vector.broadcast %parallel_loop3A_342 : f32 to vector<16xf32>
        %parallel_loop3A_344 = arith.mulf %parallel_loop3A_341, %parallel_loop3A_343 : vector<16xf32>
        %parallel_loop3A_345 = arith.maximumf %parallel_loop3A_341, %parallel_loop3A_344 : vector<16xf32>
        %parallel_loop3A_346 = arith.mulf %parallel_loop3A_345, %get3A_8 : vector<16xf32>
        %parallel_loop3A_347 = arith.addf %parallel_loop3A_332, %parallel_loop3A_346 : vector<16xf32>
        %parallel_loop3A_348 = arith.index_cast %parallel_loop3A_317 : i32 to index
        %parallel_loop3A_349 = arith.constant 32 : index
        %parallel_loop3A_350 = tpu.vector_load %arg10[%parallel_loop3A_348, %parallel_loop3A_349] {strides = array<i32>} : memref<80x128xf32, #tpu.memory_space<vmem>>, vector<1x16xf32>,
        %parallel_loop3A_351 = vector.shape_cast %parallel_loop3A_350 : vector<1x16xf32> to vector<16xf32>
        %parallel_loop3A_352 = arith.index_cast %parallel_loop3A_317 : i32 to index
        %parallel_loop3A_353 = arith.constant 32 : index
        %parallel_loop3A_354 = tpu.vector_load %arg11[%parallel_loop3A_352, %parallel_loop3A_353] {strides = array<i32>} : memref<80x128xf32, #tpu.memory_space<vmem>>, vector<1x16xf32>,
        %parallel_loop3A_355 = vector.shape_cast %parallel_loop3A_354 : vector<1x16xf32> to vector<16xf32>
        %parallel_loop3A_356 = arith.addf %parallel_loop3A_351, %parallel_loop3A_355 : vector<16xf32>
        %parallel_loop3A_357 = arith.constant 2.000000e-01 : f32
        %parallel_loop3A_358 = vector.broadcast %parallel_loop3A_357 : f32 to vector<16xf32>
        %parallel_loop3A_359 = arith.mulf %parallel_loop3A_356, %parallel_loop3A_358 : vector<16xf32>
        %parallel_loop3A_360 = arith.maximumf %parallel_loop3A_356, %parallel_loop3A_359 : vector<16xf32>
        %parallel_loop3A_361 = arith.mulf %parallel_loop3A_360, %get3A_11 : vector<16xf32>
        %parallel_loop3A_362 = arith.addf %parallel_loop3A_347, %parallel_loop3A_361 : vector<16xf32>
        %parallel_loop3A_363 = arith.index_cast %parallel_loop3A_317 : i32 to index
        %parallel_loop3A_364 = arith.constant 48 : index
        %parallel_loop3A_365 = tpu.vector_load %arg10[%parallel_loop3A_363, %parallel_loop3A_364] {strides = array<i32>} : memref<80x128xf32, #tpu.memory_space<vmem>>, vector<1x16xf32>,
        %parallel_loop3A_366 = vector.shape_cast %parallel_loop3A_365 : vector<1x16xf32> to vector<16xf32>
        %parallel_loop3A_367 = arith.index_cast %parallel_loop3A_317 : i32 to index
        %parallel_loop3A_368 = arith.constant 48 : index
        %parallel_loop3A_369 = tpu.vector_load %arg11[%parallel_loop3A_367, %parallel_loop3A_368] {strides = array<i32>} : memref<80x128xf32, #tpu.memory_space<vmem>>, vector<1x16xf32>,
        %parallel_loop3A_370 = vector.shape_cast %parallel_loop3A_369 : vector<1x16xf32> to vector<16xf32>
        %parallel_loop3A_371 = arith.addf %parallel_loop3A_366, %parallel_loop3A_370 : vector<16xf32>
        %parallel_loop3A_372 = arith.constant 2.000000e-01 : f32
        %parallel_loop3A_373 = vector.broadcast %parallel_loop3A_372 : f32 to vector<16xf32>
        %parallel_loop3A_374 = arith.mulf %parallel_loop3A_371, %parallel_loop3A_373 : vector<16xf32>
        %parallel_loop3A_375 = arith.maximumf %parallel_loop3A_371, %parallel_loop3A_374 : vector<16xf32>
        %parallel_loop3A_376 = arith.mulf %parallel_loop3A_375, %get3A_14 : vector<16xf32>
        %parallel_loop3A_377 = arith.addf %parallel_loop3A_362, %parallel_loop3A_376 : vector<16xf32>
        %parallel_loop3A_378 = arith.index_cast %parallel_loop3A_317 : i32 to index
        %parallel_loop3A_379 = arith.constant 64 : index
        %parallel_loop3A_380 = tpu.vector_load %arg10[%parallel_loop3A_378, %parallel_loop3A_379] {strides = array<i32>} : memref<80x128xf32, #tpu.memory_space<vmem>>, vector<1x16xf32>,
        %parallel_loop3A_381 = vector.shape_cast %parallel_loop3A_380 : vector<1x16xf32> to vector<16xf32>
        %parallel_loop3A_382 = arith.index_cast %parallel_loop3A_317 : i32 to index
        %parallel_loop3A_383 = arith.constant 64 : index
        %parallel_loop3A_384 = tpu.vector_load %arg11[%parallel_loop3A_382, %parallel_loop3A_383] {strides = array<i32>} : memref<80x128xf32, #tpu.memory_space<vmem>>, vector<1x16xf32>,
        %parallel_loop3A_385 = vector.shape_cast %parallel_loop3A_384 : vector<1x16xf32> to vector<16xf32>
        %parallel_loop3A_386 = arith.addf %parallel_loop3A_381, %parallel_loop3A_385 : vector<16xf32>
        %parallel_loop3A_387 = arith.constant 2.000000e-01 : f32
        %parallel_loop3A_388 = vector.broadcast %parallel_loop3A_387 : f32 to vector<16xf32>
        %parallel_loop3A_389 = arith.mulf %parallel_loop3A_386, %parallel_loop3A_388 : vector<16xf32>
        %parallel_loop3A_390 = arith.maximumf %parallel_loop3A_386, %parallel_loop3A_389 : vector<16xf32>
        %parallel_loop3A_391 = arith.mulf %parallel_loop3A_390, %get3A_17 : vector<16xf32>
        %parallel_loop3A_392 = arith.addf %parallel_loop3A_377, %parallel_loop3A_391 : vector<16xf32>
        %parallel_loop3A_393 = arith.index_cast %parallel_loop3A_317 : i32 to index
        %parallel_loop3A_394 = arith.constant 80 : index
        %parallel_loop3A_395 = tpu.vector_load %arg10[%parallel_loop3A_393, %parallel_loop3A_394] {strides = array<i32>} : memref<80x128xf32, #tpu.memory_space<vmem>>, vector<1x16xf32>,
        %parallel_loop3A_396 = vector.shape_cast %parallel_loop3A_395 : vector<1x16xf32> to vector<16xf32>
        %parallel_loop3A_397 = arith.index_cast %parallel_loop3A_317 : i32 to index
        %parallel_loop3A_398 = arith.constant 80 : index
        %parallel_loop3A_399 = tpu.vector_load %arg11[%parallel_loop3A_397, %parallel_loop3A_398] {strides = array<i32>} : memref<80x128xf32, #tpu.memory_space<vmem>>, vector<1x16xf32>,
        %parallel_loop3A_400 = vector.shape_cast %parallel_loop3A_399 : vector<1x16xf32> to vector<16xf32>
        %parallel_loop3A_401 = arith.addf %parallel_loop3A_396, %parallel_loop3A_400 : vector<16xf32>
        %parallel_loop3A_402 = arith.constant 2.000000e-01 : f32
        %parallel_loop3A_403 = vector.broadcast %parallel_loop3A_402 : f32 to vector<16xf32>
        %parallel_loop3A_404 = arith.mulf %parallel_loop3A_401, %parallel_loop3A_403 : vector<16xf32>
        %parallel_loop3A_405 = arith.maximumf %parallel_loop3A_401, %parallel_loop3A_404 : vector<16xf32>
        %parallel_loop3A_406 = arith.mulf %parallel_loop3A_405, %get3A_20 : vector<16xf32>
        %parallel_loop3A_407 = arith.addf %parallel_loop3A_392, %parallel_loop3A_406 : vector<16xf32>
        %parallel_loop3A_408 = arith.index_cast %parallel_loop3A_317 : i32 to index
        %parallel_loop3A_409 = arith.constant 96 : index
        %parallel_loop3A_410 = tpu.vector_load %arg10[%parallel_loop3A_408, %parallel_loop3A_409] {strides = array<i32>} : memref<80x128xf32, #tpu.memory_space<vmem>>, vector<1x16xf32>,
        %parallel_loop3A_411 = vector.shape_cast %parallel_loop3A_410 : vector<1x16xf32> to vector<16xf32>
        %parallel_loop3A_412 = arith.index_cast %parallel_loop3A_317 : i32 to index
        %parallel_loop3A_413 = arith.constant 96 : index
        %parallel_loop3A_414 = tpu.vector_load %arg11[%parallel_loop3A_412, %parallel_loop3A_413] {strides = array<i32>} : memref<80x128xf32, #tpu.memory_space<vmem>>, vector<1x16xf32>,
        %parallel_loop3A_415 = vector.shape_cast %parallel_loop3A_414 : vector<1x16xf32> to vector<16xf32>
        %parallel_loop3A_416 = arith.addf %parallel_loop3A_411, %parallel_loop3A_415 : vector<16xf32>
        %parallel_loop3A_417 = arith.constant 2.000000e-01 : f32
        %parallel_loop3A_418 = vector.broadcast %parallel_loop3A_417 : f32 to vector<16xf32>
        %parallel_loop3A_419 = arith.mulf %parallel_loop3A_416, %parallel_loop3A_418 : vector<16xf32>
        %parallel_loop3A_420 = arith.maximumf %parallel_loop3A_416, %parallel_loop3A_419 : vector<16xf32>
        %parallel_loop3A_421 = arith.mulf %parallel_loop3A_420, %get3A_23 : vector<16xf32>
        %parallel_loop3A_422 = arith.addf %parallel_loop3A_407, %parallel_loop3A_421 : vector<16xf32>
        %parallel_loop3A_423 = arith.index_cast %parallel_loop3A_317 : i32 to index
        %parallel_loop3A_424 = arith.constant 112 : index
        %parallel_loop3A_425 = tpu.vector_load %arg10[%parallel_loop3A_423, %parallel_loop3A_424] {strides = array<i32>} : memref<80x128xf32, #tpu.memory_space<vmem>>, vector<1x16xf32>,
        %parallel_loop3A_426 = vector.shape_cast %parallel_loop3A_425 : vector<1x16xf32> to vector<16xf32>
        %parallel_loop3A_427 = arith.index_cast %parallel_loop3A_317 : i32 to index
        %parallel_loop3A_428 = arith.constant 112 : index
        %parallel_loop3A_429 = tpu.vector_load %arg11[%parallel_loop3A_427, %parallel_loop3A_428] {strides = array<i32>} : memref<80x128xf32, #tpu.memory_space<vmem>>, vector<1x16xf32>,
        %parallel_loop3A_430 = vector.shape_cast %parallel_loop3A_429 : vector<1x16xf32> to vector<16xf32>
        %parallel_loop3A_431 = arith.addf %parallel_loop3A_426, %parallel_loop3A_430 : vector<16xf32>
        %parallel_loop3A_432 = arith.constant 2.000000e-01 : f32
        %parallel_loop3A_433 = vector.broadcast %parallel_loop3A_432 : f32 to vector<16xf32>
        %parallel_loop3A_434 = arith.mulf %parallel_loop3A_431, %parallel_loop3A_433 : vector<16xf32>
        %parallel_loop3A_435 = arith.maximumf %parallel_loop3A_431, %parallel_loop3A_434 : vector<16xf32>
        %parallel_loop3A_436 = arith.mulf %parallel_loop3A_435, %get3A_26 : vector<16xf32>
        %parallel_loop3A_437 = arith.addf %parallel_loop3A_422, %parallel_loop3A_436 : vector<16xf32>
        %parallel_loop3A_438 = arith.constant 15 : i32
        %parallel_loop3A_439 = vector.broadcast %parallel_loop3A_438 : i32 to vector<16xi32>
        %parallel_loop3A_440 = tpu.iota {dimensions = array<i32: 0>} : vector<16xi32>
        %parallel_loop3A_441 = arith.subi %parallel_loop3A_439, %parallel_loop3A_440 : vector<16xi32>
        %parallel_loop3A_442 = tpu.dynamic_gather %parallel_loop3A_437[%parallel_loop3A_441] in [0] : vector<16xf32>, vector<16xi32> -> vector<16xf32>
        %parallel_loop3A_443 = arith.addf %parallel_loop3A_437, %parallel_loop3A_442 : vector<16xf32>
        %parallel_loop3A_444 = vector.extract_strided_slice %parallel_loop3A_443 {offsets = [0], sizes = [1], strides = [1]} : vector<16xf32> to vector<1xf32>
        %parallel_loop3A_445 = vector.extract %parallel_loop3A_444[0] : f32 from vector<1xf32>
        %parallel_loop3A_446 = vector.extract_strided_slice %parallel_loop3A_443 {offsets = [1], sizes = [1], strides = [1]} : vector<16xf32> to vector<1xf32>
        %parallel_loop3A_447 = vector.extract %parallel_loop3A_446[0] : f32 from vector<1xf32>
        %parallel_loop3A_448 = vector.extract_strided_slice %parallel_loop3A_443 {offsets = [2], sizes = [1], strides = [1]} : vector<16xf32> to vector<1xf32>
        %parallel_loop3A_449 = vector.extract %parallel_loop3A_448[0] : f32 from vector<1xf32>
        %parallel_loop3A_450 = vector.extract_strided_slice %parallel_loop3A_443 {offsets = [3], sizes = [1], strides = [1]} : vector<16xf32> to vector<1xf32>
        %parallel_loop3A_451 = vector.extract %parallel_loop3A_450[0] : f32 from vector<1xf32>
        %parallel_loop3A_452 = vector.extract_strided_slice %parallel_loop3A_443 {offsets = [4], sizes = [1], strides = [1]} : vector<16xf32> to vector<1xf32>
        %parallel_loop3A_453 = vector.extract %parallel_loop3A_452[0] : f32 from vector<1xf32>
        %parallel_loop3A_454 = vector.extract_strided_slice %parallel_loop3A_443 {offsets = [5], sizes = [1], strides = [1]} : vector<16xf32> to vector<1xf32>
        %parallel_loop3A_455 = vector.extract %parallel_loop3A_454[0] : f32 from vector<1xf32>
        %parallel_loop3A_456 = vector.extract_strided_slice %parallel_loop3A_443 {offsets = [6], sizes = [1], strides = [1]} : vector<16xf32> to vector<1xf32>
        %parallel_loop3A_457 = vector.extract %parallel_loop3A_456[0] : f32 from vector<1xf32>
        %parallel_loop3A_458 = vector.extract_strided_slice %parallel_loop3A_443 {offsets = [7], sizes = [1], strides = [1]} : vector<16xf32> to vector<1xf32>
        %parallel_loop3A_459 = vector.extract %parallel_loop3A_458[0] : f32 from vector<1xf32>
        %parallel_loop3A_460 = arith.addf %parallel_loop3A_445, %parallel_loop3A_447 : f32
        %parallel_loop3A_461 = arith.addf %parallel_loop3A_449, %parallel_loop3A_451 : f32
        %parallel_loop3A_462 = arith.addf %parallel_loop3A_453, %parallel_loop3A_455 : f32
        %parallel_loop3A_463 = arith.addf %parallel_loop3A_457, %parallel_loop3A_459 : f32
        %parallel_loop3A_464 = arith.addf %parallel_loop3A_460, %parallel_loop3A_461 : f32
        %parallel_loop3A_465 = arith.addf %parallel_loop3A_462, %parallel_loop3A_463 : f32
        %parallel_loop3A_466 = arith.addf %parallel_loop3A_464, %parallel_loop3A_465 : f32
        %parallel_loop3A_467 = vector.broadcast %parallel_loop3A_466 : f32 to vector<16xf32>
        %parallel_loop3A_468 = arith.addf %parallel_loop3A_467, %broadcast_in_dim3A_27 : vector<16xf32>
        %parallel_loop3A_469 = math.exp %parallel_loop3A_468 : vector<16xf32>
        %parallel_loop3A_470 = arith.mulf %parallel_loop3A_321, %parallel_loop3A_469 : vector<16xf32>
        %parallel_loop3A_471 = arith.index_cast %parallel_loop3A_317 : i32 to index
        %parallel_loop3A_472 = arith.constant 0 : index
        %parallel_loop3A_473 = tpu.vector_load %arg12[%parallel_loop3A_471, %parallel_loop3A_472] {strides = array<i32>} : memref<80x144xf32, #tpu.memory_space<vmem>>, vector<1x16xf32>,
        %parallel_loop3A_474 = vector.shape_cast %parallel_loop3A_473 : vector<1x16xf32> to vector<16xf32>
        %parallel_loop3A_475 = vector.shape_cast %parallel_loop3A_470 : vector<16xf32> to vector<1x16xf32>
        tpu.vector_store %arg12[%parallel_loop3A_471, %parallel_loop3A_472], %parallel_loop3A_475 {strides = array<i32>} : memref<80x144xf32, #tpu.memory_space<vmem>>, vector<1x16xf32>,
        %parallel_loop3A_476 = arith.mulf %parallel_loop3A_336, %parallel_loop3A_469 : vector<16xf32>
        %parallel_loop3A_477 = arith.index_cast %parallel_loop3A_317 : i32 to index
        %parallel_loop3A_478 = arith.constant 16 : index
        %parallel_loop3A_479 = tpu.vector_load %arg12[%parallel_loop3A_477, %parallel_loop3A_478] {strides = array<i32>} : memref<80x144xf32, #tpu.memory_space<vmem>>, vector<1x16xf32>,
        %parallel_loop3A_480 = vector.shape_cast %parallel_loop3A_479 : vector<1x16xf32> to vector<16xf32>
        %parallel_loop3A_481 = vector.shape_cast %parallel_loop3A_476 : vector<16xf32> to vector<1x16xf32>
        tpu.vector_store %arg12[%parallel_loop3A_477, %parallel_loop3A_478], %parallel_loop3A_481 {strides = array<i32>} : memref<80x144xf32, #tpu.memory_space<vmem>>, vector<1x16xf32>,
        %parallel_loop3A_482 = arith.mulf %parallel_loop3A_351, %parallel_loop3A_469 : vector<16xf32>
        %parallel_loop3A_483 = arith.index_cast %parallel_loop3A_317 : i32 to index
        %parallel_loop3A_484 = arith.constant 32 : index
        %parallel_loop3A_485 = tpu.vector_load %arg12[%parallel_loop3A_483, %parallel_loop3A_484] {strides = array<i32>} : memref<80x144xf32, #tpu.memory_space<vmem>>, vector<1x16xf32>,
        %parallel_loop3A_486 = vector.shape_cast %parallel_loop3A_485 : vector<1x16xf32> to vector<16xf32>
        %parallel_loop3A_487 = vector.shape_cast %parallel_loop3A_482 : vector<16xf32> to vector<1x16xf32>
        tpu.vector_store %arg12[%parallel_loop3A_483, %parallel_loop3A_484], %parallel_loop3A_487 {strides = array<i32>} : memref<80x144xf32, #tpu.memory_space<vmem>>, vector<1x16xf32>,
        %parallel_loop3A_488 = arith.mulf %parallel_loop3A_366, %parallel_loop3A_469 : vector<16xf32>
        %parallel_loop3A_489 = arith.index_cast %parallel_loop3A_317 : i32 to index
        %parallel_loop3A_490 = arith.constant 48 : index
        %parallel_loop3A_491 = tpu.vector_load %arg12[%parallel_loop3A_489, %parallel_loop3A_490] {strides = array<i32>} : memref<80x144xf32, #tpu.memory_space<vmem>>, vector<1x16xf32>,
        %parallel_loop3A_492 = vector.shape_cast %parallel_loop3A_491 : vector<1x16xf32> to vector<16xf32>
        %parallel_loop3A_493 = vector.shape_cast %parallel_loop3A_488 : vector<16xf32> to vector<1x16xf32>
        tpu.vector_store %arg12[%parallel_loop3A_489, %parallel_loop3A_490], %parallel_loop3A_493 {strides = array<i32>} : memref<80x144xf32, #tpu.memory_space<vmem>>, vector<1x16xf32>,
        %parallel_loop3A_494 = arith.mulf %parallel_loop3A_381, %parallel_loop3A_469 : vector<16xf32>
        %parallel_loop3A_495 = arith.index_cast %parallel_loop3A_317 : i32 to index
        %parallel_loop3A_496 = arith.constant 64 : index
        %parallel_loop3A_497 = tpu.vector_load %arg12[%parallel_loop3A_495, %parallel_loop3A_496] {strides = array<i32>} : memref<80x144xf32, #tpu.memory_space<vmem>>, vector<1x16xf32>,
        %parallel_loop3A_498 = vector.shape_cast %parallel_loop3A_497 : vector<1x16xf32> to vector<16xf32>
        %parallel_loop3A_499 = vector.shape_cast %parallel_loop3A_494 : vector<16xf32> to vector<1x16xf32>
        tpu.vector_store %arg12[%parallel_loop3A_495, %parallel_loop3A_496], %parallel_loop3A_499 {strides = array<i32>} : memref<80x144xf32, #tpu.memory_space<vmem>>, vector<1x16xf32>,
        %parallel_loop3A_500 = arith.mulf %parallel_loop3A_396, %parallel_loop3A_469 : vector<16xf32>
        %parallel_loop3A_501 = arith.index_cast %parallel_loop3A_317 : i32 to index
        %parallel_loop3A_502 = arith.constant 80 : index
        %parallel_loop3A_503 = tpu.vector_load %arg12[%parallel_loop3A_501, %parallel_loop3A_502] {strides = array<i32>} : memref<80x144xf32, #tpu.memory_space<vmem>>, vector<1x16xf32>,
        %parallel_loop3A_504 = vector.shape_cast %parallel_loop3A_503 : vector<1x16xf32> to vector<16xf32>
        %parallel_loop3A_505 = vector.shape_cast %parallel_loop3A_500 : vector<16xf32> to vector<1x16xf32>
        tpu.vector_store %arg12[%parallel_loop3A_501, %parallel_loop3A_502], %parallel_loop3A_505 {strides = array<i32>} : memref<80x144xf32, #tpu.memory_space<vmem>>, vector<1x16xf32>,
        %parallel_loop3A_506 = arith.mulf %parallel_loop3A_411, %parallel_loop3A_469 : vector<16xf32>
        %parallel_loop3A_507 = arith.index_cast %parallel_loop3A_317 : i32 to index
        %parallel_loop3A_508 = arith.constant 96 : index
        %parallel_loop3A_509 = tpu.vector_load %arg12[%parallel_loop3A_507, %parallel_loop3A_508] {strides = array<i32>} : memref<80x144xf32, #tpu.memory_space<vmem>>, vector<1x16xf32>,
        %parallel_loop3A_510 = vector.shape_cast %parallel_loop3A_509 : vector<1x16xf32> to vector<16xf32>
        %parallel_loop3A_511 = vector.shape_cast %parallel_loop3A_506 : vector<16xf32> to vector<1x16xf32>
        tpu.vector_store %arg12[%parallel_loop3A_507, %parallel_loop3A_508], %parallel_loop3A_511 {strides = array<i32>} : memref<80x144xf32, #tpu.memory_space<vmem>>, vector<1x16xf32>,
        %parallel_loop3A_512 = arith.mulf %parallel_loop3A_426, %parallel_loop3A_469 : vector<16xf32>
        %parallel_loop3A_513 = arith.index_cast %parallel_loop3A_317 : i32 to index
        %parallel_loop3A_514 = arith.constant 112 : index
        %parallel_loop3A_515 = tpu.vector_load %arg12[%parallel_loop3A_513, %parallel_loop3A_514] {strides = array<i32>} : memref<80x144xf32, #tpu.memory_space<vmem>>, vector<1x16xf32>,
        %parallel_loop3A_516 = vector.shape_cast %parallel_loop3A_515 : vector<1x16xf32> to vector<16xf32>
        %parallel_loop3A_517 = vector.shape_cast %parallel_loop3A_512 : vector<16xf32> to vector<1x16xf32>
        tpu.vector_store %arg12[%parallel_loop3A_513, %parallel_loop3A_514], %parallel_loop3A_517 {strides = array<i32>} : memref<80x144xf32, #tpu.memory_space<vmem>>, vector<1x16xf32>,
        %parallel_loop3A_518 = arith.constant 0 : i32
        %parallel_loop3A_519 = vector.broadcast %parallel_loop3A_518 : i32 to vector<16xi32>
        %parallel_loop3A_520 = arith.cmpi eq, %iota3A, %parallel_loop3A_519 : vector<16xi32>
        %parallel_loop3A_521 = arith.constant 0.000000e+00 : f32
        %parallel_loop3A_522 = vector.broadcast %parallel_loop3A_521 : f32 to vector<16xf32>
        %parallel_loop3A_523 = arith.select %parallel_loop3A_520, %parallel_loop3A_469, %parallel_loop3A_522 : vector<16xi1>, vector<16xf32>
        %parallel_loop3A_524 = arith.index_cast %parallel_loop3A_317 : i32 to index
        %parallel_loop3A_525 = arith.constant 128 : index
        %parallel_loop3A_526 = tpu.vector_load %arg12[%parallel_loop3A_524, %parallel_loop3A_525] {strides = array<i32>} : memref<80x144xf32, #tpu.memory_space<vmem>>, vector<1x16xf32>,
        %parallel_loop3A_527 = vector.shape_cast %parallel_loop3A_526 : vector<1x16xf32> to vector<16xf32>
        %parallel_loop3A_528 = vector.shape_cast %parallel_loop3A_523 : vector<16xf32> to vector<1x16xf32>
        tpu.vector_store %arg12[%parallel_loop3A_524, %parallel_loop3A_525], %parallel_loop3A_528 {strides = array<i32>} : memref<80x144xf32, #tpu.memory_space<vmem>>, vector<1x16xf32>,
      } {sc.loop_unroll_factor = 8 : i64, sc.parallel_access}
      %div3A_299 = arith.constant 25 : i32
      %div3A_300 = arith.divsi %add3A_295, %div3A_299 : i32
      %rem3A_301 = arith.constant 2 : i32
      %rem3A_302 = arith.remsi %div3A_300, %rem3A_301 : i32
      %rem3A_303 = arith.constant 25 : i32
      %rem3A_304 = arith.remsi %add3A_295, %rem3A_303 : i32
      %mul3A_305 = arith.constant 40 : i32
      %mul3A_306 = arith.muli %rem3A_304, %mul3A_305 : i32
      %dma_start3A_307 = arith.constant 40 : i32
      %dma_start3A_308 = arith.constant 0 : i32
      %dma_start3A_309 = tpu.memref_slice %arg12[%dma_start3A_307, %dma_start3A_308] : memref<80x144xf32, #tpu.memory_space<vmem>> -> memref<40x144xf32, #tpu.memory_space<vmem>>
      %dma_start3A_310 = tpu.memref_slice %arg9[%rem3A_302, %mul3A_306] : memref<2x1000xi32, #tpu.memory_space<vmem>> -> memref<1x40xi32, #tpu.memory_space<vmem>>
      %dma_start3A_311 = tpu.memref_squeeze %dma_start3A_310 : memref<1x40xi32, #tpu.memory_space<vmem>> -> memref<40xi32, #tpu.memory_space<vmem>>
      %dma_start3A_312 = arith.constant 0 : i32
      %dma_start3A_313 = arith.constant 0 : i32
      %dma_start3A_314 = tpu.memref_slice %arg14[%dma_start3A_312, %dma_start3A_313] : memref<10240x144xf32, #tpu.memory_space<vmem_shared>> -> memref<10240x144xf32, #tpu.memory_space<vmem_shared>>
      tpu.enqueue_indirect_dma source(%dma_start3A_309 : memref<40x144xf32, #tpu.memory_space<vmem>>) target(%dma_start3A_314 : memref<10240x144xf32, #tpu.memory_space<vmem_shared>>) offsets(%dma_start3A_311 : memref<40xi32, #tpu.memory_space<vmem>>) semaphore(%arg20 : memref<!tpu.dma_semaphore, #tpu.memory_space<semaphore_mem>>) {add = true}
    }
    %scan3A_103 = arith.constant 125 : i32
    %dma_wait3A = arith.constant 0 : i32
    %dma_wait3A_104 = arith.constant 0 : i32
    %dma_wait3A_105 = arith.constant 0 : i32
    %dma_wait3A_106 = tpu.memref_slice %arg12[%dma_wait3A_104, %dma_wait3A_105] : memref<80x144xf32, #tpu.memory_space<vmem>> -> memref<40x144xf32, #tpu.memory_space<vmem>>
    %dma_wait3A_107 = arith.constant 0 : i32
    %dma_wait3A_108 = tpu.memref_slice %arg8[%dma_wait3A, %dma_wait3A_107] : memref<2x1000xi32, #tpu.memory_space<vmem>> -> memref<1x40xi32, #tpu.memory_space<vmem>>
    %dma_wait3A_109 = tpu.memref_squeeze %dma_wait3A_108 : memref<1x40xi32, #tpu.memory_space<vmem>> -> memref<40xi32, #tpu.memory_space<vmem>>
    %dma_wait3A_110 = arith.constant 0 : i32
    %dma_wait3A_111 = arith.constant 0 : i32
    %dma_wait3A_112 = tpu.memref_slice %arg14[%dma_wait3A_110, %dma_wait3A_111] : memref<10240x144xf32, #tpu.memory_space<vmem_shared>> -> memref<10240x144xf32, #tpu.memory_space<vmem_shared>>
    tpu.wait_indirect_dma semaphore(%arg19 : memref<!tpu.dma_semaphore, #tpu.memory_space<semaphore_mem>>) src(%dma_wait3A_106 : memref<40x144xf32, #tpu.memory_space<vmem>>) dst(%dma_wait3A_112 : memref<10240x144xf32, #tpu.memory_space<vmem_shared>>)
    %dma_wait3A_113 = arith.constant 0 : i32
    %dma_wait3A_114 = arith.constant 40 : i32
    %dma_wait3A_115 = arith.constant 0 : i32
    %dma_wait3A_116 = tpu.memref_slice %arg12[%dma_wait3A_114, %dma_wait3A_115] : memref<80x144xf32, #tpu.memory_space<vmem>> -> memref<40x144xf32, #tpu.memory_space<vmem>>
    %dma_wait3A_117 = arith.constant 0 : i32
    %dma_wait3A_118 = tpu.memref_slice %arg8[%dma_wait3A_113, %dma_wait3A_117] : memref<2x1000xi32, #tpu.memory_space<vmem>> -> memref<1x40xi32, #tpu.memory_space<vmem>>
    %dma_wait3A_119 = tpu.memref_squeeze %dma_wait3A_118 : memref<1x40xi32, #tpu.memory_space<vmem>> -> memref<40xi32, #tpu.memory_space<vmem>>
    %dma_wait3A_120 = arith.constant 0 : i32
    %dma_wait3A_121 = arith.constant 0 : i32
    %dma_wait3A_122 = tpu.memref_slice %arg14[%dma_wait3A_120, %dma_wait3A_121] : memref<10240x144xf32, #tpu.memory_space<vmem_shared>> -> memref<10240x144xf32, #tpu.memory_space<vmem_shared>>
    tpu.wait_indirect_dma semaphore(%arg20 : memref<!tpu.dma_semaphore, #tpu.memory_space<semaphore_mem>>) src(%dma_wait3A_116 : memref<40x144xf32, #tpu.memory_space<vmem>>) dst(%dma_wait3A_122 : memref<10240x144xf32, #tpu.memory_space<vmem_shared>>)
    %barrier3A_123 = arith.constant 0 : index
    tpu.barrier barrier_id(%barrier3A_123)
    %mul3A_124 = arith.constant 640 : i32
    %mul3A_125 = arith.muli %arg1, %mul3A_124 : i32
    %mul3A_126 = arith.constant 640 : i32
    %mul3A_127 = arith.muli %arg1, %mul3A_126 : i32
    "tpu.region"() ({
      %run_scoped3A_128 = tpu.sem_alloc : memref<!tpu.dma_semaphore, #tpu.memory_space<semaphore_mem>>
      %dma_start3A_129 = arith.constant 0 : i32
      %dma_start3A_130 = tpu.memref_slice %arg7[%arg0, %mul3A_127, %dma_start3A_129] : memref<2x10240x144xf32, #tpu.memory_space<hbm>> -> memref<1x640x144xf32, #tpu.memory_space<hbm>>
      %dma_start3A_131 = tpu.memref_squeeze %dma_start3A_130 : memref<1x640x144xf32, #tpu.memory_space<hbm>> -> memref<640x144xf32, #tpu.memory_space<hbm>>
      %dma_start3A_132 = arith.constant 0 : i32
      %dma_start3A_133 = tpu.memref_slice %arg14[%mul3A_125, %dma_start3A_132] : memref<10240x144xf32, #tpu.memory_space<vmem_shared>> -> memref<640x144xf32, #tpu.memory_space<vmem_shared>>
      tpu.enqueue_dma source(%dma_start3A_133 : memref<640x144xf32, #tpu.memory_space<vmem_shared>>) target(%dma_start3A_131 : memref<640x144xf32, #tpu.memory_space<hbm>>) target_semaphore(%run_scoped3A_128 : memref<!tpu.dma_semaphore, #tpu.memory_space<semaphore_mem>>)
      %dma_wait3A_134 = arith.constant 0 : i32
      %dma_wait3A_135 = tpu.memref_slice %arg7[%arg0, %mul3A_127, %dma_wait3A_134] : memref<2x10240x144xf32, #tpu.memory_space<hbm>> -> memref<1x640x144xf32, #tpu.memory_space<hbm>>
      %dma_wait3A_136 = tpu.memref_squeeze %dma_wait3A_135 : memref<1x640x144xf32, #tpu.memory_space<hbm>> -> memref<640x144xf32, #tpu.memory_space<hbm>>
      %dma_wait3A_137 = arith.constant 0 : i32
      %dma_wait3A_138 = tpu.memref_slice %arg14[%mul3A_125, %dma_wait3A_137] : memref<10240x144xf32, #tpu.memory_space<vmem_shared>> -> memref<640x144xf32, #tpu.memory_space<vmem_shared>>
      tpu.wait_dma2 semaphore(%run_scoped3A_128 : memref<!tpu.dma_semaphore, #tpu.memory_space<semaphore_mem>>) src(%dma_wait3A_138 : memref<640x144xf32, #tpu.memory_space<vmem_shared>>) dst(%dma_wait3A_136 : memref<640x144xf32, #tpu.memory_space<hbm>>)
      tpu.yield
    }) : () -> ()
    return
  }
}

module attributes {stable_mosaic.version = 14 : i64} {
  func.func @_combine_lin_body(%arg0: i32, %arg1: memref<2x1000x144xf32, #tpu.memory_space<vmem>>, %arg2: memref<1x128xf32, #tpu.memory_space<vmem>>, %arg3: memref<128x128xf32, #tpu.memory_space<vmem>>, %arg4: memref<1x128xf32, #tpu.memory_space<vmem>>, %arg5: memref<128x128xf32, #tpu.memory_space<vmem>>, %arg6: memref<1x128xf32, #tpu.memory_space<vmem>>, %arg7: memref<1000x128xf32, #tpu.memory_space<vmem>>, %arg8: memref<1000x128xf32, #tpu.memory_space<vmem>>) attributes {dimension_semantics = [#tpu.dimension_semantics<arbitrary>], iteration_bounds = array<i64: 10>, scalar_prefetch = 0 : i64, scratch_operands = 0 : i64, tpu.core_type = #tpu.core_type<tc>, window_params = [{transform_indices = @transform_0, window_bounds = array<i64: 2, 1000, 144>}, {pipeline_mode = #tpu.pipeline_mode<synchronous>, transform_indices = @transform_1, window_bounds = array<i64: 1, 128>}, {pipeline_mode = #tpu.pipeline_mode<synchronous>, transform_indices = @transform_2, window_bounds = array<i64: 128, 128>}, {pipeline_mode = #tpu.pipeline_mode<synchronous>, transform_indices = @transform_3, window_bounds = array<i64: 1, 128>}, {pipeline_mode = #tpu.pipeline_mode<synchronous>, transform_indices = @transform_4, window_bounds = array<i64: 128, 128>}, {pipeline_mode = #tpu.pipeline_mode<synchronous>, transform_indices = @transform_5, window_bounds = array<i64: 1, 128>}, {transform_indices = @transform_6, window_bounds = array<i64: 1000, 128>}, {transform_indices = @transform_7, window_bounds = array<i64: 1000, 128>}]} {
    %get3A = arith.constant 0 : index
    %get3A_0 = arith.constant 0 : index
    %get3A_1 = arith.constant 0 : index
    %get3A_2 = vector.load %arg1[%get3A, %get3A_0, %get3A_1] : memref<2x1000x144xf32, #tpu.memory_space<vmem>>, vector<1x1000x144xf32>
    %get3A_3 = vector.shape_cast %get3A_2 : vector<1x1000x144xf32> to vector<1000x144xf32>
    %get3A_4 = arith.constant 1 : index
    %get3A_5 = arith.constant 0 : index
    %get3A_6 = arith.constant 0 : index
    %get3A_7 = vector.load %arg1[%get3A_4, %get3A_5, %get3A_6] : memref<2x1000x144xf32, #tpu.memory_space<vmem>>, vector<1x1000x144xf32>
    %get3A_8 = vector.shape_cast %get3A_7 : vector<1x1000x144xf32> to vector<1000x144xf32>
    %add3A = arith.addf %get3A_3, %get3A_8 : vector<1000x144xf32>
    %slice3A = vector.extract_strided_slice %add3A {offsets = [0, 0], sizes = [1000, 128], strides = [1, 1]} : vector<1000x144xf32> to vector<1000x128xf32>
    %slice3A_9 = vector.extract_strided_slice %add3A {offsets = [0, 128], sizes = [1000, 1], strides = [1, 1]} : vector<1000x144xf32> to vector<1000x1xf32>
    %add3A_10 = arith.constant 1.000000e-16 : f32
    %add3A_11 = vector.broadcast %add3A_10 : f32 to vector<1000x1xf32>
    %add3A_12 = arith.addf %slice3A_9, %add3A_11 : vector<1000x1xf32>
    %div3A = arith.constant 1.000000e+00 : f32
    %div3A_13 = vector.broadcast %div3A : f32 to vector<1000x1xf32>
    %div3A_14 = arith.divf %div3A_13, %add3A_12 : vector<1000x1xf32>
    %mul3A = vector.broadcast %div3A_14 : vector<1000x1xf32> to vector<1000x128xf32>
    %mul3A_15 = arith.mulf %slice3A, %mul3A : vector<1000x128xf32>
    %get3A_16 = arith.constant 0 : index
    %get3A_17 = arith.constant 0 : index
    %get3A_18 = vector.load %arg2[%get3A_16, %get3A_17] : memref<1x128xf32, #tpu.memory_space<vmem>>, vector<1x128xf32>
    %add3A_19 = vector.broadcast %get3A_18 : vector<1x128xf32> to vector<1000x128xf32>
    %add3A_20 = arith.addf %mul3A_15, %add3A_19 : vector<1000x128xf32>
    %max3A = arith.constant 0.000000e+00 : f32
    %max3A_21 = vector.broadcast %max3A : f32 to vector<1000x128xf32>
    %max3A_22 = arith.maximumf %add3A_20, %max3A_21 : vector<1000x128xf32>
    %get3A_23 = arith.constant 0 : index
    %get3A_24 = arith.constant 0 : index
    %get3A_25 = vector.load %arg3[%get3A_23, %get3A_24] : memref<128x128xf32, #tpu.memory_space<vmem>>, vector<128x128xf32>
    %dot_general3A = arith.constant dense<0.000000e+00> : vector<1000x128xf32>
    %dot_general3A_26 = tpu.matmul %max3A_22, %get3A_25, %dot_general3A {dimension_numbers = #tpu.dot_dimension_numbers<[1], [0], [0], [1], [0, 0, 1, 1], [], []>, transpose_lhs_hint = false} : vector<1000x128xf32>, vector<128x128xf32>, vector<1000x128xf32> -> vector<1000x128xf32>
    %get3A_27 = arith.constant 0 : index
    %get3A_28 = arith.constant 0 : index
    %get3A_29 = vector.load %arg4[%get3A_27, %get3A_28] : memref<1x128xf32, #tpu.memory_space<vmem>>, vector<1x128xf32>
    %add3A_30 = vector.broadcast %get3A_29 : vector<1x128xf32> to vector<1000x128xf32>
    %add3A_31 = arith.addf %dot_general3A_26, %add3A_30 : vector<1000x128xf32>
    %swap3A = arith.constant 0 : index
    %swap3A_32 = arith.constant 0 : index
    %swap3A_33 = vector.load %arg7[%swap3A, %swap3A_32] : memref<1000x128xf32, #tpu.memory_space<vmem>>, vector<1000x128xf32>
    tpu.vector_store %arg7[%swap3A, %swap3A_32], %add3A_31 {strides = array<i32>} : memref<1000x128xf32, #tpu.memory_space<vmem>>, vector<1000x128xf32>,
    %get3A_34 = arith.constant 0 : index
    %get3A_35 = arith.constant 0 : index
    %get3A_36 = vector.load %arg5[%get3A_34, %get3A_35] : memref<128x128xf32, #tpu.memory_space<vmem>>, vector<128x128xf32>
    %dot_general3A_37 = arith.constant dense<0.000000e+00> : vector<1000x128xf32>
    %dot_general3A_38 = tpu.matmul %max3A_22, %get3A_36, %dot_general3A_37 {dimension_numbers = #tpu.dot_dimension_numbers<[1], [0], [0], [1], [0, 0, 1, 1], [], []>, transpose_lhs_hint = false} : vector<1000x128xf32>, vector<128x128xf32>, vector<1000x128xf32> -> vector<1000x128xf32>
    %get3A_39 = arith.constant 0 : index
    %get3A_40 = arith.constant 0 : index
    %get3A_41 = vector.load %arg6[%get3A_39, %get3A_40] : memref<1x128xf32, #tpu.memory_space<vmem>>, vector<1x128xf32>
    %add3A_42 = vector.broadcast %get3A_41 : vector<1x128xf32> to vector<1000x128xf32>
    %add3A_43 = arith.addf %dot_general3A_38, %add3A_42 : vector<1000x128xf32>
    %swap3A_44 = arith.constant 0 : index
    %swap3A_45 = arith.constant 0 : index
    %swap3A_46 = vector.load %arg8[%swap3A_44, %swap3A_45] : memref<1000x128xf32, #tpu.memory_space<vmem>>, vector<1000x128xf32>
    tpu.vector_store %arg8[%swap3A_44, %swap3A_45], %add3A_43 {strides = array<i32>} : memref<1000x128xf32, #tpu.memory_space<vmem>>, vector<1000x128xf32>,
    return
  }
  func.func @transform_0(%arg0: i32) -> (i32, i32, i32) {
    %c0_i32 = arith.constant 0 : i32
    %c0_i32_0 = arith.constant 0 : i32
    %c0_i32_1 = arith.constant 0 : i32
    return %c0_i32, %arg0, %c0_i32_0 : i32, i32, i32
  }
  func.func @transform_1(%arg0: i32) -> (i32, i32) {
    %c0_i32 = arith.constant 0 : i32
    %c0_i32_0 = arith.constant 0 : i32
    %c0_i32_1 = arith.constant 0 : i32
    return %c0_i32, %c0_i32_0 : i32, i32
  }
  func.func @transform_2(%arg0: i32) -> (i32, i32) {
    %c0_i32 = arith.constant 0 : i32
    %c0_i32_0 = arith.constant 0 : i32
    %c0_i32_1 = arith.constant 0 : i32
    return %c0_i32, %c0_i32_0 : i32, i32
  }
  func.func @transform_3(%arg0: i32) -> (i32, i32) {
    %c0_i32 = arith.constant 0 : i32
    %c0_i32_0 = arith.constant 0 : i32
    %c0_i32_1 = arith.constant 0 : i32
    return %c0_i32, %c0_i32_0 : i32, i32
  }
  func.func @transform_4(%arg0: i32) -> (i32, i32) {
    %c0_i32 = arith.constant 0 : i32
    %c0_i32_0 = arith.constant 0 : i32
    %c0_i32_1 = arith.constant 0 : i32
    return %c0_i32, %c0_i32_0 : i32, i32
  }
  func.func @transform_5(%arg0: i32) -> (i32, i32) {
    %c0_i32 = arith.constant 0 : i32
    %c0_i32_0 = arith.constant 0 : i32
    %c0_i32_1 = arith.constant 0 : i32
    return %c0_i32, %c0_i32_0 : i32, i32
  }
  func.func @transform_6(%arg0: i32) -> (i32, i32) {
    %c0_i32 = arith.constant 0 : i32
    %c0_i32_0 = arith.constant 0 : i32
    return %arg0, %c0_i32 : i32, i32
  }
  func.func @transform_7(%arg0: i32) -> (i32, i32) {
    %c0_i32 = arith.constant 0 : i32
    %c0_i32_0 = arith.constant 0 : i32
    return %arg0, %c0_i32 : i32, i32
  }
}

module attributes {stable_mosaic.version = 14 : i64} {
  func.func @_lin_body(%arg0: i32, %arg1: memref<1000x128xf32, #tpu.memory_space<vmem>>, %arg2: memref<128x128xf32, #tpu.memory_space<vmem>>, %arg3: memref<1x128xf32, #tpu.memory_space<vmem>>, %arg4: memref<128x128xf32, #tpu.memory_space<vmem>>, %arg5: memref<1x128xf32, #tpu.memory_space<vmem>>, %arg6: memref<1000x128xf32, #tpu.memory_space<vmem>>, %arg7: memref<1000x128xf32, #tpu.memory_space<vmem>>) attributes {dimension_semantics = [#tpu.dimension_semantics<arbitrary>], iteration_bounds = array<i64: 10>, scalar_prefetch = 0 : i64, scratch_operands = 0 : i64, tpu.core_type = #tpu.core_type<tc>, window_params = [{transform_indices = @transform_0, window_bounds = array<i64: 1000, 128>}, {pipeline_mode = #tpu.pipeline_mode<synchronous>, transform_indices = @transform_1, window_bounds = array<i64: 128, 128>}, {pipeline_mode = #tpu.pipeline_mode<synchronous>, transform_indices = @transform_2, window_bounds = array<i64: 1, 128>}, {pipeline_mode = #tpu.pipeline_mode<synchronous>, transform_indices = @transform_3, window_bounds = array<i64: 128, 128>}, {pipeline_mode = #tpu.pipeline_mode<synchronous>, transform_indices = @transform_4, window_bounds = array<i64: 1, 128>}, {transform_indices = @transform_5, window_bounds = array<i64: 1000, 128>}, {transform_indices = @transform_6, window_bounds = array<i64: 1000, 128>}]} {
    %get3A = arith.constant 0 : index
    %get3A_0 = arith.constant 0 : index
    %get3A_1 = vector.load %arg1[%get3A, %get3A_0] : memref<1000x128xf32, #tpu.memory_space<vmem>>, vector<1000x128xf32>
    %get3A_2 = arith.constant 0 : index
    %get3A_3 = arith.constant 0 : index
    %get3A_4 = vector.load %arg2[%get3A_2, %get3A_3] : memref<128x128xf32, #tpu.memory_space<vmem>>, vector<128x128xf32>
    %dot_general3A = arith.constant dense<0.000000e+00> : vector<1000x128xf32>
    %dot_general3A_5 = tpu.matmul %get3A_1, %get3A_4, %dot_general3A {dimension_numbers = #tpu.dot_dimension_numbers<[1], [0], [0], [1], [0, 0, 1, 1], [], []>, transpose_lhs_hint = false} : vector<1000x128xf32>, vector<128x128xf32>, vector<1000x128xf32> -> vector<1000x128xf32>
    %get3A_6 = arith.constant 0 : index
    %get3A_7 = arith.constant 0 : index
    %get3A_8 = vector.load %arg3[%get3A_6, %get3A_7] : memref<1x128xf32, #tpu.memory_space<vmem>>, vector<1x128xf32>
    %add3A = vector.broadcast %get3A_8 : vector<1x128xf32> to vector<1000x128xf32>
    %add3A_9 = arith.addf %dot_general3A_5, %add3A : vector<1000x128xf32>
    %swap3A = arith.constant 0 : index
    %swap3A_10 = arith.constant 0 : index
    %swap3A_11 = vector.load %arg6[%swap3A, %swap3A_10] : memref<1000x128xf32, #tpu.memory_space<vmem>>, vector<1000x128xf32>
    tpu.vector_store %arg6[%swap3A, %swap3A_10], %add3A_9 {strides = array<i32>} : memref<1000x128xf32, #tpu.memory_space<vmem>>, vector<1000x128xf32>,
    %get3A_12 = arith.constant 0 : index
    %get3A_13 = arith.constant 0 : index
    %get3A_14 = vector.load %arg4[%get3A_12, %get3A_13] : memref<128x128xf32, #tpu.memory_space<vmem>>, vector<128x128xf32>
    %dot_general3A_15 = arith.constant dense<0.000000e+00> : vector<1000x128xf32>
    %dot_general3A_16 = tpu.matmul %get3A_1, %get3A_14, %dot_general3A_15 {dimension_numbers = #tpu.dot_dimension_numbers<[1], [0], [0], [1], [0, 0, 1, 1], [], []>, transpose_lhs_hint = false} : vector<1000x128xf32>, vector<128x128xf32>, vector<1000x128xf32> -> vector<1000x128xf32>
    %get3A_17 = arith.constant 0 : index
    %get3A_18 = arith.constant 0 : index
    %get3A_19 = vector.load %arg5[%get3A_17, %get3A_18] : memref<1x128xf32, #tpu.memory_space<vmem>>, vector<1x128xf32>
    %add3A_20 = vector.broadcast %get3A_19 : vector<1x128xf32> to vector<1000x128xf32>
    %add3A_21 = arith.addf %dot_general3A_16, %add3A_20 : vector<1000x128xf32>
    %swap3A_22 = arith.constant 0 : index
    %swap3A_23 = arith.constant 0 : index
    %swap3A_24 = vector.load %arg7[%swap3A_22, %swap3A_23] : memref<1000x128xf32, #tpu.memory_space<vmem>>, vector<1000x128xf32>
    tpu.vector_store %arg7[%swap3A_22, %swap3A_23], %add3A_21 {strides = array<i32>} : memref<1000x128xf32, #tpu.memory_space<vmem>>, vector<1000x128xf32>,
    return
  }
  func.func @transform_0(%arg0: i32) -> (i32, i32) {
    %c0_i32 = arith.constant 0 : i32
    %c0_i32_0 = arith.constant 0 : i32
    return %arg0, %c0_i32 : i32, i32
  }
  func.func @transform_1(%arg0: i32) -> (i32, i32) {
    %c0_i32 = arith.constant 0 : i32
    %c0_i32_0 = arith.constant 0 : i32
    %c0_i32_1 = arith.constant 0 : i32
    return %c0_i32, %c0_i32_0 : i32, i32
  }
  func.func @transform_2(%arg0: i32) -> (i32, i32) {
    %c0_i32 = arith.constant 0 : i32
    %c0_i32_0 = arith.constant 0 : i32
    %c0_i32_1 = arith.constant 0 : i32
    return %c0_i32, %c0_i32_0 : i32, i32
  }
  func.func @transform_3(%arg0: i32) -> (i32, i32) {
    %c0_i32 = arith.constant 0 : i32
    %c0_i32_0 = arith.constant 0 : i32
    %c0_i32_1 = arith.constant 0 : i32
    return %c0_i32, %c0_i32_0 : i32, i32
  }
  func.func @transform_4(%arg0: i32) -> (i32, i32) {
    %c0_i32 = arith.constant 0 : i32
    %c0_i32_0 = arith.constant 0 : i32
    %c0_i32_1 = arith.constant 0 : i32
    return %c0_i32, %c0_i32_0 : i32, i32
  }
  func.func @transform_5(%arg0: i32) -> (i32, i32) {
    %c0_i32 = arith.constant 0 : i32
    %c0_i32_0 = arith.constant 0 : i32
    return %arg0, %c0_i32 : i32, i32
  }
  func.func @transform_6(%arg0: i32) -> (i32, i32) {
    %c0_i32 = arith.constant 0 : i32
    %c0_i32_0 = arith.constant 0 : i32
    return %arg0, %c0_i32 : i32, i32
  }
}

module attributes {stable_mosaic.version = 14 : i64} {
  func.func @_final_body(%arg0: i32, %arg1: memref<2x1000x144xf32, #tpu.memory_space<vmem>>, %arg2: memref<1x128xf32, #tpu.memory_space<vmem>>, %arg3: memref<1000x128xf32, #tpu.memory_space<vmem>>) attributes {dimension_semantics = [#tpu.dimension_semantics<arbitrary>], iteration_bounds = array<i64: 10>, scalar_prefetch = 0 : i64, scratch_operands = 0 : i64, tpu.core_type = #tpu.core_type<tc>, window_params = [{transform_indices = @transform_0, window_bounds = array<i64: 2, 1000, 144>}, {pipeline_mode = #tpu.pipeline_mode<synchronous>, transform_indices = @transform_1, window_bounds = array<i64: 1, 128>}, {transform_indices = @transform_2, window_bounds = array<i64: 1000, 128>}]} {
    %get3A = arith.constant 0 : index
    %get3A_0 = arith.constant 0 : index
    %get3A_1 = arith.constant 0 : index
    %get3A_2 = vector.load %arg1[%get3A, %get3A_0, %get3A_1] : memref<2x1000x144xf32, #tpu.memory_space<vmem>>, vector<1x1000x144xf32>
    %get3A_3 = vector.shape_cast %get3A_2 : vector<1x1000x144xf32> to vector<1000x144xf32>
    %get3A_4 = arith.constant 1 : index
    %get3A_5 = arith.constant 0 : index
    %get3A_6 = arith.constant 0 : index
    %get3A_7 = vector.load %arg1[%get3A_4, %get3A_5, %get3A_6] : memref<2x1000x144xf32, #tpu.memory_space<vmem>>, vector<1x1000x144xf32>
    %get3A_8 = vector.shape_cast %get3A_7 : vector<1x1000x144xf32> to vector<1000x144xf32>
    %add3A = arith.addf %get3A_3, %get3A_8 : vector<1000x144xf32>
    %slice3A = vector.extract_strided_slice %add3A {offsets = [0, 0], sizes = [1000, 128], strides = [1, 1]} : vector<1000x144xf32> to vector<1000x128xf32>
    %slice3A_9 = vector.extract_strided_slice %add3A {offsets = [0, 128], sizes = [1000, 1], strides = [1, 1]} : vector<1000x144xf32> to vector<1000x1xf32>
    %add3A_10 = arith.constant 1.000000e-16 : f32
    %add3A_11 = vector.broadcast %add3A_10 : f32 to vector<1000x1xf32>
    %add3A_12 = arith.addf %slice3A_9, %add3A_11 : vector<1000x1xf32>
    %div3A = arith.constant 1.000000e+00 : f32
    %div3A_13 = vector.broadcast %div3A : f32 to vector<1000x1xf32>
    %div3A_14 = arith.divf %div3A_13, %add3A_12 : vector<1000x1xf32>
    %mul3A = vector.broadcast %div3A_14 : vector<1000x1xf32> to vector<1000x128xf32>
    %mul3A_15 = arith.mulf %slice3A, %mul3A : vector<1000x128xf32>
    %get3A_16 = arith.constant 0 : index
    %get3A_17 = arith.constant 0 : index
    %get3A_18 = vector.load %arg2[%get3A_16, %get3A_17] : memref<1x128xf32, #tpu.memory_space<vmem>>, vector<1x128xf32>
    %add3A_19 = vector.broadcast %get3A_18 : vector<1x128xf32> to vector<1000x128xf32>
    %add3A_20 = arith.addf %mul3A_15, %add3A_19 : vector<1000x128xf32>
    %swap3A = arith.constant 0 : index
    %swap3A_21 = arith.constant 0 : index
    %swap3A_22 = vector.load %arg3[%swap3A, %swap3A_21] : memref<1000x128xf32, #tpu.memory_space<vmem>>, vector<1000x128xf32>
    tpu.vector_store %arg3[%swap3A, %swap3A_21], %add3A_20 {strides = array<i32>} : memref<1000x128xf32, #tpu.memory_space<vmem>>, vector<1000x128xf32>,
    return
  }
  func.func @transform_0(%arg0: i32) -> (i32, i32, i32) {
    %c0_i32 = arith.constant 0 : i32
    %c0_i32_0 = arith.constant 0 : i32
    %c0_i32_1 = arith.constant 0 : i32
    return %c0_i32, %arg0, %c0_i32_0 : i32, i32, i32
  }
  func.func @transform_1(%arg0: i32) -> (i32, i32) {
    %c0_i32 = arith.constant 0 : i32
    %c0_i32_0 = arith.constant 0 : i32
    %c0_i32_1 = arith.constant 0 : i32
    return %c0_i32, %c0_i32_0 : i32, i32
  }
  func.func @transform_2(%arg0: i32) -> (i32, i32) {
    %c0_i32 = arith.constant 0 : i32
    %c0_i32_0 = arith.constant 0 : i32
    return %arg0, %c0_i32 : i32, i32
  }
}

</mosaic_0001>

<sc_bundles>
// kernel: kernel.10.cloned.1.call-start
scs
__scs_entry_jumppad:
0x0: {  	(pc) =	sbr.rel $0x88, $3  }
0x1: {  	(tag) =	ssettag $0x0;
	lr =	simm.s32 $0x1  }
0x2: {  	[smem:$0x3F93] =	sst lr;
	_ =	strace $0xD0000000  }
0x3: {  	_ = 	snop  }
0x4: {  	_ = 	snop  }
0x5: {  	_ = 	snop  }
0x6: {  	_ = 	snop  }
0x7: {  	_ = 	snop  }
__scs_overlays_trampoline_lowered:
0x8: {  	[smem:$0x3FA2] =	sst s0  }
0x9: {  	[smem:$0x3FA3] =	sst s1  }
0xa: {  	[smem:$0x3FA4] =	sst s2  }
0xb: {  	[smem:$0x3FA5] =	sst s3  }
0xc: {  	[smem:$0x3FA6] =	sst s4  }
0xd: {  	[smem:$0x3FA7] =	sst s5  }
0xe: {  	[smem:$0x3FA8] =	sst s6  }
0xf: {  	[smem:$0x3FA9] =	sst s7  }
0x10: {  	[smem:$0x3FAA] =	sst s8  }
0x11: {  	[smem:$0x3FAB] =	sst s9;
	s0 =	simm.s32 @!p0 $0x0  }
0x12: {  	s1 =	sld [smem:$0x3F91];
	s0 =	simm.s32 @p0 $0x1  }
0x13: {  	[smem:$0x3FAC] =	sst s0;
	s0 =	simm.s32 @!p1 $0x0  }
0x14: {  	s2 =	sld [smem:$0x3F90];
	s0 =	simm.s32 @p1 $0x1  }
0x15: {  	[smem:$0x3FAD] =	sst s0;
	s0 =	simm.s32 @!p2 $0x0  }
0x16: {  	s3 =	sld [smem:$0x3FDB];
	s0 =	simm.s32 @p2 $0x1  }
0x17: {  	s4 =	simm.s32 $0x1BF5;
	[smem:$0x3FAF] =	sst s0  }
0x18: {  	s0 =	sld [smem:$0x3F92];
	_ =	swait.ge [sflag:s4], $0x0  }
0x19: {  	s7 =	sld [smem:$0x3F93]  }
0x1a: {  	s8 =	sadd.s32 $0xFFFFE003, lr  }
0x1b: {  	s9 =	sadd.s32 $0xFFFFFEF7, lr;
	s5 =	simm.s32 $0xFFFFFFFF;
	p2 =	slt.u32 s8, $0xFFFFF086  }
0x1c: {  	p1 =	slt.u32 s9, $0xF7A;
	s5 =	simm.s32 @!p2 $0x0  }
0x1d: {  	s5 =	simm.s32 @p1 $0x1;
	p0 =	seq.s32 s7, s2  }
0x1e: {  	s7 =	smul.u32 @!p0 $0xF7A, s2;
	p2 =	seq.s32 @!p0 s5, $0x0  }
0x1f: {  	s9 =	smul.u32 $0xF7A, s1;
	s8 =	simm.s32 @!p0 $0x1BF5;
	p2 =	por !p2, p0  }
0x20: {  	[sflag:s8] =	ssyncset.s32 @!p0 $0xFFFFF086;
	s6 =	sadd.s32 @!p0 s3, s7;
	s7 =	simm.s32 @!p0 $0x108  }
0x21: {  	s3 =	sadd.s32 s3, s9;
	s6 =	sadd.s32 @!p0 $0x88, s6;
	s7 =	simm.s32 @p2 $0x1082  }
0x22: {  	[simem:s7], [sflag:s8] =	dma.local @!p0 [hbm:s6], $0xF7A  }
0x23: {  	s9 =	sor.u32 $0xD0000000, s2;
	s6 =	simm.s32 $0x108;
	_ =	swait.ge @!p0 [sflag:s8], $0x0  }
0x24: {  	s3 =	sadd.s32 $0x88, s3;
	s6 =	simm.s32 @!p1 $0x1082;
	[sflag:s4] =	ssyncset.s32 $0xFFFFF086  }
0x25: {  	[simem:s6], [sflag:s4] =	dma.local [hbm:s3], $0xF7A  }
0x26: {  	[smem:$0x3F93] =	sst s1;
	(tag) =	ssettag s2;
	_ =	strace s9  }
0x27: {  	s1 =	sld [smem:$0x3FA3]  }
0x28: {  	s2 =	sld [smem:$0x3FA4]  }
0x29: {  	s4 =	sld [smem:$0x3FA6]  }
0x2a: {  	p0 =	seq.s32 s5, $0x0;
	s5 =	sld [smem:$0x3FA7]  }
0x2b: {  	s6 =	sld [smem:$0x3FA8]  }
0x2c: {  	s7 =	sld [smem:$0x3FA9]  }
0x2d: {  	s3 =	simm.s32 $0x108;
	s8 =	sld [smem:$0x3FAA]  }
0x2e: {  	s3 =	simm.s32 @!p0 $0x1082;
	s9 =	sld [smem:$0x3FAB]  }
0x2f: {  	lr =	sadd.s32 s0, s3;
	s0 =	sld [smem:$0x3FA2]  }
0x30: {  	s3 =	sld [smem:$0x3FA5]  }
0x31: {  	[smem:$0x3FAE] =	sst s10  }
0x32: {  	s10 =	sld [smem:$0x3FAC];
	_ =	sdelay $0x3  }
0x33: {  	p0 =	seq.s32 s10, $0x1;
	s10 =	sld [smem:$0x3FAE];
	_ =	sdelay $0x3  }
0x34: {  	[smem:$0x3FAE] =	sst s10  }
0x35: {  	s10 =	sld [smem:$0x3FAD];
	_ =	sdelay $0x3  }
0x36: {  	p1 =	seq.s32 s10, $0x1;
	s10 =	sld [smem:$0x3FAE];
	_ =	sdelay $0x3  }
0x37: {  	[smem:$0x3FAE] =	sst s10  }
0x38: {  	s10 =	sld [smem:$0x3FAF]  }
0x39: {  	_ = 	snop;
	(pc) =	sbr.ind lr, $3  }
0x3a: {  	_ = 	snop  }
0x3b: {  	_ = 	snop  }
0x3c: {  	p2 =	seq.s32 s10, $0x1;
	s10 =	sld [smem:$0x3FAE]  }
0x3d: {  	_ =	shalt  }
0x3e: {  	_ =	shalt  }
0x3f: {  	_ =	shalt  }
0x40: {  	_ =	shalt  }
0x41: {  	_ =	shalt  }
0x42: {  	_ =	shalt  }
0x43: {  	_ =	shalt  }
0x44: {  	_ =	shalt  }
0x45: {  	_ =	shalt  }
0x46: {  	_ =	shalt  }
0x47: {  	_ =	shalt  }
0x48: {  	_ =	shalt  }
0x49: {  	_ =	shalt  }
0x4a: {  	_ =	shalt  }
0x4b: {  	_ =	shalt  }
0x4c: {  	_ =	shalt  }
0x4d: {  	_ =	shalt  }
0x4e: {  	_ =	shalt  }
0x4f: {  	_ =	shalt  }
0x50: {  	_ =	shalt  }
0x51: {  	_ =	shalt  }
0x52: {  	_ =	shalt  }
0x53: {  	_ =	shalt  }
0x54: {  	_ =	shalt  }
0x55: {  	_ =	shalt  }
0x56: {  	_ =	shalt  }
0x57: {  	_ =	shalt  }
0x58: {  	_ =	shalt  }
0x59: {  	_ =	shalt  }
0x5a: {  	_ =	shalt  }
0x5b: {  	_ =	shalt  }
0x5c: {  	_ =	shalt  }
0x5d: {  	_ =	shalt  }
0x5e: {  	_ =	shalt  }
0x5f: {  	_ =	shalt  }
0x60: {  	_ =	shalt  }
0x61: {  	_ =	shalt  }
0x62: {  	_ =	shalt  }
0x63: {  	_ =	shalt  }
0x64: {  	_ =	shalt  }
0x65: {  	_ =	shalt  }
0x66: {  	_ =	shalt  }
0x67: {  	_ =	shalt  }
0x68: {  	_ =	shalt  }
0x69: {  	_ =	shalt  }
0x6a: {  	_ =	shalt  }
0x6b: {  	_ =	shalt  }
0x6c: {  	_ =	shalt  }
0x6d: {  	_ =	shalt  }
0x6e: {  	_ =	shalt  }
0x6f: {  	_ =	shalt  }
0x70: {  	_ =	shalt  }
0x71: {  	_ =	shalt  }
0x72: {  	_ =	shalt  }
0x73: {  	_ =	shalt  }
0x74: {  	_ =	shalt  }
0x75: {  	_ =	shalt  }
0x76: {  	_ =	shalt  }
0x77: {  	_ =	shalt  }
0x78: {  	_ =	shalt  }
0x79: {  	_ =	shalt  }
0x7a: {  	_ =	shalt  }
0x7b: {  	_ =	shalt  }
0x7c: {  	_ =	shalt  }
0x7d: {  	_ =	shalt  }
0x7e: {  	_ =	shalt  }
0x7f: {  	_ =	shalt  }
0x80: {  	_ =	shalt  }
0x81: {  	_ =	shalt  }
0x82: {  	_ =	shalt  }
0x83: {  	_ =	shalt  }
0x84: {  	_ =	shalt  }
0x85: {  	_ =	shalt  }
0x86: {  	_ =	shalt  }
0x87: {  	_ =	shalt  }
.Lfunc_end0:
.L_simem_size_0:
called_computation.1_lowered:
.L_overlay_start_0:
0x88: {  	s2 =	sld [smem:$0x3FD9]  }
0x89: {  	s3 =	sld [smem:$0x3FFE];
	_ =	sdelay $0x1  }
0x8a: {  	s1 =	srdreg.scid  }
0x8b: {  	s0 =	sand.u32 $0x1, s1  }
0x8c: {  	s17 =	sshll.u32 s0, $0xA;
	s2 =	sadd.s32 s3, s2  }
0x8d: {  	s2 =	sadd.s32 s2, s17  }
0x8e: {  	[smem:$0x3FBA] =	sst s2  }
0x8f: {  	_ = 	snop  }
0x90: {  	s2 =	sld [smem:$0x3FBD]  }
0x91: {  	s18 =	sld [smem:$0x3FD0];
	(tm) =	ssettm $0x1  }
0x92: {  	s4 =	sld [smem:$0x3FFB];
	_ =	sdelay $0x3  }
0x93: {  	_ =	strace s4  }
0x94: {  	s4 =	sld [smem:$0x3FFC];
	_ =	sdelay $0x3  }
0x95: {  	_ =	strace s4  }
0x96: {  	s4 =	sld [smem:$0x3FFD];
	_ =	sdelay $0x3  }
0x97: {  	_ =	strace s4  }
0x98: {  	_ =	strace $0x8FFFFFFF  }
0x99: {  	s19 =	sld [smem:$0x3FDB];
	_ =	sdelay $0x1  }
0x9a: {  	s5 =	simm.s32 $_scs_section_size  }
0x9b: {  	s6 =	simm.s32 $_size__tile_overlayer_lowered;
	s7 =	simm.s32 $_tile_overlayer_lowered  }
0x9c: {  	s22 =	simm.s32 $0x1BFF;
	s21 =	sshll.u32 s7, $0x1;
	s4 =	sadd.s32 s5, s19  }
0x9d: {  	s8 =	simm.s32 $0x0;
	s20 =	sshll.u32 s6, $0x1;
	s6 =	sadd.s32 s21, s4  }
0x9e: {  	[timem:s8], [sflag:s22] =	dma.local [hbm:s6], s20  }
0x9f: {  	_ =	swait.ge [sflag:s22], s20  }
0xa0: {  	s5 =	ssub.s32 $0x0, s20;
	[sflag:s22] =	ssyncset.done $0x0  }
0xa1: {  	[sflag:s22] =	ssyncadd.s32 s5;
	_ =	sdelay $0x1  }
0xa2: {  	s23 =	simm.s32 $0x1B8B  }
0xa3: {  	_ =	swait.ge [sflag:s23], $0x1  }
0xa4: {  	[sflag:s23] =	ssyncset.done $0x0  }
0xa5: {  	s25 =	simm.s32 $0x1B8E;
	s24 =	sld [smem:$0x3FFE];
	[sflag:s23] =	ssyncadd.s32 $0xFFFFFFFF  }
0xa6: {  	s26 =	simm.s32 $execute0_lowered;
	[smem:$0x3FD2] =	sst s25  }
0xa7: {  	s6 =	sshll.u32 s26, $0x1;
	_ =	strace $0x80000049;
	[dreg:$0x1] =	wrdreg $0xFFFFFFFF  }
0xa8: {  	s28 =	simm.s32 $_size_execute0_lowered;
	s4 =	sadd.s32 s4, s6;
	[dreg:$0x0] =	wrdreg $0x0  }
0xa9: {  	s6 =	sshll.u32 s28, $0x1;
	[dreg:$0x2] =	wrdreg s4  }
0xaa: {  	[dreg:$0x3] =	wrdreg s6  }
0xab: {  	[dreg:$0x4] =	wrdreg $0xC0  }
0xac: {  	_ =	task [dreg:s8], $0x5FFFF  }
0xad: {  	[dreg:$0x1] =	wrdreg $0xFFFFFFFF  }
0xae: {  	[dreg:$0x0] =	wrdreg $0x60  }
0xaf: {  	[dreg:$0x2] =	wrdreg s18  }
0xb0: {  	[dreg:$0x3] =	wrdreg s24  }
0xb1: {  	[dreg:$0x4] =	wrdreg s2  }
0xb2: {  	[dreg:$0x5] =	wrdreg $0x8D200  }
0xb3: {  	[dreg:$0x6] =	wrdreg $0x9  }
0xb4: {  	_ =	task.clear_ibuf [dreg:s8], $0x7FFFF;
	_ =	strace $0x90000049  }
0xb5: {  	s29 =	simm.s32 $0x9;
	_ =	strace $0x8000004B  }
0xb6: {  	_ =	swait.ge [sflag:s29], $0x1  }
0xb7: {  	[sflag:s29] =	ssyncadd.s32 $0xFFFFFFFF  }
0xb8: {  	_ =	strace $0x9000004B  }
0xb9: {  	_ =	sfence  }
0xba: {  	s30 =	sld [smem:$0x0];
	_ =	sdelay $0x2  }
0xbb: {  	s31 =	sshll.u32 s1, $0xD;
	s1 =	sshrl.u32 s1, $0x2  }
0xbc: {  	s3 =	sand.u32 $0x4000, s31;
	s1 =	sadd.s32 s1, s30  }
0xbd: {  	s0 =	sor.u32 s3, s0;
	s1 =	sshll.u32 s1, $0x11  }
0xbe: {  	s0 =	sor.u32 s1, s0  }
0xbf: {  	s0 =	sadd.s32 $0x8F2B, s0  }
0xc0: {  	[sflag:s0] =	ssyncadd.remote.s32 $0x1  }
0xc1: {  	_ =	sfence.sel $0xFFFF  }
0xc2: {  	[dreg:$0x0] =	wrdreg $0xFFFFFFFF;
	(pc) =	sbr.abs _section_cstart, $3  }
0xc3: {  	[dreg:$0x1] =	wrdreg $0xFFFFFFFF  }
0xc4: {  	_ =	task.clear_ibuf [dreg:s8], $0x2FFFF;
	_ =	strace $0x9FFFFFFF  }
0xc5: {  	(tm) =	ssettm $0x7FFFFFFF  }
tec
execute0_lowered:
.L_overlay_start_1:
0x0: {  	(tag) =	ssettag $0x1  }
0x1: {  	s19 =	rddreg [dreg:$0x0]  }
0x2: {  	s0 =	rddreg [dreg:$0x1]  }
0x3: {  	s4 =	rddreg [dreg:$0x3]  }
0x4: {  	s2 =	srdreg.scid;
	s1 =	stileid.u32  }
0x5: {  	s5 =	simm.s32 $0x0;
	s28 =	simm.s32 $0x4;
	s2 =	sand.u32 $0x1, s2  }
0x6: {  	s3 =	smul.u32 $0x16800, s1;
	[smem:$0x7FF] =	sst s5;
	s7 =	sshll.u32 s1, $0x1  }
0x7: {  	s6 =	sadd.s32 $0x15E00, s0;
	s15 =	sadd.s32 $0xC000, s0;
	s11 =	smul.u32 $0x5A000, s1  }
0x8: {  	s17 =	sadd.s32 $0x2200, s0;
	s8 =	smul.u32 $0x168000, s2;
	s9 =	sor.u32 s2, s7  }
0x9: {  	_ =	strace $0x8000004A;
	[dreg:$0x5] =	wrdreg s15;
	s16 =	smul.u32 $0x2710, s9  }
0xa: {  	s2 =	ssub.s32 $0x2, s2;
	[dreg:$0x7] =	wrdreg s17;
	s11 =	sshrl.u32 s11, $0x2  }
0xb: {  	s21 =	sadd.s32 s11, s4;
	s4 =	sadd.s32 s3, s4;
	[dreg:$0x6] =	wrdreg s16  }
0xc: {  	s18 =	sshrl.u32 s2, $0x1;
	s22 =	sadd.s32 $0x2D00, s21;
	[dreg:$0xa] =	wrdreg s4  }
0xd: {  	s10 =	sadd.s32 s3, s8;
	s23 =	sadd.s32 $0x5A00, s21;
	[dreg:$0xb] =	wrdreg s22  }
0xe: {  	s2 =	ssub.s32 s2, s18;
	s24 =	sadd.s32 $0x8700, s21;
	[dreg:$0xc] =	wrdreg s23  }
0xf: {  	s8 =	simm.s32 $0x7D0;
	s25 =	sadd.s32 $0xB400, s21;
	[dreg:$0xd] =	wrdreg s24  }
0x10: {  	s3 =	simm.s32 $0x3;
	s26 =	sadd.s32 $0xE100, s21;
	[dreg:$0xe] =	wrdreg s25  }
0x11: {  	s10 =	sshrl.u32 s10, $0x3;
	s29 =	sadd.s32 $0x10E00, s21;
	[dreg:$0xf] =	wrdreg s26  }
0x12: {  	s20 =	sshrl.u32 s16, $0x3;
	s30 =	sadd.s32 $0x13B00, s21;
	[dreg:$0x10] =	wrdreg s29  }
0x13: {  	s31 =	smax.u32 s2, $0x1;
	s2 =	simm.s32 $0x0;
	[dreg:$0x11] =	wrdreg s30  }
0x14: {  	v0 =	vlaneseq.u32;
	s0 =	sadd.s32 s10, s0;
	s7 =	sadd.s32 s15, s20;
	[dreg:$0x13] =	wrdreg s31  }
0x15: {  	v0 =	vmul.u32 $0xFFFFFFFF, v0;
	s1 =	sadd.s32 s17, s20;
	s26 =	simm.s32 $0x28;
	[dreg:$0x8] =	wrdreg s7  }
0x16: {  	s24 =	simm.s32 $0x2;
	[dreg:$0x9] =	wrdreg s1;
	s0 =	sadd.s32 $0x3D000, s0  }
0x17: {  	v1 =	vimm.f32 $0.0e+00;
	vm0 =	vmmov $0x1;
	v41 =	vadd.s32 $0xF, v0;
	s7 =	simm.s32 $0x8;
	[dreg:$0x12] =	wrdreg s0;
	s0 =	simm.s32 $0x1  }
.LBB2_1:
0x18: {  	[dreg:$0x14] =	wrdreg s2  }
0x19: {  	s1 =	rddreg [dreg:$0x8]  }
0x1a: {  	[tilespmem:s5], [sflag:$0x8] =	stream.linear.gather [hbm4b:s1+s5], $0x3E8, $0x38;
	[tilespmem:$0x1F520] =	vst v63  }
0x1b: {  	_ =	swait.ge [sflag:s7], $0x3E8  }
0x1c: {  	[sflag:s7] =	ssyncset.done $0x0  }
0x1d: {  	s29 =	rddreg [dreg:$0x9];
	[sflag:s7] =	ssyncadd.s32 $0xFFFFFC18  }
0x1e: {  	[tilespmem:s8], [sflag:$0x8] =	stream.linear.gather [hbm4b:s29+s5], $0x3E8, $0x38;
	[tilespmem:$0x1F520] =	vst v63  }
0x1f: {  	_ =	swait.ge [sflag:s7], $0x3E8  }
0x20: {  	[sflag:s7] =	ssyncset.done $0x0  }
0x21: {  	[sflag:s7] =	ssyncadd.s32 $0xFFFFFC18  }
0x22: {  	s31 =	simm.s32 $0x8CA0;
	s30 =	rddreg [dreg:$0x2]  }
0x23: {  	[tilespmem:s31], [sflag:$0x8] =	stream.linear.gather [hbm4b:s30+s5], $0x80, $0x38;
	[tilespmem:$0x1F520] =	vst v63  }
0x24: {  	_ =	swait.ge [sflag:s7], $0x80  }
0x25: {  	[sflag:s7] =	ssyncset.done $0x0  }
0x26: {  	[sflag:s7] =	ssyncadd.s32 $0xFFFFFF80  }
0x27: {  	v2 =	vld [tilespmem:$0x8CA0]  }
0x28: {  	v3 =	vld [tilespmem:$0x8CB0]  }
0x29: {  	v4 =	vld [tilespmem:$0x8CC0]  }
0x2a: {  	v5 =	vld [tilespmem:$0x8CD0]  }
0x2b: {  	v6 =	vld [tilespmem:$0x8CE0]  }
0x2c: {  	v7 =	vld [tilespmem:$0x8CF0]  }
0x2d: {  	v8 =	vld [tilespmem:$0x8D00]  }
0x2e: {  	s2 =	simm.s32 $0x0;
	s10 =	simm.s32 $0x240;
	v9 =	vld [tilespmem:$0x8D10]  }
.LBB2_2:
0x2f: {  	p0 =	sne.s32 s10, $0xB1C0;
	[tilespmem:s2+$0x6020] =	vst v1  }
0x30: {  	[tilespmem:s2+$0x5FA0] =	vst v1  }
0x31: {  	[tilespmem:s2+$0x5FB0] =	vst v1  }
0x32: {  	[tilespmem:s2+$0x5FC0] =	vst v1  }
.Ltmp0:
0x33: {  	[tilespmem:s2+$0x5FD0] =	vst v1;
	(pc) =	sbr.rel @p0 .LBB2_2-.Ltmp0, $4  }
0x34: {  	[tilespmem:s2+$0x5FE0] =	vst v1  }
0x35: {  	[tilespmem:s2+$0x5FF0] =	vst v1  }
0x36: {  	[tilespmem:s2+$0x6000] =	vst v1  }
0x37: {  	[tilespmem:s2+$0x6010] =	vst v1;
	s2 =	sshra.s32 s10, $0x2;
	s10 =	sadd.s32 $0x240, s10  }
0x38: {  	[tilespmem:s2+$0x6020] =	vst v1  }
0x39: {  	[tilespmem:s2+$0x5FA0] =	vst v1  }
0x3a: {  	[tilespmem:s2+$0x5FB0] =	vst v1  }
0x3b: {  	[tilespmem:s2+$0x5FC0] =	vst v1  }
0x3c: {  	[tilespmem:s2+$0x5FD0] =	vst v1  }
0x3d: {  	[tilespmem:s2+$0x5FE0] =	vst v1  }
0x3e: {  	[tilespmem:s2+$0x5FF0] =	vst v1  }
0x3f: {  	[tilespmem:s2+$0x6000] =	vst v1  }
0x40: {  	[tilespmem:s2+$0x6010] =	vst v1;
	s18 =	simm.s32 $0x5FA0  }
0x41: {  	[spmem:s4] =	stream.linear.scatter [tilespmem:s18], [sflag:$0x8], $0x2D00, $0x38;
	[tilespmem:$0x1F520] =	vst v63  }
0x42: {  	_ =	swait.ge [sflag:s7], $0x2D00  }
0x43: {  	[sflag:s7] =	ssyncset.done $0x0  }
0x44: {  	s1 =	rddreg [dreg:$0xb];
	[sflag:s7] =	ssyncadd.s32 $0xFFFFD300  }
0x45: {  	[spmem:s1] =	stream.linear.scatter [tilespmem:s18], [sflag:$0x8], $0x2D00, $0x38;
	[tilespmem:$0x1F520] =	vst v63  }
0x46: {  	_ =	swait.ge [sflag:s7], $0x2D00  }
0x47: {  	[sflag:s7] =	ssyncset.done $0x0  }
0x48: {  	s20 =	rddreg [dreg:$0xc];
	[sflag:s7] =	ssyncadd.s32 $0xFFFFD300  }
0x49: {  	[spmem:s20] =	stream.linear.scatter [tilespmem:s18], [sflag:$0x8], $0x2D00, $0x38;
	[tilespmem:$0x1F520] =	vst v63  }
0x4a: {  	_ =	swait.ge [sflag:s7], $0x2D00  }
0x4b: {  	[sflag:s7] =	ssyncset.done $0x0  }
0x4c: {  	s21 =	rddreg [dreg:$0xd];
	[sflag:s7] =	ssyncadd.s32 $0xFFFFD300  }
0x4d: {  	[spmem:s21] =	stream.linear.scatter [tilespmem:s18], [sflag:$0x8], $0x2D00, $0x38;
	[tilespmem:$0x1F520] =	vst v63  }
0x4e: {  	_ =	swait.ge [sflag:s7], $0x2D00  }
0x4f: {  	[sflag:s7] =	ssyncset.done $0x0  }
0x50: {  	s22 =	rddreg [dreg:$0xe];
	[sflag:s7] =	ssyncadd.s32 $0xFFFFD300  }
0x51: {  	[spmem:s22] =	stream.linear.scatter [tilespmem:s18], [sflag:$0x8], $0x2D00, $0x38;
	[tilespmem:$0x1F520] =	vst v63  }
0x52: {  	_ =	swait.ge [sflag:s7], $0x2D00  }
0x53: {  	[sflag:s7] =	ssyncset.done $0x0  }
0x54: {  	s23 =	rddreg [dreg:$0xf];
	[sflag:s7] =	ssyncadd.s32 $0xFFFFD300  }
0x55: {  	[spmem:s23] =	stream.linear.scatter [tilespmem:s18], [sflag:$0x8], $0x2D00, $0x38;
	[tilespmem:$0x1F520] =	vst v63  }
0x56: {  	_ =	swait.ge [sflag:s7], $0x2D00  }
0x57: {  	[sflag:s7] =	ssyncset.done $0x0  }
0x58: {  	s25 =	rddreg [dreg:$0x10];
	[sflag:s7] =	ssyncadd.s32 $0xFFFFD300  }
0x59: {  	[spmem:s25] =	stream.linear.scatter [tilespmem:s18], [sflag:$0x8], $0x2D00, $0x38;
	[tilespmem:$0x1F520] =	vst v63  }
0x5a: {  	_ =	swait.ge [sflag:s7], $0x2D00  }
0x5b: {  	[sflag:s7] =	ssyncset.done $0x0  }
0x5c: {  	s29 =	rddreg [dreg:$0x11];
	[sflag:s7] =	ssyncadd.s32 $0xFFFFD300  }
0x5d: {  	[spmem:s29] =	stream.linear.scatter [tilespmem:s18], [sflag:$0x8], $0x2D00, $0x38;
	[tilespmem:$0x1F520] =	vst v63  }
0x5e: {  	_ =	swait.ge [sflag:s7], $0x2D00  }
0x5f: {  	[sflag:s7] =	ssyncset.done $0x0  }
0x60: {  	[sflag:s7] =	ssyncadd.s32 $0xFFFFD300  }
0x61: {  	s11 =	simm.s32 $0x0;
	s30 =	simm.s32 $0xFA0;
	[bflag:$0x0] =	sbarrier.arrive $0xFFFF  }
0x62: {  	[tilespmem:s30], [sflag:$0x1] =	stream.indirect.gather [hbm4b:s19+s26], $0x80, s11, s26, $0xb8;
	[tilespmem:$0x1F520] =	vst v63  }
0x63: {  	s31 =	simm.s32 $0x37A0  }
0x64: {  	[tilespmem:s31], [sflag:$0x3] =	stream.indirect.gather [hbm4b:s6+s26], $0x80, s8, s26, $0xb8;
	[tilespmem:$0x1F520] =	vst v63  }
.LBB2_4:
0x65: {  	s2 =	smul.u32 $0x52, s11;
	_ =	sdelay $0x1  }
0x66: {  	s2 =	sshrl.u32 s2, $0xA  }
0x67: {  	s15 =	sand.u32 $0x3F, s2  }
0x68: {  	s2 =	smul.u32 $0x19, s15  }
0x69: {  	s14 =	sshll.u32 s11, $0x1  }
0x6a: {  	p0 =	sgt.u32 s11, $0x70;
	s2 =	ssub.s32 s14, s2  }
0x6b: {  	s10 =	sand.u32 @!p0 $0xFF, s2  }
0x6c: {  	p1 =	sne.s32 @!p0 s10, $0x2  }
0x6d: {  	p1 =	por p0, p1  }
.Ltmp1:
0x6e: {  	_ = 	snop;
	(pc) =	sbr.rel @p1 .LBB2_6-.Ltmp1, $1  }
0x6f: {  	_ =	sdelay $0x3  }
0x70: {  	s10 =	sadd.s32 $0x1, s15  }
0x71: {  	s12 =	smul.u32 $0x3E8, s10  }
0x72: {  	s1 =	rddreg [dreg:$0x6];
	s10 =	sand.u32 $0x1, s10  }
0x73: {  	s30 =	rddreg [dreg:$0x5];
	p0 =	seq.s32 s10, $0x1;
	s12 =	sadd.s32 s1, s12  }
.Ltmp2:
0x74: {  	s10 =	simm.s32 $0x3E8;
	s12 =	sshrl.u32 s12, $0x3;
	(pc) =	sbr.rel .LBB2_7-.Ltmp2, $4  }
0x75: {  	s31 =	rddreg [dreg:$0x7];
	s10 =	simm.s32 @!p0 $0x0;
	s13 =	sadd.s32 s30, s12  }
0x76: {  	[tilespmem:s10], [sflag:$0x7] =	stream.linear.gather [hbm4b:s13+s5], $0x3E8, $0x38;
	[tilespmem:$0x1F520] =	vst v63  }
0x77: {  	s12 =	sadd.s32 s31, s12;
	s10 =	sadd.s32 $0x7D0, s10  }
0x78: {  	[tilespmem:s10], [sflag:$0x7] =	stream.linear.gather [hbm4b:s12+s5], $0x3E8, $0x38;
	[tilespmem:$0x1F520] =	vst v63  }
.LBB2_6:
0x79: {  	p1 =	sne.s32 @!p0 s10, $0x16  }
0x7a: {  	p0 =	por p1, p0  }
0x7b: {  	s10 =	simm.s32 @!p0 $0x7  }
0x7c: {  	_ =	swait.ge @!p0 [sflag:s10], $0x3E8  }
0x7d: {  	[sflag:s10] =	ssyncset.done @!p0 $0x0  }
0x7e: {  	[sflag:s10] =	ssyncadd.s32 @!p0 $0xFFFFFC18  }
0x7f: {  	_ =	swait.ge @!p0 [sflag:s10], $0x3E8  }
0x80: {  	[sflag:s10] =	ssyncset.done @!p0 $0x0  }
0x81: {  	[sflag:s10] =	ssyncadd.s32 @!p0 $0xFFFFFC18  }
.LBB2_7:
0x82: {  	s17 =	sor.u32 $0x1, s14  }
0x83: {  	s10 =	smul.u32 $0x29, s17;
	_ =	sdelay $0x1  }
0x84: {  	s10 =	sshrl.u32 s10, $0xA  }
0x85: {  	s16 =	sand.u32 $0x3F, s10  }
0x86: {  	s12 =	smul.u32 $0x19, s16;
	_ =	sdelay $0x1  }
0x87: {  	s18 =	ssub.s32 s17, s12  }
0x88: {  	s10 =	sand.u32 $0x1, s10;
	s12 =	sand.u32 $0xFF, s18  }
0x89: {  	p0 =	seq.s32 s10, $0x1;
	s10 =	simm.s32 $0x3E8;
	s12 =	smul.u32 $0x28, s12  }
0x8a: {  	s10 =	simm.s32 @!p0 $0x0  }
0x8b: {  	s1 =	simm.s32 $0x23A0;
	s10 =	sadd.s32 s12, s10  }
0x8c: {  	[tilespmem:s1], [sflag:$0x2] =	stream.indirect.gather [hbm4b:s19+s26], $0x80, s10, s26, $0xb8;
	[tilespmem:$0x1F520] =	vst v63  }
0x8d: {  	s31 =	simm.s32 $0x4BA0;
	s13 =	sadd.s32 $0x7D0, s10  }
0x8e: {  	[tilespmem:s31], [sflag:$0x4] =	stream.indirect.gather [hbm4b:s6+s26], $0x80, s13, s26, $0xb8;
	[tilespmem:$0x1F520] =	vst v63  }
0x8f: {  	_ =	swait.ge [sflag:s0], $0x1400  }
0x90: {  	[sflag:s0] =	ssyncset.done $0x0  }
0x91: {  	[sflag:s0] =	ssyncadd.s32 $0xFFFFEC00  }
0x92: {  	_ =	swait.ge [sflag:s3], $0x1400  }
0x93: {  	p0 =	seq.s32 s11, $0x0;
	[sflag:s3] =	ssyncset.done $0x0  }
0x94: {  	s10 =	simm.s32 @!p0 $0x5;
	[sflag:s3] =	ssyncadd.s32 $0xFFFFEC00  }
0x95: {  	_ =	swait.ge @!p0 [sflag:s10], $0x1680  }
0x96: {  	s9 =	smov.u32 s19;
	[sflag:s10] =	ssyncset.done @!p0 $0x0  }
0x97: {  	s20 =	simm.s32 $0x0;
	s19 =	sand.u32 $0xFF, s2;
	[sflag:s10] =	ssyncadd.s32 @!p0 $0xFFFFE980  }
.LBB2_8:
0x98: {  	s2 =	sshll.u32 s20, $0x7  }
0x99: {  	v17 =	vld [tilespmem:s2+$0xFA0]  }
0x9a: {  	v0 =	vld [tilespmem:s2+$0x37A0]  }
0x9b: {  	v14 =	vld [tilespmem:s2+$0xFB0]  }
0x9c: {  	v10 =	vld [tilespmem:s2+$0x37B0]  }
0x9d: {  	v15 =	vld [tilespmem:s2+$0xFC0]  }
0x9e: {  	v11 =	vld [tilespmem:s2+$0x37C0]  }
0x9f: {  	v1 =	vld [tilespmem:s2+$0xFD0]  }
0xa0: {  	v12 =	vld [tilespmem:s2+$0x37D0];
	v0 =	vadd.f32 v0, v17  }
0xa1: {  	v18 =	vld [tilespmem:s2+$0xFE0]  }
0xa2: {  	v23 =	vld [tilespmem:s2+$0x37E0];
	v10 =	vadd.f32 v10, v14;
	v13 =	vmul.f32 $2.000000030e-01, v0  }
0xa3: {  	v19 =	vld [tilespmem:s2+$0xFF0]  }
0xa4: {  	v25 =	vld [tilespmem:s2+$0x37F0];
	v11 =	vadd.f32 v11, v15;
	v24 =	vmul.f32 $2.000000030e-01, v10;
	v0 =	vmax.f32 v0, v13  }
0xa5: {  	v16 =	vld [tilespmem:s2+$0x3800];
	v0 =	vmul.f32 v0, v2  }
0xa6: {  	s21 =	sor.u32 $0x2, s20;
	[tilespmem:$0x1FF00] =	vst v1;
	v12 =	vadd.f32 v12, v1;
	v1 =	vld [tilespmem:s2+$0x1000];
	v26 =	vmul.f32 $2.000000030e-01, v11;
	v10 =	vmax.f32 v10, v24  }
0xa7: {  	v28 =	vld [tilespmem:s2+$0x1010];
	s31 =	sshll.u32 s21, $0x7;
	v10 =	vmul.f32 v10, v3;
	v0 =	vadd.f32 $0.0e+00, v0  }
0xa8: {  	v49 =	vld [tilespmem:s31+$0xFA0];
	v11 =	vmax.f32 v11, v26  }
0xa9: {  	v0 =	vadd.f32 v10, v0;
	v10 =	vmul.f32 v11, v4;
	v11 =	vld [tilespmem:s2+$0x3810];
	s2 =	sor.u32 $0x1, s20  }
0xaa: {  	v51 =	vld [tilespmem:s31+$0x37A0];
	s10 =	sshll.u32 s2, $0x7  }
0xab: {  	[tilespmem:$0x1FF30] =	vst v1;
	v32 =	vadd.f32 v16, v1;
	v1 =	vld [tilespmem:s10+$0xFA0]  }
0xac: {  	v33 =	vld [tilespmem:s10+$0x37A0]  }
0xad: {  	[tilespmem:$0x1FEE0] =	vst v14;
	v14 =	vadd.f32 v23, v18;
	v27 =	vmul.f32 $2.000000030e-01, v12;
	v35 =	vld [tilespmem:s10+$0xFB0]  }
0xae: {  	v36 =	vld [tilespmem:s10+$0x37B0]  }
0xaf: {  	[tilespmem:$0x1FEF0] =	vst v15;
	v15 =	vadd.f32 v25, v19;
	v29 =	vmul.f32 $2.000000030e-01, v14;
	v12 =	vmax.f32 v12, v27;
	v21 =	vld [tilespmem:s10+$0xFC0]  }
0xb0: {  	v0 =	vadd.f32 v10, v0;
	v10 =	vmul.f32 v12, v5;
	v38 =	vld [tilespmem:s10+$0x37C0]  }
0xb1: {  	v31 =	vmul.f32 $2.000000030e-01, v15;
	v30 =	vmax.f32 v14, v29;
	v42 =	vld [tilespmem:s10+$0xFF0]  }
0xb2: {  	v20 =	vld [tilespmem:s10+$0x37F0];
	v0 =	vadd.f32 v10, v0;
	v10 =	vmul.f32 v30, v6  }
0xb3: {  	v13 =	vmax.f32 v15, v31;
	v31 =	vld [tilespmem:s31+$0x1000];
	v34 =	vmul.f32 $2.000000030e-01, v32;
	v11 =	vadd.f32 v11, v28  }
0xb4: {  	v22 =	vld [tilespmem:s10+$0xFD0];
	v0 =	vadd.f32 v10, v0;
	v10 =	vmul.f32 v13, v7  }
0xb5: {  	v14 =	vmax.f32 v32, v34;
	v45 =	vld [tilespmem:s10+$0x3800];
	v37 =	vmul.f32 $2.000000030e-01, v11;
	v12 =	vadd.f32 v33, v1  }
0xb6: {  	[tilespmem:$0x1FF50] =	vst v1;
	v13 =	vadd.f32 v36, v35;
	v1 =	vld [tilespmem:s10+$0x1000];
	v0 =	vadd.f32 v10, v0;
	v10 =	vmul.f32 v14, v8  }
0xb7: {  	[tilespmem:$0x1FF60] =	vst v35;
	v20 =	vadd.f32 v20, v42;
	v35 =	vld [tilespmem:s31+$0x3800];
	v14 =	vadd.f32 v38, v21;
	v11 =	vmax.f32 v11, v37  }
0xb8: {  	v40 =	vmul.f32 $2.000000030e-01, v12;
	v0 =	vadd.f32 v10, v0;
	v10 =	vmul.f32 v11, v9;
	v11 =	vld [tilespmem:s10+$0x37D0]  }
0xb9: {  	v39 =	vld [tilespmem:s10+$0xFE0];
	v44 =	vmul.f32 $2.000000030e-01, v13;
	v55 =	vmul.f32 $2.000000030e-01, v20  }
0xba: {  	v46 =	vmul.f32 $2.000000030e-01, v14;
	v0 =	vadd.f32 v10, v0;
	v10 =	vld [tilespmem:s10+$0x37E0]  }
0xbb: {  	v62 =	vld [tilespmem:s31+$0x37F0];
	v12 =	vmax.f32 v12, v40;
	v13 =	vmax.f32 v13, v44;
	v16 =	vmax.f32 v20, v55  }
0xbc: {  	[tilespmem:$0x1FF10] =	vst v18;
	v30 =	vld [tilespmem:s31+$0xFF0];
	v12 =	vmul.f32 v12, v2;
	v13 =	vmul.f32 v13, v3;
	v18 =	vadd.f32 v45, v1  }
0xbd: {  	v14 =	vmax.f32 v14, v46;
	v33 =	vadd.f32 v35, v31;
	v11 =	vadd.f32 v11, v22  }
0xbe: {  	v53 =	vld [tilespmem:s31+$0xFB0];
	v50 =	vmul.f32 v14, v4;
	v14 =	vadd.f32 v51, v49;
	v12 =	vadd.f32 $0.0e+00, v12  }
0xbf: {  	v54 =	vld [tilespmem:s31+$0x37B0];
	v43 =	vperm.xlane v0, v41;
	v48 =	vmul.f32 $2.000000030e-01, v11;
	v10 =	vadd.f32 v10, v39  }
0xc0: {  	v56 =	vld [tilespmem:s31+$0x37C0];
	v57 =	vmul.f32 $2.000000030e-01, v18;
	v59 =	vmul.f32 $2.000000030e-01, v14;
	v12 =	vadd.f32 v13, v12  }
0xc1: {  	v58 =	vld [tilespmem:s31+$0x37D0];
	[tilespmem:$0x1FF80] =	vst v22;
	v22 =	vadd.f32 v62, v30;
	v11 =	vmax.f32 v11, v48;
	v52 =	vmul.f32 $2.000000030e-01, v10  }
0xc2: {  	[tilespmem:$0x1FFB0] =	vst v1;
	v1 =	vld [tilespmem:s31+$0xFC0];
	v0 =	vadd.f32 v0, v43;
	v12 =	vadd.f32 v50, v12;
	v11 =	vmul.f32 v11, v5  }
0xc3: {  	v23 =	vld [tilespmem:s10+$0x1010];
	v18 =	vmax.f32 v18, v57;
	v14 =	vmax.f32 v14, v59;
	v10 =	vmax.f32 v10, v52  }
0xc4: {  	[tilespmem:$0x1FF70] =	vst v21;
	v21 =	vld [tilespmem:s31+$0xFD0];
	(v2sf) =	vpush v0, $0x0;
	v11 =	vadd.f32 v11, v12;
	v10 =	vmul.f32 v10, v6  }
0xc5: {  	v47 =	vld [tilespmem:s10+$0x3810];
	v13 =	vadd.f32 v54, v53;
	v14 =	vmul.f32 v14, v2;
	(v2sf) =	vpush v0, $0x1  }
0xc6: {  	v60 =	vld [tilespmem:s31+$0x37E0];
	(v2sf) =	vpush v0, $0x2;
	v10 =	vadd.f32 v10, v11;
	v11 =	vmul.f32 v16, v7  }
0xc7: {  	[tilespmem:$0x1FF20] =	vst v19;
	v19 =	vld [tilespmem:s31+$0xFE0];
	v61 =	vmul.f32 $2.000000030e-01, v13;
	v14 =	vadd.f32 $0.0e+00, v14;
	v12 =	vadd.f32 v56, v1  }
0xc8: {  	(v2sf) =	vpush v0, $0x3;
	v10 =	vadd.f32 v11, v10;
	v11 =	vmul.f32 v18, v8  }
0xc9: {  	(v2sf) =	vpush v0, $0x4;
	v63 =	vmul.f32 $2.000000030e-01, v12;
	v16 =	vadd.f32 v58, v21  }
0xca: {  	v13 =	vmax.f32 v13, v61;
	v10 =	vadd.f32 v11, v10;
	v11 =	vadd.f32 v47, v23  }
0xcb: {  	v13 =	vmul.f32 v13, v3;
	(v2sf) =	vpush v0, $0x5;
	v12 =	vmax.f32 v12, v63  }
0xcc: {  	v25 =	vld [tilespmem:s31+$0x3810];
	v24 =	vmul.f32 $2.000000030e-01, v16;
	v18 =	vadd.f32 v60, v19;
	v34 =	vmul.f32 $2.000000030e-01, v11  }
0xcd: {  	v32 =	vld [tilespmem:s31+$0x1010];
	v13 =	vadd.f32 v13, v14;
	(v2sf) =	vpush v0, $0x6;
	v12 =	vmul.f32 v12, v4  }
0xce: {  	s23 =	sor.u32 $0x3, s20;
	v16 =	vmax.f32 v16, v24;
	v26 =	vmul.f32 $2.000000030e-01, v18;
	v11 =	vmax.f32 v11, v34  }
0xcf: {  	s1 =	sshll.u32 s23, $0x7;
	v12 =	vadd.f32 v12, v13;
	v27 =	vmul.f32 v16, v5;
	v11 =	vmul.f32 v11, v9  }
0xd0: {  	[tilespmem:$0x1FF40] =	vst v28;
	v45 =	vld [tilespmem:s1+$0x37C0];
	v29 =	vmul.f32 $2.000000030e-01, v22;
	(v2sf) =	vpush v0, $0x7;
	v28 =	vmax.f32 v18, v26  }
0xd1: {  	v46 =	vld [tilespmem:s1+$0x37D0];
	v34 =	vmul.f32 v28, v6;
	v10 =	vadd.f32 v11, v10;
	v11 =	vadd.f32 v27, v12  }
0xd2: {  	[tilespmem:$0x1FFD0] =	vst v49;
	v49 =	vld [tilespmem:s1+$0x37F0];
	v36 =	vmul.f32 $2.000000030e-01, v33;
	v35 =	vmax.f32 v22, v29;
	v14 =	vadd.f32 v25, v32  }
0xd3: {  	[tilespmem:$0x1FFE0] =	vst v53;
	v51 =	vld [tilespmem:s1+$0x3800];
	v38 =	vmul.f32 v35, v7;
	v37 =	vperm.xlane v10, v41;
	v11 =	vadd.f32 v34, v11  }
0xd4: {  	[tilespmem:$0x1FF90] =	vst v39;
	v43 =	vld [tilespmem:s1+$0x37A0];
	v39 =	vmax.f32 v33, v36;
	v40 =	vmul.f32 $2.000000030e-01, v14  }
0xd5: {  	[tilespmem:$0x1FFA0] =	vst v42;
	v53 =	vld [tilespmem:s1+$0x3810];
	v42 =	vmul.f32 v39, v8;
	v10 =	vadd.f32 v10, v37;
	v11 =	vadd.f32 v38, v11  }
0xd6: {  	v33 =	vld [tilespmem:s1+$0xFC0];
	v0 =	vmax.f32 v14, v40  }
0xd7: {  	v36 =	vld [tilespmem:s1+$0xFD0];
	v0 =	vmul.f32 v0, v9;
	(v2sf) =	vpush v10, $0x0;
	v11 =	vadd.f32 v42, v11  }
0xd8: {  	v39 =	vld [tilespmem:s1+$0x1000];
	s12 =	spop (v2sf);
	(v2sf) =	vpush v10, $0x1  }
0xd9: {  	s22 =	spop (v2sf);
	v34 =	vld [tilespmem:s1+$0xFA0];
	(v2sf) =	vpush v10, $0x2;
	v0 =	vadd.f32 v0, v11  }
0xda: {  	v35 =	vld [tilespmem:s1+$0xFB0];
	s29 =	spop (v2sf);
	(v2sf) =	vpush v10, $0x3  }
0xdb: {  	v14 =	vadd.f32 v45, v33;
	s30 =	spop (v2sf);
	v11 =	vld [tilespmem:s1+$0x37B0];
	(v2sf) =	vpush v10, $0x4;
	v44 =	vperm.xlane v0, v41  }
0xdc: {  	v40 =	vld [tilespmem:s1+$0x1010];
	v13 =	vadd.f32 v46, v36;
	s31 =	spop (v2sf);
	(v2sf) =	vpush v10, $0x5  }
0xdd: {  	v47 =	vld [tilespmem:s1+$0x37E0];
	s22 =	sadd.f32 s22, s12;
	s25 =	spop (v2sf);
	(v2sf) =	vpush v10, $0x6;
	v0 =	vadd.f32 v0, v44  }
0xde: {  	s12 =	sor.u32 $0x4, s20;
	s29 =	sadd.f32 s30, s29;
	v37 =	vld [tilespmem:s1+$0xFE0];
	s4 =	spop (v2sf);
	(v2sf) =	vpush v10, $0x7;
	v10 =	vadd.f32 v43, v34  }
0xdf: {  	v20 =	vadd.f32 v51, v39;
	v52 =	vmul.f32 $2.000000030e-01, v14;
	v54 =	vmul.f32 $2.000000030e-01, v13;
	s10 =	sshll.u32 s12, $0x7;
	v38 =	vld [tilespmem:s1+$0xFF0];
	s25 =	sadd.f32 s25, s31;
	s7 =	spop (v2sf)  }
0xe0: {  	v55 =	vld [tilespmem:s10+$0x37A0];
	s4 =	sadd.f32 s7, s4;
	v11 =	vadd.f32 v11, v35;
	(v2sf) =	vpush v0, $0x0;
	v48 =	vmul.f32 $2.000000030e-01, v10  }
0xe1: {  	v14 =	vmax.f32 v14, v52;
	v13 =	vmax.f32 v13, v54;
	v57 =	vld [tilespmem:s10+$0x37B0];
	s22 =	sadd.f32 s29, s22;
	(v2sf) =	vpush v0, $0x1  }
0xe2: {  	v45 =	vld [tilespmem:s10+$0xFD0];
	s4 =	sadd.f32 s4, s25;
	v50 =	vmul.f32 $2.000000030e-01, v11;
	(v2sf) =	vpush v0, $0x2;
	v10 =	vmax.f32 v10, v48  }
0xe3: {  	v62 =	vld [tilespmem:s10+$0x37D0];
	v12 =	vadd.f32 v47, v37;
	(v2sf) =	vpush v0, $0x3;
	v10 =	vmul.f32 v10, v2  }
0xe4: {  	v26 =	vld [tilespmem:s10+$0x37F0];
	v18 =	vadd.f32 v49, v38;
	s4 =	sadd.f32 s4, s22;
	v11 =	vmax.f32 v11, v50;
	(v2sf) =	vpush v0, $0x4  }
0xe5: {  	v51 =	vld [tilespmem:s10+$0x3800];
	v11 =	vmul.f32 v11, v3;
	(v2sf) =	vpush v0, $0x5;
	v10 =	vadd.f32 $0.0e+00, v10  }
0xe6: {  	v42 =	vld [tilespmem:s10+$0xFA0];
	v58 =	vmul.f32 $2.000000030e-01, v18;
	v61 =	vmov s4;
	(v2sf) =	vpush v0, $0x6  }
0xe7: {  	v47 =	vld [tilespmem:s10+$0xFF0];
	(v2sf) =	vpush v0, $0x7;
	s22 =	spop (v2sf);
	v10 =	vadd.f32 v11, v10;
	v11 =	vmul.f32 v14, v4  }
0xe8: {  	v56 =	vmul.f32 $2.000000030e-01, v12;
	v43 =	vld [tilespmem:s10+$0xFB0];
	v59 =	vmax.f32 v18, v58;
	v18 =	vadd.f32 $0.0e+00, v61;
	s8 =	spop (v2sf)  }
0xe9: {  	v48 =	vld [tilespmem:s10+$0x1000];
	s25 =	spop (v2sf);
	v10 =	vadd.f32 v11, v10;
	v11 =	vmul.f32 v13, v5  }
0xea: {  	v60 =	vmul.f32 $2.000000030e-01, v20;
	v44 =	vld [tilespmem:s10+$0xFC0];
	v12 =	vmax.f32 v12, v56;
	v18 =	vmul.f32 $1.442695020e+00, v18;
	s1 =	spop (v2sf)  }
0xeb: {  	v14 =	vadd.f32 v55, v42;
	s30 =	spop (v2sf);
	v0 =	vadd.f32 v11, v10;
	v10 =	vmul.f32 v12, v6;
	v11 =	vld [tilespmem:s10+$0x37C0]  }
0xec: {  	v16 =	vmax.f32 v20, v60;
	v22 =	vadd.f32 v26, v47;
	v61 =	vbroadcast v18, $0x0;
	s4 =	sadd.f32 s8, s22;
	s7 =	spop (v2sf)  }
0xed: {  	v63 =	vmul.f32 $2.000000030e-01, v14;
	s25 =	sadd.f32 s1, s25;
	s8 =	spop (v2sf);
	v0 =	vadd.f32 v10, v0;
	v10 =	vmul.f32 v59, v7  }
0xee: {  	v46 =	vld [tilespmem:s10+$0xFE0];
	(erf) = vpow2.f32 v61;
	v54 =	vadd.f32 v51, v48;
	v13 =	vadd.f32 v57, v43;
	s30 =	sadd.f32 s7, s30;
	s1 =	spop (v2sf)  }
0xef: {  	v24 =	vld [tilespmem:s10+$0x37E0];
	v14 =	vmax.f32 v14, v63;
	s22 =	sadd.f32 s1, s8;
	s29 =	spop (v2sf);
	v0 =	vadd.f32 v10, v0;
	v10 =	vmul.f32 v16, v8  }
0xf0: {  	v25 =	vmul.f32 $2.000000030e-01, v13;
	v12 =	vadd.f32 v62, v45;
	s4 =	sadd.f32 s25, s4;
	s25 =	spop (v2sf);
	v11 =	vadd.f32 v11, v44  }
0xf1: {  	v29 =	vld [tilespmem:s10+$0x3810];
	v14 =	vmul.f32 v14, v2;
	s7 =	sadd.f32 s22, s30;
	s22 =	spop (v2sf);
	v0 =	vadd.f32 v10, v0;
	v10 =	vadd.f32 v53, v40  }
0xf2: {  	v49 =	vld [tilespmem:s10+$0x1010];
	v56 =	vmul.f32 $2.000000030e-01, v54;
	v13 =	vmax.f32 v13, v25;
	s8 =	spop (v2sf);
	v27 =	vmul.f32 $2.000000030e-01, v11  }
0xf3: {  	v28 =	vmul.f32 $2.000000030e-01, v12;
	v14 =	vadd.f32 $0.0e+00, v14;
	s25 =	sadd.f32 s25, s29;
	s31 =	spop (v2sf);
	v50 =	vmul.f32 $2.000000030e-01, v10  }
0xf4: {  	s10 =	sor.u32 $0x5, s20;
	v13 =	vmul.f32 v13, v3;
	v16 =	vadd.f32 v24, v46;
	s4 =	sadd.f32 s7, s4;
	s1 =	spop (v2sf);
	v11 =	vmax.f32 v11, v27  }
0xf5: {  	v12 =	vmax.f32 v12, v28;
	s29 =	sshll.u32 s10, $0x7;
	s22 =	sadd.f32 s8, s22;
	s7 =	spop (v2sf);
	v10 =	vmax.f32 v10, v50;
	v11 =	vmul.f32 v11, v4  }
0xf6: {  	v13 =	vadd.f32 v13, v14;
	v58 =	vld [tilespmem:s29+$0x37A0];
	s1 =	sadd.f32 s1, s31;
	v50 =	vmul.f32 $2.000000030e-01, v16;
	s8 =	spop (v2sf);
	v10 =	vmul.f32 v10, v9  }
0xf7: {  	v12 =	vmul.f32 v12, v5;
	v14 =	vadd.f32 v29, v49;
	v53 =	vmul.f32 $2.000000030e-01, v22;
	v51 =	vld [tilespmem:s29+$0xFB0];
	s7 =	sadd.f32 s8, s7  }
0xf8: {  	s22 =	sadd.f32 s22, s25;
	v11 =	vadd.f32 v11, v13;
	v52 =	vmax.f32 v16, v50;
	v50 =	vld [tilespmem:s29+$0xFA0];
	v0 =	vadd.f32 v10, v0  }
0xf9: {  	v60 =	vld [tilespmem:s29+$0x37B0];
	v59 =	vmul.f32 $2.000000030e-01, v14;
	v55 =	vmax.f32 v22, v53;
	v62 =	vmov s4;
	s1 =	sadd.f32 s7, s1  }
0xfa: {  	v63 =	vld [tilespmem:s29+$0x37C0];
	v10 =	vadd.f32 v12, v11;
	v11 =	vmul.f32 v52, v6;
	v57 =	vperm.xlane v0, v41  }
0xfb: {  	v29 =	vld [tilespmem:s29+$0x37E0];
	v14 =	vmax.f32 v14, v59;
	v18 =	vadd.f32 $0.0e+00, v62;
	v13 =	vmax.f32 v54, v56;
	s1 =	sadd.f32 s1, s22  }
0xfc: {  	v54 =	vld [tilespmem:s29+$0xFE0];
	v10 =	vadd.f32 v11, v10;
	v11 =	vmul.f32 v55, v7;
	v0 =	vadd.f32 v0, v57  }
0xfd: {  	v20 =	vld [tilespmem:s29+$0x37F0];
	v26 =	vmul.f32 $1.442695020e+00, v18;
	v27 =	vmov s1;
	v12 =	vadd.f32 v58, v50  }
0xfe: {  	v53 =	vld [tilespmem:s29+$0xFD0];
	v10 =	vadd.f32 v11, v10;
	v11 =	vmul.f32 v13, v8;
	(v2sf) =	vpush v0, $0x0  }
0xff: {  	v52 =	vld [tilespmem:s29+$0xFC0];
	v16 =	vbroadcast v26, $0x0;
	v18 =	vadd.f32 $0.0e+00, v27;
	(v2sf) =	vpush v0, $0x1  }
0x100: {  	v56 =	vld [tilespmem:s29+$0x1000];
	v10 =	vadd.f32 v11, v10;
	v11 =	vmul.f32 v14, v9;
	(v2sf) =	vpush v0, $0x2  }
0x101: {  	v55 =	vld [tilespmem:s29+$0xFF0];
	v22 =	vadd.f32 v29, v54;
	v18 =	vmul.f32 $1.442695020e+00, v18;
	(v2sf) =	vpush v0, $0x3  }
0x102: {  	(erf) = vpow2.f32 v16;
	v10 =	vadd.f32 v11, v10;
	v11 =	vld [tilespmem:s29+$0x37D0];
	(v2sf) =	vpush v0, $0x4  }
0x103: {  	v13 =	vadd.f32 v60, v51;
	v24 =	vbroadcast v18, $0x0;
	v18 =	vld [tilespmem:s29+$0x3800];
	(v2sf) =	vpush v0, $0x5  }
0x104: {  	s30 =	sor.u32 $0x6, s20;
	v29 =	vmul.f32 $2.000000030e-01, v22;
	v14 =	vadd.f32 v63, v52;
	(v2sf) =	vpush v0, $0x6  }
0x105: {  	s8 =	sshll.u32 s30, $0x7;
	v28 =	vperm.xlane v10, v41;
	(v2sf) =	vpush v0, $0x7;
	v0 =	vmul.f32 $2.000000030e-01, v12  }
0x106: {  	v62 =	vld [tilespmem:s8+$0x37A0];
	v25 =	vmul.f32 $2.000000030e-01, v13;
	v20 =	vadd.f32 v20, v55;
	v26 =	vmul.f32 $2.000000030e-01, v14  }
0x107: {  	v59 =	vld [tilespmem:s8+$0xFB0];
	(erf) = vpow2.f32 v24;
	v10 =	vadd.f32 v10, v28;
	v0 =	vmax.f32 v12, v0  }
0x108: {  	v61 =	vld [tilespmem:s8+$0xFD0];
	v11 =	vadd.f32 v11, v53;
	v18 =	vadd.f32 v18, v56;
	v0 =	vmul.f32 v0, v2  }
0x109: {  	v60 =	vld [tilespmem:s8+$0xFC0];
	(v2sf) =	vpush v10, $0x0;
	v12 =	vmax.f32 v13, v25;
	v13 =	vmax.f32 v14, v26  }
0x10a: {  	v24 =	vld [tilespmem:s8+$0x37C0];
	v14 =	vmax.f32 v22, v29;
	v12 =	vmul.f32 v12, v3;
	v0 =	vadd.f32 $0.0e+00, v0  }
0x10b: {  	v58 =	vld [tilespmem:s8+$0xFA0];
	v25 =	vmul.f32 $2.000000030e-01, v20;
	(v2sf) =	vpush v10, $0x1;
	v27 =	vmul.f32 $2.000000030e-01, v11  }
0x10c: {  	v28 =	vmul.f32 v13, v4;
	v13 =	vld [tilespmem:s8+$0x37B0];
	(v2sf) =	vpush v10, $0x2;
	v0 =	vadd.f32 v12, v0  }
0x10d: {  	[tilespmem:$0x1FFC0] =	vst v23;
	v23 =	vld [tilespmem:s8+$0x1000];
	v20 =	vmax.f32 v20, v25;
	(v2sf) =	vpush v10, $0x3;
	v11 =	vmax.f32 v11, v27  }
0x10e: {  	v26 =	vld [tilespmem:s8+$0x37D0];
	(v2sf) =	vpush v10, $0x4;
	v11 =	vmul.f32 v11, v5;
	v0 =	vadd.f32 v28, v0  }
0x10f: {  	v16 =	vld [tilespmem:s29+$0x3810];
	v27 =	vmul.f32 $2.000000030e-01, v18;
	(v2sf) =	vpush v10, $0x5;
	v12 =	vadd.f32 v24, v60  }
0x110: {  	v57 =	vld [tilespmem:s29+$0x1010];
	(v2sf) =	vpush v10, $0x6;
	v0 =	vadd.f32 v11, v0;
	v11 =	vmul.f32 v14, v6  }
0x111: {  	v29 =	vld [tilespmem:s8+$0x37E0];
	v18 =	vmax.f32 v18, v27;
	v13 =	vadd.f32 v13, v59;
	v28 =	vadd.f32 v62, v58  }
0x112: {  	[tilespmem:$0x1FFF0] =	vst v1;
	v62 =	vld [tilespmem:s8+$0xFE0];
	v1 =	vmul.f32 $2.000000030e-01, v12;
	v0 =	vadd.f32 v11, v0;
	v11 =	vmul.f32 v20, v7  }
0x113: {  	v15 =	vld [tilespmem:s8+$0x1010];
	(v2sf) =	vpush v10, $0x7;
	v27 =	vmul.f32 $2.000000030e-01, v28;
	v14 =	vadd.f32 v26, v61  }
0x114: {  	s31 =	sor.u32 $0x7, s20;
	v63 =	vld [tilespmem:s8+$0xFF0];
	v10 =	vmul.f32 v18, v8;
	v12 =	vmax.f32 v12, v1;
	v0 =	vadd.f32 v11, v0  }
0x115: {  	s25 =	sshll.u32 s31, $0x7;
	v18 =	vld [tilespmem:s8+$0x37F0];
	v1 =	vmul.f32 $2.000000030e-01, v14;
	v11 =	vmax.f32 v28, v27;
	v28 =	vmul.f32 $2.000000030e-01, v13  }
0x116: {  	v26 =	vld [tilespmem:s25+$0x37B0];
	v11 =	vmul.f32 v11, v2;
	v10 =	vadd.f32 v10, v0;
	v0 =	vadd.f32 v16, v57  }
0x117: {  	v20 =	vadd.f32 v29, v62;
	v29 =	vmul.f32 v12, v4;
	v12 =	vld [tilespmem:s25+$0xFB0];
	v22 =	vmax.f32 v13, v28  }
0x118: {  	v16 =	vld [tilespmem:s8+$0x3800];
	v11 =	vadd.f32 $0.0e+00, v11;
	v22 =	vmul.f32 v22, v3;
	v24 =	vmul.f32 $2.000000030e-01, v0  }
0x119: {  	v1 =	vmax.f32 v14, v1;
	v13 =	vld [tilespmem:s25+$0xFA0]  }
0x11a: {  	v14 =	vadd.f32 v18, v63;
	v11 =	vadd.f32 v22, v11;
	v0 =	vmax.f32 v0, v24;
	v24 =	vld [tilespmem:s25+$0x37A0]  }
0x11b: {  	v25 =	vld [tilespmem:s8+$0x3810];
	v28 =	vmul.f32 $2.000000030e-01, v20  }
0x11c: {  	v1 =	vmul.f32 v1, v5;
	v27 =	vmul.f32 $2.000000030e-01, v14;
	v11 =	vadd.f32 v29, v11  }
0x11d: {  	v18 =	vmax.f32 v20, v28;
	v29 =	vmul.f32 v0, v9;
	v16 =	vadd.f32 v16, v23;
	v0 =	vld [tilespmem:s25+$0xFC0]  }
0x11e: {  	v20 =	vmax.f32 v14, v27;
	v1 =	vadd.f32 v1, v11;
	v11 =	vmul.f32 v18, v6;
	v18 =	vld [tilespmem:s25+$0x37C0]  }
0x11f: {  	v14 =	vld [tilespmem:s25+$0xFD0];
	v26 =	vadd.f32 v26, v12;
	v28 =	vmul.f32 $2.000000030e-01, v16;
	v22 =	vadd.f32 v24, v13  }
0x120: {  	v1 =	vadd.f32 v11, v1;
	v11 =	vmul.f32 v20, v7;
	v20 =	vadd.f32 v25, v15;
	v25 =	vld [tilespmem:s25+$0x37D0]  }
0x121: {  	v10 =	vadd.f32 v29, v10;
	v24 =	vmax.f32 v16, v28;
	v16 =	vld [tilespmem:s25+$0xFE0];
	v27 =	vmul.f32 $2.000000030e-01, v22  }
0x122: {  	v28 =	vld [tilespmem:s25+$0x37E0];
	v1 =	vadd.f32 v11, v1;
	v11 =	vmul.f32 v24, v8;
	v24 =	vmul.f32 $2.000000030e-01, v20  }
0x123: {  	v29 =	vmul.f32 $2.000000030e-01, v26;
	v22 =	vmax.f32 v22, v27;
	v27 =	vadd.f32 v18, v0;
	v18 =	vld [tilespmem:s25+$0xFF0]  }
0x124: {  	v1 =	vadd.f32 v11, v1;
	v11 =	vmax.f32 v20, v24;
	v20 =	vmul.f32 v22, v2;
	v22 =	vld [tilespmem:s25+$0x37F0]  }
0x125: {  	v24 =	vmax.f32 v26, v29;
	v25 =	vadd.f32 v25, v14;
	v26 =	vmul.f32 $2.000000030e-01, v27  }
0x126: {  	v11 =	vmul.f32 v11, v9;
	v24 =	vmul.f32 v24, v3;
	v29 =	vadd.f32 $0.0e+00, v20  }
0x127: {  	v26 =	vmax.f32 v27, v26;
	v27 =	vadd.f32 v28, v16;
	v28 =	vmul.f32 $2.000000030e-01, v25  }
0x128: {  	v1 =	vadd.f32 v11, v1;
	v11 =	vadd.f32 v24, v29;
	v24 =	vmul.f32 v26, v4  }
0x129: {  	v20 =	vld [tilespmem:s25+$0x1000];
	v25 =	vmax.f32 v25, v28;
	v28 =	vadd.f32 v22, v18;
	v29 =	vmul.f32 $2.000000030e-01, v27  }
0x12a: {  	v26 =	vld [tilespmem:s25+$0x3800];
	v11 =	vadd.f32 v24, v11;
	v24 =	vmul.f32 v25, v5  }
0x12b: {  	v25 =	vperm.xlane v10, v41;
	v22 =	vmax.f32 v27, v29;
	v29 =	vmul.f32 $2.000000030e-01, v28;
	_ =	sdelay $0x1  }
0x12c: {  	v10 =	vadd.f32 v10, v25;
	v25 =	vmax.f32 v28, v29  }
0x12d: {  	v11 =	vadd.f32 v24, v11;
	v24 =	vmul.f32 v22, v6  }
0x12e: {  	v26 =	vadd.f32 v26, v20  }
0x12f: {  	s8 =	smul.u32 $0x240, s20;
	v11 =	vadd.f32 v24, v11;
	v24 =	vmul.f32 v25, v7;
	v25 =	vpop (erf)  }
0x130: {  	v28 =	vmul.f32 $2.000000030e-01, v26;
	v17 =	vmul.f32 v25, v17  }
0x131: {  	s1 =	spop (v2sf);
	s22 =	sshra.s32 s8, $0x2;
	v29 =	vld [tilespmem:$0x1FEE0]  }
0x132: {  	s4 =	spop (v2sf);
	v27 =	vperm.xlane v1, v41;
	[tilespmem:s22+$0x5FA0] =	vst v17;
	v17 =	vmax.f32 v26, v28;
	v28 =	vld [tilespmem:$0x1FEF0]  }
0x133: {  	s7 =	spop (v2sf);
	v22 =	vld [tilespmem:s25+$0x1010]  }
0x134: {  	v1 =	vadd.f32 v1, v27;
	v27 =	vld [tilespmem:s25+$0x3810];
	s25 =	spop (v2sf);
	(v2sf) =	vpush v10, $0x0  }
0x135: {  	s29 =	spop (v2sf);
	(v2sf) =	vpush v10, $0x1  }
0x136: {  	s8 =	spop (v2sf);
	v11 =	vadd.f32 v24, v11;
	(v2sf) =	vpush v10, $0x2;
	v24 =	vmul.f32 v25, v29;
	v29 =	vld [tilespmem:$0x1FF00]  }
0x137: {  	(v2sf) =	vpush v10, $0x3;
	v26 =	vmul.f32 v25, v28;
	v28 =	vld [tilespmem:$0x1FF10]  }
0x138: {  	s1 =	sadd.f32 s4, s1;
	s4 =	spop (v2sf);
	(v2sf) =	vpush v10, $0x4  }
0x139: {  	s7 =	sadd.f32 s25, s7;
	s25 =	spop (v2sf);
	(v2sf) =	vpush v10, $0x5;
	v17 =	vmul.f32 v17, v8  }
0x13a: {  	(v2sf) =	vpush v10, $0x6  }
0x13b: {  	s1 =	sadd.f32 s7, s1;
	s7 =	spop (v2sf);
	[tilespmem:s22+$0x5FB0] =	vst v24;
	(v2sf) =	vpush v10, $0x7;
	v10 =	vadd.f32 v17, v11;
	v11 =	vld [tilespmem:$0x1FF30]  }
0x13c: {  	v24 =	vmul.f32 v25, v29;
	v29 =	vld [tilespmem:$0x1FF20];
	[tilespmem:s22+$0x5FC0] =	vst v26;
	v26 =	vmul.f32 v25, v28  }
0x13d: {  	s8 =	sadd.f32 s8, s29  }
0x13e: {  	v27 =	vadd.f32 v27, v22;
	s4 =	sadd.f32 s25, s4;
	[tilespmem:s22+$0x5FE0] =	vst v26;
	v26 =	vld [tilespmem:$0x1FF40];
	_ =	sdelay $0x1  }
0x13f: {  	s4 =	sadd.f32 s4, s8;
	s8 =	spop (v2sf);
	v11 =	vmul.f32 v25, v11;
	v28 =	vmul.f32 $2.000000030e-01, v27  }
0x140: {  	s25 =	spop (v2sf);
	(v2sf) =	vpush v1, $0x0;
	[tilespmem:s22+$0x5FD0] =	vst v24;
	v24 =	vmul.f32 v25, v29  }
0x141: {  	s1 =	sadd.f32 s4, s1;
	s4 =	spop (v2sf);
	(v2sf) =	vpush v1, $0x1;
	[tilespmem:s22+$0x6000] =	vst v11;
	v29 =	vmax.f32 v27, v28;
	v28 =	vld [tilespmem:$0x1FF50]  }
0x142: {  	s29 =	spop (v2sf);
	(v2sf) =	vpush v1, $0x2;
	v11 =	vnsel vm0, $0x0, v25;
	[tilespmem:s22+$0x5FF0] =	vst v24;
	v17 =	vmul.f32 v25, v26  }
0x143: {  	s7 =	sadd.f32 s8, s7;
	(v2sf) =	vpush v1, $0x3;
	[tilespmem:s22+$0x6020] =	vst v11;
	v11 =	vmov s1;
	s1 =	spop (v2sf)  }
0x144: {  	s4 =	sadd.f32 s4, s25;
	(v2sf) =	vpush v1, $0x4;
	[tilespmem:s22+$0x6010] =	vst v17;
	s22 =	spop (v2sf)  }
0x145: {  	v24 =	vmul.f32 v29, v9;
	v29 =	vld [tilespmem:$0x1FF60];
	v26 =	vpop (erf);
	(v2sf) =	vpush v1, $0x5;
	s25 =	spop (v2sf)  }
0x146: {  	s4 =	sadd.f32 s4, s7;
	v17 =	vmul.f32 v26, v28;
	v28 =	vld [tilespmem:$0x1FF80];
	s7 =	spop (v2sf);
	(v2sf) =	vpush v1, $0x6  }
0x147: {  	(v2sf) =	vpush v1, $0x7;
	v1 =	vld [tilespmem:$0x1FFB0]  }
0x148: {  	v27 =	vld [tilespmem:$0x1FF70]  }
0x149: {  	v10 =	vadd.f32 v24, v10  }
0x14a: {  	s2 =	smul.u32 $0x240, s2;
	v11 =	vadd.f32 $0.0e+00, v11;
	v25 =	vmul.f32 v26, v29  }
0x14b: {  	v29 =	vperm.xlane v10, v41;
	v24 =	vmul.f32 v26, v28;
	v28 =	vld [tilespmem:$0x1FF90]  }
0x14c: {  	s2 =	sshra.s32 s2, $0x2;
	v11 =	vmul.f32 $1.442695020e+00, v11;
	v1 =	vmul.f32 v26, v1  }
0x14d: {  	s1 =	sadd.f32 s1, s29;
	v10 =	vadd.f32 v10, v29;
	v29 =	vld [tilespmem:$0x1FFA0];
	[tilespmem:s2+$0x5FA0] =	vst v17;
	v17 =	vmul.f32 v26, v27  }
0x14e: {  	v11 =	vbroadcast v11, $0x0;
	[tilespmem:s2+$0x5FB0] =	vst v25;
	s8 =	sadd.f32 s25, s22;
	v27 =	vld [tilespmem:$0x1FFC0]  }
0x14f: {  	[tilespmem:s2+$0x5FC0] =	vst v17  }
0x150: {  	s22 =	spop (v2sf);
	s1 =	sadd.f32 s8, s1;
	v17 =	vmul.f32 v26, v28;
	[tilespmem:s2+$0x6000] =	vst v1;
	v28 =	vld [tilespmem:$0x1FFD0];
	v1 =	vpop (erf);
	(erf) = vpow2.f32 v11;
	v11 =	vnsel vm0, $0x0, v26  }
0x151: {  	s29 =	smul.u32 $0x240, s21;
	s21 =	spop (v2sf);
	[tilespmem:s2+$0x6020] =	vst v11;
	v11 =	vld [tilespmem:$0x1FFE0]  }
0x152: {  	(v2sf) =	vpush v10, $0x0;
	s1 =	sadd.f32 s1, s4;
	s4 =	spop (v2sf);
	[tilespmem:s2+$0x5FD0] =	vst v24;
	v24 =	vmul.f32 v26, v29  }
0x153: {  	(v2sf) =	vpush v10, $0x1;
	s25 =	spop (v2sf);
	[tilespmem:s2+$0x5FE0] =	vst v17;
	v17 =	vmul.f32 v26, v27  }
0x154: {  	(v2sf) =	vpush v10, $0x2;
	s8 =	spop (v2sf);
	[tilespmem:s2+$0x5FF0] =	vst v24;
	v27 =	vld [tilespmem:$0x1FFF0]  }
0x155: {  	(v2sf) =	vpush v10, $0x3;
	[tilespmem:s2+$0x6010] =	vst v17;
	s2 =	sshra.s32 s29, $0x2;
	s29 =	spop (v2sf);
	v17 =	vmul.f32 v1, v28  }
0x156: {  	s7 =	sadd.f32 s22, s7;
	s22 =	spop (v2sf);
	(v2sf) =	vpush v10, $0x4;
	v11 =	vmul.f32 v1, v11  }
0x157: {  	s4 =	sadd.f32 s4, s21;
	v29 =	vmov s1;
	v28 =	vmul.f32 v1, v19;
	s21 =	spop (v2sf);
	(v2sf) =	vpush v10, $0x5;
	[tilespmem:s2+$0x5FA0] =	vst v17  }
0x158: {  	v24 =	vadd.f32 $0.0e+00, v29;
	s1 =	sadd.f32 s8, s25;
	s25 =	spop (v2sf);
	(v2sf) =	vpush v10, $0x6;
	[tilespmem:s2+$0x5FB0] =	vst v11;
	v11 =	vmul.f32 v1, v21  }
0x159: {  	v17 =	vmul.f32 v1, v27;
	[tilespmem:s2+$0x5FE0] =	vst v28;
	(v2sf) =	vpush v10, $0x7;
	v10 =	vmul.f32 v1, v31  }
0x15a: {  	[tilespmem:s2+$0x5FD0] =	vst v11;
	v11 =	vmul.f32 v1, v30  }
0x15b: {  	v29 =	vmul.f32 $1.442695020e+00, v24;
	[tilespmem:s2+$0x5FC0] =	vst v17  }
0x15c: {  	s8 =	sadd.f32 s22, s29;
	[tilespmem:s2+$0x5FF0] =	vst v11;
	v11 =	vmul.f32 v1, v32  }
0x15d: {  	s23 =	smul.u32 $0x240, s23;
	s4 =	sadd.f32 s4, s7;
	v31 =	vbroadcast v29, $0x0;
	[tilespmem:s2+$0x6000] =	vst v10;
	v10 =	vpop (erf)  }
0x15e: {  	s1 =	sadd.f32 s8, s1;
	v1 =	vnsel vm0, $0x0, v1;
	[tilespmem:s2+$0x6010] =	vst v11;
	v11 =	vmul.f32 v10, v34  }
0x15f: {  	(erf) = vpow2.f32 v31;
	[tilespmem:s2+$0x6020] =	vst v1;
	s2 =	sshra.s32 s23, $0x2  }
0x160: {  	s1 =	sadd.f32 s1, s4;
	[tilespmem:s2+$0x5FA0] =	vst v11;
	v11 =	vmul.f32 v10, v33  }
0x161: {  	s22 =	spop (v2sf)  }
0x162: {  	s29 =	spop (v2sf);
	v1 =	vmov s1;
	[tilespmem:s2+$0x5FC0] =	vst v11;
	v11 =	vmul.f32 v10, v37  }
0x163: {  	s4 =	spop (v2sf);
	v1 =	vadd.f32 $0.0e+00, v1  }
0x164: {  	s7 =	sadd.f32 s25, s21;
	s1 =	spop (v2sf);
	[tilespmem:s2+$0x5FE0] =	vst v11;
	v11 =	vmul.f32 v10, v39  }
0x165: {  	s8 =	sadd.f32 s29, s22;
	s25 =	spop (v2sf);
	v1 =	vmul.f32 $1.442695020e+00, v1  }
0x166: {  	v35 =	vmul.f32 v10, v35;
	s1 =	sadd.f32 s1, s4;
	s29 =	spop (v2sf)  }
0x167: {  	s12 =	smul.u32 $0x240, s12;
	v36 =	vmul.f32 v10, v36;
	s21 =	sadd.f32 s29, s25;
	v1 =	vbroadcast v1, $0x0  }
0x168: {  	s7 =	sadd.f32 s8, s7;
	v38 =	vmul.f32 v10, v38;
	v40 =	vmul.f32 v10, v40;
	s23 =	spop (v2sf);
	[tilespmem:s2+$0x6000] =	vst v11;
	v11 =	vpop (erf)  }
0x169: {  	s25 =	spop (v2sf);
	s1 =	sadd.f32 s21, s1;
	(erf) = vpow2.f32 v1;
	v1 =	vnsel vm0, $0x0, v10;
	v10 =	vmul.f32 v11, v42  }
0x16a: {  	[tilespmem:s2+$0x5FB0] =	vst v35;
	s22 =	sadd.f32 s25, s23;
	s25 =	sshra.s32 s12, $0x2  }
0x16b: {  	s1 =	sadd.f32 s1, s7;
	[tilespmem:s25+$0x5FA0] =	vst v10;
	v10 =	vmul.f32 v11, v44  }
0x16c: {  	s8 =	spop (v2sf);
	[tilespmem:s2+$0x6020] =	vst v1  }
0x16d: {  	s29 =	spop (v2sf);
	v1 =	vmov s1;
	[tilespmem:s25+$0x5FC0] =	vst v10;
	v10 =	vmul.f32 v11, v46  }
0x16e: {  	[tilespmem:s2+$0x5FD0] =	vst v36;
	s7 =	spop (v2sf);
	v1 =	vadd.f32 $0.0e+00, v1  }
0x16f: {  	s23 =	spop (v2sf);
	[tilespmem:s25+$0x5FE0] =	vst v10;
	v10 =	vmul.f32 v11, v48  }
0x170: {  	[tilespmem:s2+$0x5FF0] =	vst v38;
	s8 =	sadd.f32 s29, s8;
	s29 =	spop (v2sf);
	v43 =	vmul.f32 v11, v43;
	v1 =	vmul.f32 $1.442695020e+00, v1  }
0x171: {  	[tilespmem:s2+$0x6010] =	vst v40;
	s21 =	spop (v2sf);
	s2 =	sadd.f32 s23, s7  }
0x172: {  	v45 =	vmul.f32 v11, v45;
	s7 =	sadd.f32 s21, s29;
	[tilespmem:s25+$0x5FB0] =	vst v43;
	v1 =	vbroadcast v1, $0x0  }
0x173: {  	v47 =	vmul.f32 v11, v47;
	s1 =	sadd.f32 s8, s22;
	v49 =	vmul.f32 v11, v49;
	s22 =	smul.u32 $0x240, s10;
	[tilespmem:s25+$0x6000] =	vst v10;
	v10 =	vpop (erf)  }
0x174: {  	[tilespmem:s25+$0x5FD0] =	vst v45;
	(erf) = vpow2.f32 v1;
	v1 =	vnsel vm0, $0x0, v11;
	v11 =	vmul.f32 v10, v50  }
0x175: {  	s2 =	sadd.f32 s7, s2;
	[tilespmem:s25+$0x5FF0] =	vst v47;
	s23 =	sshra.s32 s22, $0x2  }
0x176: {  	[tilespmem:s23+$0x5FA0] =	vst v11;
	v11 =	vmul.f32 v10, v52  }
0x177: {  	s1 =	sadd.f32 s2, s1;
	[tilespmem:s25+$0x6020] =	vst v1;
	v1 =	vmul.f32 v10, v51  }
0x178: {  	[tilespmem:s23+$0x5FC0] =	vst v11;
	v11 =	vmul.f32 v10, v54  }
0x179: {  	v51 =	vmov s1;
	[tilespmem:s23+$0x5FB0] =	vst v1;
	v1 =	vmul.f32 v10, v53  }
0x17a: {  	v17 =	vadd.f32 $0.0e+00, v51;
	[tilespmem:s23+$0x5FE0] =	vst v11;
	v11 =	vmul.f32 v10, v56  }
0x17b: {  	[tilespmem:s23+$0x5FD0] =	vst v1;
	v1 =	vmul.f32 v10, v55  }
0x17c: {  	[tilespmem:s25+$0x6010] =	vst v49;
	v17 =	vmul.f32 $1.442695020e+00, v17  }
0x17d: {  	[tilespmem:s23+$0x5FF0] =	vst v1;
	v1 =	vmul.f32 v10, v57  }
0x17e: {  	s25 =	smul.u32 $0x240, s30;
	v17 =	vbroadcast v17, $0x0;
	[tilespmem:s23+$0x6000] =	vst v11;
	v11 =	vpop (erf)  }
0x17f: {  	[tilespmem:s23+$0x6010] =	vst v1;
	v1 =	vnsel vm0, $0x0, v10;
	v10 =	vmul.f32 v11, v58  }
0x180: {  	s1 =	sshra.s32 s25, $0x2;
	(erf) = vpow2.f32 v17  }
0x181: {  	[tilespmem:s1+$0x5FA0] =	vst v10;
	v10 =	vmul.f32 v11, v60  }
0x182: {  	[tilespmem:s23+$0x6020] =	vst v1;
	v1 =	vmul.f32 v11, v59  }
0x183: {  	[tilespmem:s1+$0x5FC0] =	vst v10;
	v10 =	vmul.f32 v11, v62  }
0x184: {  	[tilespmem:s1+$0x5FB0] =	vst v1;
	v1 =	vmul.f32 v11, v61  }
0x185: {  	[tilespmem:s1+$0x5FE0] =	vst v10;
	v10 =	vmul.f32 v11, v23  }
0x186: {  	[tilespmem:s1+$0x5FD0] =	vst v1;
	v1 =	vmul.f32 v11, v63;
	_ =	sdelay $0x1  }
0x187: {  	[tilespmem:s1+$0x5FF0] =	vst v1;
	v1 =	vmul.f32 v11, v15  }
0x188: {  	s29 =	smul.u32 $0x240, s31;
	[tilespmem:s1+$0x6000] =	vst v10;
	v10 =	vpop (erf)  }
0x189: {  	[tilespmem:s1+$0x6010] =	vst v1;
	v1 =	vnsel vm0, $0x0, v11;
	v11 =	vmul.f32 v10, v13  }
0x18a: {  	s30 =	sshra.s32 s29, $0x2;
	[tilespmem:s1+$0x6020] =	vst v1;
	v1 =	vmul.f32 v10, v12  }
0x18b: {  	v0 =	vmul.f32 v10, v0;
	[tilespmem:s30+$0x5FA0] =	vst v11  }
0x18c: {  	[tilespmem:s30+$0x5FB0] =	vst v1;
	v1 =	vmul.f32 v10, v14  }
0x18d: {  	[tilespmem:s30+$0x5FC0] =	vst v0;
	v0 =	vmul.f32 v10, v16  }
0x18e: {  	p1 =	slt.u32 s20, $0x20;
	[tilespmem:s30+$0x5FD0] =	vst v1;
	v1 =	vmul.f32 v10, v18  }
.Ltmp3:
0x18f: {  	[tilespmem:s30+$0x5FE0] =	vst v0;
	v0 =	vmul.f32 v10, v20;
	(pc) =	sbr.rel @p1 .LBB2_8-.Ltmp3, $4  }
0x190: {  	[tilespmem:s30+$0x5FF0] =	vst v1  }
0x191: {  	v1 =	vmul.f32 v10, v22;
	[tilespmem:s30+$0x6000] =	vst v0;
	v0 =	vnsel vm0, $0x0, v10  }
0x192: {  	s31 =	sadd.s32 $0x8, s20;
	[tilespmem:s30+$0x6020] =	vst v0  }
0x193: {  	s20 =	smov.u32 s31;
	[tilespmem:s30+$0x6010] =	vst v1  }
0x194: {  	s1 =	sand.u32 $0x1, s15;
	s2 =	smul.u32 $0xA0, s19  }
0x195: {  	p1 =	seq.s32 s1, $0x1;
	s1 =	simm.s32 $0x3E8  }
0x196: {  	s1 =	simm.s32 @!p1 $0x0;
	s2 =	sshrl.u32 s2, $0x2;
	p1 =	sgt.u32 s17, $0xE0  }
0x197: {  	s1 =	sadd.s32 s2, s1;
	s2 =	sand.u32 @!p1 $0xFF, s18  }
0x198: {  	p2 =	sne.s32 @!p1 s2, $0x2  }
0x199: {  	p2 =	por p1, p2  }
.Ltmp4:
0x19a: {  	_ = 	snop;
	(pc) =	sbr.rel @p2 .LBB2_11-.Ltmp4, $3  }
0x19b: {  	_ =	sdelay $0x1  }
0x19c: {  	s20 =	rddreg [dreg:$0x3];
	s31 =	simm.s32 $0x5FA0;
	s1 =	sadd.s32 $0x7D0, s1  }
0x19d: {  	[spmem:s20] =	stream.indirect.scatter.add.f32 [tilespmem:s31], [sflag:$0x5], $0x90, s1, s26, $0xb8;
	[tilespmem:$0x1F520] =	vst v63  }
0x19e: {  	s1 =	sadd.s32 $0x1, s16  }
0x19f: {  	s2 =	smul.u32 $0x3E8, s1  }
0x1a0: {  	s4 =	rddreg [dreg:$0x6];
	s1 =	sand.u32 $0x1, s1  }
0x1a1: {  	s30 =	rddreg [dreg:$0x5];
	p1 =	seq.s32 s1, $0x1;
	s2 =	sadd.s32 s4, s2  }
.Ltmp5:
0x1a2: {  	s1 =	simm.s32 $0x3E8;
	s2 =	sshrl.u32 s2, $0x3;
	(pc) =	sbr.rel .LBB2_12-.Ltmp5, $4  }
0x1a3: {  	s31 =	rddreg [dreg:$0x7];
	s1 =	simm.s32 @!p1 $0x0;
	s4 =	sadd.s32 s30, s2  }
0x1a4: {  	[tilespmem:s1], [sflag:$0x7] =	stream.linear.gather [hbm4b:s4+s5], $0x3E8, $0x38;
	[tilespmem:$0x1F520] =	vst v63  }
0x1a5: {  	s19 =	smov.u32 s9;
	s2 =	sadd.s32 s31, s2;
	s1 =	sadd.s32 $0x7D0, s1  }
0x1a6: {  	[tilespmem:s1], [sflag:$0x7] =	stream.linear.gather [hbm4b:s2+s5], $0x3E8, $0x38;
	[tilespmem:$0x1F520] =	vst v63  }
.LBB2_11:
0x1a7: {  	p2 =	sne.s32 @!p1 s2, $0x16  }
0x1a8: {  	p1 =	por p2, p1  }
0x1a9: {  	s1 =	simm.s32 @!p1 $0x7  }
0x1aa: {  	_ =	swait.ge @!p1 [sflag:s1], $0x3E8  }
0x1ab: {  	[sflag:s1] =	ssyncset.done @!p1 $0x0  }
0x1ac: {  	[sflag:s1] =	ssyncadd.s32 @!p1 $0xFFFFFC18  }
0x1ad: {  	_ =	swait.ge @!p1 [sflag:s1], $0x3E8  }
0x1ae: {  	[sflag:s1] =	ssyncset.done @!p1 $0x0  }
0x1af: {  	s19 =	smov.u32 s9;
	[sflag:s1] =	ssyncadd.s32 @!p1 $0xFFFFFC18  }
.LBB2_12:
0x1b0: {  	p1 =	seq.s32 s11, $0x7C  }
0x1b1: {  	s1 =	sadd.s32 @!p1 $0x2, s14  }
0x1b2: {  	s2 =	smulhi.u32 @!p1 $0x51EB851F, s1;
	_ =	sdelay $0x1  }
0x1b3: {  	s2 =	sshrl.u32 @!p1 s2, $0x3  }
0x1b4: {  	s4 =	smul.u32 @!p1 $0x19, s2  }
0x1b5: {  	s2 =	sand.u32 @!p1 $0x1, s2  }
0x1b6: {  	p2 =	seq.s32 @!p1 s2, $0x1;
	s1 =	ssub.s32 @!p1 s1, s4  }
0x1b7: {  	s2 =	simm.s32 @!p1 $0x3E8;
	p2 =	por !p2, p1;
	s1 =	smul.u32 @!p1 $0x28, s1  }
0x1b8: {  	s2 =	simm.s32 @p2 $0x0  }
0x1b9: {  	s4 =	simm.s32 @!p1 $0xFA0;
	s1 =	sadd.s32 @!p1 s1, s2;
	s2 =	simm.s32 @!p1 $0x28  }
0x1ba: {  	[tilespmem:s4], [sflag:$0x1] =	stream.indirect.gather @!p1 [hbm4b:s19+s2], $0x80, s1, s2, $0xb8;
	[tilespmem:$0x1F520] =	vst v63  }
0x1bb: {  	s1 =	sadd.s32 @!p1 $0x7D0, s1;
	s4 =	simm.s32 @!p1 $0x37A0  }
0x1bc: {  	[tilespmem:s4], [sflag:$0x3] =	stream.indirect.gather @!p1 [hbm4b:s6+s2], $0x80, s1, s2, $0xb8;
	[tilespmem:$0x1F520] =	vst v63  }
0x1bd: {  	_ =	swait.ge [sflag:s24], $0x1400  }
0x1be: {  	[sflag:s24] =	ssyncset.done $0x0  }
0x1bf: {  	[sflag:s24] =	ssyncadd.s32 $0xFFFFEC00  }
0x1c0: {  	_ =	swait.ge [sflag:s28], $0x1400  }
0x1c1: {  	[sflag:s28] =	ssyncset.done $0x0  }
0x1c2: {  	s1 =	simm.s32 @!p0 $0x6;
	[sflag:s28] =	ssyncadd.s32 $0xFFFFEC00  }
0x1c3: {  	_ =	swait.ge @!p0 [sflag:s1], $0x1680  }
0x1c4: {  	[sflag:s1] =	ssyncset.done @!p0 $0x0  }
0x1c5: {  	s14 =	simm.s32 $0x0;
	[sflag:s1] =	ssyncadd.s32 @!p0 $0xFFFFE980  }
.LBB2_13:
0x1c6: {  	s2 =	sshll.u32 s14, $0x7  }
0x1c7: {  	v25 =	vld [tilespmem:s2+$0x23A0]  }
0x1c8: {  	v0 =	vld [tilespmem:s2+$0x4BA0]  }
0x1c9: {  	v27 =	vld [tilespmem:s2+$0x23B0]  }
0x1ca: {  	v1 =	vld [tilespmem:s2+$0x4BB0]  }
0x1cb: {  	v15 =	vld [tilespmem:s2+$0x23C0]  }
0x1cc: {  	v10 =	vld [tilespmem:s2+$0x4BC0]  }
0x1cd: {  	v14 =	vld [tilespmem:s2+$0x23D0]  }
0x1ce: {  	v11 =	vld [tilespmem:s2+$0x4BD0]  }
0x1cf: {  	v16 =	vld [tilespmem:s2+$0x23E0]  }
0x1d0: {  	v13 =	vld [tilespmem:s2+$0x4BE0];
	v0 =	vadd.f32 v0, v25  }
0x1d1: {  	v18 =	vld [tilespmem:s2+$0x23F0]  }
0x1d2: {  	v40 =	vld [tilespmem:s2+$0x4BF0];
	v1 =	vadd.f32 v1, v27;
	v12 =	vmul.f32 $2.000000030e-01, v0  }
0x1d3: {  	v43 =	vld [tilespmem:s2+$0x2400]  }
0x1d4: {  	v17 =	vld [tilespmem:s2+$0x4C00];
	v10 =	vadd.f32 v10, v15;
	v39 =	vmul.f32 $2.000000030e-01, v1;
	v0 =	vmax.f32 v0, v12  }
0x1d5: {  	v45 =	vld [tilespmem:s2+$0x2410];
	v0 =	vmul.f32 v0, v2  }
0x1d6: {  	v49 =	vld [tilespmem:s2+$0x2420];
	v11 =	vadd.f32 v11, v14;
	v42 =	vmul.f32 $2.000000030e-01, v10;
	v1 =	vmax.f32 v1, v39  }
0x1d7: {  	v51 =	vld [tilespmem:s2+$0x2430];
	v1 =	vmul.f32 v1, v3;
	v0 =	vadd.f32 $0.0e+00, v0  }
0x1d8: {  	v52 =	vld [tilespmem:s2+$0x4C30];
	v13 =	vadd.f32 v13, v16;
	v44 =	vmul.f32 $2.000000030e-01, v11;
	v10 =	vmax.f32 v10, v42  }
0x1d9: {  	v0 =	vadd.f32 v1, v0;
	v1 =	vmul.f32 v10, v4;
	v10 =	vld [tilespmem:s2+$0x4C10]  }
0x1da: {  	v54 =	vld [tilespmem:s2+$0x2440];
	[tilespmem:$0x1FDC0] =	vst v15;
	v15 =	vadd.f32 v40, v18;
	v46 =	vmul.f32 $2.000000030e-01, v13;
	v11 =	vmax.f32 v11, v44  }
0x1db: {  	v55 =	vld [tilespmem:s2+$0x4C40];
	v0 =	vadd.f32 v1, v0;
	v1 =	vmul.f32 v11, v5  }
0x1dc: {  	v56 =	vld [tilespmem:s2+$0x2450];
	v48 =	vadd.f32 v17, v43;
	v47 =	vmul.f32 $2.000000030e-01, v15;
	v11 =	vmax.f32 v13, v46  }
0x1dd: {  	v0 =	vadd.f32 v1, v0;
	v1 =	vmul.f32 v11, v6;
	v11 =	vld [tilespmem:s2+$0x4C20]  }
0x1de: {  	v22 =	vld [tilespmem:s2+$0x2460];
	v50 =	vmul.f32 $2.000000030e-01, v48;
	v12 =	vmax.f32 v15, v47;
	v10 =	vadd.f32 v10, v45  }
0x1df: {  	v58 =	vld [tilespmem:s2+$0x2470];
	v0 =	vadd.f32 v1, v0;
	v1 =	vmul.f32 v12, v7  }
0x1e0: {  	v19 =	vld [tilespmem:s2+$0x4C70];
	v13 =	vmax.f32 v48, v50;
	v53 =	vmul.f32 $2.000000030e-01, v10  }
0x1e1: {  	v61 =	vld [tilespmem:s2+$0x2480];
	v0 =	vadd.f32 v1, v0;
	v1 =	vmul.f32 v13, v8  }
0x1e2: {  	v62 =	vld [tilespmem:s2+$0x4C80];
	v10 =	vmax.f32 v10, v53;
	v11 =	vadd.f32 v11, v49  }
0x1e3: {  	v0 =	vadd.f32 v1, v0;
	v1 =	vmul.f32 v10, v9;
	v10 =	vld [tilespmem:s2+$0x4C50]  }
0x1e4: {  	v24 =	vld [tilespmem:s2+$0x24A0];
	v12 =	vadd.f32 v52, v51;
	v57 =	vmul.f32 $2.000000030e-01, v11  }
0x1e5: {  	v0 =	vadd.f32 v1, v0;
	v1 =	vld [tilespmem:s2+$0x4C60]  }
0x1e6: {  	v28 =	vld [tilespmem:s2+$0x4CA0];
	v60 =	vmul.f32 $2.000000030e-01, v12;
	v13 =	vadd.f32 v55, v54;
	v11 =	vmax.f32 v11, v57  }
0x1e7: {  	v19 =	vadd.f32 v19, v58;
	v17 =	vadd.f32 v62, v61;
	v11 =	vmul.f32 v11, v2  }
0x1e8: {  	v12 =	vmax.f32 v12, v60;
	v63 =	vmul.f32 $2.000000030e-01, v13;
	v10 =	vadd.f32 v10, v56  }
0x1e9: {  	v32 =	vmul.f32 $2.000000030e-01, v19;
	v12 =	vmul.f32 v12, v3;
	v11 =	vadd.f32 $0.0e+00, v11  }
0x1ea: {  	v20 =	vld [tilespmem:s2+$0x2490];
	v13 =	vmax.f32 v13, v63;
	v23 =	vmul.f32 $2.000000030e-01, v10;
	v1 =	vadd.f32 v1, v22  }
0x1eb: {  	v21 =	vld [tilespmem:s2+$0x4C90];
	v26 =	vmul.f32 v13, v4;
	v13 =	vadd.f32 v28, v24;
	v11 =	vadd.f32 v12, v11  }
0x1ec: {  	v30 =	vld [tilespmem:s2+$0x24B0];
	v59 =	vperm.xlane v0, v41;
	v10 =	vmax.f32 v10, v23;
	v29 =	vmul.f32 $2.000000030e-01, v1  }
0x1ed: {  	v31 =	vld [tilespmem:s2+$0x4CB0];
	v37 =	vmul.f32 $2.000000030e-01, v13;
	v11 =	vadd.f32 v26, v11;
	v10 =	vmul.f32 v10, v5  }
0x1ee: {  	v33 =	vld [tilespmem:s2+$0x24C0];
	v34 =	vmul.f32 $2.000000030e-01, v17;
	v0 =	vadd.f32 v0, v59;
	v1 =	vmax.f32 v1, v29  }
0x1ef: {  	v13 =	vmax.f32 v13, v37;
	v10 =	vadd.f32 v10, v11;
	v1 =	vmul.f32 v1, v6;
	v11 =	vld [tilespmem:s2+$0x4CC0]  }
0x1f0: {  	v35 =	vld [tilespmem:s2+$0x24D0];
	v15 =	vmax.f32 v19, v32;
	(v2sf) =	vpush v0, $0x0;
	v13 =	vmul.f32 v13, v2  }
0x1f1: {  	v36 =	vld [tilespmem:s2+$0x4CD0];
	(v2sf) =	vpush v0, $0x1;
	v1 =	vadd.f32 v1, v10;
	v10 =	vmul.f32 v15, v7  }
0x1f2: {  	v17 =	vmax.f32 v17, v34;
	v12 =	vadd.f32 v31, v30;
	(v2sf) =	vpush v0, $0x2  }
0x1f3: {  	v38 =	vld [tilespmem:s2+$0x4CE0];
	v13 =	vadd.f32 $0.0e+00, v13;
	v1 =	vadd.f32 v10, v1;
	v10 =	vmul.f32 v17, v8  }
0x1f4: {  	v28 =	vld [tilespmem:s2+$0x24E0];
	v39 =	vmul.f32 $2.000000030e-01, v12;
	(v2sf) =	vpush v0, $0x3;
	v11 =	vadd.f32 v11, v33  }
0x1f5: {  	v40 =	vld [tilespmem:s2+$0x4CF0];
	v1 =	vadd.f32 v10, v1;
	v10 =	vadd.f32 v21, v20  }
0x1f6: {  	v29 =	vld [tilespmem:s2+$0x24F0];
	(v2sf) =	vpush v0, $0x4;
	v12 =	vmax.f32 v12, v39;
	v15 =	vadd.f32 v36, v35  }
0x1f7: {  	[tilespmem:$0x1FE00] =	vst v43;
	v26 =	vld [tilespmem:s2+$0x2500];
	(v2sf) =	vpush v0, $0x5;
	v42 =	vmul.f32 $2.000000030e-01, v11;
	v34 =	vmul.f32 $2.000000030e-01, v10  }
0x1f8: {  	[tilespmem:$0x1FED0] =	vst v35;
	v12 =	vmul.f32 v12, v3;
	v35 =	vld [tilespmem:s2+$0x4D00];
	(v2sf) =	vpush v0, $0x6;
	v43 =	vmul.f32 $2.000000030e-01, v15  }
0x1f9: {  	[tilespmem:$0x1FDE0] =	vst v16;
	v44 =	vld [tilespmem:s2+$0x4D10];
	v17 =	vadd.f32 v38, v28;
	v11 =	vmax.f32 v11, v42;
	v10 =	vmax.f32 v10, v34  }
0x1fa: {  	[tilespmem:$0x1FEA0] =	vst v24;
	v24 =	vld [tilespmem:s2+$0x2510];
	v12 =	vadd.f32 v12, v13;
	v11 =	vmul.f32 v11, v4;
	v10 =	vmul.f32 v10, v9  }
0x1fb: {  	[tilespmem:$0x1FE10] =	vst v45;
	v15 =	vmax.f32 v15, v43;
	v45 =	vmul.f32 $2.000000030e-01, v17;
	v21 =	vadd.f32 v40, v29  }
0x1fc: {  	[tilespmem:$0x1FDF0] =	vst v18;
	v18 =	vld [tilespmem:s2+$0x2570];
	v46 =	vmul.f32 v15, v5;
	v11 =	vadd.f32 v11, v12;
	v1 =	vadd.f32 v10, v1  }
0x1fd: {  	[tilespmem:$0x1FE20] =	vst v49;
	v16 =	vld [tilespmem:s2+$0x2580];
	v49 =	vadd.f32 v35, v26;
	v47 =	vmax.f32 v17, v45;
	v48 =	vmul.f32 $2.000000030e-01, v21  }
0x1fe: {  	[tilespmem:$0x1FE80] =	vst v61;
	v61 =	vld [tilespmem:s2+$0x4D80];
	v10 =	vadd.f32 v46, v11;
	v11 =	vmul.f32 v47, v6;
	v52 =	vperm.xlane v1, v41  }
0x1ff: {  	[tilespmem:$0x1FE30] =	vst v51;
	v57 =	vld [tilespmem:s2+$0x4D50];
	v13 =	vadd.f32 v44, v24;
	v51 =	vmul.f32 $2.000000030e-01, v49;
	v50 =	vmax.f32 v21, v48  }
0x200: {  	[tilespmem:$0x1FE50] =	vst v56;
	v56 =	vld [tilespmem:s2+$0x4D40];
	v10 =	vadd.f32 v11, v10;
	v11 =	vmul.f32 v50, v7;
	v1 =	vadd.f32 v1, v52  }
0x201: {  	[tilespmem:$0x1FE40] =	vst v54;
	v59 =	vld [tilespmem:s2+$0x4D70];
	(v2sf) =	vpush v0, $0x7;
	v54 =	vmul.f32 $2.000000030e-01, v13;
	v53 =	vmax.f32 v49, v51  }
0x202: {  	[tilespmem:$0x1FE60] =	vst v22;
	v22 =	vld [tilespmem:s2+$0x2540];
	v10 =	vadd.f32 v11, v10;
	v11 =	vmul.f32 v53, v8;
	(v2sf) =	vpush v1, $0x0  }
0x203: {  	v0 =	vmax.f32 v13, v54;
	v34 =	vld [tilespmem:s2+$0x2520];
	(v2sf) =	vpush v1, $0x1  }
0x204: {  	v0 =	vmul.f32 v0, v9;
	v10 =	vadd.f32 v11, v10;
	v11 =	vld [tilespmem:s2+$0x4D20];
	(v2sf) =	vpush v1, $0x2  }
0x205: {  	v19 =	vadd.f32 v61, v16;
	v35 =	vld [tilespmem:s2+$0x2530];
	(v2sf) =	vpush v1, $0x3  }
0x206: {  	v0 =	vadd.f32 v0, v10;
	v10 =	vld [tilespmem:s2+$0x4D30];
	(v2sf) =	vpush v1, $0x4  }
0x207: {  	v23 =	vld [tilespmem:s2+$0x2550];
	(v2sf) =	vpush v1, $0x5  }
0x208: {  	v37 =	vmul.f32 $2.000000030e-01, v19;
	(v2sf) =	vpush v1, $0x6  }
0x209: {  	[tilespmem:$0x1FDD0] =	vst v14;
	v14 =	vld [tilespmem:s2+$0x2590];
	v55 =	vperm.xlane v0, v41;
	(v2sf) =	vpush v1, $0x7;
	v1 =	vadd.f32 v11, v34  }
0x20a: {  	[tilespmem:$0x1FE70] =	vst v58;
	v31 =	vld [tilespmem:s2+$0x4DA0];
	v13 =	vadd.f32 v56, v22;
	v15 =	vmax.f32 v19, v37  }
0x20b: {  	[tilespmem:$0x1FE90] =	vst v20;
	v20 =	vld [tilespmem:s2+$0x2560];
	s1 =	spop (v2sf);
	v0 =	vadd.f32 v0, v55;
	v10 =	vadd.f32 v10, v35;
	v58 =	vmul.f32 $2.000000030e-01, v1  }
0x20c: {  	v17 =	vadd.f32 v59, v18;
	v62 =	vmul.f32 $2.000000030e-01, v13;
	s4 =	spop (v2sf);
	v12 =	vadd.f32 v57, v23;
	v11 =	vld [tilespmem:s2+$0x4D60]  }
0x20d: {  	v48 =	vld [tilespmem:s2+$0x2600];
	s7 =	spop (v2sf);
	(v2sf) =	vpush v0, $0x0;
	v60 =	vmul.f32 $2.000000030e-01, v10;
	v1 =	vmax.f32 v1, v58  }
0x20e: {  	[tilespmem:$0x1FEB0] =	vst v30;
	v13 =	vmax.f32 v13, v62;
	v51 =	vld [tilespmem:s2+$0x4E00];
	s8 =	spop (v2sf);
	(v2sf) =	vpush v0, $0x1;
	v1 =	vmul.f32 v1, v2  }
0x20f: {  	[tilespmem:$0x1FEC0] =	vst v33;
	v33 =	vld [tilespmem:s2+$0x4DB0];
	v30 =	vmul.f32 $2.000000030e-01, v12;
	s10 =	spop (v2sf);
	(v2sf) =	vpush v0, $0x2;
	v10 =	vmax.f32 v10, v60  }
0x210: {  	v42 =	vld [tilespmem:s2+$0x25A0];
	s1 =	sadd.f32 s4, s1;
	s12 =	spop (v2sf);
	(v2sf) =	vpush v0, $0x3;
	v10 =	vmul.f32 v10, v3;
	v1 =	vadd.f32 $0.0e+00, v1  }
0x211: {  	v54 =	vld [tilespmem:s2+$0x4DF0];
	s7 =	sadd.f32 s8, s7;
	v12 =	vmax.f32 v12, v30;
	s30 =	spop (v2sf);
	v11 =	vadd.f32 v11, v20;
	(v2sf) =	vpush v0, $0x4  }
0x212: {  	v47 =	vld [tilespmem:s2+$0x25F0];
	s10 =	sadd.f32 s12, s10;
	s31 =	spop (v2sf);
	(v2sf) =	vpush v0, $0x5;
	v1 =	vadd.f32 v10, v1;
	v10 =	vmul.f32 v13, v4  }
0x213: {  	v43 =	vld [tilespmem:s2+$0x25B0];
	v61 =	vadd.f32 v51, v48;
	s4 =	sadd.f32 s31, s30;
	v32 =	vmul.f32 $2.000000030e-01, v11;
	(v2sf) =	vpush v0, $0x6  }
0x214: {  	v63 =	vld [tilespmem:s2+$0x4D90];
	s1 =	sadd.f32 s7, s1;
	s8 =	spop (v2sf);
	(v2sf) =	vpush v0, $0x7;
	v1 =	vadd.f32 v10, v1;
	v10 =	vmul.f32 v12, v5  }
0x215: {  	v44 =	vld [tilespmem:s2+$0x25C0];
	v36 =	vmul.f32 $2.000000030e-01, v17;
	s4 =	sadd.f32 s4, s10;
	v11 =	vmax.f32 v11, v32;
	v13 =	vadd.f32 v31, v42;
	s9 =	spop (v2sf)  }
0x216: {  	v62 =	vmul.f32 $2.000000030e-01, v61;
	s10 =	spop (v2sf);
	v0 =	vadd.f32 v10, v1;
	v1 =	vmul.f32 v11, v6;
	v10 =	vld [tilespmem:s2+$0x4DC0]  }
0x217: {  	v40 =	vld [tilespmem:s2+$0x4DE0];
	v21 =	vadd.f32 v54, v47;
	s1 =	sadd.f32 s4, s1;
	v39 =	vmul.f32 $2.000000030e-01, v13;
	s12 =	spop (v2sf);
	v11 =	vmax.f32 v17, v36  }
0x218: {  	v45 =	vld [tilespmem:s2+$0x25D0];
	v12 =	vadd.f32 v33, v43;
	s15 =	spop (v2sf);
	v0 =	vadd.f32 v1, v0;
	v1 =	vmul.f32 v11, v7  }
0x219: {  	v38 =	vmov s1;
	v60 =	vmul.f32 $2.000000030e-01, v21;
	s1 =	sadd.f32 s9, s8;
	v13 =	vmax.f32 v13, v39;
	s16 =	spop (v2sf);
	v11 =	vld [tilespmem:s2+$0x4DD0]  }
0x21a: {  	v46 =	vld [tilespmem:s2+$0x25E0];
	s7 =	sadd.f32 s12, s10;
	v53 =	vmul.f32 $2.000000030e-01, v12;
	s17 =	spop (v2sf);
	v0 =	vadd.f32 v1, v0;
	v1 =	vmul.f32 v15, v8  }
0x21b: {  	v49 =	vld [tilespmem:s2+$0x2610];
	v17 =	vadd.f32 $0.0e+00, v38;
	v13 =	vmul.f32 v13, v2;
	s10 =	sadd.f32 s16, s15;
	s18 =	spop (v2sf);
	v10 =	vadd.f32 v10, v44  }
0x21c: {  	v57 =	vld [tilespmem:s2+$0x4E10];
	v12 =	vmax.f32 v12, v53;
	s4 =	sadd.f32 s18, s17;
	s21 =	spop (v2sf);
	v0 =	vadd.f32 v1, v0;
	v1 =	vadd.f32 v63, v14  }
0x21d: {  	s1 =	sadd.f32 s7, s1;
	v17 =	vmul.f32 $1.442695020e+00, v17;
	v13 =	vadd.f32 $0.0e+00, v13;
	v12 =	vmul.f32 v12, v3;
	s22 =	spop (v2sf)  }
0x21e: {  	s4 =	sadd.f32 s4, s10;
	s23 =	spop (v2sf);
	v55 =	vmul.f32 $2.000000030e-01, v10;
	v11 =	vadd.f32 v11, v45;
	v50 =	vmul.f32 $2.000000030e-01, v1  }
0x21f: {  	v15 =	vadd.f32 v40, v46;
	v31 =	vbroadcast v17, $0x0;
	v12 =	vadd.f32 v12, v13;
	s25 =	spop (v2sf)  }
0x220: {  	v54 =	vld [tilespmem:s2+$0x2660];
	s1 =	sadd.f32 s4, s1;
	s29 =	spop (v2sf);
	v10 =	vmax.f32 v10, v55;
	v56 =	vmul.f32 $2.000000030e-01, v11;
	v1 =	vmax.f32 v1, v50  }
0x221: {  	v39 =	vld [tilespmem:s2+$0x4E60];
	v13 =	vadd.f32 v57, v49;
	s7 =	sadd.f32 s22, s21;
	s15 =	spop (v2sf);
	v10 =	vmul.f32 v10, v4;
	v1 =	vmul.f32 v1, v9  }
0x222: {  	v40 =	vld [tilespmem:s2+$0x4E70];
	v58 =	vmul.f32 $2.000000030e-01, v15;
	s10 =	sadd.f32 s25, s23;
	v32 =	vmov s1;
	s30 =	spop (v2sf);
	v11 =	vmax.f32 v11, v56  }
0x223: {  	v55 =	vld [tilespmem:s2+$0x2670];
	s4 =	sadd.f32 s15, s29;
	s31 =	spop (v2sf);
	v10 =	vadd.f32 v10, v12;
	v11 =	vmul.f32 v11, v5;
	v0 =	vadd.f32 v1, v0  }
0x224: {  	v51 =	vld [tilespmem:s2+$0x2630];
	v59 =	vmax.f32 v15, v58;
	v17 =	vadd.f32 $0.0e+00, v32;
	s8 =	sadd.f32 s31, s30;
	v12 =	vmax.f32 v61, v62  }
0x225: {  	v30 =	vld [tilespmem:s2+$0x4E30];
	s7 =	sadd.f32 s10, s7;
	v1 =	vadd.f32 v11, v10;
	v10 =	vmul.f32 v59, v6;
	v63 =	vperm.xlane v0, v41  }
0x226: {  	v52 =	vld [tilespmem:s2+$0x2640];
	v36 =	vmul.f32 $1.442695020e+00, v17;
	v11 =	vmax.f32 v21, v60;
	v21 =	vmul.f32 $2.000000030e-01, v13;
	s8 =	sadd.f32 s8, s4  }
0x227: {  	v33 =	vld [tilespmem:s2+$0x4E40];
	v1 =	vadd.f32 v10, v1;
	v10 =	vmul.f32 v11, v7;
	v0 =	vadd.f32 v0, v63  }
0x228: {  	v50 =	vld [tilespmem:s2+$0x2620];
	v19 =	vadd.f32 v40, v55;
	v13 =	vmax.f32 v13, v21;
	s1 =	sadd.f32 s8, s7;
	v21 =	vadd.f32 v39, v54  }
0x229: {  	v11 =	vld [tilespmem:s2+$0x4E20];
	v1 =	vadd.f32 v10, v1;
	v10 =	vmul.f32 v12, v8;
	(v2sf) =	vpush v0, $0x0  }
0x22a: {  	v53 =	vld [tilespmem:s2+$0x2650];
	v37 =	vmov s1;
	v12 =	vadd.f32 v30, v51;
	(v2sf) =	vpush v0, $0x1  }
0x22b: {  	(erf) = vpow2.f32 v31;
	v58 =	vld [tilespmem:s2+$0x26A0];
	v17 =	vadd.f32 $0.0e+00, v37;
	(v2sf) =	vpush v0, $0x2  }
0x22c: {  	v62 =	vld [tilespmem:s2+$0x4EA0];
	v15 =	vbroadcast v36, $0x0;
	v1 =	vadd.f32 v10, v1;
	(v2sf) =	vpush v0, $0x3  }
0x22d: {  	v31 =	vld [tilespmem:s2+$0x4E80];
	v10 =	vmul.f32 v13, v9;
	v13 =	vadd.f32 v33, v52;
	(v2sf) =	vpush v0, $0x4  }
0x22e: {  	v56 =	vld [tilespmem:s2+$0x2680];
	(erf) = vpow2.f32 v15;
	v11 =	vadd.f32 v11, v50;
	(v2sf) =	vpush v0, $0x5  }
0x22f: {  	v36 =	vmul.f32 $2.000000030e-01, v21;
	v1 =	vadd.f32 v10, v1;
	v10 =	vld [tilespmem:s2+$0x4E50];
	(v2sf) =	vpush v0, $0x6  }
0x230: {  	v17 =	vmul.f32 $1.442695020e+00, v17;
	(v2sf) =	vpush v0, $0x7;
	v0 =	vmul.f32 $2.000000030e-01, v11  }
0x231: {  	v40 =	vadd.f32 v62, v58;
	v37 =	vmul.f32 $2.000000030e-01, v19;
	v32 =	vmul.f32 $2.000000030e-01, v13  }
0x232: {  	v30 =	vbroadcast v17, $0x0;
	v0 =	vmax.f32 v11, v0;
	v11 =	vmul.f32 $2.000000030e-01, v12  }
0x233: {  	v57 =	vld [tilespmem:s2+$0x2690];
	v17 =	vadd.f32 v31, v56;
	v38 =	vperm.xlane v1, v41;
	v0 =	vmul.f32 v0, v2  }
0x234: {  	v61 =	vld [tilespmem:s2+$0x26D0];
	(erf) = vpow2.f32 v30;
	v10 =	vadd.f32 v10, v53;
	v11 =	vmax.f32 v12, v11  }
0x235: {  	v59 =	vld [tilespmem:s2+$0x26B0];
	v1 =	vadd.f32 v1, v38;
	v0 =	vadd.f32 $0.0e+00, v0;
	v11 =	vmul.f32 v11, v3  }
0x236: {  	v60 =	vld [tilespmem:s2+$0x26C0];
	v39 =	vmul.f32 $2.000000030e-01, v17;
	v33 =	vmul.f32 $2.000000030e-01, v10;
	v12 =	vmax.f32 v13, v32  }
0x237: {  	(v2sf) =	vpush v1, $0x0;
	v0 =	vadd.f32 v11, v0;
	v11 =	vmul.f32 v12, v4;
	v12 =	vld [tilespmem:s2+$0x4EB0]  }
0x238: {  	v15 =	vld [tilespmem:s2+$0x4E90];
	v38 =	vmax.f32 v19, v37;
	(v2sf) =	vpush v1, $0x1;
	v10 =	vmax.f32 v10, v33  }
0x239: {  	v62 =	vld [tilespmem:s2+$0x26E0];
	(v2sf) =	vpush v1, $0x2;
	v10 =	vmul.f32 v10, v5;
	v0 =	vadd.f32 v11, v0  }
0x23a: {  	v13 =	vmax.f32 v21, v36;
	v36 =	vmul.f32 $2.000000030e-01, v40;
	(v2sf) =	vpush v1, $0x3;
	v11 =	vld [tilespmem:s2+$0x4EC0]  }
0x23b: {  	v30 =	vld [tilespmem:s2+$0x4ED0];
	(v2sf) =	vpush v1, $0x4;
	v0 =	vadd.f32 v10, v0;
	v10 =	vmul.f32 v13, v6  }
0x23c: {  	v63 =	vld [tilespmem:s2+$0x26F0];
	v33 =	vmax.f32 v17, v39;
	(v2sf) =	vpush v1, $0x5;
	v12 =	vadd.f32 v12, v59  }
0x23d: {  	v31 =	vld [tilespmem:s2+$0x4EE0];
	(v2sf) =	vpush v1, $0x6;
	v0 =	vadd.f32 v10, v0;
	v10 =	vmul.f32 v38, v7  }
0x23e: {  	(v2sf) =	vpush v1, $0x7;
	v1 =	vmul.f32 v33, v8;
	v33 =	vld [tilespmem:s2+$0x4F10];
	v37 =	vmul.f32 $2.000000030e-01, v12  }
0x23f: {  	v17 =	vmax.f32 v40, v36;
	v13 =	vld [tilespmem:s2+$0x2700];
	v11 =	vadd.f32 v11, v60;
	v0 =	vadd.f32 v10, v0  }
0x240: {  	v40 =	vadd.f32 v30, v61;
	v38 =	vmul.f32 v17, v2;
	v10 =	vld [tilespmem:s2+$0x4EF0];
	v19 =	vmax.f32 v12, v37  }
0x241: {  	v17 =	vld [tilespmem:s2+$0x4F00];
	v39 =	vmul.f32 $2.000000030e-01, v11;
	v1 =	vadd.f32 v1, v0;
	v0 =	vadd.f32 v15, v57  }
0x242: {  	v36 =	vmul.f32 $2.000000030e-01, v40;
	v12 =	vld [tilespmem:s2+$0x2710];
	v15 =	vadd.f32 $0.0e+00, v38;
	v19 =	vmul.f32 v19, v3  }
0x243: {  	v31 =	vadd.f32 v31, v62;
	v30 =	vmax.f32 v11, v39;
	v11 =	vld [tilespmem:s2+$0x2720];
	v32 =	vmul.f32 $2.000000030e-01, v0  }
0x244: {  	v21 =	vmax.f32 v40, v36;
	v15 =	vadd.f32 v19, v15;
	v19 =	vmul.f32 v30, v4;
	v30 =	vld [tilespmem:s2+$0x4F20]  }
0x245: {  	v40 =	vmul.f32 $2.000000030e-01, v31;
	v37 =	vld [tilespmem:s2+$0x4F30];
	v0 =	vmax.f32 v0, v32;
	v32 =	vadd.f32 v10, v63  }
0x246: {  	v21 =	vmul.f32 v21, v5;
	v10 =	vld [tilespmem:s2+$0x2730];
	v15 =	vadd.f32 v19, v15;
	v19 =	vmul.f32 v0, v9  }
0x247: {  	v31 =	vmax.f32 v31, v40;
	v17 =	vadd.f32 v17, v13;
	v0 =	vld [tilespmem:s2+$0x2740];
	v40 =	vmul.f32 $2.000000030e-01, v32  }
0x248: {  	v15 =	vadd.f32 v21, v15;
	v21 =	vld [tilespmem:s2+$0x4F40];
	v38 =	vadd.f32 v19, v1;
	v19 =	vmul.f32 v31, v6  }
0x249: {  	v36 =	vld [tilespmem:s2+$0x4F50];
	v30 =	vadd.f32 v30, v11;
	v39 =	vmax.f32 v32, v40;
	v40 =	vmul.f32 $2.000000030e-01, v17  }
0x24a: {  	v33 =	vadd.f32 v33, v12;
	v1 =	vld [tilespmem:s2+$0x2750];
	v19 =	vadd.f32 v19, v15;
	v31 =	vmul.f32 v39, v7  }
0x24b: {  	v32 =	vadd.f32 v37, v10;
	v37 =	vmul.f32 $2.000000030e-01, v30;
	v15 =	vld [tilespmem:s2+$0x2760];
	v17 =	vmax.f32 v17, v40  }
0x24c: {  	v39 =	vmul.f32 $2.000000030e-01, v33;
	v40 =	vld [tilespmem:s2+$0x4F60];
	v19 =	vadd.f32 v31, v19;
	v31 =	vmul.f32 v17, v8  }
0x24d: {  	v30 =	vmax.f32 v30, v37;
	v21 =	vadd.f32 v21, v0;
	v37 =	vmul.f32 $2.000000030e-01, v32;
	v17 =	vld [tilespmem:s2+$0x2770]  }
0x24e: {  	v30 =	vmul.f32 v30, v2;
	v31 =	vadd.f32 v31, v19;
	v19 =	vmax.f32 v33, v39;
	v33 =	vld [tilespmem:s2+$0x4F70]  }
0x24f: {  	v36 =	vadd.f32 v36, v1;
	v32 =	vmax.f32 v32, v37;
	v37 =	vmul.f32 $2.000000030e-01, v21  }
0x250: {  	v39 =	vmul.f32 v19, v9;
	v30 =	vadd.f32 $0.0e+00, v30;
	v32 =	vmul.f32 v32, v3  }
0x251: {  	v21 =	vmax.f32 v21, v37;
	v37 =	vadd.f32 v40, v15;
	v40 =	vmul.f32 $2.000000030e-01, v36  }
0x252: {  	v19 =	vld [tilespmem:s2+$0x2780];
	v31 =	vadd.f32 v39, v31;
	v30 =	vadd.f32 v32, v30;
	v21 =	vmul.f32 v21, v4  }
0x253: {  	v32 =	vld [tilespmem:s2+$0x4F80];
	v36 =	vmax.f32 v36, v40;
	v39 =	vmul.f32 $2.000000030e-01, v37;
	v33 =	vadd.f32 v33, v17  }
0x254: {  	v21 =	vadd.f32 v21, v30;
	v30 =	vmul.f32 v36, v5  }
0x255: {  	v36 =	vperm.xlane v38, v41;
	v37 =	vmax.f32 v37, v39;
	v40 =	vmul.f32 $2.000000030e-01, v33  }
0x256: {  	v30 =	vadd.f32 v30, v21;
	v37 =	vmul.f32 v37, v6  }
0x257: {  	s9 =	spop (v2sf);
	v39 =	vperm.xlane v31, v41;
	v36 =	vadd.f32 v38, v36;
	v21 =	vld [tilespmem:s2+$0x2790];
	v33 =	vmax.f32 v33, v40  }
0x258: {  	s12 =	spop (v2sf);
	v38 =	vld [tilespmem:s2+$0x4F90];
	v32 =	vadd.f32 v32, v19;
	v30 =	vadd.f32 v37, v30;
	v33 =	vmul.f32 v33, v7  }
0x259: {  	s10 =	smul.u32 $0x240, s14;
	s15 =	spop (v2sf);
	v31 =	vadd.f32 v31, v39;
	v40 =	vld [tilespmem:$0x1FDC0]  }
0x25a: {  	s16 =	spop (v2sf);
	(v2sf) =	vpush v36, $0x0;
	v39 =	vmul.f32 $2.000000030e-01, v32;
	v37 =	vpop (erf);
	v30 =	vadd.f32 v33, v30;
	v33 =	vld [tilespmem:$0x1FDD0]  }
0x25b: {  	s17 =	sadd.s32 $0x5A00, s10;
	s18 =	spop (v2sf);
	(v2sf) =	vpush v36, $0x1;
	v25 =	vmul.f32 v37, v25  }
0x25c: {  	s8 =	sshra.s32 s17, $0x2;
	s21 =	spop (v2sf);
	(v2sf) =	vpush v36, $0x2;
	v39 =	vmax.f32 v32, v39  }
0x25d: {  	v27 =	vmul.f32 v37, v27;
	(v2sf) =	vpush v36, $0x3;
	[tilespmem:s8+$0x5FA0] =	vst v25;
	v25 =	vmul.f32 v39, v8;
	v39 =	vld [tilespmem:$0x1FDF0]  }
0x25e: {  	s22 =	spop (v2sf);
	(v2sf) =	vpush v36, $0x4;
	v32 =	vmul.f32 v37, v40;
	v40 =	vld [tilespmem:$0x1FE00]  }
0x25f: {  	s23 =	spop (v2sf);
	[tilespmem:s8+$0x5FB0] =	vst v27;
	(v2sf) =	vpush v36, $0x5;
	v27 =	vmul.f32 v37, v33;
	v33 =	vadd.f32 v38, v21;
	v38 =	vld [tilespmem:$0x1FDE0]  }
0x260: {  	s1 =	sadd.f32 s12, s9;
	(v2sf) =	vpush v36, $0x6  }
0x261: {  	s12 =	sadd.f32 s21, s18;
	s25 =	spop (v2sf);
	(v2sf) =	vpush v36, $0x7;
	v36 =	vld [tilespmem:$0x1FE10]  }
0x262: {  	s4 =	sadd.f32 s23, s22  }
0x263: {  	s29 =	spop (v2sf);
	s2 =	sadd.f32 s16, s15;
	v25 =	vadd.f32 v25, v30;
	[tilespmem:s8+$0x5FD0] =	vst v27;
	v27 =	vmul.f32 v37, v39;
	v30 =	vmul.f32 v37, v40;
	v39 =	vld [tilespmem:$0x1FE20]  }
0x264: {  	s4 =	sadd.f32 s4, s12;
	s30 =	spop (v2sf);
	[tilespmem:s8+$0x5FC0] =	vst v32;
	v40 =	vld [tilespmem:$0x1FE30];
	v32 =	vmul.f32 v37, v38;
	v38 =	vmul.f32 $2.000000030e-01, v33  }
0x265: {  	s31 =	spop (v2sf);
	s1 =	sadd.f32 s2, s1  }
0x266: {  	s16 =	spop (v2sf);
	[tilespmem:s8+$0x5FF0] =	vst v27;
	v27 =	vmul.f32 v37, v36;
	v38 =	vmax.f32 v33, v38  }
0x267: {  	s18 =	spop (v2sf);
	s1 =	sadd.f32 s4, s1;
	[tilespmem:s8+$0x5FE0] =	vst v32;
	v33 =	vpop (erf);
	v32 =	vmul.f32 v38, v9;
	v38 =	vld [tilespmem:$0x1FE40]  }
0x268: {  	s2 =	sadd.f32 s29, s25;
	s21 =	spop (v2sf);
	(v2sf) =	vpush v31, $0x0;
	[tilespmem:s8+$0x6010] =	vst v27;
	v27 =	vmul.f32 v33, v39;
	v39 =	vld [tilespmem:$0x1FE50]  }
0x269: {  	s22 =	spop (v2sf);
	s4 =	sadd.f32 s31, s30;
	[tilespmem:s8+$0x6000] =	vst v30;
	v30 =	vnsel vm0, $0x0, v37;
	v37 =	vmov s1;
	v36 =	vmul.f32 v33, v40;
	v40 =	vld [tilespmem:$0x1FE60]  }
0x26a: {  	s7 =	sadd.f32 s22, s21;
	(v2sf) =	vpush v31, $0x1;
	[tilespmem:s8+$0x6020] =	vst v30;
	v30 =	vadd.f32 $0.0e+00, v37;
	v37 =	vld [tilespmem:$0x1FE80]  }
0x26b: {  	s9 =	sadd.s32 $0x5C40, s10;
	(v2sf) =	vpush v31, $0x2;
	s1 =	sadd.f32 s18, s16  }
0x26c: {  	s17 =	sshra.s32 s9, $0x2;
	s2 =	sadd.f32 s4, s2;
	(v2sf) =	vpush v31, $0x3  }
0x26d: {  	s1 =	sadd.f32 s7, s1;
	v25 =	vadd.f32 v32, v25;
	[tilespmem:s17+$0x5FA0] =	vst v27;
	v27 =	vmul.f32 v33, v38;
	v32 =	vmul.f32 v33, v39  }
0x26e: {  	(v2sf) =	vpush v31, $0x4;
	[tilespmem:s17+$0x5FB0] =	vst v36;
	v36 =	vmul.f32 v33, v40;
	v38 =	vmul.f32 $1.442695020e+00, v30;
	v40 =	vld [tilespmem:$0x1FE70]  }
0x26f: {  	(v2sf) =	vpush v31, $0x5;
	s1 =	sadd.f32 s1, s2;
	v39 =	vperm.xlane v25, v41;
	v30 =	vmul.f32 v33, v37  }
0x270: {  	(v2sf) =	vpush v31, $0x6;
	s23 =	spop (v2sf);
	[tilespmem:s17+$0x5FC0] =	vst v27;
	v27 =	vbroadcast v38, $0x0;
	v38 =	vld [tilespmem:$0x1FE90]  }
0x271: {  	(v2sf) =	vpush v31, $0x7;
	s25 =	spop (v2sf);
	[tilespmem:s17+$0x5FE0] =	vst v36;
	v25 =	vadd.f32 v25, v39;
	v36 =	vmov s1  }
0x272: {  	s29 =	spop (v2sf);
	[tilespmem:s17+$0x5FD0] =	vst v32;
	v39 =	vnsel vm0, $0x0, v33;
	v32 =	vadd.f32 $0.0e+00, v36  }
0x273: {  	s30 =	spop (v2sf);
	[tilespmem:s17+$0x6000] =	vst v30;
	v30 =	vpop (erf);
	(erf) = vpow2.f32 v27;
	(v2sf) =	vpush v25, $0x0;
	v31 =	vmul.f32 v33, v40;
	v40 =	vld [tilespmem:$0x1FEA0]  }
0x274: {  	s31 =	sadd.s32 $0x5E80, s10;
	s9 =	spop (v2sf);
	[tilespmem:s17+$0x6020] =	vst v39;
	(v2sf) =	vpush v25, $0x1;
	v28 =	vmul.f32 v30, v28;
	v39 =	vmul.f32 $1.442695020e+00, v32  }
0x275: {  	s15 =	sshra.s32 s31, $0x2;
	s18 =	spop (v2sf);
	v32 =	vmul.f32 v30, v26;
	(v2sf) =	vpush v25, $0x2;
	[tilespmem:s17+$0x5FF0] =	vst v31;
	v31 =	vmul.f32 v33, v38;
	v33 =	vld [tilespmem:$0x1FEB0]  }
0x276: {  	s4 =	sadd.f32 s25, s23;
	v37 =	vld [tilespmem:$0x1FEC0];
	s21 =	spop (v2sf);
	(v2sf) =	vpush v25, $0x3;
	[tilespmem:s15+$0x5FE0] =	vst v28  }
0x277: {  	s2 =	sadd.f32 s30, s29;
	s22 =	spop (v2sf);
	v24 =	vmul.f32 v30, v24;
	[tilespmem:s15+$0x6000] =	vst v32;
	(v2sf) =	vpush v25, $0x4  }
0x278: {  	s1 =	sadd.f32 s18, s9;
	[tilespmem:s17+$0x6010] =	vst v31;
	(v2sf) =	vpush v25, $0x5;
	v31 =	vmul.f32 v30, v40  }
0x279: {  	s7 =	sadd.f32 s22, s21;
	s23 =	spop (v2sf);
	v38 =	vld [tilespmem:$0x1FED0];
	[tilespmem:s15+$0x6010] =	vst v24;
	v40 =	vmul.f32 v30, v29;
	(v2sf) =	vpush v25, $0x6  }
0x27a: {  	s2 =	sadd.f32 s2, s4;
	s25 =	spop (v2sf);
	(v2sf) =	vpush v25, $0x7;
	v27 =	vmul.f32 v30, v33;
	[tilespmem:s15+$0x5FA0] =	vst v31  }
0x27b: {  	s1 =	sadd.f32 s7, s1;
	s29 =	spop (v2sf);
	v31 =	vmul.f32 v30, v37;
	v33 =	vbroadcast v39, $0x0;
	[tilespmem:s15+$0x5FF0] =	vst v40;
	v37 =	vnsel vm0, $0x0, v30  }
0x27c: {  	s30 =	spop (v2sf);
	[tilespmem:s15+$0x6020] =	vst v37  }
0x27d: {  	s9 =	sadd.s32 $0x60C0, s10;
	s1 =	sadd.f32 s1, s2;
	s31 =	spop (v2sf);
	v36 =	vpop (erf);
	[tilespmem:s15+$0x5FB0] =	vst v27;
	(erf) = vpow2.f32 v33  }
0x27e: {  	s8 =	sshra.s32 s9, $0x2;
	s16 =	sadd.f32 s25, s23;
	s17 =	spop (v2sf);
	v27 =	vmul.f32 v30, v38;
	[tilespmem:s15+$0x5FC0] =	vst v31;
	v32 =	vnsel vm0, $0x0, v36  }
0x27f: {  	s7 =	sadd.f32 s30, s29;
	s18 =	spop (v2sf);
	v40 =	vmov s1;
	v38 =	vmul.f32 v36, v34;
	[tilespmem:s8+$0x6020] =	vst v32  }
0x280: {  	s2 =	sadd.f32 s17, s31;
	s21 =	spop (v2sf);
	v28 =	vadd.f32 $0.0e+00, v40;
	v39 =	vmul.f32 v36, v35;
	[tilespmem:s15+$0x5FD0] =	vst v27  }
0x281: {  	s4 =	sadd.f32 s21, s18;
	v22 =	vmul.f32 v36, v22;
	[tilespmem:s8+$0x5FA0] =	vst v38  }
0x282: {  	s1 =	sadd.f32 s7, s16;
	v23 =	vmul.f32 v36, v23;
	v29 =	vmul.f32 $1.442695020e+00, v28;
	[tilespmem:s8+$0x5FB0] =	vst v39  }
0x283: {  	v20 =	vmul.f32 v36, v20;
	s2 =	sadd.f32 s4, s2;
	[tilespmem:s8+$0x5FC0] =	vst v22;
	s22 =	spop (v2sf)  }
0x284: {  	v18 =	vmul.f32 v36, v18;
	[tilespmem:s8+$0x5FD0] =	vst v23;
	v30 =	vbroadcast v29, $0x0;
	s23 =	spop (v2sf)  }
0x285: {  	v16 =	vmul.f32 v36, v16;
	[tilespmem:s8+$0x5FE0] =	vst v20;
	s1 =	sadd.f32 s2, s1;
	s25 =	spop (v2sf)  }
0x286: {  	v14 =	vmul.f32 v36, v14;
	[tilespmem:s8+$0x5FF0] =	vst v18;
	s29 =	spop (v2sf);
	v31 =	vpop (erf);
	(erf) = vpow2.f32 v30  }
0x287: {  	s31 =	sadd.s32 $0x6300, s10;
	[tilespmem:s8+$0x6000] =	vst v16;
	v35 =	vmov s1;
	s30 =	spop (v2sf)  }
0x288: {  	s16 =	sshra.s32 s31, $0x2;
	[tilespmem:s8+$0x6010] =	vst v14;
	s18 =	sadd.f32 s23, s22;
	v33 =	vmul.f32 v31, v42;
	s9 =	spop (v2sf);
	v36 =	vmul.f32 v31, v44;
	v44 =	vnsel vm0, $0x0, v31  }
0x289: {  	v20 =	vadd.f32 $0.0e+00, v35;
	s4 =	sadd.f32 s29, s25;
	v34 =	vmul.f32 v31, v43;
	s21 =	spop (v2sf);
	[tilespmem:s16+$0x6020] =	vst v44  }
0x28a: {  	s2 =	sadd.f32 s9, s30;
	[tilespmem:s16+$0x5FA0] =	vst v33;
	s22 =	spop (v2sf)  }
0x28b: {  	v20 =	vmul.f32 $1.442695020e+00, v20;
	v37 =	vmul.f32 v31, v45;
	[tilespmem:s16+$0x5FB0] =	vst v34;
	s7 =	sadd.f32 s22, s21  }
0x28c: {  	v38 =	vmul.f32 v31, v46;
	s1 =	sadd.f32 s4, s18;
	[tilespmem:s16+$0x5FC0] =	vst v36  }
0x28d: {  	v20 =	vbroadcast v20, $0x0;
	v39 =	vmul.f32 v31, v47;
	[tilespmem:s16+$0x5FD0] =	vst v37;
	s2 =	sadd.f32 s7, s2  }
0x28e: {  	v40 =	vmul.f32 v31, v48;
	[tilespmem:s16+$0x5FE0] =	vst v38  }
0x28f: {  	v42 =	vmul.f32 v31, v49;
	[tilespmem:s16+$0x5FF0] =	vst v39;
	s1 =	sadd.f32 s2, s1;
	v43 =	vpop (erf);
	(erf) = vpow2.f32 v20  }
0x290: {  	s23 =	sadd.s32 $0x6540, s10;
	[tilespmem:s16+$0x6000] =	vst v40;
	v45 =	vmul.f32 v43, v50;
	v46 =	vmul.f32 v43, v51  }
0x291: {  	[tilespmem:s16+$0x6010] =	vst v42;
	s2 =	sshra.s32 s23, $0x2;
	v47 =	vmov s1;
	v51 =	vmul.f32 v43, v55;
	v55 =	vnsel vm0, $0x0, v43  }
0x292: {  	v20 =	vadd.f32 $0.0e+00, v47;
	[tilespmem:s2+$0x6020] =	vst v55  }
0x293: {  	v48 =	vmul.f32 v43, v52;
	[tilespmem:s2+$0x5FA0] =	vst v45  }
0x294: {  	v49 =	vmul.f32 v43, v53;
	[tilespmem:s2+$0x5FB0] =	vst v46;
	v20 =	vmul.f32 $1.442695020e+00, v20  }
0x295: {  	v50 =	vmul.f32 v43, v54;
	[tilespmem:s2+$0x5FC0] =	vst v48  }
0x296: {  	[tilespmem:s2+$0x5FD0] =	vst v49;
	v20 =	vbroadcast v20, $0x0  }
0x297: {  	v52 =	vmul.f32 v43, v56;
	[tilespmem:s2+$0x5FE0] =	vst v50  }
0x298: {  	v53 =	vmul.f32 v43, v57;
	[tilespmem:s2+$0x5FF0] =	vst v51;
	v54 =	vpop (erf);
	(erf) = vpow2.f32 v20  }
0x299: {  	s25 =	sadd.s32 $0x6780, s10;
	[tilespmem:s2+$0x6000] =	vst v52;
	v56 =	vmul.f32 v54, v58;
	v57 =	vmul.f32 v54, v59  }
0x29a: {  	s1 =	sshra.s32 s25, $0x2;
	[tilespmem:s2+$0x6010] =	vst v53;
	v59 =	vmul.f32 v54, v61;
	v61 =	vmul.f32 v54, v63;
	v63 =	vnsel vm0, $0x0, v54  }
0x29b: {  	[tilespmem:s1+$0x6020] =	vst v63  }
0x29c: {  	v58 =	vmul.f32 v54, v60;
	[tilespmem:s1+$0x5FA0] =	vst v56  }
0x29d: {  	[tilespmem:s1+$0x5FB0] =	vst v57  }
0x29e: {  	v60 =	vmul.f32 v54, v62;
	[tilespmem:s1+$0x5FC0] =	vst v58  }
0x29f: {  	[tilespmem:s1+$0x5FD0] =	vst v59  }
0x2a0: {  	v13 =	vmul.f32 v54, v13;
	[tilespmem:s1+$0x5FE0] =	vst v60  }
0x2a1: {  	v12 =	vmul.f32 v54, v12;
	[tilespmem:s1+$0x5FF0] =	vst v61;
	v62 =	vpop (erf)  }
0x2a2: {  	s29 =	sadd.s32 $0x69C0, s10;
	[tilespmem:s1+$0x6000] =	vst v13;
	v11 =	vmul.f32 v62, v11  }
0x2a3: {  	s30 =	sshra.s32 s29, $0x2;
	[tilespmem:s1+$0x6010] =	vst v12;
	v10 =	vmul.f32 v62, v10  }
0x2a4: {  	v0 =	vmul.f32 v62, v0;
	[tilespmem:s30+$0x5FA0] =	vst v11  }
0x2a5: {  	v1 =	vmul.f32 v62, v1;
	[tilespmem:s30+$0x5FB0] =	vst v10  }
0x2a6: {  	[tilespmem:s30+$0x5FC0] =	vst v0;
	v0 =	vmul.f32 v62, v15  }
0x2a7: {  	p0 =	slt.u32 s14, $0x20;
	[tilespmem:s30+$0x5FD0] =	vst v1;
	v1 =	vmul.f32 v62, v17  }
.Ltmp6:
0x2a8: {  	[tilespmem:s30+$0x5FE0] =	vst v0;
	v0 =	vmul.f32 v62, v19;
	(pc) =	sbr.rel @p0 .LBB2_13-.Ltmp6, $4  }
0x2a9: {  	[tilespmem:s30+$0x5FF0] =	vst v1;
	v1 =	vmul.f32 v62, v21  }
0x2aa: {  	[tilespmem:s30+$0x6000] =	vst v0  }
0x2ab: {  	s31 =	sadd.s32 $0x8, s14;
	[tilespmem:s30+$0x6010] =	vst v1;
	v0 =	vnsel vm0, $0x0, v62  }
0x2ac: {  	s14 =	smov.u32 s31;
	[tilespmem:s30+$0x6020] =	vst v0  }
0x2ad: {  	s11 =	sadd.s32 $0x1, s11  }
0x2ae: {  	p0 =	sne.s32 s11, $0x7D  }
.Ltmp7:
0x2af: {  	_ = 	snop;
	(pc) =	sbr.rel @p0 .LBB2_4-.Ltmp7, $3  }
0x2b0: {  	_ =	sdelay $0x1  }
0x2b1: {  	s1 =	simm.s32 $0x7620  }
0x2b2: {  	v1 =	vimm.f32 $0.0e+00;
	[spmem:s20] =	stream.indirect.scatter.add.f32 [tilespmem:s1], [sflag:$0x6], $0x90, s13, s26, $0xb8;
	[tilespmem:$0x1F520] =	vst v63  }
0x2b3: {  	s1 =	simm.s32 $0x5  }
0x2b4: {  	_ =	swait.ge [sflag:s1], $0x1680  }
0x2b5: {  	[sflag:s1] =	ssyncset.done $0x0  }
0x2b6: {  	s25 =	simm.s32 $0x6;
	[sflag:s1] =	ssyncadd.s32 $0xFFFFE980  }
0x2b7: {  	_ =	swait.ge [sflag:s25], $0x1680  }
0x2b8: {  	[sflag:s25] =	ssyncset.done $0x0  }
0x2b9: {  	[sflag:s25] =	ssyncadd.s32 $0xFFFFE980  }
0x2ba: {  	s29 =	stileid.u32;
	[bflag:$0x0] =	sbarrier.arrive $0xFFFF  }
0x2bb: {  	s1 =	sshll.u32 s29, $0x6;
	s4 =	rddreg [dreg:$0xa]  }
0x2bc: {  	s1 =	sor.u32 $0x1C08, s1;
	s7 =	rddreg [dreg:$0x12];
	s2 =	sshrl.u32 s4, $0x3  }
0x2bd: {  	[hbm:s7], [sflag:s1] =	dma.local [spmem:s2], $0x2D00  }
0x2be: {  	s7 =	simm.s32 $0x8  }
0x2bf: {  	_ =	swait.ge [sflag:s7], $0x2D00  }
0x2c0: {  	s30 =	rddreg [dreg:$0x14]  }
0x2c1: {  	s31 =	rddreg [dreg:$0x13];
	s2 =	sadd.s32 $0x1, s30  }
0x2c2: {  	p0 =	sne.s32 s2, s31  }
.Ltmp8:
0x2c3: {  	_ = 	snop;
	(pc) =	sbr.rel @p0 .LBB2_1-.Ltmp8, $3  }
0x2c4: {  	_ =	sdelay $0x1  }
0x2c5: {  	[sflag:s7] =	ssyncset.done $0x0  }
0x2c6: {  	s8 =	simm.s32 $0x7D0;
	[sflag:s7] =	ssyncadd.s32 $0xFFFFD300  }
0x2c7: {  	_ =	sfence.sel $0x180000  }
0x2c8: {  	[bflag:$0x0] =	sbarrier.arrive $0xFFFF  }
0x2c9: {  	_ =	strace $0x9000004A  }
0x2ca: {  	s0 =	stileid.u32;
	[bflag:$0x2] =	sbarrier.arrive $0xFFFF  }
0x2cb: {  	p0 =	sne.s32 s0, $0x0;
	s0 =	rddreg [dreg:$0x4]  }
0x2cc: {  	s0 =	sadd.s32 @!p0 $0x100000, s0  }
0x2cd: {  	[sflag:s0] =	ssyncadd.tile.s32 @!p0 $0x1;
	_ =	shalt  }
.Lfunc_end2:
_tile_overlayer_lowered:
.L_overlay_start_2:
0x2ce: {  	(tag) =	ssettag $0x2  }
0x2cf: {  	s0 =	rddreg [dreg:$0x0];
	s2 =	stileid.u32  }
0x2d0: {  	s1 =	rddreg [dreg:$0x1];
	p0 =	sne.s32 s2, $0x0  }
0x2d1: {  	s3 =	rddreg [dreg:$0x2];
	[bflag:$0x3] =	sbarrier.arrive $0xFFFF;
	s2 =	simm.s32 @!p0 $0x1C08  }
0x2d2: {  	[timem:s3], [sflag:s2] =	dma.local @!p0 [hbm:s0], s1  }
0x2d3: {  	s0 =	simm.s32 @!p0 $0x8  }
0x2d4: {  	_ =	swait.ge @!p0 [sflag:s0], s1  }
0x2d5: {  	s1 =	ssub.s32 @!p0 $0x0, s1;
	[sflag:s0] =	ssyncset.done @!p0 $0x0  }
0x2d6: {  	[sflag:s0] =	ssyncadd.s32 @!p0 s1  }
0x2d7: {  	[bflag:$0x3] =	sbarrier.arrive $0xFFFF  }
0x2d8: {  	_ =	shalt  }

// kernel: kernel.7.cloned.1.call-start
scs
__scs_entry_jumppad:
0x0: {  	(pc) =	sbr.rel $0x88, $3  }
0x1: {  	(tag) =	ssettag $0x0;
	lr =	simm.s32 $0x1  }
0x2: {  	[smem:$0x3F93] =	sst lr;
	_ =	strace $0xD0000000  }
0x3: {  	_ = 	snop  }
0x4: {  	_ = 	snop  }
0x5: {  	_ = 	snop  }
0x6: {  	_ = 	snop  }
0x7: {  	_ = 	snop  }
__scs_overlays_trampoline_lowered:
0x8: {  	[smem:$0x3FA2] =	sst s0  }
0x9: {  	[smem:$0x3FA3] =	sst s1  }
0xa: {  	[smem:$0x3FA4] =	sst s2  }
0xb: {  	[smem:$0x3FA5] =	sst s3  }
0xc: {  	[smem:$0x3FA6] =	sst s4  }
0xd: {  	[smem:$0x3FA7] =	sst s5  }
0xe: {  	[smem:$0x3FA8] =	sst s6  }
0xf: {  	[smem:$0x3FA9] =	sst s7  }
0x10: {  	[smem:$0x3FAA] =	sst s8  }
0x11: {  	[smem:$0x3FAB] =	sst s9;
	s0 =	simm.s32 @!p0 $0x0  }
0x12: {  	s1 =	sld [smem:$0x3F91];
	s0 =	simm.s32 @p0 $0x1  }
0x13: {  	[smem:$0x3FAC] =	sst s0;
	s0 =	simm.s32 @!p1 $0x0  }
0x14: {  	s2 =	sld [smem:$0x3F90];
	s0 =	simm.s32 @p1 $0x1  }
0x15: {  	[smem:$0x3FAD] =	sst s0;
	s0 =	simm.s32 @!p2 $0x0  }
0x16: {  	s3 =	sld [smem:$0x3FDB];
	s0 =	simm.s32 @p2 $0x1  }
0x17: {  	s4 =	simm.s32 $0x1BF5;
	[smem:$0x3FAF] =	sst s0  }
0x18: {  	s0 =	sld [smem:$0x3F92];
	_ =	swait.ge [sflag:s4], $0x0  }
0x19: {  	s7 =	sld [smem:$0x3F93]  }
0x1a: {  	s8 =	sadd.s32 $0xFFFFE003, lr  }
0x1b: {  	s9 =	sadd.s32 $0xFFFFFEF7, lr;
	s5 =	simm.s32 $0xFFFFFFFF;
	p2 =	slt.u32 s8, $0xFFFFF086  }
0x1c: {  	p1 =	slt.u32 s9, $0xF7A;
	s5 =	simm.s32 @!p2 $0x0  }
0x1d: {  	s5 =	simm.s32 @p1 $0x1;
	p0 =	seq.s32 s7, s2  }
0x1e: {  	s7 =	smul.u32 @!p0 $0xF7A, s2;
	p2 =	seq.s32 @!p0 s5, $0x0  }
0x1f: {  	s9 =	smul.u32 $0xF7A, s1;
	s8 =	simm.s32 @!p0 $0x1BF5;
	p2 =	por !p2, p0  }
0x20: {  	[sflag:s8] =	ssyncset.s32 @!p0 $0xFFFFF086;
	s6 =	sadd.s32 @!p0 s3, s7;
	s7 =	simm.s32 @!p0 $0x108  }
0x21: {  	s3 =	sadd.s32 s3, s9;
	s6 =	sadd.s32 @!p0 $0x88, s6;
	s7 =	simm.s32 @p2 $0x1082  }
0x22: {  	[simem:s7], [sflag:s8] =	dma.local @!p0 [hbm:s6], $0xF7A  }
0x23: {  	s9 =	sor.u32 $0xD0000000, s2;
	s6 =	simm.s32 $0x108;
	_ =	swait.ge @!p0 [sflag:s8], $0x0  }
0x24: {  	s3 =	sadd.s32 $0x88, s3;
	s6 =	simm.s32 @!p1 $0x1082;
	[sflag:s4] =	ssyncset.s32 $0xFFFFF086  }
0x25: {  	[simem:s6], [sflag:s4] =	dma.local [hbm:s3], $0xF7A  }
0x26: {  	[smem:$0x3F93] =	sst s1;
	(tag) =	ssettag s2;
	_ =	strace s9  }
0x27: {  	s1 =	sld [smem:$0x3FA3]  }
0x28: {  	s2 =	sld [smem:$0x3FA4]  }
0x29: {  	s4 =	sld [smem:$0x3FA6]  }
0x2a: {  	p0 =	seq.s32 s5, $0x0;
	s5 =	sld [smem:$0x3FA7]  }
0x2b: {  	s6 =	sld [smem:$0x3FA8]  }
0x2c: {  	s7 =	sld [smem:$0x3FA9]  }
0x2d: {  	s3 =	simm.s32 $0x108;
	s8 =	sld [smem:$0x3FAA]  }
0x2e: {  	s3 =	simm.s32 @!p0 $0x1082;
	s9 =	sld [smem:$0x3FAB]  }
0x2f: {  	lr =	sadd.s32 s0, s3;
	s0 =	sld [smem:$0x3FA2]  }
0x30: {  	s3 =	sld [smem:$0x3FA5]  }
0x31: {  	[smem:$0x3FAE] =	sst s10  }
0x32: {  	s10 =	sld [smem:$0x3FAC];
	_ =	sdelay $0x3  }
0x33: {  	p0 =	seq.s32 s10, $0x1;
	s10 =	sld [smem:$0x3FAE];
	_ =	sdelay $0x3  }
0x34: {  	[smem:$0x3FAE] =	sst s10  }
0x35: {  	s10 =	sld [smem:$0x3FAD];
	_ =	sdelay $0x3  }
0x36: {  	p1 =	seq.s32 s10, $0x1;
	s10 =	sld [smem:$0x3FAE];
	_ =	sdelay $0x3  }
0x37: {  	[smem:$0x3FAE] =	sst s10  }
0x38: {  	s10 =	sld [smem:$0x3FAF]  }
0x39: {  	_ = 	snop;
	(pc) =	sbr.ind lr, $3  }
0x3a: {  	_ = 	snop  }
0x3b: {  	_ = 	snop  }
0x3c: {  	p2 =	seq.s32 s10, $0x1;
	s10 =	sld [smem:$0x3FAE]  }
0x3d: {  	_ =	shalt  }
0x3e: {  	_ =	shalt  }
0x3f: {  	_ =	shalt  }
0x40: {  	_ =	shalt  }
0x41: {  	_ =	shalt  }
0x42: {  	_ =	shalt  }
0x43: {  	_ =	shalt  }
0x44: {  	_ =	shalt  }
0x45: {  	_ =	shalt  }
0x46: {  	_ =	shalt  }
0x47: {  	_ =	shalt  }
0x48: {  	_ =	shalt  }
0x49: {  	_ =	shalt  }
0x4a: {  	_ =	shalt  }
0x4b: {  	_ =	shalt  }
0x4c: {  	_ =	shalt  }
0x4d: {  	_ =	shalt  }
0x4e: {  	_ =	shalt  }
0x4f: {  	_ =	shalt  }
0x50: {  	_ =	shalt  }
0x51: {  	_ =	shalt  }
0x52: {  	_ =	shalt  }
0x53: {  	_ =	shalt  }
0x54: {  	_ =	shalt  }
0x55: {  	_ =	shalt  }
0x56: {  	_ =	shalt  }
0x57: {  	_ =	shalt  }
0x58: {  	_ =	shalt  }
0x59: {  	_ =	shalt  }
0x5a: {  	_ =	shalt  }
0x5b: {  	_ =	shalt  }
0x5c: {  	_ =	shalt  }
0x5d: {  	_ =	shalt  }
0x5e: {  	_ =	shalt  }
0x5f: {  	_ =	shalt  }
0x60: {  	_ =	shalt  }
0x61: {  	_ =	shalt  }
0x62: {  	_ =	shalt  }
0x63: {  	_ =	shalt  }
0x64: {  	_ =	shalt  }
0x65: {  	_ =	shalt  }
0x66: {  	_ =	shalt  }
0x67: {  	_ =	shalt  }
0x68: {  	_ =	shalt  }
0x69: {  	_ =	shalt  }
0x6a: {  	_ =	shalt  }
0x6b: {  	_ =	shalt  }
0x6c: {  	_ =	shalt  }
0x6d: {  	_ =	shalt  }
0x6e: {  	_ =	shalt  }
0x6f: {  	_ =	shalt  }
0x70: {  	_ =	shalt  }
0x71: {  	_ =	shalt  }
0x72: {  	_ =	shalt  }
0x73: {  	_ =	shalt  }
0x74: {  	_ =	shalt  }
0x75: {  	_ =	shalt  }
0x76: {  	_ =	shalt  }
0x77: {  	_ =	shalt  }
0x78: {  	_ =	shalt  }
0x79: {  	_ =	shalt  }
0x7a: {  	_ =	shalt  }
0x7b: {  	_ =	shalt  }
0x7c: {  	_ =	shalt  }
0x7d: {  	_ =	shalt  }
0x7e: {  	_ =	shalt  }
0x7f: {  	_ =	shalt  }
0x80: {  	_ =	shalt  }
0x81: {  	_ =	shalt  }
0x82: {  	_ =	shalt  }
0x83: {  	_ =	shalt  }
0x84: {  	_ =	shalt  }
0x85: {  	_ =	shalt  }
0x86: {  	_ =	shalt  }
0x87: {  	_ =	shalt  }
.Lfunc_end0:
.L_simem_size_0:
called_computation_lowered:
.L_overlay_start_0:
0x88: {  	s2 =	sld [smem:$0x3FD9]  }
0x89: {  	s3 =	sld [smem:$0x3FFE];
	_ =	sdelay $0x1  }
0x8a: {  	s1 =	srdreg.scid  }
0x8b: {  	s0 =	sand.u32 $0x1, s1  }
0x8c: {  	s17 =	sshll.u32 s0, $0xA;
	s2 =	sadd.s32 s3, s2  }
0x8d: {  	s2 =	sadd.s32 s2, s17  }
0x8e: {  	[smem:$0x3FBA] =	sst s2  }
0x8f: {  	_ = 	snop  }
0x90: {  	s2 =	sld [smem:$0x3FC3]  }
0x91: {  	s18 =	sld [smem:$0x3FD0];
	(tm) =	ssettm $0x1  }
0x92: {  	s4 =	sld [smem:$0x3FFB];
	_ =	sdelay $0x3  }
0x93: {  	_ =	strace s4  }
0x94: {  	s4 =	sld [smem:$0x3FFC];
	_ =	sdelay $0x3  }
0x95: {  	_ =	strace s4  }
0x96: {  	s4 =	sld [smem:$0x3FFD];
	_ =	sdelay $0x3  }
0x97: {  	_ =	strace s4  }
0x98: {  	_ =	strace $0x8FFFFFFF  }
0x99: {  	s19 =	sld [smem:$0x3FDB];
	_ =	sdelay $0x1  }
0x9a: {  	s5 =	simm.s32 $_scs_section_size  }
0x9b: {  	s6 =	simm.s32 $_size__tile_overlayer_lowered;
	s7 =	simm.s32 $_tile_overlayer_lowered  }
0x9c: {  	s22 =	simm.s32 $0x1BFF;
	s21 =	sshll.u32 s7, $0x1;
	s4 =	sadd.s32 s5, s19  }
0x9d: {  	s8 =	simm.s32 $0x0;
	s20 =	sshll.u32 s6, $0x1;
	s6 =	sadd.s32 s21, s4  }
0x9e: {  	[timem:s8], [sflag:s22] =	dma.local [hbm:s6], s20  }
0x9f: {  	_ =	swait.ge [sflag:s22], s20  }
0xa0: {  	s5 =	ssub.s32 $0x0, s20;
	[sflag:s22] =	ssyncset.done $0x0  }
0xa1: {  	[sflag:s22] =	ssyncadd.s32 s5;
	_ =	sdelay $0x1  }
0xa2: {  	s23 =	simm.s32 $0x1B8B  }
0xa3: {  	_ =	swait.ge [sflag:s23], $0x1  }
0xa4: {  	[sflag:s23] =	ssyncset.done $0x0  }
0xa5: {  	s25 =	simm.s32 $0x1B8E;
	s24 =	sld [smem:$0x3FFE];
	[sflag:s23] =	ssyncadd.s32 $0xFFFFFFFF  }
0xa6: {  	s26 =	simm.s32 $execute0_lowered;
	[smem:$0x3FD2] =	sst s25  }
0xa7: {  	s6 =	sshll.u32 s26, $0x1;
	_ =	strace $0x80000046;
	[dreg:$0x1] =	wrdreg $0xFFFFFFFF  }
0xa8: {  	s28 =	simm.s32 $_size_execute0_lowered;
	s4 =	sadd.s32 s4, s6;
	[dreg:$0x0] =	wrdreg $0x0  }
0xa9: {  	s6 =	sshll.u32 s28, $0x1;
	[dreg:$0x2] =	wrdreg s4  }
0xaa: {  	[dreg:$0x3] =	wrdreg s6  }
0xab: {  	[dreg:$0x4] =	wrdreg $0xC0  }
0xac: {  	_ =	task [dreg:s8], $0x5FFFF  }
0xad: {  	[dreg:$0x1] =	wrdreg $0xFFFFFFFF  }
0xae: {  	[dreg:$0x0] =	wrdreg $0x60  }
0xaf: {  	[dreg:$0x2] =	wrdreg s18  }
0xb0: {  	[dreg:$0x3] =	wrdreg s24  }
0xb1: {  	[dreg:$0x4] =	wrdreg s2  }
0xb2: {  	[dreg:$0x5] =	wrdreg $0x8D200  }
0xb3: {  	[dreg:$0x6] =	wrdreg $0x9  }
0xb4: {  	_ =	task.clear_ibuf [dreg:s8], $0x7FFFF;
	_ =	strace $0x90000046  }
0xb5: {  	s29 =	simm.s32 $0x9;
	_ =	strace $0x80000048  }
0xb6: {  	_ =	swait.ge [sflag:s29], $0x1  }
0xb7: {  	[sflag:s29] =	ssyncadd.s32 $0xFFFFFFFF  }
0xb8: {  	_ =	strace $0x90000048  }
0xb9: {  	_ =	sfence  }
0xba: {  	s30 =	sld [smem:$0x0];
	_ =	sdelay $0x2  }
0xbb: {  	s31 =	sshll.u32 s1, $0xD;
	s1 =	sshrl.u32 s1, $0x2  }
0xbc: {  	s3 =	sand.u32 $0x4000, s31;
	s1 =	sadd.s32 s1, s30  }
0xbd: {  	s0 =	sor.u32 s3, s0;
	s1 =	sshll.u32 s1, $0x11  }
0xbe: {  	s0 =	sor.u32 s1, s0  }
0xbf: {  	s0 =	sadd.s32 $0x8F2B, s0  }
0xc0: {  	[sflag:s0] =	ssyncadd.remote.s32 $0x1  }
0xc1: {  	_ =	sfence.sel $0xFFFF  }
0xc2: {  	[dreg:$0x0] =	wrdreg $0xFFFFFFFF;
	(pc) =	sbr.abs _section_cstart, $3  }
0xc3: {  	[dreg:$0x1] =	wrdreg $0xFFFFFFFF  }
0xc4: {  	_ =	task.clear_ibuf [dreg:s8], $0x2FFFF;
	_ =	strace $0x9FFFFFFF  }
0xc5: {  	(tm) =	ssettm $0x7FFFFFFF  }
tec
execute0_lowered:
.L_overlay_start_1:
0x0: {  	(tag) =	ssettag $0x1  }
0x1: {  	s19 =	rddreg [dreg:$0x0]  }
0x2: {  	s0 =	rddreg [dreg:$0x1]  }
0x3: {  	s4 =	rddreg [dreg:$0x3]  }
0x4: {  	s2 =	srdreg.scid;
	s1 =	stileid.u32  }
0x5: {  	s5 =	simm.s32 $0x0;
	s28 =	simm.s32 $0x4;
	s2 =	sand.u32 $0x1, s2  }
0x6: {  	s3 =	smul.u32 $0x16800, s1;
	[smem:$0x7FF] =	sst s5;
	s7 =	sshll.u32 s1, $0x1  }
0x7: {  	s6 =	sadd.s32 $0x15E00, s0;
	s15 =	sadd.s32 $0xC000, s0;
	s11 =	smul.u32 $0x5A000, s1  }
0x8: {  	s17 =	sadd.s32 $0x2200, s0;
	s8 =	smul.u32 $0x168000, s2;
	s9 =	sor.u32 s2, s7  }
0x9: {  	_ =	strace $0x80000047;
	[dreg:$0x5] =	wrdreg s15;
	s16 =	smul.u32 $0x2710, s9  }
0xa: {  	s2 =	ssub.s32 $0x2, s2;
	[dreg:$0x7] =	wrdreg s17;
	s11 =	sshrl.u32 s11, $0x2  }
0xb: {  	s21 =	sadd.s32 s11, s4;
	s4 =	sadd.s32 s3, s4;
	[dreg:$0x6] =	wrdreg s16  }
0xc: {  	s18 =	sshrl.u32 s2, $0x1;
	s22 =	sadd.s32 $0x2D00, s21;
	[dreg:$0xa] =	wrdreg s4  }
0xd: {  	s10 =	sadd.s32 s3, s8;
	s23 =	sadd.s32 $0x5A00, s21;
	[dreg:$0xb] =	wrdreg s22  }
0xe: {  	s2 =	ssub.s32 s2, s18;
	s24 =	sadd.s32 $0x8700, s21;
	[dreg:$0xc] =	wrdreg s23  }
0xf: {  	s8 =	simm.s32 $0x7D0;
	s25 =	sadd.s32 $0xB400, s21;
	[dreg:$0xd] =	wrdreg s24  }
0x10: {  	s3 =	simm.s32 $0x3;
	s26 =	sadd.s32 $0xE100, s21;
	[dreg:$0xe] =	wrdreg s25  }
0x11: {  	s10 =	sshrl.u32 s10, $0x3;
	s29 =	sadd.s32 $0x10E00, s21;
	[dreg:$0xf] =	wrdreg s26  }
0x12: {  	s20 =	sshrl.u32 s16, $0x3;
	s30 =	sadd.s32 $0x13B00, s21;
	[dreg:$0x10] =	wrdreg s29  }
0x13: {  	s31 =	smax.u32 s2, $0x1;
	s2 =	simm.s32 $0x0;
	[dreg:$0x11] =	wrdreg s30  }
0x14: {  	v0 =	vlaneseq.u32;
	s0 =	sadd.s32 s10, s0;
	s7 =	sadd.s32 s15, s20;
	[dreg:$0x13] =	wrdreg s31  }
0x15: {  	v0 =	vmul.u32 $0xFFFFFFFF, v0;
	s1 =	sadd.s32 s17, s20;
	s26 =	simm.s32 $0x28;
	[dreg:$0x8] =	wrdreg s7  }
0x16: {  	s24 =	simm.s32 $0x2;
	[dreg:$0x9] =	wrdreg s1;
	s0 =	sadd.s32 $0x3D000, s0  }
0x17: {  	v1 =	vimm.f32 $0.0e+00;
	vm0 =	vmmov $0x1;
	v41 =	vadd.s32 $0xF, v0;
	s7 =	simm.s32 $0x8;
	[dreg:$0x12] =	wrdreg s0;
	s0 =	simm.s32 $0x1  }
.LBB2_1:
0x18: {  	[dreg:$0x14] =	wrdreg s2  }
0x19: {  	s1 =	rddreg [dreg:$0x8]  }
0x1a: {  	[tilespmem:s5], [sflag:$0x8] =	stream.linear.gather [hbm4b:s1+s5], $0x3E8, $0x38;
	[tilespmem:$0x1F520] =	vst v63  }
0x1b: {  	_ =	swait.ge [sflag:s7], $0x3E8  }
0x1c: {  	[sflag:s7] =	ssyncset.done $0x0  }
0x1d: {  	s29 =	rddreg [dreg:$0x9];
	[sflag:s7] =	ssyncadd.s32 $0xFFFFFC18  }
0x1e: {  	[tilespmem:s8], [sflag:$0x8] =	stream.linear.gather [hbm4b:s29+s5], $0x3E8, $0x38;
	[tilespmem:$0x1F520] =	vst v63  }
0x1f: {  	_ =	swait.ge [sflag:s7], $0x3E8  }
0x20: {  	[sflag:s7] =	ssyncset.done $0x0  }
0x21: {  	[sflag:s7] =	ssyncadd.s32 $0xFFFFFC18  }
0x22: {  	s31 =	simm.s32 $0x8CA0;
	s30 =	rddreg [dreg:$0x2]  }
0x23: {  	[tilespmem:s31], [sflag:$0x8] =	stream.linear.gather [hbm4b:s30+s5], $0x80, $0x38;
	[tilespmem:$0x1F520] =	vst v63  }
0x24: {  	_ =	swait.ge [sflag:s7], $0x80  }
0x25: {  	[sflag:s7] =	ssyncset.done $0x0  }
0x26: {  	[sflag:s7] =	ssyncadd.s32 $0xFFFFFF80  }
0x27: {  	v2 =	vld [tilespmem:$0x8CA0]  }
0x28: {  	v3 =	vld [tilespmem:$0x8CB0]  }
0x29: {  	v4 =	vld [tilespmem:$0x8CC0]  }
0x2a: {  	v5 =	vld [tilespmem:$0x8CD0]  }
0x2b: {  	v6 =	vld [tilespmem:$0x8CE0]  }
0x2c: {  	v7 =	vld [tilespmem:$0x8CF0]  }
0x2d: {  	v8 =	vld [tilespmem:$0x8D00]  }
0x2e: {  	s2 =	simm.s32 $0x0;
	s10 =	simm.s32 $0x240;
	v9 =	vld [tilespmem:$0x8D10]  }
.LBB2_2:
0x2f: {  	p0 =	sne.s32 s10, $0xB1C0;
	[tilespmem:s2+$0x6020] =	vst v1  }
0x30: {  	[tilespmem:s2+$0x5FA0] =	vst v1  }
0x31: {  	[tilespmem:s2+$0x5FB0] =	vst v1  }
0x32: {  	[tilespmem:s2+$0x5FC0] =	vst v1  }
.Ltmp0:
0x33: {  	[tilespmem:s2+$0x5FD0] =	vst v1;
	(pc) =	sbr.rel @p0 .LBB2_2-.Ltmp0, $4  }
0x34: {  	[tilespmem:s2+$0x5FE0] =	vst v1  }
0x35: {  	[tilespmem:s2+$0x5FF0] =	vst v1  }
0x36: {  	[tilespmem:s2+$0x6000] =	vst v1  }
0x37: {  	[tilespmem:s2+$0x6010] =	vst v1;
	s2 =	sshra.s32 s10, $0x2;
	s10 =	sadd.s32 $0x240, s10  }
0x38: {  	[tilespmem:s2+$0x6020] =	vst v1  }
0x39: {  	[tilespmem:s2+$0x5FA0] =	vst v1  }
0x3a: {  	[tilespmem:s2+$0x5FB0] =	vst v1  }
0x3b: {  	[tilespmem:s2+$0x5FC0] =	vst v1  }
0x3c: {  	[tilespmem:s2+$0x5FD0] =	vst v1  }
0x3d: {  	[tilespmem:s2+$0x5FE0] =	vst v1  }
0x3e: {  	[tilespmem:s2+$0x5FF0] =	vst v1  }
0x3f: {  	[tilespmem:s2+$0x6000] =	vst v1  }
0x40: {  	[tilespmem:s2+$0x6010] =	vst v1;
	s18 =	simm.s32 $0x5FA0  }
0x41: {  	[spmem:s4] =	stream.linear.scatter [tilespmem:s18], [sflag:$0x8], $0x2D00, $0x38;
	[tilespmem:$0x1F520] =	vst v63  }
0x42: {  	_ =	swait.ge [sflag:s7], $0x2D00  }
0x43: {  	[sflag:s7] =	ssyncset.done $0x0  }
0x44: {  	s1 =	rddreg [dreg:$0xb];
	[sflag:s7] =	ssyncadd.s32 $0xFFFFD300  }
0x45: {  	[spmem:s1] =	stream.linear.scatter [tilespmem:s18], [sflag:$0x8], $0x2D00, $0x38;
	[tilespmem:$0x1F520] =	vst v63  }
0x46: {  	_ =	swait.ge [sflag:s7], $0x2D00  }
0x47: {  	[sflag:s7] =	ssyncset.done $0x0  }
0x48: {  	s20 =	rddreg [dreg:$0xc];
	[sflag:s7] =	ssyncadd.s32 $0xFFFFD300  }
0x49: {  	[spmem:s20] =	stream.linear.scatter [tilespmem:s18], [sflag:$0x8], $0x2D00, $0x38;
	[tilespmem:$0x1F520] =	vst v63  }
0x4a: {  	_ =	swait.ge [sflag:s7], $0x2D00  }
0x4b: {  	[sflag:s7] =	ssyncset.done $0x0  }
0x4c: {  	s21 =	rddreg [dreg:$0xd];
	[sflag:s7] =	ssyncadd.s32 $0xFFFFD300  }
0x4d: {  	[spmem:s21] =	stream.linear.scatter [tilespmem:s18], [sflag:$0x8], $0x2D00, $0x38;
	[tilespmem:$0x1F520] =	vst v63  }
0x4e: {  	_ =	swait.ge [sflag:s7], $0x2D00  }
0x4f: {  	[sflag:s7] =	ssyncset.done $0x0  }
0x50: {  	s22 =	rddreg [dreg:$0xe];
	[sflag:s7] =	ssyncadd.s32 $0xFFFFD300  }
0x51: {  	[spmem:s22] =	stream.linear.scatter [tilespmem:s18], [sflag:$0x8], $0x2D00, $0x38;
	[tilespmem:$0x1F520] =	vst v63  }
0x52: {  	_ =	swait.ge [sflag:s7], $0x2D00  }
0x53: {  	[sflag:s7] =	ssyncset.done $0x0  }
0x54: {  	s23 =	rddreg [dreg:$0xf];
	[sflag:s7] =	ssyncadd.s32 $0xFFFFD300  }
0x55: {  	[spmem:s23] =	stream.linear.scatter [tilespmem:s18], [sflag:$0x8], $0x2D00, $0x38;
	[tilespmem:$0x1F520] =	vst v63  }
0x56: {  	_ =	swait.ge [sflag:s7], $0x2D00  }
0x57: {  	[sflag:s7] =	ssyncset.done $0x0  }
0x58: {  	s25 =	rddreg [dreg:$0x10];
	[sflag:s7] =	ssyncadd.s32 $0xFFFFD300  }
0x59: {  	[spmem:s25] =	stream.linear.scatter [tilespmem:s18], [sflag:$0x8], $0x2D00, $0x38;
	[tilespmem:$0x1F520] =	vst v63  }
0x5a: {  	_ =	swait.ge [sflag:s7], $0x2D00  }
0x5b: {  	[sflag:s7] =	ssyncset.done $0x0  }
0x5c: {  	s29 =	rddreg [dreg:$0x11];
	[sflag:s7] =	ssyncadd.s32 $0xFFFFD300  }
0x5d: {  	[spmem:s29] =	stream.linear.scatter [tilespmem:s18], [sflag:$0x8], $0x2D00, $0x38;
	[tilespmem:$0x1F520] =	vst v63  }
0x5e: {  	_ =	swait.ge [sflag:s7], $0x2D00  }
0x5f: {  	[sflag:s7] =	ssyncset.done $0x0  }
0x60: {  	[sflag:s7] =	ssyncadd.s32 $0xFFFFD300  }
0x61: {  	s11 =	simm.s32 $0x0;
	s30 =	simm.s32 $0xFA0;
	[bflag:$0x0] =	sbarrier.arrive $0xFFFF  }
0x62: {  	[tilespmem:s30], [sflag:$0x1] =	stream.indirect.gather [hbm4b:s19+s26], $0x80, s11, s26, $0xb8;
	[tilespmem:$0x1F520] =	vst v63  }
0x63: {  	s31 =	simm.s32 $0x37A0  }
0x64: {  	[tilespmem:s31], [sflag:$0x3] =	stream.indirect.gather [hbm4b:s6+s26], $0x80, s8, s26, $0xb8;
	[tilespmem:$0x1F520] =	vst v63  }
.LBB2_4:
0x65: {  	s2 =	smul.u32 $0x52, s11;
	_ =	sdelay $0x1  }
0x66: {  	s2 =	sshrl.u32 s2, $0xA  }
0x67: {  	s15 =	sand.u32 $0x3F, s2  }
0x68: {  	s2 =	smul.u32 $0x19, s15  }
0x69: {  	s14 =	sshll.u32 s11, $0x1  }
0x6a: {  	p0 =	sgt.u32 s11, $0x70;
	s2 =	ssub.s32 s14, s2  }
0x6b: {  	s10 =	sand.u32 @!p0 $0xFF, s2  }
0x6c: {  	p1 =	sne.s32 @!p0 s10, $0x2  }
0x6d: {  	p1 =	por p0, p1  }
.Ltmp1:
0x6e: {  	_ = 	snop;
	(pc) =	sbr.rel @p1 .LBB2_6-.Ltmp1, $1  }
0x6f: {  	_ =	sdelay $0x3  }
0x70: {  	s10 =	sadd.s32 $0x1, s15  }
0x71: {  	s12 =	smul.u32 $0x3E8, s10  }
0x72: {  	s1 =	rddreg [dreg:$0x6];
	s10 =	sand.u32 $0x1, s10  }
0x73: {  	s30 =	rddreg [dreg:$0x5];
	p0 =	seq.s32 s10, $0x1;
	s12 =	sadd.s32 s1, s12  }
.Ltmp2:
0x74: {  	s10 =	simm.s32 $0x3E8;
	s12 =	sshrl.u32 s12, $0x3;
	(pc) =	sbr.rel .LBB2_7-.Ltmp2, $4  }
0x75: {  	s31 =	rddreg [dreg:$0x7];
	s10 =	simm.s32 @!p0 $0x0;
	s13 =	sadd.s32 s30, s12  }
0x76: {  	[tilespmem:s10], [sflag:$0x7] =	stream.linear.gather [hbm4b:s13+s5], $0x3E8, $0x38;
	[tilespmem:$0x1F520] =	vst v63  }
0x77: {  	s12 =	sadd.s32 s31, s12;
	s10 =	sadd.s32 $0x7D0, s10  }
0x78: {  	[tilespmem:s10], [sflag:$0x7] =	stream.linear.gather [hbm4b:s12+s5], $0x3E8, $0x38;
	[tilespmem:$0x1F520] =	vst v63  }
.LBB2_6:
0x79: {  	p1 =	sne.s32 @!p0 s10, $0x16  }
0x7a: {  	p0 =	por p1, p0  }
0x7b: {  	s10 =	simm.s32 @!p0 $0x7  }
0x7c: {  	_ =	swait.ge @!p0 [sflag:s10], $0x3E8  }
0x7d: {  	[sflag:s10] =	ssyncset.done @!p0 $0x0  }
0x7e: {  	[sflag:s10] =	ssyncadd.s32 @!p0 $0xFFFFFC18  }
0x7f: {  	_ =	swait.ge @!p0 [sflag:s10], $0x3E8  }
0x80: {  	[sflag:s10] =	ssyncset.done @!p0 $0x0  }
0x81: {  	[sflag:s10] =	ssyncadd.s32 @!p0 $0xFFFFFC18  }
.LBB2_7:
0x82: {  	s17 =	sor.u32 $0x1, s14  }
0x83: {  	s10 =	smul.u32 $0x29, s17;
	_ =	sdelay $0x1  }
0x84: {  	s10 =	sshrl.u32 s10, $0xA  }
0x85: {  	s16 =	sand.u32 $0x3F, s10  }
0x86: {  	s12 =	smul.u32 $0x19, s16;
	_ =	sdelay $0x1  }
0x87: {  	s18 =	ssub.s32 s17, s12  }
0x88: {  	s10 =	sand.u32 $0x1, s10;
	s12 =	sand.u32 $0xFF, s18  }
0x89: {  	p0 =	seq.s32 s10, $0x1;
	s10 =	simm.s32 $0x3E8;
	s12 =	smul.u32 $0x28, s12  }
0x8a: {  	s10 =	simm.s32 @!p0 $0x0  }
0x8b: {  	s1 =	simm.s32 $0x23A0;
	s10 =	sadd.s32 s12, s10  }
0x8c: {  	[tilespmem:s1], [sflag:$0x2] =	stream.indirect.gather [hbm4b:s19+s26], $0x80, s10, s26, $0xb8;
	[tilespmem:$0x1F520] =	vst v63  }
0x8d: {  	s31 =	simm.s32 $0x4BA0;
	s13 =	sadd.s32 $0x7D0, s10  }
0x8e: {  	[tilespmem:s31], [sflag:$0x4] =	stream.indirect.gather [hbm4b:s6+s26], $0x80, s13, s26, $0xb8;
	[tilespmem:$0x1F520] =	vst v63  }
0x8f: {  	_ =	swait.ge [sflag:s0], $0x1400  }
0x90: {  	[sflag:s0] =	ssyncset.done $0x0  }
0x91: {  	[sflag:s0] =	ssyncadd.s32 $0xFFFFEC00  }
0x92: {  	_ =	swait.ge [sflag:s3], $0x1400  }
0x93: {  	p0 =	seq.s32 s11, $0x0;
	[sflag:s3] =	ssyncset.done $0x0  }
0x94: {  	s10 =	simm.s32 @!p0 $0x5;
	[sflag:s3] =	ssyncadd.s32 $0xFFFFEC00  }
0x95: {  	_ =	swait.ge @!p0 [sflag:s10], $0x1680  }
0x96: {  	s9 =	smov.u32 s19;
	[sflag:s10] =	ssyncset.done @!p0 $0x0  }
0x97: {  	s20 =	simm.s32 $0x0;
	s19 =	sand.u32 $0xFF, s2;
	[sflag:s10] =	ssyncadd.s32 @!p0 $0xFFFFE980  }
.LBB2_8:
0x98: {  	s2 =	sshll.u32 s20, $0x7  }
0x99: {  	v17 =	vld [tilespmem:s2+$0xFA0]  }
0x9a: {  	v0 =	vld [tilespmem:s2+$0x37A0]  }
0x9b: {  	v14 =	vld [tilespmem:s2+$0xFB0]  }
0x9c: {  	v10 =	vld [tilespmem:s2+$0x37B0]  }
0x9d: {  	v15 =	vld [tilespmem:s2+$0xFC0]  }
0x9e: {  	v11 =	vld [tilespmem:s2+$0x37C0]  }
0x9f: {  	v1 =	vld [tilespmem:s2+$0xFD0]  }
0xa0: {  	v12 =	vld [tilespmem:s2+$0x37D0];
	v0 =	vadd.f32 v0, v17  }
0xa1: {  	v18 =	vld [tilespmem:s2+$0xFE0]  }
0xa2: {  	v23 =	vld [tilespmem:s2+$0x37E0];
	v10 =	vadd.f32 v10, v14;
	v13 =	vmul.f32 $2.000000030e-01, v0  }
0xa3: {  	v19 =	vld [tilespmem:s2+$0xFF0]  }
0xa4: {  	v25 =	vld [tilespmem:s2+$0x37F0];
	v11 =	vadd.f32 v11, v15;
	v24 =	vmul.f32 $2.000000030e-01, v10;
	v0 =	vmax.f32 v0, v13  }
0xa5: {  	v16 =	vld [tilespmem:s2+$0x3800];
	v0 =	vmul.f32 v0, v2  }
0xa6: {  	s21 =	sor.u32 $0x2, s20;
	[tilespmem:$0x1FF00] =	vst v1;
	v12 =	vadd.f32 v12, v1;
	v1 =	vld [tilespmem:s2+$0x1000];
	v26 =	vmul.f32 $2.000000030e-01, v11;
	v10 =	vmax.f32 v10, v24  }
0xa7: {  	v28 =	vld [tilespmem:s2+$0x1010];
	s31 =	sshll.u32 s21, $0x7;
	v10 =	vmul.f32 v10, v3;
	v0 =	vadd.f32 $0.0e+00, v0  }
0xa8: {  	v49 =	vld [tilespmem:s31+$0xFA0];
	v11 =	vmax.f32 v11, v26  }
0xa9: {  	v0 =	vadd.f32 v10, v0;
	v10 =	vmul.f32 v11, v4;
	v11 =	vld [tilespmem:s2+$0x3810];
	s2 =	sor.u32 $0x1, s20  }
0xaa: {  	v51 =	vld [tilespmem:s31+$0x37A0];
	s10 =	sshll.u32 s2, $0x7  }
0xab: {  	[tilespmem:$0x1FF30] =	vst v1;
	v32 =	vadd.f32 v16, v1;
	v1 =	vld [tilespmem:s10+$0xFA0]  }
0xac: {  	v33 =	vld [tilespmem:s10+$0x37A0]  }
0xad: {  	[tilespmem:$0x1FEE0] =	vst v14;
	v14 =	vadd.f32 v23, v18;
	v27 =	vmul.f32 $2.000000030e-01, v12;
	v35 =	vld [tilespmem:s10+$0xFB0]  }
0xae: {  	v36 =	vld [tilespmem:s10+$0x37B0]  }
0xaf: {  	[tilespmem:$0x1FEF0] =	vst v15;
	v15 =	vadd.f32 v25, v19;
	v29 =	vmul.f32 $2.000000030e-01, v14;
	v12 =	vmax.f32 v12, v27;
	v21 =	vld [tilespmem:s10+$0xFC0]  }
0xb0: {  	v0 =	vadd.f32 v10, v0;
	v10 =	vmul.f32 v12, v5;
	v38 =	vld [tilespmem:s10+$0x37C0]  }
0xb1: {  	v31 =	vmul.f32 $2.000000030e-01, v15;
	v30 =	vmax.f32 v14, v29;
	v42 =	vld [tilespmem:s10+$0xFF0]  }
0xb2: {  	v20 =	vld [tilespmem:s10+$0x37F0];
	v0 =	vadd.f32 v10, v0;
	v10 =	vmul.f32 v30, v6  }
0xb3: {  	v13 =	vmax.f32 v15, v31;
	v31 =	vld [tilespmem:s31+$0x1000];
	v34 =	vmul.f32 $2.000000030e-01, v32;
	v11 =	vadd.f32 v11, v28  }
0xb4: {  	v22 =	vld [tilespmem:s10+$0xFD0];
	v0 =	vadd.f32 v10, v0;
	v10 =	vmul.f32 v13, v7  }
0xb5: {  	v14 =	vmax.f32 v32, v34;
	v45 =	vld [tilespmem:s10+$0x3800];
	v37 =	vmul.f32 $2.000000030e-01, v11;
	v12 =	vadd.f32 v33, v1  }
0xb6: {  	[tilespmem:$0x1FF50] =	vst v1;
	v13 =	vadd.f32 v36, v35;
	v1 =	vld [tilespmem:s10+$0x1000];
	v0 =	vadd.f32 v10, v0;
	v10 =	vmul.f32 v14, v8  }
0xb7: {  	[tilespmem:$0x1FF60] =	vst v35;
	v20 =	vadd.f32 v20, v42;
	v35 =	vld [tilespmem:s31+$0x3800];
	v14 =	vadd.f32 v38, v21;
	v11 =	vmax.f32 v11, v37  }
0xb8: {  	v40 =	vmul.f32 $2.000000030e-01, v12;
	v0 =	vadd.f32 v10, v0;
	v10 =	vmul.f32 v11, v9;
	v11 =	vld [tilespmem:s10+$0x37D0]  }
0xb9: {  	v39 =	vld [tilespmem:s10+$0xFE0];
	v44 =	vmul.f32 $2.000000030e-01, v13;
	v55 =	vmul.f32 $2.000000030e-01, v20  }
0xba: {  	v46 =	vmul.f32 $2.000000030e-01, v14;
	v0 =	vadd.f32 v10, v0;
	v10 =	vld [tilespmem:s10+$0x37E0]  }
0xbb: {  	v62 =	vld [tilespmem:s31+$0x37F0];
	v12 =	vmax.f32 v12, v40;
	v13 =	vmax.f32 v13, v44;
	v16 =	vmax.f32 v20, v55  }
0xbc: {  	[tilespmem:$0x1FF10] =	vst v18;
	v30 =	vld [tilespmem:s31+$0xFF0];
	v12 =	vmul.f32 v12, v2;
	v13 =	vmul.f32 v13, v3;
	v18 =	vadd.f32 v45, v1  }
0xbd: {  	v14 =	vmax.f32 v14, v46;
	v33 =	vadd.f32 v35, v31;
	v11 =	vadd.f32 v11, v22  }
0xbe: {  	v53 =	vld [tilespmem:s31+$0xFB0];
	v50 =	vmul.f32 v14, v4;
	v14 =	vadd.f32 v51, v49;
	v12 =	vadd.f32 $0.0e+00, v12  }
0xbf: {  	v54 =	vld [tilespmem:s31+$0x37B0];
	v43 =	vperm.xlane v0, v41;
	v48 =	vmul.f32 $2.000000030e-01, v11;
	v10 =	vadd.f32 v10, v39  }
0xc0: {  	v56 =	vld [tilespmem:s31+$0x37C0];
	v57 =	vmul.f32 $2.000000030e-01, v18;
	v59 =	vmul.f32 $2.000000030e-01, v14;
	v12 =	vadd.f32 v13, v12  }
0xc1: {  	v58 =	vld [tilespmem:s31+$0x37D0];
	[tilespmem:$0x1FF80] =	vst v22;
	v22 =	vadd.f32 v62, v30;
	v11 =	vmax.f32 v11, v48;
	v52 =	vmul.f32 $2.000000030e-01, v10  }
0xc2: {  	[tilespmem:$0x1FFB0] =	vst v1;
	v1 =	vld [tilespmem:s31+$0xFC0];
	v0 =	vadd.f32 v0, v43;
	v12 =	vadd.f32 v50, v12;
	v11 =	vmul.f32 v11, v5  }
0xc3: {  	v23 =	vld [tilespmem:s10+$0x1010];
	v18 =	vmax.f32 v18, v57;
	v14 =	vmax.f32 v14, v59;
	v10 =	vmax.f32 v10, v52  }
0xc4: {  	[tilespmem:$0x1FF70] =	vst v21;
	v21 =	vld [tilespmem:s31+$0xFD0];
	(v2sf) =	vpush v0, $0x0;
	v11 =	vadd.f32 v11, v12;
	v10 =	vmul.f32 v10, v6  }
0xc5: {  	v47 =	vld [tilespmem:s10+$0x3810];
	v13 =	vadd.f32 v54, v53;
	v14 =	vmul.f32 v14, v2;
	(v2sf) =	vpush v0, $0x1  }
0xc6: {  	v60 =	vld [tilespmem:s31+$0x37E0];
	(v2sf) =	vpush v0, $0x2;
	v10 =	vadd.f32 v10, v11;
	v11 =	vmul.f32 v16, v7  }
0xc7: {  	[tilespmem:$0x1FF20] =	vst v19;
	v19 =	vld [tilespmem:s31+$0xFE0];
	v61 =	vmul.f32 $2.000000030e-01, v13;
	v14 =	vadd.f32 $0.0e+00, v14;
	v12 =	vadd.f32 v56, v1  }
0xc8: {  	(v2sf) =	vpush v0, $0x3;
	v10 =	vadd.f32 v11, v10;
	v11 =	vmul.f32 v18, v8  }
0xc9: {  	(v2sf) =	vpush v0, $0x4;
	v63 =	vmul.f32 $2.000000030e-01, v12;
	v16 =	vadd.f32 v58, v21  }
0xca: {  	v13 =	vmax.f32 v13, v61;
	v10 =	vadd.f32 v11, v10;
	v11 =	vadd.f32 v47, v23  }
0xcb: {  	v13 =	vmul.f32 v13, v3;
	(v2sf) =	vpush v0, $0x5;
	v12 =	vmax.f32 v12, v63  }
0xcc: {  	v25 =	vld [tilespmem:s31+$0x3810];
	v24 =	vmul.f32 $2.000000030e-01, v16;
	v18 =	vadd.f32 v60, v19;
	v34 =	vmul.f32 $2.000000030e-01, v11  }
0xcd: {  	v32 =	vld [tilespmem:s31+$0x1010];
	v13 =	vadd.f32 v13, v14;
	(v2sf) =	vpush v0, $0x6;
	v12 =	vmul.f32 v12, v4  }
0xce: {  	s23 =	sor.u32 $0x3, s20;
	v16 =	vmax.f32 v16, v24;
	v26 =	vmul.f32 $2.000000030e-01, v18;
	v11 =	vmax.f32 v11, v34  }
0xcf: {  	s1 =	sshll.u32 s23, $0x7;
	v12 =	vadd.f32 v12, v13;
	v27 =	vmul.f32 v16, v5;
	v11 =	vmul.f32 v11, v9  }
0xd0: {  	[tilespmem:$0x1FF40] =	vst v28;
	v45 =	vld [tilespmem:s1+$0x37C0];
	v29 =	vmul.f32 $2.000000030e-01, v22;
	(v2sf) =	vpush v0, $0x7;
	v28 =	vmax.f32 v18, v26  }
0xd1: {  	v46 =	vld [tilespmem:s1+$0x37D0];
	v34 =	vmul.f32 v28, v6;
	v10 =	vadd.f32 v11, v10;
	v11 =	vadd.f32 v27, v12  }
0xd2: {  	[tilespmem:$0x1FFD0] =	vst v49;
	v49 =	vld [tilespmem:s1+$0x37F0];
	v36 =	vmul.f32 $2.000000030e-01, v33;
	v35 =	vmax.f32 v22, v29;
	v14 =	vadd.f32 v25, v32  }
0xd3: {  	[tilespmem:$0x1FFE0] =	vst v53;
	v51 =	vld [tilespmem:s1+$0x3800];
	v38 =	vmul.f32 v35, v7;
	v37 =	vperm.xlane v10, v41;
	v11 =	vadd.f32 v34, v11  }
0xd4: {  	[tilespmem:$0x1FF90] =	vst v39;
	v43 =	vld [tilespmem:s1+$0x37A0];
	v39 =	vmax.f32 v33, v36;
	v40 =	vmul.f32 $2.000000030e-01, v14  }
0xd5: {  	[tilespmem:$0x1FFA0] =	vst v42;
	v53 =	vld [tilespmem:s1+$0x3810];
	v42 =	vmul.f32 v39, v8;
	v10 =	vadd.f32 v10, v37;
	v11 =	vadd.f32 v38, v11  }
0xd6: {  	v33 =	vld [tilespmem:s1+$0xFC0];
	v0 =	vmax.f32 v14, v40  }
0xd7: {  	v36 =	vld [tilespmem:s1+$0xFD0];
	v0 =	vmul.f32 v0, v9;
	(v2sf) =	vpush v10, $0x0;
	v11 =	vadd.f32 v42, v11  }
0xd8: {  	v39 =	vld [tilespmem:s1+$0x1000];
	s12 =	spop (v2sf);
	(v2sf) =	vpush v10, $0x1  }
0xd9: {  	s22 =	spop (v2sf);
	v34 =	vld [tilespmem:s1+$0xFA0];
	(v2sf) =	vpush v10, $0x2;
	v0 =	vadd.f32 v0, v11  }
0xda: {  	v35 =	vld [tilespmem:s1+$0xFB0];
	s29 =	spop (v2sf);
	(v2sf) =	vpush v10, $0x3  }
0xdb: {  	v14 =	vadd.f32 v45, v33;
	s30 =	spop (v2sf);
	v11 =	vld [tilespmem:s1+$0x37B0];
	(v2sf) =	vpush v10, $0x4;
	v44 =	vperm.xlane v0, v41  }
0xdc: {  	v40 =	vld [tilespmem:s1+$0x1010];
	v13 =	vadd.f32 v46, v36;
	s31 =	spop (v2sf);
	(v2sf) =	vpush v10, $0x5  }
0xdd: {  	v47 =	vld [tilespmem:s1+$0x37E0];
	s22 =	sadd.f32 s22, s12;
	s25 =	spop (v2sf);
	(v2sf) =	vpush v10, $0x6;
	v0 =	vadd.f32 v0, v44  }
0xde: {  	s12 =	sor.u32 $0x4, s20;
	s29 =	sadd.f32 s30, s29;
	v37 =	vld [tilespmem:s1+$0xFE0];
	s4 =	spop (v2sf);
	(v2sf) =	vpush v10, $0x7;
	v10 =	vadd.f32 v43, v34  }
0xdf: {  	v20 =	vadd.f32 v51, v39;
	v52 =	vmul.f32 $2.000000030e-01, v14;
	v54 =	vmul.f32 $2.000000030e-01, v13;
	s10 =	sshll.u32 s12, $0x7;
	v38 =	vld [tilespmem:s1+$0xFF0];
	s25 =	sadd.f32 s25, s31;
	s7 =	spop (v2sf)  }
0xe0: {  	v55 =	vld [tilespmem:s10+$0x37A0];
	s4 =	sadd.f32 s7, s4;
	v11 =	vadd.f32 v11, v35;
	(v2sf) =	vpush v0, $0x0;
	v48 =	vmul.f32 $2.000000030e-01, v10  }
0xe1: {  	v14 =	vmax.f32 v14, v52;
	v13 =	vmax.f32 v13, v54;
	v57 =	vld [tilespmem:s10+$0x37B0];
	s22 =	sadd.f32 s29, s22;
	(v2sf) =	vpush v0, $0x1  }
0xe2: {  	v45 =	vld [tilespmem:s10+$0xFD0];
	s4 =	sadd.f32 s4, s25;
	v50 =	vmul.f32 $2.000000030e-01, v11;
	(v2sf) =	vpush v0, $0x2;
	v10 =	vmax.f32 v10, v48  }
0xe3: {  	v62 =	vld [tilespmem:s10+$0x37D0];
	v12 =	vadd.f32 v47, v37;
	(v2sf) =	vpush v0, $0x3;
	v10 =	vmul.f32 v10, v2  }
0xe4: {  	v26 =	vld [tilespmem:s10+$0x37F0];
	v18 =	vadd.f32 v49, v38;
	s4 =	sadd.f32 s4, s22;
	v11 =	vmax.f32 v11, v50;
	(v2sf) =	vpush v0, $0x4  }
0xe5: {  	v51 =	vld [tilespmem:s10+$0x3800];
	v11 =	vmul.f32 v11, v3;
	(v2sf) =	vpush v0, $0x5;
	v10 =	vadd.f32 $0.0e+00, v10  }
0xe6: {  	v42 =	vld [tilespmem:s10+$0xFA0];
	v58 =	vmul.f32 $2.000000030e-01, v18;
	v61 =	vmov s4;
	(v2sf) =	vpush v0, $0x6  }
0xe7: {  	v47 =	vld [tilespmem:s10+$0xFF0];
	(v2sf) =	vpush v0, $0x7;
	s22 =	spop (v2sf);
	v10 =	vadd.f32 v11, v10;
	v11 =	vmul.f32 v14, v4  }
0xe8: {  	v56 =	vmul.f32 $2.000000030e-01, v12;
	v43 =	vld [tilespmem:s10+$0xFB0];
	v59 =	vmax.f32 v18, v58;
	v18 =	vadd.f32 $0.0e+00, v61;
	s8 =	spop (v2sf)  }
0xe9: {  	v48 =	vld [tilespmem:s10+$0x1000];
	s25 =	spop (v2sf);
	v10 =	vadd.f32 v11, v10;
	v11 =	vmul.f32 v13, v5  }
0xea: {  	v60 =	vmul.f32 $2.000000030e-01, v20;
	v44 =	vld [tilespmem:s10+$0xFC0];
	v12 =	vmax.f32 v12, v56;
	v18 =	vmul.f32 $1.442695020e+00, v18;
	s1 =	spop (v2sf)  }
0xeb: {  	v14 =	vadd.f32 v55, v42;
	s30 =	spop (v2sf);
	v0 =	vadd.f32 v11, v10;
	v10 =	vmul.f32 v12, v6;
	v11 =	vld [tilespmem:s10+$0x37C0]  }
0xec: {  	v16 =	vmax.f32 v20, v60;
	v22 =	vadd.f32 v26, v47;
	v61 =	vbroadcast v18, $0x0;
	s4 =	sadd.f32 s8, s22;
	s7 =	spop (v2sf)  }
0xed: {  	v63 =	vmul.f32 $2.000000030e-01, v14;
	s25 =	sadd.f32 s1, s25;
	s8 =	spop (v2sf);
	v0 =	vadd.f32 v10, v0;
	v10 =	vmul.f32 v59, v7  }
0xee: {  	v46 =	vld [tilespmem:s10+$0xFE0];
	(erf) = vpow2.f32 v61;
	v54 =	vadd.f32 v51, v48;
	v13 =	vadd.f32 v57, v43;
	s30 =	sadd.f32 s7, s30;
	s1 =	spop (v2sf)  }
0xef: {  	v24 =	vld [tilespmem:s10+$0x37E0];
	v14 =	vmax.f32 v14, v63;
	s22 =	sadd.f32 s1, s8;
	s29 =	spop (v2sf);
	v0 =	vadd.f32 v10, v0;
	v10 =	vmul.f32 v16, v8  }
0xf0: {  	v25 =	vmul.f32 $2.000000030e-01, v13;
	v12 =	vadd.f32 v62, v45;
	s4 =	sadd.f32 s25, s4;
	s25 =	spop (v2sf);
	v11 =	vadd.f32 v11, v44  }
0xf1: {  	v29 =	vld [tilespmem:s10+$0x3810];
	v14 =	vmul.f32 v14, v2;
	s7 =	sadd.f32 s22, s30;
	s22 =	spop (v2sf);
	v0 =	vadd.f32 v10, v0;
	v10 =	vadd.f32 v53, v40  }
0xf2: {  	v49 =	vld [tilespmem:s10+$0x1010];
	v56 =	vmul.f32 $2.000000030e-01, v54;
	v13 =	vmax.f32 v13, v25;
	s8 =	spop (v2sf);
	v27 =	vmul.f32 $2.000000030e-01, v11  }
0xf3: {  	v28 =	vmul.f32 $2.000000030e-01, v12;
	v14 =	vadd.f32 $0.0e+00, v14;
	s25 =	sadd.f32 s25, s29;
	s31 =	spop (v2sf);
	v50 =	vmul.f32 $2.000000030e-01, v10  }
0xf4: {  	s10 =	sor.u32 $0x5, s20;
	v13 =	vmul.f32 v13, v3;
	v16 =	vadd.f32 v24, v46;
	s4 =	sadd.f32 s7, s4;
	s1 =	spop (v2sf);
	v11 =	vmax.f32 v11, v27  }
0xf5: {  	v12 =	vmax.f32 v12, v28;
	s29 =	sshll.u32 s10, $0x7;
	s22 =	sadd.f32 s8, s22;
	s7 =	spop (v2sf);
	v10 =	vmax.f32 v10, v50;
	v11 =	vmul.f32 v11, v4  }
0xf6: {  	v13 =	vadd.f32 v13, v14;
	v58 =	vld [tilespmem:s29+$0x37A0];
	s1 =	sadd.f32 s1, s31;
	v50 =	vmul.f32 $2.000000030e-01, v16;
	s8 =	spop (v2sf);
	v10 =	vmul.f32 v10, v9  }
0xf7: {  	v12 =	vmul.f32 v12, v5;
	v14 =	vadd.f32 v29, v49;
	v53 =	vmul.f32 $2.000000030e-01, v22;
	v51 =	vld [tilespmem:s29+$0xFB0];
	s7 =	sadd.f32 s8, s7  }
0xf8: {  	s22 =	sadd.f32 s22, s25;
	v11 =	vadd.f32 v11, v13;
	v52 =	vmax.f32 v16, v50;
	v50 =	vld [tilespmem:s29+$0xFA0];
	v0 =	vadd.f32 v10, v0  }
0xf9: {  	v60 =	vld [tilespmem:s29+$0x37B0];
	v59 =	vmul.f32 $2.000000030e-01, v14;
	v55 =	vmax.f32 v22, v53;
	v62 =	vmov s4;
	s1 =	sadd.f32 s7, s1  }
0xfa: {  	v63 =	vld [tilespmem:s29+$0x37C0];
	v10 =	vadd.f32 v12, v11;
	v11 =	vmul.f32 v52, v6;
	v57 =	vperm.xlane v0, v41  }
0xfb: {  	v29 =	vld [tilespmem:s29+$0x37E0];
	v14 =	vmax.f32 v14, v59;
	v18 =	vadd.f32 $0.0e+00, v62;
	v13 =	vmax.f32 v54, v56;
	s1 =	sadd.f32 s1, s22  }
0xfc: {  	v54 =	vld [tilespmem:s29+$0xFE0];
	v10 =	vadd.f32 v11, v10;
	v11 =	vmul.f32 v55, v7;
	v0 =	vadd.f32 v0, v57  }
0xfd: {  	v20 =	vld [tilespmem:s29+$0x37F0];
	v26 =	vmul.f32 $1.442695020e+00, v18;
	v27 =	vmov s1;
	v12 =	vadd.f32 v58, v50  }
0xfe: {  	v53 =	vld [tilespmem:s29+$0xFD0];
	v10 =	vadd.f32 v11, v10;
	v11 =	vmul.f32 v13, v8;
	(v2sf) =	vpush v0, $0x0  }
0xff: {  	v52 =	vld [tilespmem:s29+$0xFC0];
	v16 =	vbroadcast v26, $0x0;
	v18 =	vadd.f32 $0.0e+00, v27;
	(v2sf) =	vpush v0, $0x1  }
0x100: {  	v56 =	vld [tilespmem:s29+$0x1000];
	v10 =	vadd.f32 v11, v10;
	v11 =	vmul.f32 v14, v9;
	(v2sf) =	vpush v0, $0x2  }
0x101: {  	v55 =	vld [tilespmem:s29+$0xFF0];
	v22 =	vadd.f32 v29, v54;
	v18 =	vmul.f32 $1.442695020e+00, v18;
	(v2sf) =	vpush v0, $0x3  }
0x102: {  	(erf) = vpow2.f32 v16;
	v10 =	vadd.f32 v11, v10;
	v11 =	vld [tilespmem:s29+$0x37D0];
	(v2sf) =	vpush v0, $0x4  }
0x103: {  	v13 =	vadd.f32 v60, v51;
	v24 =	vbroadcast v18, $0x0;
	v18 =	vld [tilespmem:s29+$0x3800];
	(v2sf) =	vpush v0, $0x5  }
0x104: {  	s30 =	sor.u32 $0x6, s20;
	v29 =	vmul.f32 $2.000000030e-01, v22;
	v14 =	vadd.f32 v63, v52;
	(v2sf) =	vpush v0, $0x6  }
0x105: {  	s8 =	sshll.u32 s30, $0x7;
	v28 =	vperm.xlane v10, v41;
	(v2sf) =	vpush v0, $0x7;
	v0 =	vmul.f32 $2.000000030e-01, v12  }
0x106: {  	v62 =	vld [tilespmem:s8+$0x37A0];
	v25 =	vmul.f32 $2.000000030e-01, v13;
	v20 =	vadd.f32 v20, v55;
	v26 =	vmul.f32 $2.000000030e-01, v14  }
0x107: {  	v59 =	vld [tilespmem:s8+$0xFB0];
	(erf) = vpow2.f32 v24;
	v10 =	vadd.f32 v10, v28;
	v0 =	vmax.f32 v12, v0  }
0x108: {  	v61 =	vld [tilespmem:s8+$0xFD0];
	v11 =	vadd.f32 v11, v53;
	v18 =	vadd.f32 v18, v56;
	v0 =	vmul.f32 v0, v2  }
0x109: {  	v60 =	vld [tilespmem:s8+$0xFC0];
	(v2sf) =	vpush v10, $0x0;
	v12 =	vmax.f32 v13, v25;
	v13 =	vmax.f32 v14, v26  }
0x10a: {  	v24 =	vld [tilespmem:s8+$0x37C0];
	v14 =	vmax.f32 v22, v29;
	v12 =	vmul.f32 v12, v3;
	v0 =	vadd.f32 $0.0e+00, v0  }
0x10b: {  	v58 =	vld [tilespmem:s8+$0xFA0];
	v25 =	vmul.f32 $2.000000030e-01, v20;
	(v2sf) =	vpush v10, $0x1;
	v27 =	vmul.f32 $2.000000030e-01, v11  }
0x10c: {  	v28 =	vmul.f32 v13, v4;
	v13 =	vld [tilespmem:s8+$0x37B0];
	(v2sf) =	vpush v10, $0x2;
	v0 =	vadd.f32 v12, v0  }
0x10d: {  	[tilespmem:$0x1FFC0] =	vst v23;
	v23 =	vld [tilespmem:s8+$0x1000];
	v20 =	vmax.f32 v20, v25;
	(v2sf) =	vpush v10, $0x3;
	v11 =	vmax.f32 v11, v27  }
0x10e: {  	v26 =	vld [tilespmem:s8+$0x37D0];
	(v2sf) =	vpush v10, $0x4;
	v11 =	vmul.f32 v11, v5;
	v0 =	vadd.f32 v28, v0  }
0x10f: {  	v16 =	vld [tilespmem:s29+$0x3810];
	v27 =	vmul.f32 $2.000000030e-01, v18;
	(v2sf) =	vpush v10, $0x5;
	v12 =	vadd.f32 v24, v60  }
0x110: {  	v57 =	vld [tilespmem:s29+$0x1010];
	(v2sf) =	vpush v10, $0x6;
	v0 =	vadd.f32 v11, v0;
	v11 =	vmul.f32 v14, v6  }
0x111: {  	v29 =	vld [tilespmem:s8+$0x37E0];
	v18 =	vmax.f32 v18, v27;
	v13 =	vadd.f32 v13, v59;
	v28 =	vadd.f32 v62, v58  }
0x112: {  	[tilespmem:$0x1FFF0] =	vst v1;
	v62 =	vld [tilespmem:s8+$0xFE0];
	v1 =	vmul.f32 $2.000000030e-01, v12;
	v0 =	vadd.f32 v11, v0;
	v11 =	vmul.f32 v20, v7  }
0x113: {  	v15 =	vld [tilespmem:s8+$0x1010];
	(v2sf) =	vpush v10, $0x7;
	v27 =	vmul.f32 $2.000000030e-01, v28;
	v14 =	vadd.f32 v26, v61  }
0x114: {  	s31 =	sor.u32 $0x7, s20;
	v63 =	vld [tilespmem:s8+$0xFF0];
	v10 =	vmul.f32 v18, v8;
	v12 =	vmax.f32 v12, v1;
	v0 =	vadd.f32 v11, v0  }
0x115: {  	s25 =	sshll.u32 s31, $0x7;
	v18 =	vld [tilespmem:s8+$0x37F0];
	v1 =	vmul.f32 $2.000000030e-01, v14;
	v11 =	vmax.f32 v28, v27;
	v28 =	vmul.f32 $2.000000030e-01, v13  }
0x116: {  	v26 =	vld [tilespmem:s25+$0x37B0];
	v11 =	vmul.f32 v11, v2;
	v10 =	vadd.f32 v10, v0;
	v0 =	vadd.f32 v16, v57  }
0x117: {  	v20 =	vadd.f32 v29, v62;
	v29 =	vmul.f32 v12, v4;
	v12 =	vld [tilespmem:s25+$0xFB0];
	v22 =	vmax.f32 v13, v28  }
0x118: {  	v16 =	vld [tilespmem:s8+$0x3800];
	v11 =	vadd.f32 $0.0e+00, v11;
	v22 =	vmul.f32 v22, v3;
	v24 =	vmul.f32 $2.000000030e-01, v0  }
0x119: {  	v1 =	vmax.f32 v14, v1;
	v13 =	vld [tilespmem:s25+$0xFA0]  }
0x11a: {  	v14 =	vadd.f32 v18, v63;
	v11 =	vadd.f32 v22, v11;
	v0 =	vmax.f32 v0, v24;
	v24 =	vld [tilespmem:s25+$0x37A0]  }
0x11b: {  	v25 =	vld [tilespmem:s8+$0x3810];
	v28 =	vmul.f32 $2.000000030e-01, v20  }
0x11c: {  	v1 =	vmul.f32 v1, v5;
	v27 =	vmul.f32 $2.000000030e-01, v14;
	v11 =	vadd.f32 v29, v11  }
0x11d: {  	v18 =	vmax.f32 v20, v28;
	v29 =	vmul.f32 v0, v9;
	v16 =	vadd.f32 v16, v23;
	v0 =	vld [tilespmem:s25+$0xFC0]  }
0x11e: {  	v20 =	vmax.f32 v14, v27;
	v1 =	vadd.f32 v1, v11;
	v11 =	vmul.f32 v18, v6;
	v18 =	vld [tilespmem:s25+$0x37C0]  }
0x11f: {  	v14 =	vld [tilespmem:s25+$0xFD0];
	v26 =	vadd.f32 v26, v12;
	v28 =	vmul.f32 $2.000000030e-01, v16;
	v22 =	vadd.f32 v24, v13  }
0x120: {  	v1 =	vadd.f32 v11, v1;
	v11 =	vmul.f32 v20, v7;
	v20 =	vadd.f32 v25, v15;
	v25 =	vld [tilespmem:s25+$0x37D0]  }
0x121: {  	v10 =	vadd.f32 v29, v10;
	v24 =	vmax.f32 v16, v28;
	v16 =	vld [tilespmem:s25+$0xFE0];
	v27 =	vmul.f32 $2.000000030e-01, v22  }
0x122: {  	v28 =	vld [tilespmem:s25+$0x37E0];
	v1 =	vadd.f32 v11, v1;
	v11 =	vmul.f32 v24, v8;
	v24 =	vmul.f32 $2.000000030e-01, v20  }
0x123: {  	v29 =	vmul.f32 $2.000000030e-01, v26;
	v22 =	vmax.f32 v22, v27;
	v27 =	vadd.f32 v18, v0;
	v18 =	vld [tilespmem:s25+$0xFF0]  }
0x124: {  	v1 =	vadd.f32 v11, v1;
	v11 =	vmax.f32 v20, v24;
	v20 =	vmul.f32 v22, v2;
	v22 =	vld [tilespmem:s25+$0x37F0]  }
0x125: {  	v24 =	vmax.f32 v26, v29;
	v25 =	vadd.f32 v25, v14;
	v26 =	vmul.f32 $2.000000030e-01, v27  }
0x126: {  	v11 =	vmul.f32 v11, v9;
	v24 =	vmul.f32 v24, v3;
	v29 =	vadd.f32 $0.0e+00, v20  }
0x127: {  	v26 =	vmax.f32 v27, v26;
	v27 =	vadd.f32 v28, v16;
	v28 =	vmul.f32 $2.000000030e-01, v25  }
0x128: {  	v1 =	vadd.f32 v11, v1;
	v11 =	vadd.f32 v24, v29;
	v24 =	vmul.f32 v26, v4  }
0x129: {  	v20 =	vld [tilespmem:s25+$0x1000];
	v25 =	vmax.f32 v25, v28;
	v28 =	vadd.f32 v22, v18;
	v29 =	vmul.f32 $2.000000030e-01, v27  }
0x12a: {  	v26 =	vld [tilespmem:s25+$0x3800];
	v11 =	vadd.f32 v24, v11;
	v24 =	vmul.f32 v25, v5  }
0x12b: {  	v25 =	vperm.xlane v10, v41;
	v22 =	vmax.f32 v27, v29;
	v29 =	vmul.f32 $2.000000030e-01, v28;
	_ =	sdelay $0x1  }
0x12c: {  	v10 =	vadd.f32 v10, v25;
	v25 =	vmax.f32 v28, v29  }
0x12d: {  	v11 =	vadd.f32 v24, v11;
	v24 =	vmul.f32 v22, v6  }
0x12e: {  	v26 =	vadd.f32 v26, v20  }
0x12f: {  	s8 =	smul.u32 $0x240, s20;
	v11 =	vadd.f32 v24, v11;
	v24 =	vmul.f32 v25, v7;
	v25 =	vpop (erf)  }
0x130: {  	v28 =	vmul.f32 $2.000000030e-01, v26;
	v17 =	vmul.f32 v25, v17  }
0x131: {  	s1 =	spop (v2sf);
	s22 =	sshra.s32 s8, $0x2;
	v29 =	vld [tilespmem:$0x1FEE0]  }
0x132: {  	s4 =	spop (v2sf);
	v27 =	vperm.xlane v1, v41;
	[tilespmem:s22+$0x5FA0] =	vst v17;
	v17 =	vmax.f32 v26, v28;
	v28 =	vld [tilespmem:$0x1FEF0]  }
0x133: {  	s7 =	spop (v2sf);
	v22 =	vld [tilespmem:s25+$0x1010]  }
0x134: {  	v1 =	vadd.f32 v1, v27;
	v27 =	vld [tilespmem:s25+$0x3810];
	s25 =	spop (v2sf);
	(v2sf) =	vpush v10, $0x0  }
0x135: {  	s29 =	spop (v2sf);
	(v2sf) =	vpush v10, $0x1  }
0x136: {  	s8 =	spop (v2sf);
	v11 =	vadd.f32 v24, v11;
	(v2sf) =	vpush v10, $0x2;
	v24 =	vmul.f32 v25, v29;
	v29 =	vld [tilespmem:$0x1FF00]  }
0x137: {  	(v2sf) =	vpush v10, $0x3;
	v26 =	vmul.f32 v25, v28;
	v28 =	vld [tilespmem:$0x1FF10]  }
0x138: {  	s1 =	sadd.f32 s4, s1;
	s4 =	spop (v2sf);
	(v2sf) =	vpush v10, $0x4  }
0x139: {  	s7 =	sadd.f32 s25, s7;
	s25 =	spop (v2sf);
	(v2sf) =	vpush v10, $0x5;
	v17 =	vmul.f32 v17, v8  }
0x13a: {  	(v2sf) =	vpush v10, $0x6  }
0x13b: {  	s1 =	sadd.f32 s7, s1;
	s7 =	spop (v2sf);
	[tilespmem:s22+$0x5FB0] =	vst v24;
	(v2sf) =	vpush v10, $0x7;
	v10 =	vadd.f32 v17, v11;
	v11 =	vld [tilespmem:$0x1FF30]  }
0x13c: {  	v24 =	vmul.f32 v25, v29;
	v29 =	vld [tilespmem:$0x1FF20];
	[tilespmem:s22+$0x5FC0] =	vst v26;
	v26 =	vmul.f32 v25, v28  }
0x13d: {  	s8 =	sadd.f32 s8, s29  }
0x13e: {  	v27 =	vadd.f32 v27, v22;
	s4 =	sadd.f32 s25, s4;
	[tilespmem:s22+$0x5FE0] =	vst v26;
	v26 =	vld [tilespmem:$0x1FF40];
	_ =	sdelay $0x1  }
0x13f: {  	s4 =	sadd.f32 s4, s8;
	s8 =	spop (v2sf);
	v11 =	vmul.f32 v25, v11;
	v28 =	vmul.f32 $2.000000030e-01, v27  }
0x140: {  	s25 =	spop (v2sf);
	(v2sf) =	vpush v1, $0x0;
	[tilespmem:s22+$0x5FD0] =	vst v24;
	v24 =	vmul.f32 v25, v29  }
0x141: {  	s1 =	sadd.f32 s4, s1;
	s4 =	spop (v2sf);
	(v2sf) =	vpush v1, $0x1;
	[tilespmem:s22+$0x6000] =	vst v11;
	v29 =	vmax.f32 v27, v28;
	v28 =	vld [tilespmem:$0x1FF50]  }
0x142: {  	s29 =	spop (v2sf);
	(v2sf) =	vpush v1, $0x2;
	v11 =	vnsel vm0, $0x0, v25;
	[tilespmem:s22+$0x5FF0] =	vst v24;
	v17 =	vmul.f32 v25, v26  }
0x143: {  	s7 =	sadd.f32 s8, s7;
	(v2sf) =	vpush v1, $0x3;
	[tilespmem:s22+$0x6020] =	vst v11;
	v11 =	vmov s1;
	s1 =	spop (v2sf)  }
0x144: {  	s4 =	sadd.f32 s4, s25;
	(v2sf) =	vpush v1, $0x4;
	[tilespmem:s22+$0x6010] =	vst v17;
	s22 =	spop (v2sf)  }
0x145: {  	v24 =	vmul.f32 v29, v9;
	v29 =	vld [tilespmem:$0x1FF60];
	v26 =	vpop (erf);
	(v2sf) =	vpush v1, $0x5;
	s25 =	spop (v2sf)  }
0x146: {  	s4 =	sadd.f32 s4, s7;
	v17 =	vmul.f32 v26, v28;
	v28 =	vld [tilespmem:$0x1FF80];
	s7 =	spop (v2sf);
	(v2sf) =	vpush v1, $0x6  }
0x147: {  	(v2sf) =	vpush v1, $0x7;
	v1 =	vld [tilespmem:$0x1FFB0]  }
0x148: {  	v27 =	vld [tilespmem:$0x1FF70]  }
0x149: {  	v10 =	vadd.f32 v24, v10  }
0x14a: {  	s2 =	smul.u32 $0x240, s2;
	v11 =	vadd.f32 $0.0e+00, v11;
	v25 =	vmul.f32 v26, v29  }
0x14b: {  	v29 =	vperm.xlane v10, v41;
	v24 =	vmul.f32 v26, v28;
	v28 =	vld [tilespmem:$0x1FF90]  }
0x14c: {  	s2 =	sshra.s32 s2, $0x2;
	v11 =	vmul.f32 $1.442695020e+00, v11;
	v1 =	vmul.f32 v26, v1  }
0x14d: {  	s1 =	sadd.f32 s1, s29;
	v10 =	vadd.f32 v10, v29;
	v29 =	vld [tilespmem:$0x1FFA0];
	[tilespmem:s2+$0x5FA0] =	vst v17;
	v17 =	vmul.f32 v26, v27  }
0x14e: {  	v11 =	vbroadcast v11, $0x0;
	[tilespmem:s2+$0x5FB0] =	vst v25;
	s8 =	sadd.f32 s25, s22;
	v27 =	vld [tilespmem:$0x1FFC0]  }
0x14f: {  	[tilespmem:s2+$0x5FC0] =	vst v17  }
0x150: {  	s22 =	spop (v2sf);
	s1 =	sadd.f32 s8, s1;
	v17 =	vmul.f32 v26, v28;
	[tilespmem:s2+$0x6000] =	vst v1;
	v28 =	vld [tilespmem:$0x1FFD0];
	v1 =	vpop (erf);
	(erf) = vpow2.f32 v11;
	v11 =	vnsel vm0, $0x0, v26  }
0x151: {  	s29 =	smul.u32 $0x240, s21;
	s21 =	spop (v2sf);
	[tilespmem:s2+$0x6020] =	vst v11;
	v11 =	vld [tilespmem:$0x1FFE0]  }
0x152: {  	(v2sf) =	vpush v10, $0x0;
	s1 =	sadd.f32 s1, s4;
	s4 =	spop (v2sf);
	[tilespmem:s2+$0x5FD0] =	vst v24;
	v24 =	vmul.f32 v26, v29  }
0x153: {  	(v2sf) =	vpush v10, $0x1;
	s25 =	spop (v2sf);
	[tilespmem:s2+$0x5FE0] =	vst v17;
	v17 =	vmul.f32 v26, v27  }
0x154: {  	(v2sf) =	vpush v10, $0x2;
	s8 =	spop (v2sf);
	[tilespmem:s2+$0x5FF0] =	vst v24;
	v27 =	vld [tilespmem:$0x1FFF0]  }
0x155: {  	(v2sf) =	vpush v10, $0x3;
	[tilespmem:s2+$0x6010] =	vst v17;
	s2 =	sshra.s32 s29, $0x2;
	s29 =	spop (v2sf);
	v17 =	vmul.f32 v1, v28  }
0x156: {  	s7 =	sadd.f32 s22, s7;
	s22 =	spop (v2sf);
	(v2sf) =	vpush v10, $0x4;
	v11 =	vmul.f32 v1, v11  }
0x157: {  	s4 =	sadd.f32 s4, s21;
	v29 =	vmov s1;
	v28 =	vmul.f32 v1, v19;
	s21 =	spop (v2sf);
	(v2sf) =	vpush v10, $0x5;
	[tilespmem:s2+$0x5FA0] =	vst v17  }
0x158: {  	v24 =	vadd.f32 $0.0e+00, v29;
	s1 =	sadd.f32 s8, s25;
	s25 =	spop (v2sf);
	(v2sf) =	vpush v10, $0x6;
	[tilespmem:s2+$0x5FB0] =	vst v11;
	v11 =	vmul.f32 v1, v21  }
0x159: {  	v17 =	vmul.f32 v1, v27;
	[tilespmem:s2+$0x5FE0] =	vst v28;
	(v2sf) =	vpush v10, $0x7;
	v10 =	vmul.f32 v1, v31  }
0x15a: {  	[tilespmem:s2+$0x5FD0] =	vst v11;
	v11 =	vmul.f32 v1, v30  }
0x15b: {  	v29 =	vmul.f32 $1.442695020e+00, v24;
	[tilespmem:s2+$0x5FC0] =	vst v17  }
0x15c: {  	s8 =	sadd.f32 s22, s29;
	[tilespmem:s2+$0x5FF0] =	vst v11;
	v11 =	vmul.f32 v1, v32  }
0x15d: {  	s23 =	smul.u32 $0x240, s23;
	s4 =	sadd.f32 s4, s7;
	v31 =	vbroadcast v29, $0x0;
	[tilespmem:s2+$0x6000] =	vst v10;
	v10 =	vpop (erf)  }
0x15e: {  	s1 =	sadd.f32 s8, s1;
	v1 =	vnsel vm0, $0x0, v1;
	[tilespmem:s2+$0x6010] =	vst v11;
	v11 =	vmul.f32 v10, v34  }
0x15f: {  	(erf) = vpow2.f32 v31;
	[tilespmem:s2+$0x6020] =	vst v1;
	s2 =	sshra.s32 s23, $0x2  }
0x160: {  	s1 =	sadd.f32 s1, s4;
	[tilespmem:s2+$0x5FA0] =	vst v11;
	v11 =	vmul.f32 v10, v33  }
0x161: {  	s22 =	spop (v2sf)  }
0x162: {  	s29 =	spop (v2sf);
	v1 =	vmov s1;
	[tilespmem:s2+$0x5FC0] =	vst v11;
	v11 =	vmul.f32 v10, v37  }
0x163: {  	s4 =	spop (v2sf);
	v1 =	vadd.f32 $0.0e+00, v1  }
0x164: {  	s7 =	sadd.f32 s25, s21;
	s1 =	spop (v2sf);
	[tilespmem:s2+$0x5FE0] =	vst v11;
	v11 =	vmul.f32 v10, v39  }
0x165: {  	s8 =	sadd.f32 s29, s22;
	s25 =	spop (v2sf);
	v1 =	vmul.f32 $1.442695020e+00, v1  }
0x166: {  	v35 =	vmul.f32 v10, v35;
	s1 =	sadd.f32 s1, s4;
	s29 =	spop (v2sf)  }
0x167: {  	s12 =	smul.u32 $0x240, s12;
	v36 =	vmul.f32 v10, v36;
	s21 =	sadd.f32 s29, s25;
	v1 =	vbroadcast v1, $0x0  }
0x168: {  	s7 =	sadd.f32 s8, s7;
	v38 =	vmul.f32 v10, v38;
	v40 =	vmul.f32 v10, v40;
	s23 =	spop (v2sf);
	[tilespmem:s2+$0x6000] =	vst v11;
	v11 =	vpop (erf)  }
0x169: {  	s25 =	spop (v2sf);
	s1 =	sadd.f32 s21, s1;
	(erf) = vpow2.f32 v1;
	v1 =	vnsel vm0, $0x0, v10;
	v10 =	vmul.f32 v11, v42  }
0x16a: {  	[tilespmem:s2+$0x5FB0] =	vst v35;
	s22 =	sadd.f32 s25, s23;
	s25 =	sshra.s32 s12, $0x2  }
0x16b: {  	s1 =	sadd.f32 s1, s7;
	[tilespmem:s25+$0x5FA0] =	vst v10;
	v10 =	vmul.f32 v11, v44  }
0x16c: {  	s8 =	spop (v2sf);
	[tilespmem:s2+$0x6020] =	vst v1  }
0x16d: {  	s29 =	spop (v2sf);
	v1 =	vmov s1;
	[tilespmem:s25+$0x5FC0] =	vst v10;
	v10 =	vmul.f32 v11, v46  }
0x16e: {  	[tilespmem:s2+$0x5FD0] =	vst v36;
	s7 =	spop (v2sf);
	v1 =	vadd.f32 $0.0e+00, v1  }
0x16f: {  	s23 =	spop (v2sf);
	[tilespmem:s25+$0x5FE0] =	vst v10;
	v10 =	vmul.f32 v11, v48  }
0x170: {  	[tilespmem:s2+$0x5FF0] =	vst v38;
	s8 =	sadd.f32 s29, s8;
	s29 =	spop (v2sf);
	v43 =	vmul.f32 v11, v43;
	v1 =	vmul.f32 $1.442695020e+00, v1  }
0x171: {  	[tilespmem:s2+$0x6010] =	vst v40;
	s21 =	spop (v2sf);
	s2 =	sadd.f32 s23, s7  }
0x172: {  	v45 =	vmul.f32 v11, v45;
	s7 =	sadd.f32 s21, s29;
	[tilespmem:s25+$0x5FB0] =	vst v43;
	v1 =	vbroadcast v1, $0x0  }
0x173: {  	v47 =	vmul.f32 v11, v47;
	s1 =	sadd.f32 s8, s22;
	v49 =	vmul.f32 v11, v49;
	s22 =	smul.u32 $0x240, s10;
	[tilespmem:s25+$0x6000] =	vst v10;
	v10 =	vpop (erf)  }
0x174: {  	[tilespmem:s25+$0x5FD0] =	vst v45;
	(erf) = vpow2.f32 v1;
	v1 =	vnsel vm0, $0x0, v11;
	v11 =	vmul.f32 v10, v50  }
0x175: {  	s2 =	sadd.f32 s7, s2;
	[tilespmem:s25+$0x5FF0] =	vst v47;
	s23 =	sshra.s32 s22, $0x2  }
0x176: {  	[tilespmem:s23+$0x5FA0] =	vst v11;
	v11 =	vmul.f32 v10, v52  }
0x177: {  	s1 =	sadd.f32 s2, s1;
	[tilespmem:s25+$0x6020] =	vst v1;
	v1 =	vmul.f32 v10, v51  }
0x178: {  	[tilespmem:s23+$0x5FC0] =	vst v11;
	v11 =	vmul.f32 v10, v54  }
0x179: {  	v51 =	vmov s1;
	[tilespmem:s23+$0x5FB0] =	vst v1;
	v1 =	vmul.f32 v10, v53  }
0x17a: {  	v17 =	vadd.f32 $0.0e+00, v51;
	[tilespmem:s23+$0x5FE0] =	vst v11;
	v11 =	vmul.f32 v10, v56  }
0x17b: {  	[tilespmem:s23+$0x5FD0] =	vst v1;
	v1 =	vmul.f32 v10, v55  }
0x17c: {  	[tilespmem:s25+$0x6010] =	vst v49;
	v17 =	vmul.f32 $1.442695020e+00, v17  }
0x17d: {  	[tilespmem:s23+$0x5FF0] =	vst v1;
	v1 =	vmul.f32 v10, v57  }
0x17e: {  	s25 =	smul.u32 $0x240, s30;
	v17 =	vbroadcast v17, $0x0;
	[tilespmem:s23+$0x6000] =	vst v11;
	v11 =	vpop (erf)  }
0x17f: {  	[tilespmem:s23+$0x6010] =	vst v1;
	v1 =	vnsel vm0, $0x0, v10;
	v10 =	vmul.f32 v11, v58  }
0x180: {  	s1 =	sshra.s32 s25, $0x2;
	(erf) = vpow2.f32 v17  }
0x181: {  	[tilespmem:s1+$0x5FA0] =	vst v10;
	v10 =	vmul.f32 v11, v60  }
0x182: {  	[tilespmem:s23+$0x6020] =	vst v1;
	v1 =	vmul.f32 v11, v59  }
0x183: {  	[tilespmem:s1+$0x5FC0] =	vst v10;
	v10 =	vmul.f32 v11, v62  }
0x184: {  	[tilespmem:s1+$0x5FB0] =	vst v1;
	v1 =	vmul.f32 v11, v61  }
0x185: {  	[tilespmem:s1+$0x5FE0] =	vst v10;
	v10 =	vmul.f32 v11, v23  }
0x186: {  	[tilespmem:s1+$0x5FD0] =	vst v1;
	v1 =	vmul.f32 v11, v63;
	_ =	sdelay $0x1  }
0x187: {  	[tilespmem:s1+$0x5FF0] =	vst v1;
	v1 =	vmul.f32 v11, v15  }
0x188: {  	s29 =	smul.u32 $0x240, s31;
	[tilespmem:s1+$0x6000] =	vst v10;
	v10 =	vpop (erf)  }
0x189: {  	[tilespmem:s1+$0x6010] =	vst v1;
	v1 =	vnsel vm0, $0x0, v11;
	v11 =	vmul.f32 v10, v13  }
0x18a: {  	s30 =	sshra.s32 s29, $0x2;
	[tilespmem:s1+$0x6020] =	vst v1;
	v1 =	vmul.f32 v10, v12  }
0x18b: {  	v0 =	vmul.f32 v10, v0;
	[tilespmem:s30+$0x5FA0] =	vst v11  }
0x18c: {  	[tilespmem:s30+$0x5FB0] =	vst v1;
	v1 =	vmul.f32 v10, v14  }
0x18d: {  	[tilespmem:s30+$0x5FC0] =	vst v0;
	v0 =	vmul.f32 v10, v16  }
0x18e: {  	p1 =	slt.u32 s20, $0x20;
	[tilespmem:s30+$0x5FD0] =	vst v1;
	v1 =	vmul.f32 v10, v18  }
.Ltmp3:
0x18f: {  	[tilespmem:s30+$0x5FE0] =	vst v0;
	v0 =	vmul.f32 v10, v20;
	(pc) =	sbr.rel @p1 .LBB2_8-.Ltmp3, $4  }
0x190: {  	[tilespmem:s30+$0x5FF0] =	vst v1  }
0x191: {  	v1 =	vmul.f32 v10, v22;
	[tilespmem:s30+$0x6000] =	vst v0;
	v0 =	vnsel vm0, $0x0, v10  }
0x192: {  	s31 =	sadd.s32 $0x8, s20;
	[tilespmem:s30+$0x6020] =	vst v0  }
0x193: {  	s20 =	smov.u32 s31;
	[tilespmem:s30+$0x6010] =	vst v1  }
0x194: {  	s1 =	sand.u32 $0x1, s15;
	s2 =	smul.u32 $0xA0, s19  }
0x195: {  	p1 =	seq.s32 s1, $0x1;
	s1 =	simm.s32 $0x3E8  }
0x196: {  	s1 =	simm.s32 @!p1 $0x0;
	s2 =	sshrl.u32 s2, $0x2;
	p1 =	sgt.u32 s17, $0xE0  }
0x197: {  	s1 =	sadd.s32 s2, s1;
	s2 =	sand.u32 @!p1 $0xFF, s18  }
0x198: {  	p2 =	sne.s32 @!p1 s2, $0x2  }
0x199: {  	p2 =	por p1, p2  }
.Ltmp4:
0x19a: {  	_ = 	snop;
	(pc) =	sbr.rel @p2 .LBB2_11-.Ltmp4, $3  }
0x19b: {  	_ =	sdelay $0x1  }
0x19c: {  	s20 =	rddreg [dreg:$0x3];
	s31 =	simm.s32 $0x5FA0;
	s1 =	sadd.s32 $0x7D0, s1  }
0x19d: {  	[spmem:s20] =	stream.indirect.scatter.add.f32 [tilespmem:s31], [sflag:$0x5], $0x90, s1, s26, $0xb8;
	[tilespmem:$0x1F520] =	vst v63  }
0x19e: {  	s1 =	sadd.s32 $0x1, s16  }
0x19f: {  	s2 =	smul.u32 $0x3E8, s1  }
0x1a0: {  	s4 =	rddreg [dreg:$0x6];
	s1 =	sand.u32 $0x1, s1  }
0x1a1: {  	s30 =	rddreg [dreg:$0x5];
	p1 =	seq.s32 s1, $0x1;
	s2 =	sadd.s32 s4, s2  }
.Ltmp5:
0x1a2: {  	s1 =	simm.s32 $0x3E8;
	s2 =	sshrl.u32 s2, $0x3;
	(pc) =	sbr.rel .LBB2_12-.Ltmp5, $4  }
0x1a3: {  	s31 =	rddreg [dreg:$0x7];
	s1 =	simm.s32 @!p1 $0x0;
	s4 =	sadd.s32 s30, s2  }
0x1a4: {  	[tilespmem:s1], [sflag:$0x7] =	stream.linear.gather [hbm4b:s4+s5], $0x3E8, $0x38;
	[tilespmem:$0x1F520] =	vst v63  }
0x1a5: {  	s19 =	smov.u32 s9;
	s2 =	sadd.s32 s31, s2;
	s1 =	sadd.s32 $0x7D0, s1  }
0x1a6: {  	[tilespmem:s1], [sflag:$0x7] =	stream.linear.gather [hbm4b:s2+s5], $0x3E8, $0x38;
	[tilespmem:$0x1F520] =	vst v63  }
.LBB2_11:
0x1a7: {  	p2 =	sne.s32 @!p1 s2, $0x16  }
0x1a8: {  	p1 =	por p2, p1  }
0x1a9: {  	s1 =	simm.s32 @!p1 $0x7  }
0x1aa: {  	_ =	swait.ge @!p1 [sflag:s1], $0x3E8  }
0x1ab: {  	[sflag:s1] =	ssyncset.done @!p1 $0x0  }
0x1ac: {  	[sflag:s1] =	ssyncadd.s32 @!p1 $0xFFFFFC18  }
0x1ad: {  	_ =	swait.ge @!p1 [sflag:s1], $0x3E8  }
0x1ae: {  	[sflag:s1] =	ssyncset.done @!p1 $0x0  }
0x1af: {  	s19 =	smov.u32 s9;
	[sflag:s1] =	ssyncadd.s32 @!p1 $0xFFFFFC18  }
.LBB2_12:
0x1b0: {  	p1 =	seq.s32 s11, $0x7C  }
0x1b1: {  	s1 =	sadd.s32 @!p1 $0x2, s14  }
0x1b2: {  	s2 =	smulhi.u32 @!p1 $0x51EB851F, s1;
	_ =	sdelay $0x1  }
0x1b3: {  	s2 =	sshrl.u32 @!p1 s2, $0x3  }
0x1b4: {  	s4 =	smul.u32 @!p1 $0x19, s2  }
0x1b5: {  	s2 =	sand.u32 @!p1 $0x1, s2  }
0x1b6: {  	p2 =	seq.s32 @!p1 s2, $0x1;
	s1 =	ssub.s32 @!p1 s1, s4  }
0x1b7: {  	s2 =	simm.s32 @!p1 $0x3E8;
	p2 =	por !p2, p1;
	s1 =	smul.u32 @!p1 $0x28, s1  }
0x1b8: {  	s2 =	simm.s32 @p2 $0x0  }
0x1b9: {  	s4 =	simm.s32 @!p1 $0xFA0;
	s1 =	sadd.s32 @!p1 s1, s2;
	s2 =	simm.s32 @!p1 $0x28  }
0x1ba: {  	[tilespmem:s4], [sflag:$0x1] =	stream.indirect.gather @!p1 [hbm4b:s19+s2], $0x80, s1, s2, $0xb8;
	[tilespmem:$0x1F520] =	vst v63  }
0x1bb: {  	s1 =	sadd.s32 @!p1 $0x7D0, s1;
	s4 =	simm.s32 @!p1 $0x37A0  }
0x1bc: {  	[tilespmem:s4], [sflag:$0x3] =	stream.indirect.gather @!p1 [hbm4b:s6+s2], $0x80, s1, s2, $0xb8;
	[tilespmem:$0x1F520] =	vst v63  }
0x1bd: {  	_ =	swait.ge [sflag:s24], $0x1400  }
0x1be: {  	[sflag:s24] =	ssyncset.done $0x0  }
0x1bf: {  	[sflag:s24] =	ssyncadd.s32 $0xFFFFEC00  }
0x1c0: {  	_ =	swait.ge [sflag:s28], $0x1400  }
0x1c1: {  	[sflag:s28] =	ssyncset.done $0x0  }
0x1c2: {  	s1 =	simm.s32 @!p0 $0x6;
	[sflag:s28] =	ssyncadd.s32 $0xFFFFEC00  }
0x1c3: {  	_ =	swait.ge @!p0 [sflag:s1], $0x1680  }
0x1c4: {  	[sflag:s1] =	ssyncset.done @!p0 $0x0  }
0x1c5: {  	s14 =	simm.s32 $0x0;
	[sflag:s1] =	ssyncadd.s32 @!p0 $0xFFFFE980  }
.LBB2_13:
0x1c6: {  	s2 =	sshll.u32 s14, $0x7  }
0x1c7: {  	v25 =	vld [tilespmem:s2+$0x23A0]  }
0x1c8: {  	v0 =	vld [tilespmem:s2+$0x4BA0]  }
0x1c9: {  	v27 =	vld [tilespmem:s2+$0x23B0]  }
0x1ca: {  	v1 =	vld [tilespmem:s2+$0x4BB0]  }
0x1cb: {  	v15 =	vld [tilespmem:s2+$0x23C0]  }
0x1cc: {  	v10 =	vld [tilespmem:s2+$0x4BC0]  }
0x1cd: {  	v14 =	vld [tilespmem:s2+$0x23D0]  }
0x1ce: {  	v11 =	vld [tilespmem:s2+$0x4BD0]  }
0x1cf: {  	v16 =	vld [tilespmem:s2+$0x23E0]  }
0x1d0: {  	v13 =	vld [tilespmem:s2+$0x4BE0];
	v0 =	vadd.f32 v0, v25  }
0x1d1: {  	v18 =	vld [tilespmem:s2+$0x23F0]  }
0x1d2: {  	v40 =	vld [tilespmem:s2+$0x4BF0];
	v1 =	vadd.f32 v1, v27;
	v12 =	vmul.f32 $2.000000030e-01, v0  }
0x1d3: {  	v43 =	vld [tilespmem:s2+$0x2400]  }
0x1d4: {  	v17 =	vld [tilespmem:s2+$0x4C00];
	v10 =	vadd.f32 v10, v15;
	v39 =	vmul.f32 $2.000000030e-01, v1;
	v0 =	vmax.f32 v0, v12  }
0x1d5: {  	v45 =	vld [tilespmem:s2+$0x2410];
	v0 =	vmul.f32 v0, v2  }
0x1d6: {  	v49 =	vld [tilespmem:s2+$0x2420];
	v11 =	vadd.f32 v11, v14;
	v42 =	vmul.f32 $2.000000030e-01, v10;
	v1 =	vmax.f32 v1, v39  }
0x1d7: {  	v51 =	vld [tilespmem:s2+$0x2430];
	v1 =	vmul.f32 v1, v3;
	v0 =	vadd.f32 $0.0e+00, v0  }
0x1d8: {  	v52 =	vld [tilespmem:s2+$0x4C30];
	v13 =	vadd.f32 v13, v16;
	v44 =	vmul.f32 $2.000000030e-01, v11;
	v10 =	vmax.f32 v10, v42  }
0x1d9: {  	v0 =	vadd.f32 v1, v0;
	v1 =	vmul.f32 v10, v4;
	v10 =	vld [tilespmem:s2+$0x4C10]  }
0x1da: {  	v54 =	vld [tilespmem:s2+$0x2440];
	[tilespmem:$0x1FDC0] =	vst v15;
	v15 =	vadd.f32 v40, v18;
	v46 =	vmul.f32 $2.000000030e-01, v13;
	v11 =	vmax.f32 v11, v44  }
0x1db: {  	v55 =	vld [tilespmem:s2+$0x4C40];
	v0 =	vadd.f32 v1, v0;
	v1 =	vmul.f32 v11, v5  }
0x1dc: {  	v56 =	vld [tilespmem:s2+$0x2450];
	v48 =	vadd.f32 v17, v43;
	v47 =	vmul.f32 $2.000000030e-01, v15;
	v11 =	vmax.f32 v13, v46  }
0x1dd: {  	v0 =	vadd.f32 v1, v0;
	v1 =	vmul.f32 v11, v6;
	v11 =	vld [tilespmem:s2+$0x4C20]  }
0x1de: {  	v22 =	vld [tilespmem:s2+$0x2460];
	v50 =	vmul.f32 $2.000000030e-01, v48;
	v12 =	vmax.f32 v15, v47;
	v10 =	vadd.f32 v10, v45  }
0x1df: {  	v58 =	vld [tilespmem:s2+$0x2470];
	v0 =	vadd.f32 v1, v0;
	v1 =	vmul.f32 v12, v7  }
0x1e0: {  	v19 =	vld [tilespmem:s2+$0x4C70];
	v13 =	vmax.f32 v48, v50;
	v53 =	vmul.f32 $2.000000030e-01, v10  }
0x1e1: {  	v61 =	vld [tilespmem:s2+$0x2480];
	v0 =	vadd.f32 v1, v0;
	v1 =	vmul.f32 v13, v8  }
0x1e2: {  	v62 =	vld [tilespmem:s2+$0x4C80];
	v10 =	vmax.f32 v10, v53;
	v11 =	vadd.f32 v11, v49  }
0x1e3: {  	v0 =	vadd.f32 v1, v0;
	v1 =	vmul.f32 v10, v9;
	v10 =	vld [tilespmem:s2+$0x4C50]  }
0x1e4: {  	v24 =	vld [tilespmem:s2+$0x24A0];
	v12 =	vadd.f32 v52, v51;
	v57 =	vmul.f32 $2.000000030e-01, v11  }
0x1e5: {  	v0 =	vadd.f32 v1, v0;
	v1 =	vld [tilespmem:s2+$0x4C60]  }
0x1e6: {  	v28 =	vld [tilespmem:s2+$0x4CA0];
	v60 =	vmul.f32 $2.000000030e-01, v12;
	v13 =	vadd.f32 v55, v54;
	v11 =	vmax.f32 v11, v57  }
0x1e7: {  	v19 =	vadd.f32 v19, v58;
	v17 =	vadd.f32 v62, v61;
	v11 =	vmul.f32 v11, v2  }
0x1e8: {  	v12 =	vmax.f32 v12, v60;
	v63 =	vmul.f32 $2.000000030e-01, v13;
	v10 =	vadd.f32 v10, v56  }
0x1e9: {  	v32 =	vmul.f32 $2.000000030e-01, v19;
	v12 =	vmul.f32 v12, v3;
	v11 =	vadd.f32 $0.0e+00, v11  }
0x1ea: {  	v20 =	vld [tilespmem:s2+$0x2490];
	v13 =	vmax.f32 v13, v63;
	v23 =	vmul.f32 $2.000000030e-01, v10;
	v1 =	vadd.f32 v1, v22  }
0x1eb: {  	v21 =	vld [tilespmem:s2+$0x4C90];
	v26 =	vmul.f32 v13, v4;
	v13 =	vadd.f32 v28, v24;
	v11 =	vadd.f32 v12, v11  }
0x1ec: {  	v30 =	vld [tilespmem:s2+$0x24B0];
	v59 =	vperm.xlane v0, v41;
	v10 =	vmax.f32 v10, v23;
	v29 =	vmul.f32 $2.000000030e-01, v1  }
0x1ed: {  	v31 =	vld [tilespmem:s2+$0x4CB0];
	v37 =	vmul.f32 $2.000000030e-01, v13;
	v11 =	vadd.f32 v26, v11;
	v10 =	vmul.f32 v10, v5  }
0x1ee: {  	v33 =	vld [tilespmem:s2+$0x24C0];
	v34 =	vmul.f32 $2.000000030e-01, v17;
	v0 =	vadd.f32 v0, v59;
	v1 =	vmax.f32 v1, v29  }
0x1ef: {  	v13 =	vmax.f32 v13, v37;
	v10 =	vadd.f32 v10, v11;
	v1 =	vmul.f32 v1, v6;
	v11 =	vld [tilespmem:s2+$0x4CC0]  }
0x1f0: {  	v35 =	vld [tilespmem:s2+$0x24D0];
	v15 =	vmax.f32 v19, v32;
	(v2sf) =	vpush v0, $0x0;
	v13 =	vmul.f32 v13, v2  }
0x1f1: {  	v36 =	vld [tilespmem:s2+$0x4CD0];
	(v2sf) =	vpush v0, $0x1;
	v1 =	vadd.f32 v1, v10;
	v10 =	vmul.f32 v15, v7  }
0x1f2: {  	v17 =	vmax.f32 v17, v34;
	v12 =	vadd.f32 v31, v30;
	(v2sf) =	vpush v0, $0x2  }
0x1f3: {  	v38 =	vld [tilespmem:s2+$0x4CE0];
	v13 =	vadd.f32 $0.0e+00, v13;
	v1 =	vadd.f32 v10, v1;
	v10 =	vmul.f32 v17, v8  }
0x1f4: {  	v28 =	vld [tilespmem:s2+$0x24E0];
	v39 =	vmul.f32 $2.000000030e-01, v12;
	(v2sf) =	vpush v0, $0x3;
	v11 =	vadd.f32 v11, v33  }
0x1f5: {  	v40 =	vld [tilespmem:s2+$0x4CF0];
	v1 =	vadd.f32 v10, v1;
	v10 =	vadd.f32 v21, v20  }
0x1f6: {  	v29 =	vld [tilespmem:s2+$0x24F0];
	(v2sf) =	vpush v0, $0x4;
	v12 =	vmax.f32 v12, v39;
	v15 =	vadd.f32 v36, v35  }
0x1f7: {  	[tilespmem:$0x1FE00] =	vst v43;
	v26 =	vld [tilespmem:s2+$0x2500];
	(v2sf) =	vpush v0, $0x5;
	v42 =	vmul.f32 $2.000000030e-01, v11;
	v34 =	vmul.f32 $2.000000030e-01, v10  }
0x1f8: {  	[tilespmem:$0x1FED0] =	vst v35;
	v12 =	vmul.f32 v12, v3;
	v35 =	vld [tilespmem:s2+$0x4D00];
	(v2sf) =	vpush v0, $0x6;
	v43 =	vmul.f32 $2.000000030e-01, v15  }
0x1f9: {  	[tilespmem:$0x1FDE0] =	vst v16;
	v44 =	vld [tilespmem:s2+$0x4D10];
	v17 =	vadd.f32 v38, v28;
	v11 =	vmax.f32 v11, v42;
	v10 =	vmax.f32 v10, v34  }
0x1fa: {  	[tilespmem:$0x1FEA0] =	vst v24;
	v24 =	vld [tilespmem:s2+$0x2510];
	v12 =	vadd.f32 v12, v13;
	v11 =	vmul.f32 v11, v4;
	v10 =	vmul.f32 v10, v9  }
0x1fb: {  	[tilespmem:$0x1FE10] =	vst v45;
	v15 =	vmax.f32 v15, v43;
	v45 =	vmul.f32 $2.000000030e-01, v17;
	v21 =	vadd.f32 v40, v29  }
0x1fc: {  	[tilespmem:$0x1FDF0] =	vst v18;
	v18 =	vld [tilespmem:s2+$0x2570];
	v46 =	vmul.f32 v15, v5;
	v11 =	vadd.f32 v11, v12;
	v1 =	vadd.f32 v10, v1  }
0x1fd: {  	[tilespmem:$0x1FE20] =	vst v49;
	v16 =	vld [tilespmem:s2+$0x2580];
	v49 =	vadd.f32 v35, v26;
	v47 =	vmax.f32 v17, v45;
	v48 =	vmul.f32 $2.000000030e-01, v21  }
0x1fe: {  	[tilespmem:$0x1FE80] =	vst v61;
	v61 =	vld [tilespmem:s2+$0x4D80];
	v10 =	vadd.f32 v46, v11;
	v11 =	vmul.f32 v47, v6;
	v52 =	vperm.xlane v1, v41  }
0x1ff: {  	[tilespmem:$0x1FE30] =	vst v51;
	v57 =	vld [tilespmem:s2+$0x4D50];
	v13 =	vadd.f32 v44, v24;
	v51 =	vmul.f32 $2.000000030e-01, v49;
	v50 =	vmax.f32 v21, v48  }
0x200: {  	[tilespmem:$0x1FE50] =	vst v56;
	v56 =	vld [tilespmem:s2+$0x4D40];
	v10 =	vadd.f32 v11, v10;
	v11 =	vmul.f32 v50, v7;
	v1 =	vadd.f32 v1, v52  }
0x201: {  	[tilespmem:$0x1FE40] =	vst v54;
	v59 =	vld [tilespmem:s2+$0x4D70];
	(v2sf) =	vpush v0, $0x7;
	v54 =	vmul.f32 $2.000000030e-01, v13;
	v53 =	vmax.f32 v49, v51  }
0x202: {  	[tilespmem:$0x1FE60] =	vst v22;
	v22 =	vld [tilespmem:s2+$0x2540];
	v10 =	vadd.f32 v11, v10;
	v11 =	vmul.f32 v53, v8;
	(v2sf) =	vpush v1, $0x0  }
0x203: {  	v0 =	vmax.f32 v13, v54;
	v34 =	vld [tilespmem:s2+$0x2520];
	(v2sf) =	vpush v1, $0x1  }
0x204: {  	v0 =	vmul.f32 v0, v9;
	v10 =	vadd.f32 v11, v10;
	v11 =	vld [tilespmem:s2+$0x4D20];
	(v2sf) =	vpush v1, $0x2  }
0x205: {  	v19 =	vadd.f32 v61, v16;
	v35 =	vld [tilespmem:s2+$0x2530];
	(v2sf) =	vpush v1, $0x3  }
0x206: {  	v0 =	vadd.f32 v0, v10;
	v10 =	vld [tilespmem:s2+$0x4D30];
	(v2sf) =	vpush v1, $0x4  }
0x207: {  	v23 =	vld [tilespmem:s2+$0x2550];
	(v2sf) =	vpush v1, $0x5  }
0x208: {  	v37 =	vmul.f32 $2.000000030e-01, v19;
	(v2sf) =	vpush v1, $0x6  }
0x209: {  	[tilespmem:$0x1FDD0] =	vst v14;
	v14 =	vld [tilespmem:s2+$0x2590];
	v55 =	vperm.xlane v0, v41;
	(v2sf) =	vpush v1, $0x7;
	v1 =	vadd.f32 v11, v34  }
0x20a: {  	[tilespmem:$0x1FE70] =	vst v58;
	v31 =	vld [tilespmem:s2+$0x4DA0];
	v13 =	vadd.f32 v56, v22;
	v15 =	vmax.f32 v19, v37  }
0x20b: {  	[tilespmem:$0x1FE90] =	vst v20;
	v20 =	vld [tilespmem:s2+$0x2560];
	s1 =	spop (v2sf);
	v0 =	vadd.f32 v0, v55;
	v10 =	vadd.f32 v10, v35;
	v58 =	vmul.f32 $2.000000030e-01, v1  }
0x20c: {  	v17 =	vadd.f32 v59, v18;
	v62 =	vmul.f32 $2.000000030e-01, v13;
	s4 =	spop (v2sf);
	v12 =	vadd.f32 v57, v23;
	v11 =	vld [tilespmem:s2+$0x4D60]  }
0x20d: {  	v48 =	vld [tilespmem:s2+$0x2600];
	s7 =	spop (v2sf);
	(v2sf) =	vpush v0, $0x0;
	v60 =	vmul.f32 $2.000000030e-01, v10;
	v1 =	vmax.f32 v1, v58  }
0x20e: {  	[tilespmem:$0x1FEB0] =	vst v30;
	v13 =	vmax.f32 v13, v62;
	v51 =	vld [tilespmem:s2+$0x4E00];
	s8 =	spop (v2sf);
	(v2sf) =	vpush v0, $0x1;
	v1 =	vmul.f32 v1, v2  }
0x20f: {  	[tilespmem:$0x1FEC0] =	vst v33;
	v33 =	vld [tilespmem:s2+$0x4DB0];
	v30 =	vmul.f32 $2.000000030e-01, v12;
	s10 =	spop (v2sf);
	(v2sf) =	vpush v0, $0x2;
	v10 =	vmax.f32 v10, v60  }
0x210: {  	v42 =	vld [tilespmem:s2+$0x25A0];
	s1 =	sadd.f32 s4, s1;
	s12 =	spop (v2sf);
	(v2sf) =	vpush v0, $0x3;
	v10 =	vmul.f32 v10, v3;
	v1 =	vadd.f32 $0.0e+00, v1  }
0x211: {  	v54 =	vld [tilespmem:s2+$0x4DF0];
	s7 =	sadd.f32 s8, s7;
	v12 =	vmax.f32 v12, v30;
	s30 =	spop (v2sf);
	v11 =	vadd.f32 v11, v20;
	(v2sf) =	vpush v0, $0x4  }
0x212: {  	v47 =	vld [tilespmem:s2+$0x25F0];
	s10 =	sadd.f32 s12, s10;
	s31 =	spop (v2sf);
	(v2sf) =	vpush v0, $0x5;
	v1 =	vadd.f32 v10, v1;
	v10 =	vmul.f32 v13, v4  }
0x213: {  	v43 =	vld [tilespmem:s2+$0x25B0];
	v61 =	vadd.f32 v51, v48;
	s4 =	sadd.f32 s31, s30;
	v32 =	vmul.f32 $2.000000030e-01, v11;
	(v2sf) =	vpush v0, $0x6  }
0x214: {  	v63 =	vld [tilespmem:s2+$0x4D90];
	s1 =	sadd.f32 s7, s1;
	s8 =	spop (v2sf);
	(v2sf) =	vpush v0, $0x7;
	v1 =	vadd.f32 v10, v1;
	v10 =	vmul.f32 v12, v5  }
0x215: {  	v44 =	vld [tilespmem:s2+$0x25C0];
	v36 =	vmul.f32 $2.000000030e-01, v17;
	s4 =	sadd.f32 s4, s10;
	v11 =	vmax.f32 v11, v32;
	v13 =	vadd.f32 v31, v42;
	s9 =	spop (v2sf)  }
0x216: {  	v62 =	vmul.f32 $2.000000030e-01, v61;
	s10 =	spop (v2sf);
	v0 =	vadd.f32 v10, v1;
	v1 =	vmul.f32 v11, v6;
	v10 =	vld [tilespmem:s2+$0x4DC0]  }
0x217: {  	v40 =	vld [tilespmem:s2+$0x4DE0];
	v21 =	vadd.f32 v54, v47;
	s1 =	sadd.f32 s4, s1;
	v39 =	vmul.f32 $2.000000030e-01, v13;
	s12 =	spop (v2sf);
	v11 =	vmax.f32 v17, v36  }
0x218: {  	v45 =	vld [tilespmem:s2+$0x25D0];
	v12 =	vadd.f32 v33, v43;
	s15 =	spop (v2sf);
	v0 =	vadd.f32 v1, v0;
	v1 =	vmul.f32 v11, v7  }
0x219: {  	v38 =	vmov s1;
	v60 =	vmul.f32 $2.000000030e-01, v21;
	s1 =	sadd.f32 s9, s8;
	v13 =	vmax.f32 v13, v39;
	s16 =	spop (v2sf);
	v11 =	vld [tilespmem:s2+$0x4DD0]  }
0x21a: {  	v46 =	vld [tilespmem:s2+$0x25E0];
	s7 =	sadd.f32 s12, s10;
	v53 =	vmul.f32 $2.000000030e-01, v12;
	s17 =	spop (v2sf);
	v0 =	vadd.f32 v1, v0;
	v1 =	vmul.f32 v15, v8  }
0x21b: {  	v49 =	vld [tilespmem:s2+$0x2610];
	v17 =	vadd.f32 $0.0e+00, v38;
	v13 =	vmul.f32 v13, v2;
	s10 =	sadd.f32 s16, s15;
	s18 =	spop (v2sf);
	v10 =	vadd.f32 v10, v44  }
0x21c: {  	v57 =	vld [tilespmem:s2+$0x4E10];
	v12 =	vmax.f32 v12, v53;
	s4 =	sadd.f32 s18, s17;
	s21 =	spop (v2sf);
	v0 =	vadd.f32 v1, v0;
	v1 =	vadd.f32 v63, v14  }
0x21d: {  	s1 =	sadd.f32 s7, s1;
	v17 =	vmul.f32 $1.442695020e+00, v17;
	v13 =	vadd.f32 $0.0e+00, v13;
	v12 =	vmul.f32 v12, v3;
	s22 =	spop (v2sf)  }
0x21e: {  	s4 =	sadd.f32 s4, s10;
	s23 =	spop (v2sf);
	v55 =	vmul.f32 $2.000000030e-01, v10;
	v11 =	vadd.f32 v11, v45;
	v50 =	vmul.f32 $2.000000030e-01, v1  }
0x21f: {  	v15 =	vadd.f32 v40, v46;
	v31 =	vbroadcast v17, $0x0;
	v12 =	vadd.f32 v12, v13;
	s25 =	spop (v2sf)  }
0x220: {  	v54 =	vld [tilespmem:s2+$0x2660];
	s1 =	sadd.f32 s4, s1;
	s29 =	spop (v2sf);
	v10 =	vmax.f32 v10, v55;
	v56 =	vmul.f32 $2.000000030e-01, v11;
	v1 =	vmax.f32 v1, v50  }
0x221: {  	v39 =	vld [tilespmem:s2+$0x4E60];
	v13 =	vadd.f32 v57, v49;
	s7 =	sadd.f32 s22, s21;
	s15 =	spop (v2sf);
	v10 =	vmul.f32 v10, v4;
	v1 =	vmul.f32 v1, v9  }
0x222: {  	v40 =	vld [tilespmem:s2+$0x4E70];
	v58 =	vmul.f32 $2.000000030e-01, v15;
	s10 =	sadd.f32 s25, s23;
	v32 =	vmov s1;
	s30 =	spop (v2sf);
	v11 =	vmax.f32 v11, v56  }
0x223: {  	v55 =	vld [tilespmem:s2+$0x2670];
	s4 =	sadd.f32 s15, s29;
	s31 =	spop (v2sf);
	v10 =	vadd.f32 v10, v12;
	v11 =	vmul.f32 v11, v5;
	v0 =	vadd.f32 v1, v0  }
0x224: {  	v51 =	vld [tilespmem:s2+$0x2630];
	v59 =	vmax.f32 v15, v58;
	v17 =	vadd.f32 $0.0e+00, v32;
	s8 =	sadd.f32 s31, s30;
	v12 =	vmax.f32 v61, v62  }
0x225: {  	v30 =	vld [tilespmem:s2+$0x4E30];
	s7 =	sadd.f32 s10, s7;
	v1 =	vadd.f32 v11, v10;
	v10 =	vmul.f32 v59, v6;
	v63 =	vperm.xlane v0, v41  }
0x226: {  	v52 =	vld [tilespmem:s2+$0x2640];
	v36 =	vmul.f32 $1.442695020e+00, v17;
	v11 =	vmax.f32 v21, v60;
	v21 =	vmul.f32 $2.000000030e-01, v13;
	s8 =	sadd.f32 s8, s4  }
0x227: {  	v33 =	vld [tilespmem:s2+$0x4E40];
	v1 =	vadd.f32 v10, v1;
	v10 =	vmul.f32 v11, v7;
	v0 =	vadd.f32 v0, v63  }
0x228: {  	v50 =	vld [tilespmem:s2+$0x2620];
	v19 =	vadd.f32 v40, v55;
	v13 =	vmax.f32 v13, v21;
	s1 =	sadd.f32 s8, s7;
	v21 =	vadd.f32 v39, v54  }
0x229: {  	v11 =	vld [tilespmem:s2+$0x4E20];
	v1 =	vadd.f32 v10, v1;
	v10 =	vmul.f32 v12, v8;
	(v2sf) =	vpush v0, $0x0  }
0x22a: {  	v53 =	vld [tilespmem:s2+$0x2650];
	v37 =	vmov s1;
	v12 =	vadd.f32 v30, v51;
	(v2sf) =	vpush v0, $0x1  }
0x22b: {  	(erf) = vpow2.f32 v31;
	v58 =	vld [tilespmem:s2+$0x26A0];
	v17 =	vadd.f32 $0.0e+00, v37;
	(v2sf) =	vpush v0, $0x2  }
0x22c: {  	v62 =	vld [tilespmem:s2+$0x4EA0];
	v15 =	vbroadcast v36, $0x0;
	v1 =	vadd.f32 v10, v1;
	(v2sf) =	vpush v0, $0x3  }
0x22d: {  	v31 =	vld [tilespmem:s2+$0x4E80];
	v10 =	vmul.f32 v13, v9;
	v13 =	vadd.f32 v33, v52;
	(v2sf) =	vpush v0, $0x4  }
0x22e: {  	v56 =	vld [tilespmem:s2+$0x2680];
	(erf) = vpow2.f32 v15;
	v11 =	vadd.f32 v11, v50;
	(v2sf) =	vpush v0, $0x5  }
0x22f: {  	v36 =	vmul.f32 $2.000000030e-01, v21;
	v1 =	vadd.f32 v10, v1;
	v10 =	vld [tilespmem:s2+$0x4E50];
	(v2sf) =	vpush v0, $0x6  }
0x230: {  	v17 =	vmul.f32 $1.442695020e+00, v17;
	(v2sf) =	vpush v0, $0x7;
	v0 =	vmul.f32 $2.000000030e-01, v11  }
0x231: {  	v40 =	vadd.f32 v62, v58;
	v37 =	vmul.f32 $2.000000030e-01, v19;
	v32 =	vmul.f32 $2.000000030e-01, v13  }
0x232: {  	v30 =	vbroadcast v17, $0x0;
	v0 =	vmax.f32 v11, v0;
	v11 =	vmul.f32 $2.000000030e-01, v12  }
0x233: {  	v57 =	vld [tilespmem:s2+$0x2690];
	v17 =	vadd.f32 v31, v56;
	v38 =	vperm.xlane v1, v41;
	v0 =	vmul.f32 v0, v2  }
0x234: {  	v61 =	vld [tilespmem:s2+$0x26D0];
	(erf) = vpow2.f32 v30;
	v10 =	vadd.f32 v10, v53;
	v11 =	vmax.f32 v12, v11  }
0x235: {  	v59 =	vld [tilespmem:s2+$0x26B0];
	v1 =	vadd.f32 v1, v38;
	v0 =	vadd.f32 $0.0e+00, v0;
	v11 =	vmul.f32 v11, v3  }
0x236: {  	v60 =	vld [tilespmem:s2+$0x26C0];
	v39 =	vmul.f32 $2.000000030e-01, v17;
	v33 =	vmul.f32 $2.000000030e-01, v10;
	v12 =	vmax.f32 v13, v32  }
0x237: {  	(v2sf) =	vpush v1, $0x0;
	v0 =	vadd.f32 v11, v0;
	v11 =	vmul.f32 v12, v4;
	v12 =	vld [tilespmem:s2+$0x4EB0]  }
0x238: {  	v15 =	vld [tilespmem:s2+$0x4E90];
	v38 =	vmax.f32 v19, v37;
	(v2sf) =	vpush v1, $0x1;
	v10 =	vmax.f32 v10, v33  }
0x239: {  	v62 =	vld [tilespmem:s2+$0x26E0];
	(v2sf) =	vpush v1, $0x2;
	v10 =	vmul.f32 v10, v5;
	v0 =	vadd.f32 v11, v0  }
0x23a: {  	v13 =	vmax.f32 v21, v36;
	v36 =	vmul.f32 $2.000000030e-01, v40;
	(v2sf) =	vpush v1, $0x3;
	v11 =	vld [tilespmem:s2+$0x4EC0]  }
0x23b: {  	v30 =	vld [tilespmem:s2+$0x4ED0];
	(v2sf) =	vpush v1, $0x4;
	v0 =	vadd.f32 v10, v0;
	v10 =	vmul.f32 v13, v6  }
0x23c: {  	v63 =	vld [tilespmem:s2+$0x26F0];
	v33 =	vmax.f32 v17, v39;
	(v2sf) =	vpush v1, $0x5;
	v12 =	vadd.f32 v12, v59  }
0x23d: {  	v31 =	vld [tilespmem:s2+$0x4EE0];
	(v2sf) =	vpush v1, $0x6;
	v0 =	vadd.f32 v10, v0;
	v10 =	vmul.f32 v38, v7  }
0x23e: {  	(v2sf) =	vpush v1, $0x7;
	v1 =	vmul.f32 v33, v8;
	v33 =	vld [tilespmem:s2+$0x4F10];
	v37 =	vmul.f32 $2.000000030e-01, v12  }
0x23f: {  	v17 =	vmax.f32 v40, v36;
	v13 =	vld [tilespmem:s2+$0x2700];
	v11 =	vadd.f32 v11, v60;
	v0 =	vadd.f32 v10, v0  }
0x240: {  	v40 =	vadd.f32 v30, v61;
	v38 =	vmul.f32 v17, v2;
	v10 =	vld [tilespmem:s2+$0x4EF0];
	v19 =	vmax.f32 v12, v37  }
0x241: {  	v17 =	vld [tilespmem:s2+$0x4F00];
	v39 =	vmul.f32 $2.000000030e-01, v11;
	v1 =	vadd.f32 v1, v0;
	v0 =	vadd.f32 v15, v57  }
0x242: {  	v36 =	vmul.f32 $2.000000030e-01, v40;
	v12 =	vld [tilespmem:s2+$0x2710];
	v15 =	vadd.f32 $0.0e+00, v38;
	v19 =	vmul.f32 v19, v3  }
0x243: {  	v31 =	vadd.f32 v31, v62;
	v30 =	vmax.f32 v11, v39;
	v11 =	vld [tilespmem:s2+$0x2720];
	v32 =	vmul.f32 $2.000000030e-01, v0  }
0x244: {  	v21 =	vmax.f32 v40, v36;
	v15 =	vadd.f32 v19, v15;
	v19 =	vmul.f32 v30, v4;
	v30 =	vld [tilespmem:s2+$0x4F20]  }
0x245: {  	v40 =	vmul.f32 $2.000000030e-01, v31;
	v37 =	vld [tilespmem:s2+$0x4F30];
	v0 =	vmax.f32 v0, v32;
	v32 =	vadd.f32 v10, v63  }
0x246: {  	v21 =	vmul.f32 v21, v5;
	v10 =	vld [tilespmem:s2+$0x2730];
	v15 =	vadd.f32 v19, v15;
	v19 =	vmul.f32 v0, v9  }
0x247: {  	v31 =	vmax.f32 v31, v40;
	v17 =	vadd.f32 v17, v13;
	v0 =	vld [tilespmem:s2+$0x2740];
	v40 =	vmul.f32 $2.000000030e-01, v32  }
0x248: {  	v15 =	vadd.f32 v21, v15;
	v21 =	vld [tilespmem:s2+$0x4F40];
	v38 =	vadd.f32 v19, v1;
	v19 =	vmul.f32 v31, v6  }
0x249: {  	v36 =	vld [tilespmem:s2+$0x4F50];
	v30 =	vadd.f32 v30, v11;
	v39 =	vmax.f32 v32, v40;
	v40 =	vmul.f32 $2.000000030e-01, v17  }
0x24a: {  	v33 =	vadd.f32 v33, v12;
	v1 =	vld [tilespmem:s2+$0x2750];
	v19 =	vadd.f32 v19, v15;
	v31 =	vmul.f32 v39, v7  }
0x24b: {  	v32 =	vadd.f32 v37, v10;
	v37 =	vmul.f32 $2.000000030e-01, v30;
	v15 =	vld [tilespmem:s2+$0x2760];
	v17 =	vmax.f32 v17, v40  }
0x24c: {  	v39 =	vmul.f32 $2.000000030e-01, v33;
	v40 =	vld [tilespmem:s2+$0x4F60];
	v19 =	vadd.f32 v31, v19;
	v31 =	vmul.f32 v17, v8  }
0x24d: {  	v30 =	vmax.f32 v30, v37;
	v21 =	vadd.f32 v21, v0;
	v37 =	vmul.f32 $2.000000030e-01, v32;
	v17 =	vld [tilespmem:s2+$0x2770]  }
0x24e: {  	v30 =	vmul.f32 v30, v2;
	v31 =	vadd.f32 v31, v19;
	v19 =	vmax.f32 v33, v39;
	v33 =	vld [tilespmem:s2+$0x4F70]  }
0x24f: {  	v36 =	vadd.f32 v36, v1;
	v32 =	vmax.f32 v32, v37;
	v37 =	vmul.f32 $2.000000030e-01, v21  }
0x250: {  	v39 =	vmul.f32 v19, v9;
	v30 =	vadd.f32 $0.0e+00, v30;
	v32 =	vmul.f32 v32, v3  }
0x251: {  	v21 =	vmax.f32 v21, v37;
	v37 =	vadd.f32 v40, v15;
	v40 =	vmul.f32 $2.000000030e-01, v36  }
0x252: {  	v19 =	vld [tilespmem:s2+$0x2780];
	v31 =	vadd.f32 v39, v31;
	v30 =	vadd.f32 v32, v30;
	v21 =	vmul.f32 v21, v4  }
0x253: {  	v32 =	vld [tilespmem:s2+$0x4F80];
	v36 =	vmax.f32 v36, v40;
	v39 =	vmul.f32 $2.000000030e-01, v37;
	v33 =	vadd.f32 v33, v17  }
0x254: {  	v21 =	vadd.f32 v21, v30;
	v30 =	vmul.f32 v36, v5  }
0x255: {  	v36 =	vperm.xlane v38, v41;
	v37 =	vmax.f32 v37, v39;
	v40 =	vmul.f32 $2.000000030e-01, v33  }
0x256: {  	v30 =	vadd.f32 v30, v21;
	v37 =	vmul.f32 v37, v6  }
0x257: {  	s9 =	spop (v2sf);
	v39 =	vperm.xlane v31, v41;
	v36 =	vadd.f32 v38, v36;
	v21 =	vld [tilespmem:s2+$0x2790];
	v33 =	vmax.f32 v33, v40  }
0x258: {  	s12 =	spop (v2sf);
	v38 =	vld [tilespmem:s2+$0x4F90];
	v32 =	vadd.f32 v32, v19;
	v30 =	vadd.f32 v37, v30;
	v33 =	vmul.f32 v33, v7  }
0x259: {  	s10 =	smul.u32 $0x240, s14;
	s15 =	spop (v2sf);
	v31 =	vadd.f32 v31, v39;
	v40 =	vld [tilespmem:$0x1FDC0]  }
0x25a: {  	s16 =	spop (v2sf);
	(v2sf) =	vpush v36, $0x0;
	v39 =	vmul.f32 $2.000000030e-01, v32;
	v37 =	vpop (erf);
	v30 =	vadd.f32 v33, v30;
	v33 =	vld [tilespmem:$0x1FDD0]  }
0x25b: {  	s17 =	sadd.s32 $0x5A00, s10;
	s18 =	spop (v2sf);
	(v2sf) =	vpush v36, $0x1;
	v25 =	vmul.f32 v37, v25  }
0x25c: {  	s8 =	sshra.s32 s17, $0x2;
	s21 =	spop (v2sf);
	(v2sf) =	vpush v36, $0x2;
	v39 =	vmax.f32 v32, v39  }
0x25d: {  	v27 =	vmul.f32 v37, v27;
	(v2sf) =	vpush v36, $0x3;
	[tilespmem:s8+$0x5FA0] =	vst v25;
	v25 =	vmul.f32 v39, v8;
	v39 =	vld [tilespmem:$0x1FDF0]  }
0x25e: {  	s22 =	spop (v2sf);
	(v2sf) =	vpush v36, $0x4;
	v32 =	vmul.f32 v37, v40;
	v40 =	vld [tilespmem:$0x1FE00]  }
0x25f: {  	s23 =	spop (v2sf);
	[tilespmem:s8+$0x5FB0] =	vst v27;
	(v2sf) =	vpush v36, $0x5;
	v27 =	vmul.f32 v37, v33;
	v33 =	vadd.f32 v38, v21;
	v38 =	vld [tilespmem:$0x1FDE0]  }
0x260: {  	s1 =	sadd.f32 s12, s9;
	(v2sf) =	vpush v36, $0x6  }
0x261: {  	s12 =	sadd.f32 s21, s18;
	s25 =	spop (v2sf);
	(v2sf) =	vpush v36, $0x7;
	v36 =	vld [tilespmem:$0x1FE10]  }
0x262: {  	s4 =	sadd.f32 s23, s22  }
0x263: {  	s29 =	spop (v2sf);
	s2 =	sadd.f32 s16, s15;
	v25 =	vadd.f32 v25, v30;
	[tilespmem:s8+$0x5FD0] =	vst v27;
	v27 =	vmul.f32 v37, v39;
	v30 =	vmul.f32 v37, v40;
	v39 =	vld [tilespmem:$0x1FE20]  }
0x264: {  	s4 =	sadd.f32 s4, s12;
	s30 =	spop (v2sf);
	[tilespmem:s8+$0x5FC0] =	vst v32;
	v40 =	vld [tilespmem:$0x1FE30];
	v32 =	vmul.f32 v37, v38;
	v38 =	vmul.f32 $2.000000030e-01, v33  }
0x265: {  	s31 =	spop (v2sf);
	s1 =	sadd.f32 s2, s1  }
0x266: {  	s16 =	spop (v2sf);
	[tilespmem:s8+$0x5FF0] =	vst v27;
	v27 =	vmul.f32 v37, v36;
	v38 =	vmax.f32 v33, v38  }
0x267: {  	s18 =	spop (v2sf);
	s1 =	sadd.f32 s4, s1;
	[tilespmem:s8+$0x5FE0] =	vst v32;
	v33 =	vpop (erf);
	v32 =	vmul.f32 v38, v9;
	v38 =	vld [tilespmem:$0x1FE40]  }
0x268: {  	s2 =	sadd.f32 s29, s25;
	s21 =	spop (v2sf);
	(v2sf) =	vpush v31, $0x0;
	[tilespmem:s8+$0x6010] =	vst v27;
	v27 =	vmul.f32 v33, v39;
	v39 =	vld [tilespmem:$0x1FE50]  }
0x269: {  	s22 =	spop (v2sf);
	s4 =	sadd.f32 s31, s30;
	[tilespmem:s8+$0x6000] =	vst v30;
	v30 =	vnsel vm0, $0x0, v37;
	v37 =	vmov s1;
	v36 =	vmul.f32 v33, v40;
	v40 =	vld [tilespmem:$0x1FE60]  }
0x26a: {  	s7 =	sadd.f32 s22, s21;
	(v2sf) =	vpush v31, $0x1;
	[tilespmem:s8+$0x6020] =	vst v30;
	v30 =	vadd.f32 $0.0e+00, v37;
	v37 =	vld [tilespmem:$0x1FE80]  }
0x26b: {  	s9 =	sadd.s32 $0x5C40, s10;
	(v2sf) =	vpush v31, $0x2;
	s1 =	sadd.f32 s18, s16  }
0x26c: {  	s17 =	sshra.s32 s9, $0x2;
	s2 =	sadd.f32 s4, s2;
	(v2sf) =	vpush v31, $0x3  }
0x26d: {  	s1 =	sadd.f32 s7, s1;
	v25 =	vadd.f32 v32, v25;
	[tilespmem:s17+$0x5FA0] =	vst v27;
	v27 =	vmul.f32 v33, v38;
	v32 =	vmul.f32 v33, v39  }
0x26e: {  	(v2sf) =	vpush v31, $0x4;
	[tilespmem:s17+$0x5FB0] =	vst v36;
	v36 =	vmul.f32 v33, v40;
	v38 =	vmul.f32 $1.442695020e+00, v30;
	v40 =	vld [tilespmem:$0x1FE70]  }
0x26f: {  	(v2sf) =	vpush v31, $0x5;
	s1 =	sadd.f32 s1, s2;
	v39 =	vperm.xlane v25, v41;
	v30 =	vmul.f32 v33, v37  }
0x270: {  	(v2sf) =	vpush v31, $0x6;
	s23 =	spop (v2sf);
	[tilespmem:s17+$0x5FC0] =	vst v27;
	v27 =	vbroadcast v38, $0x0;
	v38 =	vld [tilespmem:$0x1FE90]  }
0x271: {  	(v2sf) =	vpush v31, $0x7;
	s25 =	spop (v2sf);
	[tilespmem:s17+$0x5FE0] =	vst v36;
	v25 =	vadd.f32 v25, v39;
	v36 =	vmov s1  }
0x272: {  	s29 =	spop (v2sf);
	[tilespmem:s17+$0x5FD0] =	vst v32;
	v39 =	vnsel vm0, $0x0, v33;
	v32 =	vadd.f32 $0.0e+00, v36  }
0x273: {  	s30 =	spop (v2sf);
	[tilespmem:s17+$0x6000] =	vst v30;
	v30 =	vpop (erf);
	(erf) = vpow2.f32 v27;
	(v2sf) =	vpush v25, $0x0;
	v31 =	vmul.f32 v33, v40;
	v40 =	vld [tilespmem:$0x1FEA0]  }
0x274: {  	s31 =	sadd.s32 $0x5E80, s10;
	s9 =	spop (v2sf);
	[tilespmem:s17+$0x6020] =	vst v39;
	(v2sf) =	vpush v25, $0x1;
	v28 =	vmul.f32 v30, v28;
	v39 =	vmul.f32 $1.442695020e+00, v32  }
0x275: {  	s15 =	sshra.s32 s31, $0x2;
	s18 =	spop (v2sf);
	v32 =	vmul.f32 v30, v26;
	(v2sf) =	vpush v25, $0x2;
	[tilespmem:s17+$0x5FF0] =	vst v31;
	v31 =	vmul.f32 v33, v38;
	v33 =	vld [tilespmem:$0x1FEB0]  }
0x276: {  	s4 =	sadd.f32 s25, s23;
	v37 =	vld [tilespmem:$0x1FEC0];
	s21 =	spop (v2sf);
	(v2sf) =	vpush v25, $0x3;
	[tilespmem:s15+$0x5FE0] =	vst v28  }
0x277: {  	s2 =	sadd.f32 s30, s29;
	s22 =	spop (v2sf);
	v24 =	vmul.f32 v30, v24;
	[tilespmem:s15+$0x6000] =	vst v32;
	(v2sf) =	vpush v25, $0x4  }
0x278: {  	s1 =	sadd.f32 s18, s9;
	[tilespmem:s17+$0x6010] =	vst v31;
	(v2sf) =	vpush v25, $0x5;
	v31 =	vmul.f32 v30, v40  }
0x279: {  	s7 =	sadd.f32 s22, s21;
	s23 =	spop (v2sf);
	v38 =	vld [tilespmem:$0x1FED0];
	[tilespmem:s15+$0x6010] =	vst v24;
	v40 =	vmul.f32 v30, v29;
	(v2sf) =	vpush v25, $0x6  }
0x27a: {  	s2 =	sadd.f32 s2, s4;
	s25 =	spop (v2sf);
	(v2sf) =	vpush v25, $0x7;
	v27 =	vmul.f32 v30, v33;
	[tilespmem:s15+$0x5FA0] =	vst v31  }
0x27b: {  	s1 =	sadd.f32 s7, s1;
	s29 =	spop (v2sf);
	v31 =	vmul.f32 v30, v37;
	v33 =	vbroadcast v39, $0x0;
	[tilespmem:s15+$0x5FF0] =	vst v40;
	v37 =	vnsel vm0, $0x0, v30  }
0x27c: {  	s30 =	spop (v2sf);
	[tilespmem:s15+$0x6020] =	vst v37  }
0x27d: {  	s9 =	sadd.s32 $0x60C0, s10;
	s1 =	sadd.f32 s1, s2;
	s31 =	spop (v2sf);
	v36 =	vpop (erf);
	[tilespmem:s15+$0x5FB0] =	vst v27;
	(erf) = vpow2.f32 v33  }
0x27e: {  	s8 =	sshra.s32 s9, $0x2;
	s16 =	sadd.f32 s25, s23;
	s17 =	spop (v2sf);
	v27 =	vmul.f32 v30, v38;
	[tilespmem:s15+$0x5FC0] =	vst v31;
	v32 =	vnsel vm0, $0x0, v36  }
0x27f: {  	s7 =	sadd.f32 s30, s29;
	s18 =	spop (v2sf);
	v40 =	vmov s1;
	v38 =	vmul.f32 v36, v34;
	[tilespmem:s8+$0x6020] =	vst v32  }
0x280: {  	s2 =	sadd.f32 s17, s31;
	s21 =	spop (v2sf);
	v28 =	vadd.f32 $0.0e+00, v40;
	v39 =	vmul.f32 v36, v35;
	[tilespmem:s15+$0x5FD0] =	vst v27  }
0x281: {  	s4 =	sadd.f32 s21, s18;
	v22 =	vmul.f32 v36, v22;
	[tilespmem:s8+$0x5FA0] =	vst v38  }
0x282: {  	s1 =	sadd.f32 s7, s16;
	v23 =	vmul.f32 v36, v23;
	v29 =	vmul.f32 $1.442695020e+00, v28;
	[tilespmem:s8+$0x5FB0] =	vst v39  }
0x283: {  	v20 =	vmul.f32 v36, v20;
	s2 =	sadd.f32 s4, s2;
	[tilespmem:s8+$0x5FC0] =	vst v22;
	s22 =	spop (v2sf)  }
0x284: {  	v18 =	vmul.f32 v36, v18;
	[tilespmem:s8+$0x5FD0] =	vst v23;
	v30 =	vbroadcast v29, $0x0;
	s23 =	spop (v2sf)  }
0x285: {  	v16 =	vmul.f32 v36, v16;
	[tilespmem:s8+$0x5FE0] =	vst v20;
	s1 =	sadd.f32 s2, s1;
	s25 =	spop (v2sf)  }
0x286: {  	v14 =	vmul.f32 v36, v14;
	[tilespmem:s8+$0x5FF0] =	vst v18;
	s29 =	spop (v2sf);
	v31 =	vpop (erf);
	(erf) = vpow2.f32 v30  }
0x287: {  	s31 =	sadd.s32 $0x6300, s10;
	[tilespmem:s8+$0x6000] =	vst v16;
	v35 =	vmov s1;
	s30 =	spop (v2sf)  }
0x288: {  	s16 =	sshra.s32 s31, $0x2;
	[tilespmem:s8+$0x6010] =	vst v14;
	s18 =	sadd.f32 s23, s22;
	v33 =	vmul.f32 v31, v42;
	s9 =	spop (v2sf);
	v36 =	vmul.f32 v31, v44;
	v44 =	vnsel vm0, $0x0, v31  }
0x289: {  	v20 =	vadd.f32 $0.0e+00, v35;
	s4 =	sadd.f32 s29, s25;
	v34 =	vmul.f32 v31, v43;
	s21 =	spop (v2sf);
	[tilespmem:s16+$0x6020] =	vst v44  }
0x28a: {  	s2 =	sadd.f32 s9, s30;
	[tilespmem:s16+$0x5FA0] =	vst v33;
	s22 =	spop (v2sf)  }
0x28b: {  	v20 =	vmul.f32 $1.442695020e+00, v20;
	v37 =	vmul.f32 v31, v45;
	[tilespmem:s16+$0x5FB0] =	vst v34;
	s7 =	sadd.f32 s22, s21  }
0x28c: {  	v38 =	vmul.f32 v31, v46;
	s1 =	sadd.f32 s4, s18;
	[tilespmem:s16+$0x5FC0] =	vst v36  }
0x28d: {  	v20 =	vbroadcast v20, $0x0;
	v39 =	vmul.f32 v31, v47;
	[tilespmem:s16+$0x5FD0] =	vst v37;
	s2 =	sadd.f32 s7, s2  }
0x28e: {  	v40 =	vmul.f32 v31, v48;
	[tilespmem:s16+$0x5FE0] =	vst v38  }
0x28f: {  	v42 =	vmul.f32 v31, v49;
	[tilespmem:s16+$0x5FF0] =	vst v39;
	s1 =	sadd.f32 s2, s1;
	v43 =	vpop (erf);
	(erf) = vpow2.f32 v20  }
0x290: {  	s23 =	sadd.s32 $0x6540, s10;
	[tilespmem:s16+$0x6000] =	vst v40;
	v45 =	vmul.f32 v43, v50;
	v46 =	vmul.f32 v43, v51  }
0x291: {  	[tilespmem:s16+$0x6010] =	vst v42;
	s2 =	sshra.s32 s23, $0x2;
	v47 =	vmov s1;
	v51 =	vmul.f32 v43, v55;
	v55 =	vnsel vm0, $0x0, v43  }
0x292: {  	v20 =	vadd.f32 $0.0e+00, v47;
	[tilespmem:s2+$0x6020] =	vst v55  }
0x293: {  	v48 =	vmul.f32 v43, v52;
	[tilespmem:s2+$0x5FA0] =	vst v45  }
0x294: {  	v49 =	vmul.f32 v43, v53;
	[tilespmem:s2+$0x5FB0] =	vst v46;
	v20 =	vmul.f32 $1.442695020e+00, v20  }
0x295: {  	v50 =	vmul.f32 v43, v54;
	[tilespmem:s2+$0x5FC0] =	vst v48  }
0x296: {  	[tilespmem:s2+$0x5FD0] =	vst v49;
	v20 =	vbroadcast v20, $0x0  }
0x297: {  	v52 =	vmul.f32 v43, v56;
	[tilespmem:s2+$0x5FE0] =	vst v50  }
0x298: {  	v53 =	vmul.f32 v43, v57;
	[tilespmem:s2+$0x5FF0] =	vst v51;
	v54 =	vpop (erf);
	(erf) = vpow2.f32 v20  }
0x299: {  	s25 =	sadd.s32 $0x6780, s10;
	[tilespmem:s2+$0x6000] =	vst v52;
	v56 =	vmul.f32 v54, v58;
	v57 =	vmul.f32 v54, v59  }
0x29a: {  	s1 =	sshra.s32 s25, $0x2;
	[tilespmem:s2+$0x6010] =	vst v53;
	v59 =	vmul.f32 v54, v61;
	v61 =	vmul.f32 v54, v63;
	v63 =	vnsel vm0, $0x0, v54  }
0x29b: {  	[tilespmem:s1+$0x6020] =	vst v63  }
0x29c: {  	v58 =	vmul.f32 v54, v60;
	[tilespmem:s1+$0x5FA0] =	vst v56  }
0x29d: {  	[tilespmem:s1+$0x5FB0] =	vst v57  }
0x29e: {  	v60 =	vmul.f32 v54, v62;
	[tilespmem:s1+$0x5FC0] =	vst v58  }
0x29f: {  	[tilespmem:s1+$0x5FD0] =	vst v59  }
0x2a0: {  	v13 =	vmul.f32 v54, v13;
	[tilespmem:s1+$0x5FE0] =	vst v60  }
0x2a1: {  	v12 =	vmul.f32 v54, v12;
	[tilespmem:s1+$0x5FF0] =	vst v61;
	v62 =	vpop (erf)  }
0x2a2: {  	s29 =	sadd.s32 $0x69C0, s10;
	[tilespmem:s1+$0x6000] =	vst v13;
	v11 =	vmul.f32 v62, v11  }
0x2a3: {  	s30 =	sshra.s32 s29, $0x2;
	[tilespmem:s1+$0x6010] =	vst v12;
	v10 =	vmul.f32 v62, v10  }
0x2a4: {  	v0 =	vmul.f32 v62, v0;
	[tilespmem:s30+$0x5FA0] =	vst v11  }
0x2a5: {  	v1 =	vmul.f32 v62, v1;
	[tilespmem:s30+$0x5FB0] =	vst v10  }
0x2a6: {  	[tilespmem:s30+$0x5FC0] =	vst v0;
	v0 =	vmul.f32 v62, v15  }
0x2a7: {  	p0 =	slt.u32 s14, $0x20;
	[tilespmem:s30+$0x5FD0] =	vst v1;
	v1 =	vmul.f32 v62, v17  }
.Ltmp6:
0x2a8: {  	[tilespmem:s30+$0x5FE0] =	vst v0;
	v0 =	vmul.f32 v62, v19;
	(pc) =	sbr.rel @p0 .LBB2_13-.Ltmp6, $4  }
0x2a9: {  	[tilespmem:s30+$0x5FF0] =	vst v1;
	v1 =	vmul.f32 v62, v21  }
0x2aa: {  	[tilespmem:s30+$0x6000] =	vst v0  }
0x2ab: {  	s31 =	sadd.s32 $0x8, s14;
	[tilespmem:s30+$0x6010] =	vst v1;
	v0 =	vnsel vm0, $0x0, v62  }
0x2ac: {  	s14 =	smov.u32 s31;
	[tilespmem:s30+$0x6020] =	vst v0  }
0x2ad: {  	s11 =	sadd.s32 $0x1, s11  }
0x2ae: {  	p0 =	sne.s32 s11, $0x7D  }
.Ltmp7:
0x2af: {  	_ = 	snop;
	(pc) =	sbr.rel @p0 .LBB2_4-.Ltmp7, $3  }
0x2b0: {  	_ =	sdelay $0x1  }
0x2b1: {  	s1 =	simm.s32 $0x7620  }
0x2b2: {  	v1 =	vimm.f32 $0.0e+00;
	[spmem:s20] =	stream.indirect.scatter.add.f32 [tilespmem:s1], [sflag:$0x6], $0x90, s13, s26, $0xb8;
	[tilespmem:$0x1F520] =	vst v63  }
0x2b3: {  	s1 =	simm.s32 $0x5  }
0x2b4: {  	_ =	swait.ge [sflag:s1], $0x1680  }
0x2b5: {  	[sflag:s1] =	ssyncset.done $0x0  }
0x2b6: {  	s25 =	simm.s32 $0x6;
	[sflag:s1] =	ssyncadd.s32 $0xFFFFE980  }
0x2b7: {  	_ =	swait.ge [sflag:s25], $0x1680  }
0x2b8: {  	[sflag:s25] =	ssyncset.done $0x0  }
0x2b9: {  	[sflag:s25] =	ssyncadd.s32 $0xFFFFE980  }
0x2ba: {  	s29 =	stileid.u32;
	[bflag:$0x0] =	sbarrier.arrive $0xFFFF  }
0x2bb: {  	s1 =	sshll.u32 s29, $0x6;
	s4 =	rddreg [dreg:$0xa]  }
0x2bc: {  	s1 =	sor.u32 $0x1C08, s1;
	s7 =	rddreg [dreg:$0x12];
	s2 =	sshrl.u32 s4, $0x3  }
0x2bd: {  	[hbm:s7], [sflag:s1] =	dma.local [spmem:s2], $0x2D00  }
0x2be: {  	s7 =	simm.s32 $0x8  }
0x2bf: {  	_ =	swait.ge [sflag:s7], $0x2D00  }
0x2c0: {  	s30 =	rddreg [dreg:$0x14]  }
0x2c1: {  	s31 =	rddreg [dreg:$0x13];
	s2 =	sadd.s32 $0x1, s30  }
0x2c2: {  	p0 =	sne.s32 s2, s31  }
.Ltmp8:
0x2c3: {  	_ = 	snop;
	(pc) =	sbr.rel @p0 .LBB2_1-.Ltmp8, $3  }
0x2c4: {  	_ =	sdelay $0x1  }
0x2c5: {  	[sflag:s7] =	ssyncset.done $0x0  }
0x2c6: {  	s8 =	simm.s32 $0x7D0;
	[sflag:s7] =	ssyncadd.s32 $0xFFFFD300  }
0x2c7: {  	_ =	sfence.sel $0x180000  }
0x2c8: {  	[bflag:$0x0] =	sbarrier.arrive $0xFFFF  }
0x2c9: {  	_ =	strace $0x90000047  }
0x2ca: {  	s0 =	stileid.u32;
	[bflag:$0x2] =	sbarrier.arrive $0xFFFF  }
0x2cb: {  	p0 =	sne.s32 s0, $0x0;
	s0 =	rddreg [dreg:$0x4]  }
0x2cc: {  	s0 =	sadd.s32 @!p0 $0x100000, s0  }
0x2cd: {  	[sflag:s0] =	ssyncadd.tile.s32 @!p0 $0x1;
	_ =	shalt  }
.Lfunc_end2:
_tile_overlayer_lowered:
.L_overlay_start_2:
0x2ce: {  	(tag) =	ssettag $0x2  }
0x2cf: {  	s0 =	rddreg [dreg:$0x0];
	s2 =	stileid.u32  }
0x2d0: {  	s1 =	rddreg [dreg:$0x1];
	p0 =	sne.s32 s2, $0x0  }
0x2d1: {  	s3 =	rddreg [dreg:$0x2];
	[bflag:$0x3] =	sbarrier.arrive $0xFFFF;
	s2 =	simm.s32 @!p0 $0x1C08  }
0x2d2: {  	[timem:s3], [sflag:s2] =	dma.local @!p0 [hbm:s0], s1  }
0x2d3: {  	s0 =	simm.s32 @!p0 $0x8  }
0x2d4: {  	_ =	swait.ge @!p0 [sflag:s0], s1  }
0x2d5: {  	s1 =	ssub.s32 @!p0 $0x0, s1;
	[sflag:s0] =	ssyncset.done @!p0 $0x0  }
0x2d6: {  	[sflag:s0] =	ssyncadd.s32 @!p0 s1  }
0x2d7: {  	[bflag:$0x3] =	sbarrier.arrive $0xFFFF  }
0x2d8: {  	_ =	shalt  }

</sc_bundles>
